<compile_context>
chip_gen: v7x
topology: tpu7x:2x2x1
jax: 0.10.2.dev20260603
libtpu: 0.0.44.dev20260713+nightly
codegen_flags: <defaults>
</compile_context>

<pallas_src>
import functools

import jax
import jax.numpy as jnp
from jax import lax
from jax.experimental import pallas as pl
from jax.experimental.pallas import tpu as pltpu
from jax.experimental.pallas import tpu_sc as plsc

N_RAYS = 4096
TOTAL = 262144
NC = 2
NS = 16
NW = NC * NS
L = 16
CHUNK = TOTAL // NW
NV = CHUNK // L
RPT = N_RAYS // NW
F32 = jnp.float32
I32 = jnp.int32


def _mesh():
    return plsc.VectorSubcoreMesh(
        core_axis_name="c", subcore_axis_name="s",
        num_cores=NC, num_subcores=NS)


def _wid():
    return lax.axis_index("s") * NC + lax.axis_index("c")


@functools.partial(
    pl.kernel,
    out_type=jax.ShapeDtypeStruct((NW, N_RAYS), F32),
    mesh=_mesh(),
    compiler_params=pltpu.CompilerParams(needs_layout_passes=False),
    scratch_types=[
        pltpu.VMEM((CHUNK,), F32),
        pltpu.VMEM((CHUNK,), F32),
        pltpu.VMEM((CHUNK,), I32),
        pltpu.VMEM((N_RAYS,), F32),
    ],
)
def _k1(sigma_h, dt_h, seg_h, part_h, sig_v, dt_v, seg_v, acc_v):
    w = _wid()
    base = w * CHUNK
    pltpu.sync_copy(sigma_h.at[pl.ds(base, CHUNK)], sig_v)
    pltpu.sync_copy(dt_h.at[pl.ds(base, CHUNK)], dt_v)
    pltpu.sync_copy(seg_h.at[pl.ds(base, CHUNK)], seg_v)

    zv = jnp.zeros((L,), F32)

    @plsc.parallel_loop(0, N_RAYS // L, unroll=8)
    def _(i):
        acc_v[pl.ds(i * L, L)] = zv

    @plsc.parallel_loop(0, NV, unroll=4)
    def _(i):
        sl = pl.ds(i * L, L)
        s = sig_v[sl] * dt_v[sl]
        plsc.addupdate_scatter(acc_v, [seg_v[sl]], s)

    pltpu.sync_copy(acc_v, part_h.at[w])


@functools.partial(
    pl.kernel,
    out_type=(jax.ShapeDtypeStruct((TOTAL,), F32),
              jax.ShapeDtypeStruct((NW, N_RAYS * 4), F32)),
    mesh=_mesh(),
    compiler_params=pltpu.CompilerParams(needs_layout_passes=False),
    scratch_types=[
        pltpu.VMEM((CHUNK,), F32),
        pltpu.VMEM((CHUNK,), F32),
        pltpu.VMEM((CHUNK + L,), I32),
        pltpu.VMEM((CHUNK,), F32),
        pltpu.VMEM((CHUNK,), F32),
        pltpu.VMEM((CHUNK,), F32),
        pltpu.VMEM((CHUNK,), F32),
        pltpu.VMEM((CHUNK,), F32),
        pltpu.VMEM((CHUNK,), F32),
        pltpu.VMEM((CHUNK,), F32),
        pltpu.VMEM((N_RAYS,), F32),
        pltpu.VMEM((N_RAYS * 4,), F32),
        pltpu.VMEM((NW,), I32),
        pltpu.VMEM((NW,), F32),
        pltpu.SemaphoreType.DMA,
    ],
)
def _k2(sigma_h, dt_h, seg_h, z_h, rgb_h, partf_h, wout_h, part4_h,
        sig_v, dt_v, segb_v, z_v, r_v, g_v, b_v, s_v, ex_v, w_v, start_v,
        acc4_v, idx_v, col_v, sem):
    w = _wid()
    base = w * CHUNK
    pltpu.sync_copy(sigma_h.at[pl.ds(base, CHUNK)], sig_v)
    pltpu.sync_copy(dt_h.at[pl.ds(base, CHUNK)], dt_v)
    pltpu.sync_copy(seg_h.at[pl.ds(base, CHUNK)], segb_v.at[pl.ds(L, CHUNK)])
    pltpu.sync_copy(z_h.at[pl.ds(base, CHUNK)], z_v)
    pltpu.sync_copy(rgb_h.at[pl.ds(base, CHUNK)], r_v)
    pltpu.sync_copy(rgb_h.at[pl.ds(TOTAL + base, CHUNK)], g_v)
    pltpu.sync_copy(rgb_h.at[pl.ds(2 * TOTAL + base, CHUNK)], b_v)
    segb_v[pl.ds(0, L)] = jnp.full((L,), -1, I32)

    zv = jnp.zeros((L,), F32)

    @plsc.parallel_loop(0, N_RAYS * 4 // L, unroll=8)
    def _(i):
        acc4_v[pl.ds(i * L, L)] = zv

    @plsc.parallel_loop(0, NV, unroll=4, carry=F32(0.0))
    def _(i, carry):
        sl = pl.ds(i * L, L)
        s = sig_v[sl] * dt_v[sl]
        s_v[sl] = s
        inc = plsc.cumsum(s)
        ex = inc - s + carry
        ex_v[sl] = ex
        seg = segb_v[pl.ds(i * L + L, L)]
        segp = segb_v[pl.ds(i * L + L - 1, L)]
        plsc.store_scatter(start_v, [seg], ex, mask=seg != segp)
        return carry + jnp.sum(s)

    seg0 = segb_v[pl.ds(L, L)]
    r0 = jnp.min(seg0)
    lanes = lax.iota(I32, L)
    idx_v[pl.ds(0, L)] = lanes * N_RAYS + r0
    idx_v[pl.ds(L, L)] = (lanes + L) * N_RAYS + r0
    pltpu.async_copy(partf_h.at[idx_v], col_v, sem).wait()
    c0 = col_v[pl.ds(0, L)]
    c1 = col_v[pl.ds(L, L)]
    cin = (jnp.sum(jnp.where(lanes < w, c0, 0.0)) +
           jnp.sum(jnp.where(lanes + L < w, c1, 0.0)))
    plsc.store_scatter(start_v, [seg0], jnp.full((L,), -cin, F32),
                       mask=lanes == 0)

    @plsc.parallel_loop(0, NV, unroll=4)
    def _(i):
        sl = pl.ds(i * L, L)
        s = s_v[sl]
        seg = segb_v[pl.ds(i * L + L, L)]
        sa = plsc.load_gather(start_v, [seg])
        trans = jnp.exp(sa - ex_v[sl])
        alpha = 1.0 - jnp.exp(-s)
        wgt = trans * alpha
        w_v[sl] = wgt
        s4 = seg * 4
        plsc.addupdate_scatter(acc4_v, [s4], wgt * r_v[sl])
        plsc.addupdate_scatter(acc4_v, [s4 + 1], wgt * g_v[sl])
        plsc.addupdate_scatter(acc4_v, [s4 + 2], wgt * b_v[sl])
        plsc.addupdate_scatter(acc4_v, [s4 + 3], wgt * z_v[sl])

    pltpu.sync_copy(w_v, wout_h.at[pl.ds(base, CHUNK)])
    pltpu.sync_copy(acc4_v, part4_h.at[w])


@functools.partial(
    pl.kernel,
    out_type=(jax.ShapeDtypeStruct((N_RAYS * 3,), F32),
              jax.ShapeDtypeStruct((N_RAYS,), F32),
              jax.ShapeDtypeStruct((N_RAYS,), F32)),
    mesh=_mesh(),
    compiler_params=pltpu.CompilerParams(needs_layout_passes=False),
    scratch_types=[
        pltpu.VMEM((NW * RPT,), F32),
        pltpu.VMEM((NW * RPT * 4,), F32),
        pltpu.VMEM((RPT,), F32),
        pltpu.VMEM((RPT * 4,), F32),
        pltpu.VMEM((RPT,), F32),
        pltpu.VMEM((L,), I32),
        pltpu.VMEM((RPT * 3,), F32),
        pltpu.VMEM((RPT,), F32),
        pltpu.VMEM((RPT,), F32),
    ],
)
def _k3(part_h, part4_h, texit_h, use_h, rgb_o, dep_o, bg_o,
        ps_v, pc_v, tot_v, totc_v, tex_v, use_v, rgbb_v, depb_v, bgb_v):
    w = _wid()
    rbase = w * RPT
    for tp in range(NW):
        pltpu.sync_copy(part_h.at[tp, pl.ds(rbase, RPT)],
                        ps_v.at[pl.ds(tp * RPT, RPT)])
        pltpu.sync_copy(part4_h.at[tp, pl.ds(rbase * 4, RPT * 4)],
                        pc_v.at[pl.ds(tp * RPT * 4, RPT * 4)])
    pltpu.sync_copy(texit_h.at[pl.ds(rbase, RPT)], tex_v)
    pltpu.sync_copy(use_h, use_v)

    zv = jnp.zeros((L,), F32)

    @plsc.parallel_loop(0, RPT // L)
    def _(j):
        acc = zv
        for tp in range(NW):
            acc = acc + ps_v[pl.ds(tp * RPT + j * L, L)]
        tot_v[pl.ds(j * L, L)] = acc

    @plsc.parallel_loop(0, RPT * 4 // L)
    def _(j):
        acc = zv
        for tp in range(NW):
            acc = acc + pc_v[pl.ds(tp * RPT * 4 + j * L, L)]
        totc_v[pl.ds(j * L, L)] = acc

    lanes = lax.iota(I32, L)
    u = use_v[pl.ds(0, L)]

    @plsc.parallel_loop(0, RPT // L, unroll=2)
    def _(j):
        sl = pl.ds(j * L, L)
        bg = jnp.exp(-tot_v[sl])
        gi = (lanes + j * L) * 4
        wr = plsc.load_gather(totc_v, [gi])
        wg = plsc.load_gather(totc_v, [gi + 1])
        wb = plsc.load_gather(totc_v, [gi + 2])
        wz = plsc.load_gather(totc_v, [gi + 3])
        dep = jnp.where(u != 0, wz + bg * tex_v[sl], wz)
        bgb_v[sl] = bg
        depb_v[sl] = dep
        oi = (lanes + j * L) * 3
        plsc.store_scatter(rgbb_v, [oi], wr)
        plsc.store_scatter(rgbb_v, [oi + 1], wg)
        plsc.store_scatter(rgbb_v, [oi + 2], wb)

    pltpu.sync_copy(rgbb_v, rgb_o.at[pl.ds(rbase * 3, RPT * 3)])
    pltpu.sync_copy(depb_v, dep_o.at[pl.ds(rbase, RPT)])
    pltpu.sync_copy(bgb_v, bg_o.at[pl.ds(rbase, RPT)])


def kernel(rgb_samples, radiance_samples, ray_samples_z, ray_samples_dt,
           ray_t_exit, segment_ids, use_ray_t_exit):
    sigma = radiance_samples.reshape(TOTAL)
    rgbf = rgb_samples.T.reshape(TOTAL * 3)
    part = _k1(sigma, ray_samples_dt, segment_ids)
    partf = part.reshape(NW * N_RAYS)
    wout, part4 = _k2(sigma, ray_samples_dt, segment_ids, ray_samples_z,
                      rgbf, partf)
    use_arr = jnp.full((L,), use_ray_t_exit, I32)
    rgbo, dep, bg = _k3(part, part4, ray_t_exit.reshape(N_RAYS), use_arr)
    return (rgbo.reshape(N_RAYS, 3), dep.reshape(N_RAYS, 1),
            bg.reshape(N_RAYS, 1), wout.reshape(TOTAL, 1))

# --- scband reference (transcript-rebuilt; emitter-appended) ---
"""Pipeline reference for scband-volume-rendering-general-module-10033043603888 (READ-ONLY COPY).

The authoritative reference and input builder live on the scoring server;
editing this copy changes nothing except your own understanding.
"""

import jax, jax.numpy as jnp
import numpy as np

N_RAYS = 4096
TOTAL = 262144


def setup_inputs(seed: int = 0) -> dict:
    key = jax.random.key(seed)
    ks = jax.random.split(key, 6)
    segment_ids = jnp.sort(jax.random.randint(ks[0], (TOTAL,), 0, N_RAYS, dtype=jnp.int32))
    rgb_samples = jax.random.uniform(ks[1], (TOTAL, 3), dtype=jnp.float32)
    # raw density (sigma) per sample, nonnegative, scaled to realistic NeRF magnitudes
    radiance_samples = jax.random.uniform(ks[2], (TOTAL, 1), dtype=jnp.float32) * 50.0
    ray_samples_z = jax.random.uniform(ks[3], (TOTAL,), dtype=jnp.float32) * 5.0 + 0.1
    ray_samples_dt = jax.random.uniform(ks[4], (TOTAL,), dtype=jnp.float32) * 0.02 + 1e-4
    ray_t_exit = jax.random.uniform(ks[5], (N_RAYS, 1), dtype=jnp.float32) * 5.0 + 0.1
    return {
        "rgb_samples": rgb_samples,
        "radiance_samples": radiance_samples,
        "ray_samples_z": ray_samples_z,
        "ray_samples_dt": ray_samples_dt,
        "ray_t_exit": ray_t_exit,
        "segment_ids": segment_ids,
        "use_ray_t_exit": 1,
    }


def reference(rgb_samples, radiance_samples, ray_samples_z, ray_samples_dt, ray_t_exit, segment_ids, use_ray_t_exit):
    # Emission-absorption volume rendering over packed (ragged) ray samples.
    sigma = radiance_samples[:, 0]
    s = sigma * ray_samples_dt  # optical thickness per sample
    csum = jnp.cumsum(s)
    prefix = jnp.concatenate([jnp.zeros((1,), s.dtype), csum])  # prefix[j] = sum s[:j]
    # first sample index of each ray (segment_ids is sorted)
    start_idx = jnp.searchsorted(segment_ids, jnp.arange(N_RAYS, dtype=segment_ids.dtype), side="left")
    # exclusive within-ray cumulative optical thickness
    excl = prefix[:-1] - prefix[start_idx[segment_ids]]
    transmittance = jnp.exp(-excl)
    alpha = 1.0 - jnp.exp(-s)
    weight = transmittance * alpha
    pred_rgb = jax.ops.segment_sum(weight[:, None] * rgb_samples, segment_ids, num_segments=N_RAYS)
    pred_depth = jax.ops.segment_sum(weight * ray_samples_z, segment_ids, num_segments=N_RAYS)[:, None]
    ray_total = jax.ops.segment_sum(s, segment_ids, num_segments=N_RAYS)
    bg_transmittance = jnp.exp(-ray_total)[:, None]
    # composite background depth at the ray exit distance
    pred_depth = jnp.where(use_ray_t_exit != 0, pred_depth + bg_transmittance * ray_t_exit, pred_depth)
    weight_per_sample = weight[:, None]
    return (pred_rgb, pred_depth, bg_transmittance, weight_per_sample)

if __name__ == "__main__":
    import jax
    _d = setup_inputs()
    print(jax.jit(kernel)(*tuple(_d.values())))

</pallas_src>

<mosaic_0001>
#map = affine_map<(d0, d1) -> (0)>
#map1 = affine_map<(d0, d1) -> (0, 0)>
module attributes {stable_mosaic.version = 14 : i64} {
  func.func @_k1(%arg0: i32, %arg1: i32, %arg2: memref<262144xf32, #tpu.memory_space<hbm>>, %arg3: memref<262144xf32, #tpu.memory_space<hbm>>, %arg4: memref<262144xi32, #tpu.memory_space<hbm>>, %arg5: memref<32x4096xf32, #tpu.memory_space<hbm>>, %arg6: memref<8192xf32, #tpu.memory_space<vmem>>, %arg7: memref<8192xf32, #tpu.memory_space<vmem>>, %arg8: memref<8192xi32, #tpu.memory_space<vmem>>, %arg9: memref<4096xf32, #tpu.memory_space<vmem>>) attributes {dimension_semantics = [#tpu.dimension_semantics<core_parallel>, #tpu.dimension_semantics<subcore_parallel>], iteration_bounds = array<i64: 2, 16>, scalar_prefetch = 0 : i64, scratch_operands = 4 : i64, tpu.core_type = #tpu.core_type<sc_vector_subcore>, window_params = [{transform_indices = #map}, {transform_indices = #map}, {transform_indices = #map}, {transform_indices = #map1}]} {
    %mul3A = arith.constant 2 : i32
    %mul3A_0 = arith.muli %arg1, %mul3A : i32
    %add3A = arith.addi %mul3A_0, %arg0 : i32
    %mul3A_1 = arith.constant 8192 : i32
    %mul3A_2 = arith.muli %add3A, %mul3A_1 : i32
    "tpu.region"() ({
      %run_scoped3A = tpu.sem_alloc : memref<!tpu.dma_semaphore, #tpu.memory_space<semaphore_mem>>
      %dma_start3A = tpu.memref_slice %arg2[%mul3A_2] : memref<262144xf32, #tpu.memory_space<hbm>> -> memref<8192xf32, #tpu.memory_space<hbm>>
      %dma_start3A_9 = tpu.memref_slice %arg2[%mul3A_2] : memref<262144xf32, #tpu.memory_space<hbm>> -> memref<8192xf32, #tpu.memory_space<hbm>>
      tpu.enqueue_dma source(%dma_start3A_9 : memref<8192xf32, #tpu.memory_space<hbm>>) target(%arg6 : memref<8192xf32, #tpu.memory_space<vmem>>) target_semaphore(%run_scoped3A : memref<!tpu.dma_semaphore, #tpu.memory_space<semaphore_mem>>)
      %dma_wait3A = tpu.memref_slice %arg2[%mul3A_2] : memref<262144xf32, #tpu.memory_space<hbm>> -> memref<8192xf32, #tpu.memory_space<hbm>>
      %dma_wait3A_10 = tpu.memref_slice %arg2[%mul3A_2] : memref<262144xf32, #tpu.memory_space<hbm>> -> memref<8192xf32, #tpu.memory_space<hbm>>
      tpu.wait_dma2 semaphore(%run_scoped3A : memref<!tpu.dma_semaphore, #tpu.memory_space<semaphore_mem>>) src(%dma_wait3A_10 : memref<8192xf32, #tpu.memory_space<hbm>>) dst(%arg6 : memref<8192xf32, #tpu.memory_space<vmem>>)
      tpu.yield
    }) : () -> ()
    "tpu.region"() ({
      %run_scoped3A = tpu.sem_alloc : memref<!tpu.dma_semaphore, #tpu.memory_space<semaphore_mem>>
      %dma_start3A = tpu.memref_slice %arg3[%mul3A_2] : memref<262144xf32, #tpu.memory_space<hbm>> -> memref<8192xf32, #tpu.memory_space<hbm>>
      %dma_start3A_9 = tpu.memref_slice %arg3[%mul3A_2] : memref<262144xf32, #tpu.memory_space<hbm>> -> memref<8192xf32, #tpu.memory_space<hbm>>
      tpu.enqueue_dma source(%dma_start3A_9 : memref<8192xf32, #tpu.memory_space<hbm>>) target(%arg7 : memref<8192xf32, #tpu.memory_space<vmem>>) target_semaphore(%run_scoped3A : memref<!tpu.dma_semaphore, #tpu.memory_space<semaphore_mem>>)
      %dma_wait3A = tpu.memref_slice %arg3[%mul3A_2] : memref<262144xf32, #tpu.memory_space<hbm>> -> memref<8192xf32, #tpu.memory_space<hbm>>
      %dma_wait3A_10 = tpu.memref_slice %arg3[%mul3A_2] : memref<262144xf32, #tpu.memory_space<hbm>> -> memref<8192xf32, #tpu.memory_space<hbm>>
      tpu.wait_dma2 semaphore(%run_scoped3A : memref<!tpu.dma_semaphore, #tpu.memory_space<semaphore_mem>>) src(%dma_wait3A_10 : memref<8192xf32, #tpu.memory_space<hbm>>) dst(%arg7 : memref<8192xf32, #tpu.memory_space<vmem>>)
      tpu.yield
    }) : () -> ()
    "tpu.region"() ({
      %run_scoped3A = tpu.sem_alloc : memref<!tpu.dma_semaphore, #tpu.memory_space<semaphore_mem>>
      %dma_start3A = tpu.memref_slice %arg4[%mul3A_2] : memref<262144xi32, #tpu.memory_space<hbm>> -> memref<8192xi32, #tpu.memory_space<hbm>>
      %dma_start3A_9 = tpu.memref_slice %arg4[%mul3A_2] : memref<262144xi32, #tpu.memory_space<hbm>> -> memref<8192xi32, #tpu.memory_space<hbm>>
      tpu.enqueue_dma source(%dma_start3A_9 : memref<8192xi32, #tpu.memory_space<hbm>>) target(%arg8 : memref<8192xi32, #tpu.memory_space<vmem>>) target_semaphore(%run_scoped3A : memref<!tpu.dma_semaphore, #tpu.memory_space<semaphore_mem>>)
      %dma_wait3A = tpu.memref_slice %arg4[%mul3A_2] : memref<262144xi32, #tpu.memory_space<hbm>> -> memref<8192xi32, #tpu.memory_space<hbm>>
      %dma_wait3A_10 = tpu.memref_slice %arg4[%mul3A_2] : memref<262144xi32, #tpu.memory_space<hbm>> -> memref<8192xi32, #tpu.memory_space<hbm>>
      tpu.wait_dma2 semaphore(%run_scoped3A : memref<!tpu.dma_semaphore, #tpu.memory_space<semaphore_mem>>) src(%dma_wait3A_10 : memref<8192xi32, #tpu.memory_space<hbm>>) dst(%arg8 : memref<8192xi32, #tpu.memory_space<vmem>>)
      tpu.yield
    }) : () -> ()
    %broadcast_in_dim3A = arith.constant 0.000000e+00 : f32
    %broadcast_in_dim3A_3 = vector.broadcast %broadcast_in_dim3A : f32 to vector<16xf32>
    %parallel_loop3A = arith.constant 0 : i32
    %parallel_loop3A_4 = arith.constant 256 : i32
    %parallel_loop3A_5 = arith.constant 1 : i32
    scf.for %parallel_loop3A_9 = %parallel_loop3A to %parallel_loop3A_4 step %parallel_loop3A_5  : i32 {
      %parallel_loop3A_10 = arith.constant 16 : i32
      %parallel_loop3A_11 = arith.muli %parallel_loop3A_9, %parallel_loop3A_10 : i32
      %parallel_loop3A_12 = arith.index_cast %parallel_loop3A_11 : i32 to index
      %parallel_loop3A_13 = tpu.vector_load %arg9[%parallel_loop3A_12] {strides = array<i32>} : memref<4096xf32, #tpu.memory_space<vmem>>, vector<16xf32>,
      tpu.vector_store %arg9[%parallel_loop3A_12], %broadcast_in_dim3A_3 {strides = array<i32>} : memref<4096xf32, #tpu.memory_space<vmem>>, vector<16xf32>,
    } {sc.loop_unroll_factor = 8 : i64, sc.parallel_access}
    %parallel_loop3A_6 = arith.constant 0 : i32
    %parallel_loop3A_7 = arith.constant 512 : i32
    %parallel_loop3A_8 = arith.constant 1 : i32
    scf.for %parallel_loop3A_9 = %parallel_loop3A_6 to %parallel_loop3A_7 step %parallel_loop3A_8  : i32 {
      %parallel_loop3A_10 = arith.constant 16 : i32
      %parallel_loop3A_11 = arith.muli %parallel_loop3A_9, %parallel_loop3A_10 : i32
      %parallel_loop3A_12 = arith.index_cast %parallel_loop3A_11 : i32 to index
      %parallel_loop3A_13 = tpu.vector_load %arg6[%parallel_loop3A_12] {strides = array<i32>} : memref<8192xf32, #tpu.memory_space<vmem>>, vector<16xf32>,
      %parallel_loop3A_14 = arith.index_cast %parallel_loop3A_11 : i32 to index
      %parallel_loop3A_15 = tpu.vector_load %arg7[%parallel_loop3A_14] {strides = array<i32>} : memref<8192xf32, #tpu.memory_space<vmem>>, vector<16xf32>,
      %parallel_loop3A_16 = arith.mulf %parallel_loop3A_13, %parallel_loop3A_15 : vector<16xf32>
      %parallel_loop3A_17 = arith.index_cast %parallel_loop3A_11 : i32 to index
      %parallel_loop3A_18 = tpu.vector_load %arg8[%parallel_loop3A_17] {strides = array<i32>} : memref<8192xi32, #tpu.memory_space<vmem>>, vector<16xi32>,
      tpu.vector_store_idx %arg9[%parallel_loop3A_18], %parallel_loop3A_16 {add = true} : memref<4096xf32, #tpu.memory_space<vmem>>[vector<16xi32>], vector<16xf32>,
    } {sc.loop_unroll_factor = 4 : i64, sc.parallel_access}
    "tpu.region"() ({
      %run_scoped3A = tpu.sem_alloc : memref<!tpu.dma_semaphore, #tpu.memory_space<semaphore_mem>>
      %dma_start3A = arith.constant 0 : i32
      %dma_start3A_9 = tpu.memref_slice %arg5[%add3A, %dma_start3A] : memref<32x4096xf32, #tpu.memory_space<hbm>> -> memref<1x4096xf32, #tpu.memory_space<hbm>>
      %dma_start3A_10 = tpu.memref_squeeze %dma_start3A_9 : memref<1x4096xf32, #tpu.memory_space<hbm>> -> memref<4096xf32, #tpu.memory_space<hbm>>
      %dma_start3A_11 = arith.constant 0 : i32
      %dma_start3A_12 = tpu.memref_slice %arg5[%add3A, %dma_start3A_11] : memref<32x4096xf32, #tpu.memory_space<hbm>> -> memref<1x4096xf32, #tpu.memory_space<hbm>>
      %dma_start3A_13 = tpu.memref_squeeze %dma_start3A_12 : memref<1x4096xf32, #tpu.memory_space<hbm>> -> memref<4096xf32, #tpu.memory_space<hbm>>
      tpu.enqueue_dma source(%arg9 : memref<4096xf32, #tpu.memory_space<vmem>>) target(%dma_start3A_13 : memref<4096xf32, #tpu.memory_space<hbm>>) target_semaphore(%run_scoped3A : memref<!tpu.dma_semaphore, #tpu.memory_space<semaphore_mem>>)
      %dma_wait3A = arith.constant 0 : i32
      %dma_wait3A_14 = tpu.memref_slice %arg5[%add3A, %dma_wait3A] : memref<32x4096xf32, #tpu.memory_space<hbm>> -> memref<1x4096xf32, #tpu.memory_space<hbm>>
      %dma_wait3A_15 = tpu.memref_squeeze %dma_wait3A_14 : memref<1x4096xf32, #tpu.memory_space<hbm>> -> memref<4096xf32, #tpu.memory_space<hbm>>
      %dma_wait3A_16 = arith.constant 0 : i32
      %dma_wait3A_17 = tpu.memref_slice %arg5[%add3A, %dma_wait3A_16] : memref<32x4096xf32, #tpu.memory_space<hbm>> -> memref<1x4096xf32, #tpu.memory_space<hbm>>
      %dma_wait3A_18 = tpu.memref_squeeze %dma_wait3A_17 : memref<1x4096xf32, #tpu.memory_space<hbm>> -> memref<4096xf32, #tpu.memory_space<hbm>>
      tpu.wait_dma2 semaphore(%run_scoped3A : memref<!tpu.dma_semaphore, #tpu.memory_space<semaphore_mem>>) src(%arg9 : memref<4096xf32, #tpu.memory_space<vmem>>) dst(%dma_wait3A_18 : memref<4096xf32, #tpu.memory_space<hbm>>)
      tpu.yield
    }) : () -> ()
    return
  }
}

#map = affine_map<(d0, d1) -> (0)>
#map1 = affine_map<(d0, d1) -> (0, 0)>
module attributes {stable_mosaic.version = 14 : i64} {
  func.func @_k2(%arg0: i32, %arg1: i32, %arg2: memref<262144xf32, #tpu.memory_space<hbm>>, %arg3: memref<262144xf32, #tpu.memory_space<hbm>>, %arg4: memref<262144xi32, #tpu.memory_space<hbm>>, %arg5: memref<262144xf32, #tpu.memory_space<hbm>>, %arg6: memref<786432xf32, #tpu.memory_space<hbm>>, %arg7: memref<131072xf32, #tpu.memory_space<hbm>>, %arg8: memref<262144xf32, #tpu.memory_space<hbm>>, %arg9: memref<32x16384xf32, #tpu.memory_space<hbm>>, %arg10: memref<8192xf32, #tpu.memory_space<vmem>>, %arg11: memref<8192xf32, #tpu.memory_space<vmem>>, %arg12: memref<8208xi32, #tpu.memory_space<vmem>>, %arg13: memref<8192xf32, #tpu.memory_space<vmem>>, %arg14: memref<8192xf32, #tpu.memory_space<vmem>>, %arg15: memref<8192xf32, #tpu.memory_space<vmem>>, %arg16: memref<8192xf32, #tpu.memory_space<vmem>>, %arg17: memref<8192xf32, #tpu.memory_space<vmem>>, %arg18: memref<8192xf32, #tpu.memory_space<vmem>>, %arg19: memref<8192xf32, #tpu.memory_space<vmem>>, %arg20: memref<4096xf32, #tpu.memory_space<vmem>>, %arg21: memref<16384xf32, #tpu.memory_space<vmem>>, %arg22: memref<32xi32, #tpu.memory_space<vmem>>, %arg23: memref<32xf32, #tpu.memory_space<vmem>>, %arg24: memref<!tpu.dma_semaphore, #tpu.memory_space<semaphore_mem>>) attributes {dimension_semantics = [#tpu.dimension_semantics<core_parallel>, #tpu.dimension_semantics<subcore_parallel>], iteration_bounds = array<i64: 2, 16>, scalar_prefetch = 0 : i64, scratch_operands = 15 : i64, tpu.core_type = #tpu.core_type<sc_vector_subcore>, window_params = [{transform_indices = #map}, {transform_indices = #map}, {transform_indices = #map}, {transform_indices = #map}, {transform_indices = #map}, {transform_indices = #map}, {transform_indices = #map}, {transform_indices = #map1}]} {
    %mul3A = arith.constant 2 : i32
    %mul3A_0 = arith.muli %arg1, %mul3A : i32
    %add3A = arith.addi %mul3A_0, %arg0 : i32
    %mul3A_1 = arith.constant 8192 : i32
    %mul3A_2 = arith.muli %add3A, %mul3A_1 : i32
    "tpu.region"() ({
      %run_scoped3A = tpu.sem_alloc : memref<!tpu.dma_semaphore, #tpu.memory_space<semaphore_mem>>
      %dma_start3A_74 = tpu.memref_slice %arg2[%mul3A_2] : memref<262144xf32, #tpu.memory_space<hbm>> -> memref<8192xf32, #tpu.memory_space<hbm>>
      %dma_start3A_75 = tpu.memref_slice %arg2[%mul3A_2] : memref<262144xf32, #tpu.memory_space<hbm>> -> memref<8192xf32, #tpu.memory_space<hbm>>
      tpu.enqueue_dma source(%dma_start3A_75 : memref<8192xf32, #tpu.memory_space<hbm>>) target(%arg10 : memref<8192xf32, #tpu.memory_space<vmem>>) target_semaphore(%run_scoped3A : memref<!tpu.dma_semaphore, #tpu.memory_space<semaphore_mem>>)
      %dma_wait3A_76 = tpu.memref_slice %arg2[%mul3A_2] : memref<262144xf32, #tpu.memory_space<hbm>> -> memref<8192xf32, #tpu.memory_space<hbm>>
      %dma_wait3A_77 = tpu.memref_slice %arg2[%mul3A_2] : memref<262144xf32, #tpu.memory_space<hbm>> -> memref<8192xf32, #tpu.memory_space<hbm>>
      tpu.wait_dma2 semaphore(%run_scoped3A : memref<!tpu.dma_semaphore, #tpu.memory_space<semaphore_mem>>) src(%dma_wait3A_77 : memref<8192xf32, #tpu.memory_space<hbm>>) dst(%arg10 : memref<8192xf32, #tpu.memory_space<vmem>>)
      tpu.yield
    }) : () -> ()
    "tpu.region"() ({
      %run_scoped3A = tpu.sem_alloc : memref<!tpu.dma_semaphore, #tpu.memory_space<semaphore_mem>>
      %dma_start3A_74 = tpu.memref_slice %arg3[%mul3A_2] : memref<262144xf32, #tpu.memory_space<hbm>> -> memref<8192xf32, #tpu.memory_space<hbm>>
      %dma_start3A_75 = tpu.memref_slice %arg3[%mul3A_2] : memref<262144xf32, #tpu.memory_space<hbm>> -> memref<8192xf32, #tpu.memory_space<hbm>>
      tpu.enqueue_dma source(%dma_start3A_75 : memref<8192xf32, #tpu.memory_space<hbm>>) target(%arg11 : memref<8192xf32, #tpu.memory_space<vmem>>) target_semaphore(%run_scoped3A : memref<!tpu.dma_semaphore, #tpu.memory_space<semaphore_mem>>)
      %dma_wait3A_76 = tpu.memref_slice %arg3[%mul3A_2] : memref<262144xf32, #tpu.memory_space<hbm>> -> memref<8192xf32, #tpu.memory_space<hbm>>
      %dma_wait3A_77 = tpu.memref_slice %arg3[%mul3A_2] : memref<262144xf32, #tpu.memory_space<hbm>> -> memref<8192xf32, #tpu.memory_space<hbm>>
      tpu.wait_dma2 semaphore(%run_scoped3A : memref<!tpu.dma_semaphore, #tpu.memory_space<semaphore_mem>>) src(%dma_wait3A_77 : memref<8192xf32, #tpu.memory_space<hbm>>) dst(%arg11 : memref<8192xf32, #tpu.memory_space<vmem>>)
      tpu.yield
    }) : () -> ()
    "tpu.region"() ({
      %run_scoped3A = tpu.sem_alloc : memref<!tpu.dma_semaphore, #tpu.memory_space<semaphore_mem>>
      %dma_start3A_74 = arith.constant 16 : i32
      %dma_start3A_75 = tpu.memref_slice %arg12[%dma_start3A_74] : memref<8208xi32, #tpu.memory_space<vmem>> -> memref<8192xi32, #tpu.memory_space<vmem>>
      %dma_start3A_76 = tpu.memref_slice %arg4[%mul3A_2] : memref<262144xi32, #tpu.memory_space<hbm>> -> memref<8192xi32, #tpu.memory_space<hbm>>
      %dma_start3A_77 = arith.constant 16 : i32
      %dma_start3A_78 = tpu.memref_slice %arg12[%dma_start3A_77] : memref<8208xi32, #tpu.memory_space<vmem>> -> memref<8192xi32, #tpu.memory_space<vmem>>
      %dma_start3A_79 = tpu.memref_slice %arg4[%mul3A_2] : memref<262144xi32, #tpu.memory_space<hbm>> -> memref<8192xi32, #tpu.memory_space<hbm>>
      tpu.enqueue_dma source(%dma_start3A_79 : memref<8192xi32, #tpu.memory_space<hbm>>) target(%dma_start3A_78 : memref<8192xi32, #tpu.memory_space<vmem>>) target_semaphore(%run_scoped3A : memref<!tpu.dma_semaphore, #tpu.memory_space<semaphore_mem>>)
      %dma_wait3A_80 = arith.constant 16 : i32
      %dma_wait3A_81 = tpu.memref_slice %arg12[%dma_wait3A_80] : memref<8208xi32, #tpu.memory_space<vmem>> -> memref<8192xi32, #tpu.memory_space<vmem>>
      %dma_wait3A_82 = tpu.memref_slice %arg4[%mul3A_2] : memref<262144xi32, #tpu.memory_space<hbm>> -> memref<8192xi32, #tpu.memory_space<hbm>>
      %dma_wait3A_83 = arith.constant 16 : i32
      %dma_wait3A_84 = tpu.memref_slice %arg12[%dma_wait3A_83] : memref<8208xi32, #tpu.memory_space<vmem>> -> memref<8192xi32, #tpu.memory_space<vmem>>
      %dma_wait3A_85 = tpu.memref_slice %arg4[%mul3A_2] : memref<262144xi32, #tpu.memory_space<hbm>> -> memref<8192xi32, #tpu.memory_space<hbm>>
      tpu.wait_dma2 semaphore(%run_scoped3A : memref<!tpu.dma_semaphore, #tpu.memory_space<semaphore_mem>>) src(%dma_wait3A_85 : memref<8192xi32, #tpu.memory_space<hbm>>) dst(%dma_wait3A_84 : memref<8192xi32, #tpu.memory_space<vmem>>)
      tpu.yield
    }) : () -> ()
    "tpu.region"() ({
      %run_scoped3A = tpu.sem_alloc : memref<!tpu.dma_semaphore, #tpu.memory_space<semaphore_mem>>
      %dma_start3A_74 = tpu.memref_slice %arg5[%mul3A_2] : memref<262144xf32, #tpu.memory_space<hbm>> -> memref<8192xf32, #tpu.memory_space<hbm>>
      %dma_start3A_75 = tpu.memref_slice %arg5[%mul3A_2] : memref<262144xf32, #tpu.memory_space<hbm>> -> memref<8192xf32, #tpu.memory_space<hbm>>
      tpu.enqueue_dma source(%dma_start3A_75 : memref<8192xf32, #tpu.memory_space<hbm>>) target(%arg13 : memref<8192xf32, #tpu.memory_space<vmem>>) target_semaphore(%run_scoped3A : memref<!tpu.dma_semaphore, #tpu.memory_space<semaphore_mem>>)
      %dma_wait3A_76 = tpu.memref_slice %arg5[%mul3A_2] : memref<262144xf32, #tpu.memory_space<hbm>> -> memref<8192xf32, #tpu.memory_space<hbm>>
      %dma_wait3A_77 = tpu.memref_slice %arg5[%mul3A_2] : memref<262144xf32, #tpu.memory_space<hbm>> -> memref<8192xf32, #tpu.memory_space<hbm>>
      tpu.wait_dma2 semaphore(%run_scoped3A : memref<!tpu.dma_semaphore, #tpu.memory_space<semaphore_mem>>) src(%dma_wait3A_77 : memref<8192xf32, #tpu.memory_space<hbm>>) dst(%arg13 : memref<8192xf32, #tpu.memory_space<vmem>>)
      tpu.yield
    }) : () -> ()
    "tpu.region"() ({
      %run_scoped3A = tpu.sem_alloc : memref<!tpu.dma_semaphore, #tpu.memory_space<semaphore_mem>>
      %dma_start3A_74 = tpu.memref_slice %arg6[%mul3A_2] : memref<786432xf32, #tpu.memory_space<hbm>> -> memref<8192xf32, #tpu.memory_space<hbm>>
      %dma_start3A_75 = tpu.memref_slice %arg6[%mul3A_2] : memref<786432xf32, #tpu.memory_space<hbm>> -> memref<8192xf32, #tpu.memory_space<hbm>>
      tpu.enqueue_dma source(%dma_start3A_75 : memref<8192xf32, #tpu.memory_space<hbm>>) target(%arg14 : memref<8192xf32, #tpu.memory_space<vmem>>) target_semaphore(%run_scoped3A : memref<!tpu.dma_semaphore, #tpu.memory_space<semaphore_mem>>)
      %dma_wait3A_76 = tpu.memref_slice %arg6[%mul3A_2] : memref<786432xf32, #tpu.memory_space<hbm>> -> memref<8192xf32, #tpu.memory_space<hbm>>
      %dma_wait3A_77 = tpu.memref_slice %arg6[%mul3A_2] : memref<786432xf32, #tpu.memory_space<hbm>> -> memref<8192xf32, #tpu.memory_space<hbm>>
      tpu.wait_dma2 semaphore(%run_scoped3A : memref<!tpu.dma_semaphore, #tpu.memory_space<semaphore_mem>>) src(%dma_wait3A_77 : memref<8192xf32, #tpu.memory_space<hbm>>) dst(%arg14 : memref<8192xf32, #tpu.memory_space<vmem>>)
      tpu.yield
    }) : () -> ()
    %add3A_3 = arith.constant 262144 : i32
    %add3A_4 = arith.addi %add3A_3, %mul3A_2 : i32
    "tpu.region"() ({
      %run_scoped3A = tpu.sem_alloc : memref<!tpu.dma_semaphore, #tpu.memory_space<semaphore_mem>>
      %dma_start3A_74 = tpu.memref_slice %arg6[%add3A_4] : memref<786432xf32, #tpu.memory_space<hbm>> -> memref<8192xf32, #tpu.memory_space<hbm>>
      %dma_start3A_75 = tpu.memref_slice %arg6[%add3A_4] : memref<786432xf32, #tpu.memory_space<hbm>> -> memref<8192xf32, #tpu.memory_space<hbm>>
      tpu.enqueue_dma source(%dma_start3A_75 : memref<8192xf32, #tpu.memory_space<hbm>>) target(%arg15 : memref<8192xf32, #tpu.memory_space<vmem>>) target_semaphore(%run_scoped3A : memref<!tpu.dma_semaphore, #tpu.memory_space<semaphore_mem>>)
      %dma_wait3A_76 = tpu.memref_slice %arg6[%add3A_4] : memref<786432xf32, #tpu.memory_space<hbm>> -> memref<8192xf32, #tpu.memory_space<hbm>>
      %dma_wait3A_77 = tpu.memref_slice %arg6[%add3A_4] : memref<786432xf32, #tpu.memory_space<hbm>> -> memref<8192xf32, #tpu.memory_space<hbm>>
      tpu.wait_dma2 semaphore(%run_scoped3A : memref<!tpu.dma_semaphore, #tpu.memory_space<semaphore_mem>>) src(%dma_wait3A_77 : memref<8192xf32, #tpu.memory_space<hbm>>) dst(%arg15 : memref<8192xf32, #tpu.memory_space<vmem>>)
      tpu.yield
    }) : () -> ()
    %add3A_5 = arith.constant 524288 : i32
    %add3A_6 = arith.addi %add3A_5, %mul3A_2 : i32
    "tpu.region"() ({
      %run_scoped3A = tpu.sem_alloc : memref<!tpu.dma_semaphore, #tpu.memory_space<semaphore_mem>>
      %dma_start3A_74 = tpu.memref_slice %arg6[%add3A_6] : memref<786432xf32, #tpu.memory_space<hbm>> -> memref<8192xf32, #tpu.memory_space<hbm>>
      %dma_start3A_75 = tpu.memref_slice %arg6[%add3A_6] : memref<786432xf32, #tpu.memory_space<hbm>> -> memref<8192xf32, #tpu.memory_space<hbm>>
      tpu.enqueue_dma source(%dma_start3A_75 : memref<8192xf32, #tpu.memory_space<hbm>>) target(%arg16 : memref<8192xf32, #tpu.memory_space<vmem>>) target_semaphore(%run_scoped3A : memref<!tpu.dma_semaphore, #tpu.memory_space<semaphore_mem>>)
      %dma_wait3A_76 = tpu.memref_slice %arg6[%add3A_6] : memref<786432xf32, #tpu.memory_space<hbm>> -> memref<8192xf32, #tpu.memory_space<hbm>>
      %dma_wait3A_77 = tpu.memref_slice %arg6[%add3A_6] : memref<786432xf32, #tpu.memory_space<hbm>> -> memref<8192xf32, #tpu.memory_space<hbm>>
      tpu.wait_dma2 semaphore(%run_scoped3A : memref<!tpu.dma_semaphore, #tpu.memory_space<semaphore_mem>>) src(%dma_wait3A_77 : memref<8192xf32, #tpu.memory_space<hbm>>) dst(%arg16 : memref<8192xf32, #tpu.memory_space<vmem>>)
      tpu.yield
    }) : () -> ()
    %broadcast_in_dim3A = arith.constant -1 : i32
    %broadcast_in_dim3A_7 = vector.broadcast %broadcast_in_dim3A : i32 to vector<16xi32>
    %swap3A = arith.constant 0 : index
    %swap3A_8 = tpu.vector_load %arg12[%swap3A] {strides = array<i32>} : memref<8208xi32, #tpu.memory_space<vmem>>, vector<16xi32>,
    tpu.vector_store %arg12[%swap3A], %broadcast_in_dim3A_7 {strides = array<i32>} : memref<8208xi32, #tpu.memory_space<vmem>>, vector<16xi32>,
    %broadcast_in_dim3A_9 = arith.constant 0.000000e+00 : f32
    %broadcast_in_dim3A_10 = vector.broadcast %broadcast_in_dim3A_9 : f32 to vector<16xf32>
    %parallel_loop3A = arith.constant 0 : i32
    %parallel_loop3A_11 = arith.constant 1024 : i32
    %parallel_loop3A_12 = arith.constant 1 : i32
    scf.for %parallel_loop3A_74 = %parallel_loop3A to %parallel_loop3A_11 step %parallel_loop3A_12  : i32 {
      %parallel_loop3A_75 = arith.constant 16 : i32
      %parallel_loop3A_76 = arith.muli %parallel_loop3A_74, %parallel_loop3A_75 : i32
      %parallel_loop3A_77 = arith.index_cast %parallel_loop3A_76 : i32 to index
      %parallel_loop3A_78 = tpu.vector_load %arg21[%parallel_loop3A_77] {strides = array<i32>} : memref<16384xf32, #tpu.memory_space<vmem>>, vector<16xf32>,
      tpu.vector_store %arg21[%parallel_loop3A_77], %broadcast_in_dim3A_10 {strides = array<i32>} : memref<16384xf32, #tpu.memory_space<vmem>>, vector<16xf32>,
    } {sc.loop_unroll_factor = 8 : i64, sc.parallel_access}
    %parallel_loop3A_13 = arith.constant 0 : i32
    %parallel_loop3A_14 = arith.constant 512 : i32
    %parallel_loop3A_15 = arith.constant 1 : i32
    %parallel_loop3A_16 = arith.constant 0.000000e+00 : f32
    %parallel_loop3A_17 = scf.for %parallel_loop3A_74 = %parallel_loop3A_13 to %parallel_loop3A_14 step %parallel_loop3A_15 iter_args(%parallel_loop3A_75 = %parallel_loop3A_16) -> (f32)  : i32 {
      %parallel_loop3A_76 = arith.constant 16 : i32
      %parallel_loop3A_77 = arith.muli %parallel_loop3A_74, %parallel_loop3A_76 : i32
      %parallel_loop3A_78 = arith.index_cast %parallel_loop3A_77 : i32 to index
      %parallel_loop3A_79 = tpu.vector_load %arg10[%parallel_loop3A_78] {strides = array<i32>} : memref<8192xf32, #tpu.memory_space<vmem>>, vector<16xf32>,
      %parallel_loop3A_80 = arith.index_cast %parallel_loop3A_77 : i32 to index
      %parallel_loop3A_81 = tpu.vector_load %arg11[%parallel_loop3A_80] {strides = array<i32>} : memref<8192xf32, #tpu.memory_space<vmem>>, vector<16xf32>,
      %parallel_loop3A_82 = arith.mulf %parallel_loop3A_79, %parallel_loop3A_81 : vector<16xf32>
      %parallel_loop3A_83 = arith.index_cast %parallel_loop3A_77 : i32 to index
      %parallel_loop3A_84 = tpu.vector_load %arg17[%parallel_loop3A_83] {strides = array<i32>} : memref<8192xf32, #tpu.memory_space<vmem>>, vector<16xf32>,
      tpu.vector_store %arg17[%parallel_loop3A_83], %parallel_loop3A_82 {strides = array<i32>} : memref<8192xf32, #tpu.memory_space<vmem>>, vector<16xf32>,
      %parallel_loop3A_85 = arith.constant true
      %parallel_loop3A_86 = vector.broadcast %parallel_loop3A_85 : i1 to vector<16xi1>
      %parallel_loop3A_87 = tpu.scan <sum>, %parallel_loop3A_82 masked %parallel_loop3A_86 : vector<16xf32>, vector<16xi1> -> vector<16xf32>
      %parallel_loop3A_88 = arith.subf %parallel_loop3A_87, %parallel_loop3A_82 : vector<16xf32>
      %parallel_loop3A_89 = vector.broadcast %parallel_loop3A_75 : f32 to vector<16xf32>
      %parallel_loop3A_90 = arith.addf %parallel_loop3A_88, %parallel_loop3A_89 : vector<16xf32>
      %parallel_loop3A_91 = arith.index_cast %parallel_loop3A_77 : i32 to index
      %parallel_loop3A_92 = tpu.vector_load %arg18[%parallel_loop3A_91] {strides = array<i32>} : memref<8192xf32, #tpu.memory_space<vmem>>, vector<16xf32>,
      tpu.vector_store %arg18[%parallel_loop3A_91], %parallel_loop3A_90 {strides = array<i32>} : memref<8192xf32, #tpu.memory_space<vmem>>, vector<16xf32>,
      %parallel_loop3A_93 = arith.constant 16 : i32
      %parallel_loop3A_94 = arith.muli %parallel_loop3A_74, %parallel_loop3A_93 : i32
      %parallel_loop3A_95 = arith.constant 16 : i32
      %parallel_loop3A_96 = arith.addi %parallel_loop3A_94, %parallel_loop3A_95 : i32
      %parallel_loop3A_97 = arith.index_cast %parallel_loop3A_96 : i32 to index
      %parallel_loop3A_98 = tpu.vector_load %arg12[%parallel_loop3A_97] {strides = array<i32>} : memref<8208xi32, #tpu.memory_space<vmem>>, vector<16xi32>,
      %parallel_loop3A_99 = arith.constant 16 : i32
      %parallel_loop3A_100 = arith.muli %parallel_loop3A_74, %parallel_loop3A_99 : i32
      %parallel_loop3A_101 = arith.constant 16 : i32
      %parallel_loop3A_102 = arith.addi %parallel_loop3A_100, %parallel_loop3A_101 : i32
      %parallel_loop3A_103 = arith.constant 1 : i32
      %parallel_loop3A_104 = arith.subi %parallel_loop3A_102, %parallel_loop3A_103 : i32
      %parallel_loop3A_105 = arith.index_cast %parallel_loop3A_104 : i32 to index
      %parallel_loop3A_106 = tpu.vector_load %arg12[%parallel_loop3A_105] {strides = array<i32>} : memref<8208xi32, #tpu.memory_space<vmem>>, vector<16xi32>,
      %parallel_loop3A_107 = arith.cmpi ne, %parallel_loop3A_98, %parallel_loop3A_106 : vector<16xi32>
      tpu.vector_store_idx %arg20[%parallel_loop3A_98], %parallel_loop3A_90 masked %parallel_loop3A_107 : memref<4096xf32, #tpu.memory_space<vmem>>[vector<16xi32>], vector<16xf32>, vector<16xi1>
      %parallel_loop3A_108 = arith.constant true
      %parallel_loop3A_109 = vector.broadcast %parallel_loop3A_108 : i1 to vector<16xi1>
      %parallel_loop3A_110 = tpu.scan <sum>, %parallel_loop3A_82 masked %parallel_loop3A_109 : vector<16xf32>, vector<16xi1> -> vector<16xf32>
      %parallel_loop3A_111 = vector.extract %parallel_loop3A_110[15] : f32 from vector<16xf32>
      %parallel_loop3A_112 = arith.addf %parallel_loop3A_75, %parallel_loop3A_111 : f32
      scf.yield %parallel_loop3A_112 : f32
    } {sc.loop_unroll_factor = 4 : i64, sc.parallel_access}
    %get3A = arith.constant 16 : index
    %get3A_18 = tpu.vector_load %arg12[%get3A] {strides = array<i32>} : memref<8208xi32, #tpu.memory_space<vmem>>, vector<16xi32>,
    %reduce_min3A = arith.constant true
    %reduce_min3A_19 = vector.broadcast %reduce_min3A : i1 to vector<16xi1>
    %reduce_min3A_20 = arith.constant -2147483648 : i32
    %reduce_min3A_21 = vector.broadcast %reduce_min3A_20 : i32 to vector<16xi32>
    %reduce_min3A_22 = arith.xori %get3A_18, %reduce_min3A_21 : vector<16xi32>
    %reduce_min3A_23 = tpu.scan <min>, %reduce_min3A_22 masked %reduce_min3A_19 : vector<16xi32>, vector<16xi1> -> vector<16xi32>
    %reduce_min3A_24 = arith.xori %reduce_min3A_23, %reduce_min3A_21 : vector<16xi32>
    %reduce_min3A_25 = vector.extract %reduce_min3A_24[15] : i32 from vector<16xi32>
    %iota3A = tpu.iota {dimensions = array<i32: 0>} : vector<16xi32>
    %mul3A_26 = arith.constant 4096 : i32
    %mul3A_27 = vector.broadcast %mul3A_26 : i32 to vector<16xi32>
    %mul3A_28 = arith.muli %iota3A, %mul3A_27 : vector<16xi32>
    %add3A_29 = vector.broadcast %reduce_min3A_25 : i32 to vector<16xi32>
    %add3A_30 = arith.addi %mul3A_28, %add3A_29 : vector<16xi32>
    %swap3A_31 = arith.constant 0 : index
    %swap3A_32 = tpu.vector_load %arg22[%swap3A_31] {strides = array<i32>} : memref<32xi32, #tpu.memory_space<vmem>>, vector<16xi32>,
    tpu.vector_store %arg22[%swap3A_31], %add3A_30 {strides = array<i32>} : memref<32xi32, #tpu.memory_space<vmem>>, vector<16xi32>,
    %add3A_33 = arith.constant 16 : i32
    %add3A_34 = vector.broadcast %add3A_33 : i32 to vector<16xi32>
    %add3A_35 = arith.addi %iota3A, %add3A_34 : vector<16xi32>
    %mul3A_36 = arith.constant 4096 : i32
    %mul3A_37 = vector.broadcast %mul3A_36 : i32 to vector<16xi32>
    %mul3A_38 = arith.muli %add3A_35, %mul3A_37 : vector<16xi32>
    %add3A_39 = vector.broadcast %reduce_min3A_25 : i32 to vector<16xi32>
    %add3A_40 = arith.addi %mul3A_38, %add3A_39 : vector<16xi32>
    %swap3A_41 = arith.constant 16 : index
    %swap3A_42 = tpu.vector_load %arg22[%swap3A_41] {strides = array<i32>} : memref<32xi32, #tpu.memory_space<vmem>>, vector<16xi32>,
    tpu.vector_store %arg22[%swap3A_41], %add3A_40 {strides = array<i32>} : memref<32xi32, #tpu.memory_space<vmem>>, vector<16xi32>,
    %dma_start3A = arith.constant 0 : i32
    %dma_start3A_43 = tpu.memref_slice %arg7[%dma_start3A] : memref<131072xf32, #tpu.memory_space<hbm>> -> memref<131072xf32, #tpu.memory_space<hbm>>
    tpu.enqueue_indirect_dma source(%dma_start3A_43 : memref<131072xf32, #tpu.memory_space<hbm>>) target(%arg23 : memref<32xf32, #tpu.memory_space<vmem>>) offsets(%arg22 : memref<32xi32, #tpu.memory_space<vmem>>) semaphore(%arg24 : memref<!tpu.dma_semaphore, #tpu.memory_space<semaphore_mem>>)
    %dma_wait3A = arith.constant 0 : i32
    %dma_wait3A_44 = tpu.memref_slice %arg7[%dma_wait3A] : memref<131072xf32, #tpu.memory_space<hbm>> -> memref<131072xf32, #tpu.memory_space<hbm>>
    tpu.wait_indirect_dma semaphore(%arg24 : memref<!tpu.dma_semaphore, #tpu.memory_space<semaphore_mem>>) src(%dma_wait3A_44 : memref<131072xf32, #tpu.memory_space<hbm>>) dst(%arg23 : memref<32xf32, #tpu.memory_space<vmem>>)
    %get3A_45 = arith.constant 0 : index
    %get3A_46 = tpu.vector_load %arg23[%get3A_45] {strides = array<i32>} : memref<32xf32, #tpu.memory_space<vmem>>, vector<16xf32>,
    %get3A_47 = arith.constant 16 : index
    %get3A_48 = tpu.vector_load %arg23[%get3A_47] {strides = array<i32>} : memref<32xf32, #tpu.memory_space<vmem>>, vector<16xf32>,
    %lt3A = vector.broadcast %add3A : i32 to vector<16xi32>
    %lt3A_49 = arith.cmpi slt, %iota3A, %lt3A : vector<16xi32>
    %jit3A = arith.constant 0.000000e+00 : f32
    %broadcast_in_dim3A_50 = vector.broadcast %jit3A : f32 to vector<16xf32>
    %select_n3A = arith.select %lt3A_49, %get3A_46, %broadcast_in_dim3A_50 : vector<16xi1>, vector<16xf32>
    %reduce_sum3A = arith.constant true
    %reduce_sum3A_51 = vector.broadcast %reduce_sum3A : i1 to vector<16xi1>
    %reduce_sum3A_52 = tpu.scan <sum>, %select_n3A masked %reduce_sum3A_51 : vector<16xf32>, vector<16xi1> -> vector<16xf32>
    %reduce_sum3A_53 = vector.extract %reduce_sum3A_52[15] : f32 from vector<16xf32>
    %add3A_54 = arith.constant 16 : i32
    %add3A_55 = vector.broadcast %add3A_54 : i32 to vector<16xi32>
    %add3A_56 = arith.addi %iota3A, %add3A_55 : vector<16xi32>
    %lt3A_57 = vector.broadcast %add3A : i32 to vector<16xi32>
    %lt3A_58 = arith.cmpi slt, %add3A_56, %lt3A_57 : vector<16xi32>
    %jit3A_59 = arith.constant 0.000000e+00 : f32
    %broadcast_in_dim3A_60 = vector.broadcast %jit3A_59 : f32 to vector<16xf32>
    %select_n3A_61 = arith.select %lt3A_58, %get3A_48, %broadcast_in_dim3A_60 : vector<16xi1>, vector<16xf32>
    %reduce_sum3A_62 = arith.constant true
    %reduce_sum3A_63 = vector.broadcast %reduce_sum3A_62 : i1 to vector<16xi1>
    %reduce_sum3A_64 = tpu.scan <sum>, %select_n3A_61 masked %reduce_sum3A_63 : vector<16xf32>, vector<16xi1> -> vector<16xf32>
    %reduce_sum3A_65 = vector.extract %reduce_sum3A_64[15] : f32 from vector<16xf32>
    %add3A_66 = arith.addf %reduce_sum3A_53, %reduce_sum3A_65 : f32
    %neg3A = arith.constant 0.000000e+00 : f32
    %neg3A_67 = arith.subf %neg3A, %add3A_66 : f32
    %broadcast_in_dim3A_68 = vector.broadcast %neg3A_67 : f32 to vector<16xf32>
    %eq3A = arith.constant 0 : i32
    %eq3A_69 = vector.broadcast %eq3A : i32 to vector<16xi32>
    %eq3A_70 = arith.cmpi eq, %iota3A, %eq3A_69 : vector<16xi32>
    tpu.vector_store_idx %arg20[%get3A_18], %broadcast_in_dim3A_68 masked %eq3A_70 : memref<4096xf32, #tpu.memory_space<vmem>>[vector<16xi32>], vector<16xf32>, vector<16xi1>
    %parallel_loop3A_71 = arith.constant 0 : i32
    %parallel_loop3A_72 = arith.constant 512 : i32
    %parallel_loop3A_73 = arith.constant 1 : i32
    scf.for %parallel_loop3A_74 = %parallel_loop3A_71 to %parallel_loop3A_72 step %parallel_loop3A_73  : i32 {
      %parallel_loop3A_75 = arith.constant 16 : i32
      %parallel_loop3A_76 = arith.muli %parallel_loop3A_74, %parallel_loop3A_75 : i32
      %parallel_loop3A_77 = arith.index_cast %parallel_loop3A_76 : i32 to index
      %parallel_loop3A_78 = tpu.vector_load %arg17[%parallel_loop3A_77] {strides = array<i32>} : memref<8192xf32, #tpu.memory_space<vmem>>, vector<16xf32>,
      %parallel_loop3A_79 = arith.constant 16 : i32
      %parallel_loop3A_80 = arith.muli %parallel_loop3A_74, %parallel_loop3A_79 : i32
      %parallel_loop3A_81 = arith.constant 16 : i32
      %parallel_loop3A_82 = arith.addi %parallel_loop3A_80, %parallel_loop3A_81 : i32
      %parallel_loop3A_83 = arith.index_cast %parallel_loop3A_82 : i32 to index
      %parallel_loop3A_84 = tpu.vector_load %arg12[%parallel_loop3A_83] {strides = array<i32>} : memref<8208xi32, #tpu.memory_space<vmem>>, vector<16xi32>,
      %parallel_loop3A_85 = tpu.vector_load_idx %arg20[%parallel_loop3A_84] : memref<4096xf32, #tpu.memory_space<vmem>>[vector<16xi32>], vector<16xf32>,
      %parallel_loop3A_86 = arith.index_cast %parallel_loop3A_76 : i32 to index
      %parallel_loop3A_87 = tpu.vector_load %arg18[%parallel_loop3A_86] {strides = array<i32>} : memref<8192xf32, #tpu.memory_space<vmem>>, vector<16xf32>,
      %parallel_loop3A_88 = arith.subf %parallel_loop3A_85, %parallel_loop3A_87 : vector<16xf32>
      %parallel_loop3A_89 = math.exp %parallel_loop3A_88 : vector<16xf32>
      %parallel_loop3A_90 = arith.constant 0.000000e+00 : f32
      %parallel_loop3A_91 = vector.broadcast %parallel_loop3A_90 : f32 to vector<16xf32>
      %parallel_loop3A_92 = arith.subf %parallel_loop3A_91, %parallel_loop3A_78 : vector<16xf32>
      %parallel_loop3A_93 = math.exp %parallel_loop3A_92 : vector<16xf32>
      %parallel_loop3A_94 = arith.constant 1.000000e+00 : f32
      %parallel_loop3A_95 = vector.broadcast %parallel_loop3A_94 : f32 to vector<16xf32>
      %parallel_loop3A_96 = arith.subf %parallel_loop3A_95, %parallel_loop3A_93 : vector<16xf32>
      %parallel_loop3A_97 = arith.mulf %parallel_loop3A_89, %parallel_loop3A_96 : vector<16xf32>
      %parallel_loop3A_98 = arith.index_cast %parallel_loop3A_76 : i32 to index
      %parallel_loop3A_99 = tpu.vector_load %arg19[%parallel_loop3A_98] {strides = array<i32>} : memref<8192xf32, #tpu.memory_space<vmem>>, vector<16xf32>,
      tpu.vector_store %arg19[%parallel_loop3A_98], %parallel_loop3A_97 {strides = array<i32>} : memref<8192xf32, #tpu.memory_space<vmem>>, vector<16xf32>,
      %parallel_loop3A_100 = arith.constant 4 : i32
      %parallel_loop3A_101 = vector.broadcast %parallel_loop3A_100 : i32 to vector<16xi32>
      %parallel_loop3A_102 = arith.muli %parallel_loop3A_84, %parallel_loop3A_101 : vector<16xi32>
      %parallel_loop3A_103 = arith.index_cast %parallel_loop3A_76 : i32 to index
      %parallel_loop3A_104 = tpu.vector_load %arg14[%parallel_loop3A_103] {strides = array<i32>} : memref<8192xf32, #tpu.memory_space<vmem>>, vector<16xf32>,
      %parallel_loop3A_105 = arith.mulf %parallel_loop3A_97, %parallel_loop3A_104 : vector<16xf32>
      tpu.vector_store_idx %arg21[%parallel_loop3A_102], %parallel_loop3A_105 {add = true} : memref<16384xf32, #tpu.memory_space<vmem>>[vector<16xi32>], vector<16xf32>,
      %parallel_loop3A_106 = arith.constant 1 : i32
      %parallel_loop3A_107 = vector.broadcast %parallel_loop3A_106 : i32 to vector<16xi32>
      %parallel_loop3A_108 = arith.addi %parallel_loop3A_102, %parallel_loop3A_107 : vector<16xi32>
      %parallel_loop3A_109 = arith.index_cast %parallel_loop3A_76 : i32 to index
      %parallel_loop3A_110 = tpu.vector_load %arg15[%parallel_loop3A_109] {strides = array<i32>} : memref<8192xf32, #tpu.memory_space<vmem>>, vector<16xf32>,
      %parallel_loop3A_111 = arith.mulf %parallel_loop3A_97, %parallel_loop3A_110 : vector<16xf32>
      tpu.vector_store_idx %arg21[%parallel_loop3A_108], %parallel_loop3A_111 {add = true} : memref<16384xf32, #tpu.memory_space<vmem>>[vector<16xi32>], vector<16xf32>,
      %parallel_loop3A_112 = arith.constant 2 : i32
      %parallel_loop3A_113 = vector.broadcast %parallel_loop3A_112 : i32 to vector<16xi32>
      %parallel_loop3A_114 = arith.addi %parallel_loop3A_102, %parallel_loop3A_113 : vector<16xi32>
      %parallel_loop3A_115 = arith.index_cast %parallel_loop3A_76 : i32 to index
      %parallel_loop3A_116 = tpu.vector_load %arg16[%parallel_loop3A_115] {strides = array<i32>} : memref<8192xf32, #tpu.memory_space<vmem>>, vector<16xf32>,
      %parallel_loop3A_117 = arith.mulf %parallel_loop3A_97, %parallel_loop3A_116 : vector<16xf32>
      tpu.vector_store_idx %arg21[%parallel_loop3A_114], %parallel_loop3A_117 {add = true} : memref<16384xf32, #tpu.memory_space<vmem>>[vector<16xi32>], vector<16xf32>,
      %parallel_loop3A_118 = arith.constant 3 : i32
      %parallel_loop3A_119 = vector.broadcast %parallel_loop3A_118 : i32 to vector<16xi32>
      %parallel_loop3A_120 = arith.addi %parallel_loop3A_102, %parallel_loop3A_119 : vector<16xi32>
      %parallel_loop3A_121 = arith.index_cast %parallel_loop3A_76 : i32 to index
      %parallel_loop3A_122 = tpu.vector_load %arg13[%parallel_loop3A_121] {strides = array<i32>} : memref<8192xf32, #tpu.memory_space<vmem>>, vector<16xf32>,
      %parallel_loop3A_123 = arith.mulf %parallel_loop3A_97, %parallel_loop3A_122 : vector<16xf32>
      tpu.vector_store_idx %arg21[%parallel_loop3A_120], %parallel_loop3A_123 {add = true} : memref<16384xf32, #tpu.memory_space<vmem>>[vector<16xi32>], vector<16xf32>,
    } {sc.loop_unroll_factor = 4 : i64, sc.parallel_access}
    "tpu.region"() ({
      %run_scoped3A = tpu.sem_alloc : memref<!tpu.dma_semaphore, #tpu.memory_space<semaphore_mem>>
      %dma_start3A_74 = tpu.memref_slice %arg8[%mul3A_2] : memref<262144xf32, #tpu.memory_space<hbm>> -> memref<8192xf32, #tpu.memory_space<hbm>>
      %dma_start3A_75 = tpu.memref_slice %arg8[%mul3A_2] : memref<262144xf32, #tpu.memory_space<hbm>> -> memref<8192xf32, #tpu.memory_space<hbm>>
      tpu.enqueue_dma source(%arg19 : memref<8192xf32, #tpu.memory_space<vmem>>) target(%dma_start3A_75 : memref<8192xf32, #tpu.memory_space<hbm>>) target_semaphore(%run_scoped3A : memref<!tpu.dma_semaphore, #tpu.memory_space<semaphore_mem>>)
      %dma_wait3A_76 = tpu.memref_slice %arg8[%mul3A_2] : memref<262144xf32, #tpu.memory_space<hbm>> -> memref<8192xf32, #tpu.memory_space<hbm>>
      %dma_wait3A_77 = tpu.memref_slice %arg8[%mul3A_2] : memref<262144xf32, #tpu.memory_space<hbm>> -> memref<8192xf32, #tpu.memory_space<hbm>>
      tpu.wait_dma2 semaphore(%run_scoped3A : memref<!tpu.dma_semaphore, #tpu.memory_space<semaphore_mem>>) src(%arg19 : memref<8192xf32, #tpu.memory_space<vmem>>) dst(%dma_wait3A_77 : memref<8192xf32, #tpu.memory_space<hbm>>)
      tpu.yield
    }) : () -> ()
    "tpu.region"() ({
      %run_scoped3A = tpu.sem_alloc : memref<!tpu.dma_semaphore, #tpu.memory_space<semaphore_mem>>
      %dma_start3A_74 = arith.constant 0 : i32
      %dma_start3A_75 = tpu.memref_slice %arg9[%add3A, %dma_start3A_74] : memref<32x16384xf32, #tpu.memory_space<hbm>> -> memref<1x16384xf32, #tpu.memory_space<hbm>>
      %dma_start3A_76 = tpu.memref_squeeze %dma_start3A_75 : memref<1x16384xf32, #tpu.memory_space<hbm>> -> memref<16384xf32, #tpu.memory_space<hbm>>
      %dma_start3A_77 = arith.constant 0 : i32
      %dma_start3A_78 = tpu.memref_slice %arg9[%add3A, %dma_start3A_77] : memref<32x16384xf32, #tpu.memory_space<hbm>> -> memref<1x16384xf32, #tpu.memory_space<hbm>>
      %dma_start3A_79 = tpu.memref_squeeze %dma_start3A_78 : memref<1x16384xf32, #tpu.memory_space<hbm>> -> memref<16384xf32, #tpu.memory_space<hbm>>
      tpu.enqueue_dma source(%arg21 : memref<16384xf32, #tpu.memory_space<vmem>>) target(%dma_start3A_79 : memref<16384xf32, #tpu.memory_space<hbm>>) target_semaphore(%run_scoped3A : memref<!tpu.dma_semaphore, #tpu.memory_space<semaphore_mem>>)
      %dma_wait3A_80 = arith.constant 0 : i32
      %dma_wait3A_81 = tpu.memref_slice %arg9[%add3A, %dma_wait3A_80] : memref<32x16384xf32, #tpu.memory_space<hbm>> -> memref<1x16384xf32, #tpu.memory_space<hbm>>
      %dma_wait3A_82 = tpu.memref_squeeze %dma_wait3A_81 : memref<1x16384xf32, #tpu.memory_space<hbm>> -> memref<16384xf32, #tpu.memory_space<hbm>>
      %dma_wait3A_83 = arith.constant 0 : i32
      %dma_wait3A_84 = tpu.memref_slice %arg9[%add3A, %dma_wait3A_83] : memref<32x16384xf32, #tpu.memory_space<hbm>> -> memref<1x16384xf32, #tpu.memory_space<hbm>>
      %dma_wait3A_85 = tpu.memref_squeeze %dma_wait3A_84 : memref<1x16384xf32, #tpu.memory_space<hbm>> -> memref<16384xf32, #tpu.memory_space<hbm>>
      tpu.wait_dma2 semaphore(%run_scoped3A : memref<!tpu.dma_semaphore, #tpu.memory_space<semaphore_mem>>) src(%arg21 : memref<16384xf32, #tpu.memory_space<vmem>>) dst(%dma_wait3A_85 : memref<16384xf32, #tpu.memory_space<hbm>>)
      tpu.yield
    }) : () -> ()
    return
  }
}

#map = affine_map<(d0, d1) -> (0, 0)>
#map1 = affine_map<(d0, d1) -> (0)>
module attributes {stable_mosaic.version = 14 : i64} {
  func.func @_k3(%arg0: i32, %arg1: i32, %arg2: memref<32x4096xf32, #tpu.memory_space<hbm>>, %arg3: memref<32x16384xf32, #tpu.memory_space<hbm>>, %arg4: memref<4096xf32, #tpu.memory_space<hbm>>, %arg5: memref<16xi32, #tpu.memory_space<hbm>>, %arg6: memref<12288xf32, #tpu.memory_space<hbm>>, %arg7: memref<4096xf32, #tpu.memory_space<hbm>>, %arg8: memref<4096xf32, #tpu.memory_space<hbm>>, %arg9: memref<4096xf32, #tpu.memory_space<vmem>>, %arg10: memref<16384xf32, #tpu.memory_space<vmem>>, %arg11: memref<128xf32, #tpu.memory_space<vmem>>, %arg12: memref<512xf32, #tpu.memory_space<vmem>>, %arg13: memref<128xf32, #tpu.memory_space<vmem>>, %arg14: memref<16xi32, #tpu.memory_space<vmem>>, %arg15: memref<384xf32, #tpu.memory_space<vmem>>, %arg16: memref<128xf32, #tpu.memory_space<vmem>>, %arg17: memref<128xf32, #tpu.memory_space<vmem>>) attributes {dimension_semantics = [#tpu.dimension_semantics<core_parallel>, #tpu.dimension_semantics<subcore_parallel>], iteration_bounds = array<i64: 2, 16>, scalar_prefetch = 0 : i64, scratch_operands = 9 : i64, tpu.core_type = #tpu.core_type<sc_vector_subcore>, window_params = [{transform_indices = #map}, {transform_indices = #map}, {transform_indices = #map1}, {transform_indices = #map1}, {transform_indices = #map1}, {transform_indices = #map1}, {transform_indices = #map1}]} {
    %mul3A = arith.constant 2 : i32
    %mul3A_0 = arith.muli %arg1, %mul3A : i32
    %add3A = arith.addi %mul3A_0, %arg0 : i32
    %mul3A_1 = arith.constant 128 : i32
    %mul3A_2 = arith.muli %add3A, %mul3A_1 : i32
    %run_scoped3A = arith.constant 0 : i32
    "tpu.region"() ({
      %run_scoped3A_142 = tpu.sem_alloc : memref<!tpu.dma_semaphore, #tpu.memory_space<semaphore_mem>>
      %dma_start3A = arith.constant 0 : i32
      %dma_start3A_143 = tpu.memref_slice %arg9[%dma_start3A] : memref<4096xf32, #tpu.memory_space<vmem>> -> memref<128xf32, #tpu.memory_space<vmem>>
      %dma_start3A_144 = tpu.memref_slice %arg2[%run_scoped3A, %mul3A_2] : memref<32x4096xf32, #tpu.memory_space<hbm>> -> memref<1x128xf32, #tpu.memory_space<hbm>>
      %dma_start3A_145 = tpu.memref_squeeze %dma_start3A_144 : memref<1x128xf32, #tpu.memory_space<hbm>> -> memref<128xf32, #tpu.memory_space<hbm>>
      %dma_start3A_146 = arith.constant 0 : i32
      %dma_start3A_147 = tpu.memref_slice %arg9[%dma_start3A_146] : memref<4096xf32, #tpu.memory_space<vmem>> -> memref<128xf32, #tpu.memory_space<vmem>>
      %dma_start3A_148 = tpu.memref_slice %arg2[%run_scoped3A, %mul3A_2] : memref<32x4096xf32, #tpu.memory_space<hbm>> -> memref<1x128xf32, #tpu.memory_space<hbm>>
      %dma_start3A_149 = tpu.memref_squeeze %dma_start3A_148 : memref<1x128xf32, #tpu.memory_space<hbm>> -> memref<128xf32, #tpu.memory_space<hbm>>
      tpu.enqueue_dma source(%dma_start3A_149 : memref<128xf32, #tpu.memory_space<hbm>>) target(%dma_start3A_147 : memref<128xf32, #tpu.memory_space<vmem>>) target_semaphore(%run_scoped3A_142 : memref<!tpu.dma_semaphore, #tpu.memory_space<semaphore_mem>>)
      %dma_wait3A = arith.constant 0 : i32
      %dma_wait3A_150 = tpu.memref_slice %arg9[%dma_wait3A] : memref<4096xf32, #tpu.memory_space<vmem>> -> memref<128xf32, #tpu.memory_space<vmem>>
      %dma_wait3A_151 = tpu.memref_slice %arg2[%run_scoped3A, %mul3A_2] : memref<32x4096xf32, #tpu.memory_space<hbm>> -> memref<1x128xf32, #tpu.memory_space<hbm>>
      %dma_wait3A_152 = tpu.memref_squeeze %dma_wait3A_151 : memref<1x128xf32, #tpu.memory_space<hbm>> -> memref<128xf32, #tpu.memory_space<hbm>>
      %dma_wait3A_153 = arith.constant 0 : i32
      %dma_wait3A_154 = tpu.memref_slice %arg9[%dma_wait3A_153] : memref<4096xf32, #tpu.memory_space<vmem>> -> memref<128xf32, #tpu.memory_space<vmem>>
      %dma_wait3A_155 = tpu.memref_slice %arg2[%run_scoped3A, %mul3A_2] : memref<32x4096xf32, #tpu.memory_space<hbm>> -> memref<1x128xf32, #tpu.memory_space<hbm>>
      %dma_wait3A_156 = tpu.memref_squeeze %dma_wait3A_155 : memref<1x128xf32, #tpu.memory_space<hbm>> -> memref<128xf32, #tpu.memory_space<hbm>>
      tpu.wait_dma2 semaphore(%run_scoped3A_142 : memref<!tpu.dma_semaphore, #tpu.memory_space<semaphore_mem>>) src(%dma_wait3A_156 : memref<128xf32, #tpu.memory_space<hbm>>) dst(%dma_wait3A_154 : memref<128xf32, #tpu.memory_space<vmem>>)
      tpu.yield
    }) : () -> ()
    %mul3A_3 = arith.constant 4 : i32
    %mul3A_4 = arith.muli %mul3A_2, %mul3A_3 : i32
    %run_scoped3A_5 = arith.constant 0 : i32
    "tpu.region"() ({
      %run_scoped3A_142 = tpu.sem_alloc : memref<!tpu.dma_semaphore, #tpu.memory_space<semaphore_mem>>
      %dma_start3A = arith.constant 0 : i32
      %dma_start3A_143 = tpu.memref_slice %arg10[%dma_start3A] : memref<16384xf32, #tpu.memory_space<vmem>> -> memref<512xf32, #tpu.memory_space<vmem>>
      %dma_start3A_144 = tpu.memref_slice %arg3[%run_scoped3A_5, %mul3A_4] : memref<32x16384xf32, #tpu.memory_space<hbm>> -> memref<1x512xf32, #tpu.memory_space<hbm>>
      %dma_start3A_145 = tpu.memref_squeeze %dma_start3A_144 : memref<1x512xf32, #tpu.memory_space<hbm>> -> memref<512xf32, #tpu.memory_space<hbm>>
      %dma_start3A_146 = arith.constant 0 : i32
      %dma_start3A_147 = tpu.memref_slice %arg10[%dma_start3A_146] : memref<16384xf32, #tpu.memory_space<vmem>> -> memref<512xf32, #tpu.memory_space<vmem>>
      %dma_start3A_148 = tpu.memref_slice %arg3[%run_scoped3A_5, %mul3A_4] : memref<32x16384xf32, #tpu.memory_space<hbm>> -> memref<1x512xf32, #tpu.memory_space<hbm>>
      %dma_start3A_149 = tpu.memref_squeeze %dma_start3A_148 : memref<1x512xf32, #tpu.memory_space<hbm>> -> memref<512xf32, #tpu.memory_space<hbm>>
      tpu.enqueue_dma source(%dma_start3A_149 : memref<512xf32, #tpu.memory_space<hbm>>) target(%dma_start3A_147 : memref<512xf32, #tpu.memory_space<vmem>>) target_semaphore(%run_scoped3A_142 : memref<!tpu.dma_semaphore, #tpu.memory_space<semaphore_mem>>)
      %dma_wait3A = arith.constant 0 : i32
      %dma_wait3A_150 = tpu.memref_slice %arg10[%dma_wait3A] : memref<16384xf32, #tpu.memory_space<vmem>> -> memref<512xf32, #tpu.memory_space<vmem>>
      %dma_wait3A_151 = tpu.memref_slice %arg3[%run_scoped3A_5, %mul3A_4] : memref<32x16384xf32, #tpu.memory_space<hbm>> -> memref<1x512xf32, #tpu.memory_space<hbm>>
      %dma_wait3A_152 = tpu.memref_squeeze %dma_wait3A_151 : memref<1x512xf32, #tpu.memory_space<hbm>> -> memref<512xf32, #tpu.memory_space<hbm>>
      %dma_wait3A_153 = arith.constant 0 : i32
      %dma_wait3A_154 = tpu.memref_slice %arg10[%dma_wait3A_153] : memref<16384xf32, #tpu.memory_space<vmem>> -> memref<512xf32, #tpu.memory_space<vmem>>
      %dma_wait3A_155 = tpu.memref_slice %arg3[%run_scoped3A_5, %mul3A_4] : memref<32x16384xf32, #tpu.memory_space<hbm>> -> memref<1x512xf32, #tpu.memory_space<hbm>>
      %dma_wait3A_156 = tpu.memref_squeeze %dma_wait3A_155 : memref<1x512xf32, #tpu.memory_space<hbm>> -> memref<512xf32, #tpu.memory_space<hbm>>
      tpu.wait_dma2 semaphore(%run_scoped3A_142 : memref<!tpu.dma_semaphore, #tpu.memory_space<semaphore_mem>>) src(%dma_wait3A_156 : memref<512xf32, #tpu.memory_space<hbm>>) dst(%dma_wait3A_154 : memref<512xf32, #tpu.memory_space<vmem>>)
      tpu.yield
    }) : () -> ()
    %run_scoped3A_6 = arith.constant 1 : i32
    "tpu.region"() ({
      %run_scoped3A_142 = tpu.sem_alloc : memref<!tpu.dma_semaphore, #tpu.memory_space<semaphore_mem>>
      %dma_start3A = arith.constant 128 : i32
      %dma_start3A_143 = tpu.memref_slice %arg9[%dma_start3A] : memref<4096xf32, #tpu.memory_space<vmem>> -> memref<128xf32, #tpu.memory_space<vmem>>
      %dma_start3A_144 = tpu.memref_slice %arg2[%run_scoped3A_6, %mul3A_2] : memref<32x4096xf32, #tpu.memory_space<hbm>> -> memref<1x128xf32, #tpu.memory_space<hbm>>
      %dma_start3A_145 = tpu.memref_squeeze %dma_start3A_144 : memref<1x128xf32, #tpu.memory_space<hbm>> -> memref<128xf32, #tpu.memory_space<hbm>>
      %dma_start3A_146 = arith.constant 128 : i32
      %dma_start3A_147 = tpu.memref_slice %arg9[%dma_start3A_146] : memref<4096xf32, #tpu.memory_space<vmem>> -> memref<128xf32, #tpu.memory_space<vmem>>
      %dma_start3A_148 = tpu.memref_slice %arg2[%run_scoped3A_6, %mul3A_2] : memref<32x4096xf32, #tpu.memory_space<hbm>> -> memref<1x128xf32, #tpu.memory_space<hbm>>
      %dma_start3A_149 = tpu.memref_squeeze %dma_start3A_148 : memref<1x128xf32, #tpu.memory_space<hbm>> -> memref<128xf32, #tpu.memory_space<hbm>>
      tpu.enqueue_dma source(%dma_start3A_149 : memref<128xf32, #tpu.memory_space<hbm>>) target(%dma_start3A_147 : memref<128xf32, #tpu.memory_space<vmem>>) target_semaphore(%run_scoped3A_142 : memref<!tpu.dma_semaphore, #tpu.memory_space<semaphore_mem>>)
      %dma_wait3A = arith.constant 128 : i32
      %dma_wait3A_150 = tpu.memref_slice %arg9[%dma_wait3A] : memref<4096xf32, #tpu.memory_space<vmem>> -> memref<128xf32, #tpu.memory_space<vmem>>
      %dma_wait3A_151 = tpu.memref_slice %arg2[%run_scoped3A_6, %mul3A_2] : memref<32x4096xf32, #tpu.memory_space<hbm>> -> memref<1x128xf32, #tpu.memory_space<hbm>>
      %dma_wait3A_152 = tpu.memref_squeeze %dma_wait3A_151 : memref<1x128xf32, #tpu.memory_space<hbm>> -> memref<128xf32, #tpu.memory_space<hbm>>
      %dma_wait3A_153 = arith.constant 128 : i32
      %dma_wait3A_154 = tpu.memref_slice %arg9[%dma_wait3A_153] : memref<4096xf32, #tpu.memory_space<vmem>> -> memref<128xf32, #tpu.memory_space<vmem>>
      %dma_wait3A_155 = tpu.memref_slice %arg2[%run_scoped3A_6, %mul3A_2] : memref<32x4096xf32, #tpu.memory_space<hbm>> -> memref<1x128xf32, #tpu.memory_space<hbm>>
      %dma_wait3A_156 = tpu.memref_squeeze %dma_wait3A_155 : memref<1x128xf32, #tpu.memory_space<hbm>> -> memref<128xf32, #tpu.memory_space<hbm>>
      tpu.wait_dma2 semaphore(%run_scoped3A_142 : memref<!tpu.dma_semaphore, #tpu.memory_space<semaphore_mem>>) src(%dma_wait3A_156 : memref<128xf32, #tpu.memory_space<hbm>>) dst(%dma_wait3A_154 : memref<128xf32, #tpu.memory_space<vmem>>)
      tpu.yield
    }) : () -> ()
    %mul3A_7 = arith.constant 4 : i32
    %mul3A_8 = arith.muli %mul3A_2, %mul3A_7 : i32
    %run_scoped3A_9 = arith.constant 1 : i32
    "tpu.region"() ({
      %run_scoped3A_142 = tpu.sem_alloc : memref<!tpu.dma_semaphore, #tpu.memory_space<semaphore_mem>>
      %dma_start3A = arith.constant 512 : i32
      %dma_start3A_143 = tpu.memref_slice %arg10[%dma_start3A] : memref<16384xf32, #tpu.memory_space<vmem>> -> memref<512xf32, #tpu.memory_space<vmem>>
      %dma_start3A_144 = tpu.memref_slice %arg3[%run_scoped3A_9, %mul3A_8] : memref<32x16384xf32, #tpu.memory_space<hbm>> -> memref<1x512xf32, #tpu.memory_space<hbm>>
      %dma_start3A_145 = tpu.memref_squeeze %dma_start3A_144 : memref<1x512xf32, #tpu.memory_space<hbm>> -> memref<512xf32, #tpu.memory_space<hbm>>
      %dma_start3A_146 = arith.constant 512 : i32
      %dma_start3A_147 = tpu.memref_slice %arg10[%dma_start3A_146] : memref<16384xf32, #tpu.memory_space<vmem>> -> memref<512xf32, #tpu.memory_space<vmem>>
      %dma_start3A_148 = tpu.memref_slice %arg3[%run_scoped3A_9, %mul3A_8] : memref<32x16384xf32, #tpu.memory_space<hbm>> -> memref<1x512xf32, #tpu.memory_space<hbm>>
      %dma_start3A_149 = tpu.memref_squeeze %dma_start3A_148 : memref<1x512xf32, #tpu.memory_space<hbm>> -> memref<512xf32, #tpu.memory_space<hbm>>
      tpu.enqueue_dma source(%dma_start3A_149 : memref<512xf32, #tpu.memory_space<hbm>>) target(%dma_start3A_147 : memref<512xf32, #tpu.memory_space<vmem>>) target_semaphore(%run_scoped3A_142 : memref<!tpu.dma_semaphore, #tpu.memory_space<semaphore_mem>>)
      %dma_wait3A = arith.constant 512 : i32
      %dma_wait3A_150 = tpu.memref_slice %arg10[%dma_wait3A] : memref<16384xf32, #tpu.memory_space<vmem>> -> memref<512xf32, #tpu.memory_space<vmem>>
      %dma_wait3A_151 = tpu.memref_slice %arg3[%run_scoped3A_9, %mul3A_8] : memref<32x16384xf32, #tpu.memory_space<hbm>> -> memref<1x512xf32, #tpu.memory_space<hbm>>
      %dma_wait3A_152 = tpu.memref_squeeze %dma_wait3A_151 : memref<1x512xf32, #tpu.memory_space<hbm>> -> memref<512xf32, #tpu.memory_space<hbm>>
      %dma_wait3A_153 = arith.constant 512 : i32
      %dma_wait3A_154 = tpu.memref_slice %arg10[%dma_wait3A_153] : memref<16384xf32, #tpu.memory_space<vmem>> -> memref<512xf32, #tpu.memory_space<vmem>>
      %dma_wait3A_155 = tpu.memref_slice %arg3[%run_scoped3A_9, %mul3A_8] : memref<32x16384xf32, #tpu.memory_space<hbm>> -> memref<1x512xf32, #tpu.memory_space<hbm>>
      %dma_wait3A_156 = tpu.memref_squeeze %dma_wait3A_155 : memref<1x512xf32, #tpu.memory_space<hbm>> -> memref<512xf32, #tpu.memory_space<hbm>>
      tpu.wait_dma2 semaphore(%run_scoped3A_142 : memref<!tpu.dma_semaphore, #tpu.memory_space<semaphore_mem>>) src(%dma_wait3A_156 : memref<512xf32, #tpu.memory_space<hbm>>) dst(%dma_wait3A_154 : memref<512xf32, #tpu.memory_space<vmem>>)
      tpu.yield
    }) : () -> ()
    %run_scoped3A_10 = arith.constant 2 : i32
    "tpu.region"() ({
      %run_scoped3A_142 = tpu.sem_alloc : memref<!tpu.dma_semaphore, #tpu.memory_space<semaphore_mem>>
      %dma_start3A = arith.constant 256 : i32
      %dma_start3A_143 = tpu.memref_slice %arg9[%dma_start3A] : memref<4096xf32, #tpu.memory_space<vmem>> -> memref<128xf32, #tpu.memory_space<vmem>>
      %dma_start3A_144 = tpu.memref_slice %arg2[%run_scoped3A_10, %mul3A_2] : memref<32x4096xf32, #tpu.memory_space<hbm>> -> memref<1x128xf32, #tpu.memory_space<hbm>>
      %dma_start3A_145 = tpu.memref_squeeze %dma_start3A_144 : memref<1x128xf32, #tpu.memory_space<hbm>> -> memref<128xf32, #tpu.memory_space<hbm>>
      %dma_start3A_146 = arith.constant 256 : i32
      %dma_start3A_147 = tpu.memref_slice %arg9[%dma_start3A_146] : memref<4096xf32, #tpu.memory_space<vmem>> -> memref<128xf32, #tpu.memory_space<vmem>>
      %dma_start3A_148 = tpu.memref_slice %arg2[%run_scoped3A_10, %mul3A_2] : memref<32x4096xf32, #tpu.memory_space<hbm>> -> memref<1x128xf32, #tpu.memory_space<hbm>>
      %dma_start3A_149 = tpu.memref_squeeze %dma_start3A_148 : memref<1x128xf32, #tpu.memory_space<hbm>> -> memref<128xf32, #tpu.memory_space<hbm>>
      tpu.enqueue_dma source(%dma_start3A_149 : memref<128xf32, #tpu.memory_space<hbm>>) target(%dma_start3A_147 : memref<128xf32, #tpu.memory_space<vmem>>) target_semaphore(%run_scoped3A_142 : memref<!tpu.dma_semaphore, #tpu.memory_space<semaphore_mem>>)
      %dma_wait3A = arith.constant 256 : i32
      %dma_wait3A_150 = tpu.memref_slice %arg9[%dma_wait3A] : memref<4096xf32, #tpu.memory_space<vmem>> -> memref<128xf32, #tpu.memory_space<vmem>>
      %dma_wait3A_151 = tpu.memref_slice %arg2[%run_scoped3A_10, %mul3A_2] : memref<32x4096xf32, #tpu.memory_space<hbm>> -> memref<1x128xf32, #tpu.memory_space<hbm>>
      %dma_wait3A_152 = tpu.memref_squeeze %dma_wait3A_151 : memref<1x128xf32, #tpu.memory_space<hbm>> -> memref<128xf32, #tpu.memory_space<hbm>>
      %dma_wait3A_153 = arith.constant 256 : i32
      %dma_wait3A_154 = tpu.memref_slice %arg9[%dma_wait3A_153] : memref<4096xf32, #tpu.memory_space<vmem>> -> memref<128xf32, #tpu.memory_space<vmem>>
      %dma_wait3A_155 = tpu.memref_slice %arg2[%run_scoped3A_10, %mul3A_2] : memref<32x4096xf32, #tpu.memory_space<hbm>> -> memref<1x128xf32, #tpu.memory_space<hbm>>
      %dma_wait3A_156 = tpu.memref_squeeze %dma_wait3A_155 : memref<1x128xf32, #tpu.memory_space<hbm>> -> memref<128xf32, #tpu.memory_space<hbm>>
      tpu.wait_dma2 semaphore(%run_scoped3A_142 : memref<!tpu.dma_semaphore, #tpu.memory_space<semaphore_mem>>) src(%dma_wait3A_156 : memref<128xf32, #tpu.memory_space<hbm>>) dst(%dma_wait3A_154 : memref<128xf32, #tpu.memory_space<vmem>>)
      tpu.yield
    }) : () -> ()
    %mul3A_11 = arith.constant 4 : i32
    %mul3A_12 = arith.muli %mul3A_2, %mul3A_11 : i32
    %run_scoped3A_13 = arith.constant 2 : i32
    "tpu.region"() ({
      %run_scoped3A_142 = tpu.sem_alloc : memref<!tpu.dma_semaphore, #tpu.memory_space<semaphore_mem>>
      %dma_start3A = arith.constant 1024 : i32
      %dma_start3A_143 = tpu.memref_slice %arg10[%dma_start3A] : memref<16384xf32, #tpu.memory_space<vmem>> -> memref<512xf32, #tpu.memory_space<vmem>>
      %dma_start3A_144 = tpu.memref_slice %arg3[%run_scoped3A_13, %mul3A_12] : memref<32x16384xf32, #tpu.memory_space<hbm>> -> memref<1x512xf32, #tpu.memory_space<hbm>>
      %dma_start3A_145 = tpu.memref_squeeze %dma_start3A_144 : memref<1x512xf32, #tpu.memory_space<hbm>> -> memref<512xf32, #tpu.memory_space<hbm>>
      %dma_start3A_146 = arith.constant 1024 : i32
      %dma_start3A_147 = tpu.memref_slice %arg10[%dma_start3A_146] : memref<16384xf32, #tpu.memory_space<vmem>> -> memref<512xf32, #tpu.memory_space<vmem>>
      %dma_start3A_148 = tpu.memref_slice %arg3[%run_scoped3A_13, %mul3A_12] : memref<32x16384xf32, #tpu.memory_space<hbm>> -> memref<1x512xf32, #tpu.memory_space<hbm>>
      %dma_start3A_149 = tpu.memref_squeeze %dma_start3A_148 : memref<1x512xf32, #tpu.memory_space<hbm>> -> memref<512xf32, #tpu.memory_space<hbm>>
      tpu.enqueue_dma source(%dma_start3A_149 : memref<512xf32, #tpu.memory_space<hbm>>) target(%dma_start3A_147 : memref<512xf32, #tpu.memory_space<vmem>>) target_semaphore(%run_scoped3A_142 : memref<!tpu.dma_semaphore, #tpu.memory_space<semaphore_mem>>)
      %dma_wait3A = arith.constant 1024 : i32
      %dma_wait3A_150 = tpu.memref_slice %arg10[%dma_wait3A] : memref<16384xf32, #tpu.memory_space<vmem>> -> memref<512xf32, #tpu.memory_space<vmem>>
      %dma_wait3A_151 = tpu.memref_slice %arg3[%run_scoped3A_13, %mul3A_12] : memref<32x16384xf32, #tpu.memory_space<hbm>> -> memref<1x512xf32, #tpu.memory_space<hbm>>
      %dma_wait3A_152 = tpu.memref_squeeze %dma_wait3A_151 : memref<1x512xf32, #tpu.memory_space<hbm>> -> memref<512xf32, #tpu.memory_space<hbm>>
      %dma_wait3A_153 = arith.constant 1024 : i32
      %dma_wait3A_154 = tpu.memref_slice %arg10[%dma_wait3A_153] : memref<16384xf32, #tpu.memory_space<vmem>> -> memref<512xf32, #tpu.memory_space<vmem>>
      %dma_wait3A_155 = tpu.memref_slice %arg3[%run_scoped3A_13, %mul3A_12] : memref<32x16384xf32, #tpu.memory_space<hbm>> -> memref<1x512xf32, #tpu.memory_space<hbm>>
      %dma_wait3A_156 = tpu.memref_squeeze %dma_wait3A_155 : memref<1x512xf32, #tpu.memory_space<hbm>> -> memref<512xf32, #tpu.memory_space<hbm>>
      tpu.wait_dma2 semaphore(%run_scoped3A_142 : memref<!tpu.dma_semaphore, #tpu.memory_space<semaphore_mem>>) src(%dma_wait3A_156 : memref<512xf32, #tpu.memory_space<hbm>>) dst(%dma_wait3A_154 : memref<512xf32, #tpu.memory_space<vmem>>)
      tpu.yield
    }) : () -> ()
    %run_scoped3A_14 = arith.constant 3 : i32
    "tpu.region"() ({
      %run_scoped3A_142 = tpu.sem_alloc : memref<!tpu.dma_semaphore, #tpu.memory_space<semaphore_mem>>
      %dma_start3A = arith.constant 384 : i32
      %dma_start3A_143 = tpu.memref_slice %arg9[%dma_start3A] : memref<4096xf32, #tpu.memory_space<vmem>> -> memref<128xf32, #tpu.memory_space<vmem>>
      %dma_start3A_144 = tpu.memref_slice %arg2[%run_scoped3A_14, %mul3A_2] : memref<32x4096xf32, #tpu.memory_space<hbm>> -> memref<1x128xf32, #tpu.memory_space<hbm>>
      %dma_start3A_145 = tpu.memref_squeeze %dma_start3A_144 : memref<1x128xf32, #tpu.memory_space<hbm>> -> memref<128xf32, #tpu.memory_space<hbm>>
      %dma_start3A_146 = arith.constant 384 : i32
      %dma_start3A_147 = tpu.memref_slice %arg9[%dma_start3A_146] : memref<4096xf32, #tpu.memory_space<vmem>> -> memref<128xf32, #tpu.memory_space<vmem>>
      %dma_start3A_148 = tpu.memref_slice %arg2[%run_scoped3A_14, %mul3A_2] : memref<32x4096xf32, #tpu.memory_space<hbm>> -> memref<1x128xf32, #tpu.memory_space<hbm>>
      %dma_start3A_149 = tpu.memref_squeeze %dma_start3A_148 : memref<1x128xf32, #tpu.memory_space<hbm>> -> memref<128xf32, #tpu.memory_space<hbm>>
      tpu.enqueue_dma source(%dma_start3A_149 : memref<128xf32, #tpu.memory_space<hbm>>) target(%dma_start3A_147 : memref<128xf32, #tpu.memory_space<vmem>>) target_semaphore(%run_scoped3A_142 : memref<!tpu.dma_semaphore, #tpu.memory_space<semaphore_mem>>)
      %dma_wait3A = arith.constant 384 : i32
      %dma_wait3A_150 = tpu.memref_slice %arg9[%dma_wait3A] : memref<4096xf32, #tpu.memory_space<vmem>> -> memref<128xf32, #tpu.memory_space<vmem>>
      %dma_wait3A_151 = tpu.memref_slice %arg2[%run_scoped3A_14, %mul3A_2] : memref<32x4096xf32, #tpu.memory_space<hbm>> -> memref<1x128xf32, #tpu.memory_space<hbm>>
      %dma_wait3A_152 = tpu.memref_squeeze %dma_wait3A_151 : memref<1x128xf32, #tpu.memory_space<hbm>> -> memref<128xf32, #tpu.memory_space<hbm>>
      %dma_wait3A_153 = arith.constant 384 : i32
      %dma_wait3A_154 = tpu.memref_slice %arg9[%dma_wait3A_153] : memref<4096xf32, #tpu.memory_space<vmem>> -> memref<128xf32, #tpu.memory_space<vmem>>
      %dma_wait3A_155 = tpu.memref_slice %arg2[%run_scoped3A_14, %mul3A_2] : memref<32x4096xf32, #tpu.memory_space<hbm>> -> memref<1x128xf32, #tpu.memory_space<hbm>>
      %dma_wait3A_156 = tpu.memref_squeeze %dma_wait3A_155 : memref<1x128xf32, #tpu.memory_space<hbm>> -> memref<128xf32, #tpu.memory_space<hbm>>
      tpu.wait_dma2 semaphore(%run_scoped3A_142 : memref<!tpu.dma_semaphore, #tpu.memory_space<semaphore_mem>>) src(%dma_wait3A_156 : memref<128xf32, #tpu.memory_space<hbm>>) dst(%dma_wait3A_154 : memref<128xf32, #tpu.memory_space<vmem>>)
      tpu.yield
    }) : () -> ()
    %mul3A_15 = arith.constant 4 : i32
    %mul3A_16 = arith.muli %mul3A_2, %mul3A_15 : i32
    %run_scoped3A_17 = arith.constant 3 : i32
    "tpu.region"() ({
      %run_scoped3A_142 = tpu.sem_alloc : memref<!tpu.dma_semaphore, #tpu.memory_space<semaphore_mem>>
      %dma_start3A = arith.constant 1536 : i32
      %dma_start3A_143 = tpu.memref_slice %arg10[%dma_start3A] : memref<16384xf32, #tpu.memory_space<vmem>> -> memref<512xf32, #tpu.memory_space<vmem>>
      %dma_start3A_144 = tpu.memref_slice %arg3[%run_scoped3A_17, %mul3A_16] : memref<32x16384xf32, #tpu.memory_space<hbm>> -> memref<1x512xf32, #tpu.memory_space<hbm>>
      %dma_start3A_145 = tpu.memref_squeeze %dma_start3A_144 : memref<1x512xf32, #tpu.memory_space<hbm>> -> memref<512xf32, #tpu.memory_space<hbm>>
      %dma_start3A_146 = arith.constant 1536 : i32
      %dma_start3A_147 = tpu.memref_slice %arg10[%dma_start3A_146] : memref<16384xf32, #tpu.memory_space<vmem>> -> memref<512xf32, #tpu.memory_space<vmem>>
      %dma_start3A_148 = tpu.memref_slice %arg3[%run_scoped3A_17, %mul3A_16] : memref<32x16384xf32, #tpu.memory_space<hbm>> -> memref<1x512xf32, #tpu.memory_space<hbm>>
      %dma_start3A_149 = tpu.memref_squeeze %dma_start3A_148 : memref<1x512xf32, #tpu.memory_space<hbm>> -> memref<512xf32, #tpu.memory_space<hbm>>
      tpu.enqueue_dma source(%dma_start3A_149 : memref<512xf32, #tpu.memory_space<hbm>>) target(%dma_start3A_147 : memref<512xf32, #tpu.memory_space<vmem>>) target_semaphore(%run_scoped3A_142 : memref<!tpu.dma_semaphore, #tpu.memory_space<semaphore_mem>>)
      %dma_wait3A = arith.constant 1536 : i32
      %dma_wait3A_150 = tpu.memref_slice %arg10[%dma_wait3A] : memref<16384xf32, #tpu.memory_space<vmem>> -> memref<512xf32, #tpu.memory_space<vmem>>
      %dma_wait3A_151 = tpu.memref_slice %arg3[%run_scoped3A_17, %mul3A_16] : memref<32x16384xf32, #tpu.memory_space<hbm>> -> memref<1x512xf32, #tpu.memory_space<hbm>>
      %dma_wait3A_152 = tpu.memref_squeeze %dma_wait3A_151 : memref<1x512xf32, #tpu.memory_space<hbm>> -> memref<512xf32, #tpu.memory_space<hbm>>
      %dma_wait3A_153 = arith.constant 1536 : i32
      %dma_wait3A_154 = tpu.memref_slice %arg10[%dma_wait3A_153] : memref<16384xf32, #tpu.memory_space<vmem>> -> memref<512xf32, #tpu.memory_space<vmem>>
      %dma_wait3A_155 = tpu.memref_slice %arg3[%run_scoped3A_17, %mul3A_16] : memref<32x16384xf32, #tpu.memory_space<hbm>> -> memref<1x512xf32, #tpu.memory_space<hbm>>
      %dma_wait3A_156 = tpu.memref_squeeze %dma_wait3A_155 : memref<1x512xf32, #tpu.memory_space<hbm>> -> memref<512xf32, #tpu.memory_space<hbm>>
      tpu.wait_dma2 semaphore(%run_scoped3A_142 : memref<!tpu.dma_semaphore, #tpu.memory_space<semaphore_mem>>) src(%dma_wait3A_156 : memref<512xf32, #tpu.memory_space<hbm>>) dst(%dma_wait3A_154 : memref<512xf32, #tpu.memory_space<vmem>>)
      tpu.yield
    }) : () -> ()
    %run_scoped3A_18 = arith.constant 4 : i32
    "tpu.region"() ({
      %run_scoped3A_142 = tpu.sem_alloc : memref<!tpu.dma_semaphore, #tpu.memory_space<semaphore_mem>>
      %dma_start3A = arith.constant 512 : i32
      %dma_start3A_143 = tpu.memref_slice %arg9[%dma_start3A] : memref<4096xf32, #tpu.memory_space<vmem>> -> memref<128xf32, #tpu.memory_space<vmem>>
      %dma_start3A_144 = tpu.memref_slice %arg2[%run_scoped3A_18, %mul3A_2] : memref<32x4096xf32, #tpu.memory_space<hbm>> -> memref<1x128xf32, #tpu.memory_space<hbm>>
      %dma_start3A_145 = tpu.memref_squeeze %dma_start3A_144 : memref<1x128xf32, #tpu.memory_space<hbm>> -> memref<128xf32, #tpu.memory_space<hbm>>
      %dma_start3A_146 = arith.constant 512 : i32
      %dma_start3A_147 = tpu.memref_slice %arg9[%dma_start3A_146] : memref<4096xf32, #tpu.memory_space<vmem>> -> memref<128xf32, #tpu.memory_space<vmem>>
      %dma_start3A_148 = tpu.memref_slice %arg2[%run_scoped3A_18, %mul3A_2] : memref<32x4096xf32, #tpu.memory_space<hbm>> -> memref<1x128xf32, #tpu.memory_space<hbm>>
      %dma_start3A_149 = tpu.memref_squeeze %dma_start3A_148 : memref<1x128xf32, #tpu.memory_space<hbm>> -> memref<128xf32, #tpu.memory_space<hbm>>
      tpu.enqueue_dma source(%dma_start3A_149 : memref<128xf32, #tpu.memory_space<hbm>>) target(%dma_start3A_147 : memref<128xf32, #tpu.memory_space<vmem>>) target_semaphore(%run_scoped3A_142 : memref<!tpu.dma_semaphore, #tpu.memory_space<semaphore_mem>>)
      %dma_wait3A = arith.constant 512 : i32
      %dma_wait3A_150 = tpu.memref_slice %arg9[%dma_wait3A] : memref<4096xf32, #tpu.memory_space<vmem>> -> memref<128xf32, #tpu.memory_space<vmem>>
      %dma_wait3A_151 = tpu.memref_slice %arg2[%run_scoped3A_18, %mul3A_2] : memref<32x4096xf32, #tpu.memory_space<hbm>> -> memref<1x128xf32, #tpu.memory_space<hbm>>
      %dma_wait3A_152 = tpu.memref_squeeze %dma_wait3A_151 : memref<1x128xf32, #tpu.memory_space<hbm>> -> memref<128xf32, #tpu.memory_space<hbm>>
      %dma_wait3A_153 = arith.constant 512 : i32
      %dma_wait3A_154 = tpu.memref_slice %arg9[%dma_wait3A_153] : memref<4096xf32, #tpu.memory_space<vmem>> -> memref<128xf32, #tpu.memory_space<vmem>>
      %dma_wait3A_155 = tpu.memref_slice %arg2[%run_scoped3A_18, %mul3A_2] : memref<32x4096xf32, #tpu.memory_space<hbm>> -> memref<1x128xf32, #tpu.memory_space<hbm>>
      %dma_wait3A_156 = tpu.memref_squeeze %dma_wait3A_155 : memref<1x128xf32, #tpu.memory_space<hbm>> -> memref<128xf32, #tpu.memory_space<hbm>>
      tpu.wait_dma2 semaphore(%run_scoped3A_142 : memref<!tpu.dma_semaphore, #tpu.memory_space<semaphore_mem>>) src(%dma_wait3A_156 : memref<128xf32, #tpu.memory_space<hbm>>) dst(%dma_wait3A_154 : memref<128xf32, #tpu.memory_space<vmem>>)
      tpu.yield
    }) : () -> ()
    %mul3A_19 = arith.constant 4 : i32
    %mul3A_20 = arith.muli %mul3A_2, %mul3A_19 : i32
    %run_scoped3A_21 = arith.constant 4 : i32
    "tpu.region"() ({
      %run_scoped3A_142 = tpu.sem_alloc : memref<!tpu.dma_semaphore, #tpu.memory_space<semaphore_mem>>
      %dma_start3A = arith.constant 2048 : i32
      %dma_start3A_143 = tpu.memref_slice %arg10[%dma_start3A] : memref<16384xf32, #tpu.memory_space<vmem>> -> memref<512xf32, #tpu.memory_space<vmem>>
      %dma_start3A_144 = tpu.memref_slice %arg3[%run_scoped3A_21, %mul3A_20] : memref<32x16384xf32, #tpu.memory_space<hbm>> -> memref<1x512xf32, #tpu.memory_space<hbm>>
      %dma_start3A_145 = tpu.memref_squeeze %dma_start3A_144 : memref<1x512xf32, #tpu.memory_space<hbm>> -> memref<512xf32, #tpu.memory_space<hbm>>
      %dma_start3A_146 = arith.constant 2048 : i32
      %dma_start3A_147 = tpu.memref_slice %arg10[%dma_start3A_146] : memref<16384xf32, #tpu.memory_space<vmem>> -> memref<512xf32, #tpu.memory_space<vmem>>
      %dma_start3A_148 = tpu.memref_slice %arg3[%run_scoped3A_21, %mul3A_20] : memref<32x16384xf32, #tpu.memory_space<hbm>> -> memref<1x512xf32, #tpu.memory_space<hbm>>
      %dma_start3A_149 = tpu.memref_squeeze %dma_start3A_148 : memref<1x512xf32, #tpu.memory_space<hbm>> -> memref<512xf32, #tpu.memory_space<hbm>>
      tpu.enqueue_dma source(%dma_start3A_149 : memref<512xf32, #tpu.memory_space<hbm>>) target(%dma_start3A_147 : memref<512xf32, #tpu.memory_space<vmem>>) target_semaphore(%run_scoped3A_142 : memref<!tpu.dma_semaphore, #tpu.memory_space<semaphore_mem>>)
      %dma_wait3A = arith.constant 2048 : i32
      %dma_wait3A_150 = tpu.memref_slice %arg10[%dma_wait3A] : memref<16384xf32, #tpu.memory_space<vmem>> -> memref<512xf32, #tpu.memory_space<vmem>>
      %dma_wait3A_151 = tpu.memref_slice %arg3[%run_scoped3A_21, %mul3A_20] : memref<32x16384xf32, #tpu.memory_space<hbm>> -> memref<1x512xf32, #tpu.memory_space<hbm>>
      %dma_wait3A_152 = tpu.memref_squeeze %dma_wait3A_151 : memref<1x512xf32, #tpu.memory_space<hbm>> -> memref<512xf32, #tpu.memory_space<hbm>>
      %dma_wait3A_153 = arith.constant 2048 : i32
      %dma_wait3A_154 = tpu.memref_slice %arg10[%dma_wait3A_153] : memref<16384xf32, #tpu.memory_space<vmem>> -> memref<512xf32, #tpu.memory_space<vmem>>
      %dma_wait3A_155 = tpu.memref_slice %arg3[%run_scoped3A_21, %mul3A_20] : memref<32x16384xf32, #tpu.memory_space<hbm>> -> memref<1x512xf32, #tpu.memory_space<hbm>>
      %dma_wait3A_156 = tpu.memref_squeeze %dma_wait3A_155 : memref<1x512xf32, #tpu.memory_space<hbm>> -> memref<512xf32, #tpu.memory_space<hbm>>
      tpu.wait_dma2 semaphore(%run_scoped3A_142 : memref<!tpu.dma_semaphore, #tpu.memory_space<semaphore_mem>>) src(%dma_wait3A_156 : memref<512xf32, #tpu.memory_space<hbm>>) dst(%dma_wait3A_154 : memref<512xf32, #tpu.memory_space<vmem>>)
      tpu.yield
    }) : () -> ()
    %run_scoped3A_22 = arith.constant 5 : i32
    "tpu.region"() ({
      %run_scoped3A_142 = tpu.sem_alloc : memref<!tpu.dma_semaphore, #tpu.memory_space<semaphore_mem>>
      %dma_start3A = arith.constant 640 : i32
      %dma_start3A_143 = tpu.memref_slice %arg9[%dma_start3A] : memref<4096xf32, #tpu.memory_space<vmem>> -> memref<128xf32, #tpu.memory_space<vmem>>
      %dma_start3A_144 = tpu.memref_slice %arg2[%run_scoped3A_22, %mul3A_2] : memref<32x4096xf32, #tpu.memory_space<hbm>> -> memref<1x128xf32, #tpu.memory_space<hbm>>
      %dma_start3A_145 = tpu.memref_squeeze %dma_start3A_144 : memref<1x128xf32, #tpu.memory_space<hbm>> -> memref<128xf32, #tpu.memory_space<hbm>>
      %dma_start3A_146 = arith.constant 640 : i32
      %dma_start3A_147 = tpu.memref_slice %arg9[%dma_start3A_146] : memref<4096xf32, #tpu.memory_space<vmem>> -> memref<128xf32, #tpu.memory_space<vmem>>
      %dma_start3A_148 = tpu.memref_slice %arg2[%run_scoped3A_22, %mul3A_2] : memref<32x4096xf32, #tpu.memory_space<hbm>> -> memref<1x128xf32, #tpu.memory_space<hbm>>
      %dma_start3A_149 = tpu.memref_squeeze %dma_start3A_148 : memref<1x128xf32, #tpu.memory_space<hbm>> -> memref<128xf32, #tpu.memory_space<hbm>>
      tpu.enqueue_dma source(%dma_start3A_149 : memref<128xf32, #tpu.memory_space<hbm>>) target(%dma_start3A_147 : memref<128xf32, #tpu.memory_space<vmem>>) target_semaphore(%run_scoped3A_142 : memref<!tpu.dma_semaphore, #tpu.memory_space<semaphore_mem>>)
      %dma_wait3A = arith.constant 640 : i32
      %dma_wait3A_150 = tpu.memref_slice %arg9[%dma_wait3A] : memref<4096xf32, #tpu.memory_space<vmem>> -> memref<128xf32, #tpu.memory_space<vmem>>
      %dma_wait3A_151 = tpu.memref_slice %arg2[%run_scoped3A_22, %mul3A_2] : memref<32x4096xf32, #tpu.memory_space<hbm>> -> memref<1x128xf32, #tpu.memory_space<hbm>>
      %dma_wait3A_152 = tpu.memref_squeeze %dma_wait3A_151 : memref<1x128xf32, #tpu.memory_space<hbm>> -> memref<128xf32, #tpu.memory_space<hbm>>
      %dma_wait3A_153 = arith.constant 640 : i32
      %dma_wait3A_154 = tpu.memref_slice %arg9[%dma_wait3A_153] : memref<4096xf32, #tpu.memory_space<vmem>> -> memref<128xf32, #tpu.memory_space<vmem>>
      %dma_wait3A_155 = tpu.memref_slice %arg2[%run_scoped3A_22, %mul3A_2] : memref<32x4096xf32, #tpu.memory_space<hbm>> -> memref<1x128xf32, #tpu.memory_space<hbm>>
      %dma_wait3A_156 = tpu.memref_squeeze %dma_wait3A_155 : memref<1x128xf32, #tpu.memory_space<hbm>> -> memref<128xf32, #tpu.memory_space<hbm>>
      tpu.wait_dma2 semaphore(%run_scoped3A_142 : memref<!tpu.dma_semaphore, #tpu.memory_space<semaphore_mem>>) src(%dma_wait3A_156 : memref<128xf32, #tpu.memory_space<hbm>>) dst(%dma_wait3A_154 : memref<128xf32, #tpu.memory_space<vmem>>)
      tpu.yield
    }) : () -> ()
    %mul3A_23 = arith.constant 4 : i32
    %mul3A_24 = arith.muli %mul3A_2, %mul3A_23 : i32
    %run_scoped3A_25 = arith.constant 5 : i32
    "tpu.region"() ({
      %run_scoped3A_142 = tpu.sem_alloc : memref<!tpu.dma_semaphore, #tpu.memory_space<semaphore_mem>>
      %dma_start3A = arith.constant 2560 : i32
      %dma_start3A_143 = tpu.memref_slice %arg10[%dma_start3A] : memref<16384xf32, #tpu.memory_space<vmem>> -> memref<512xf32, #tpu.memory_space<vmem>>
      %dma_start3A_144 = tpu.memref_slice %arg3[%run_scoped3A_25, %mul3A_24] : memref<32x16384xf32, #tpu.memory_space<hbm>> -> memref<1x512xf32, #tpu.memory_space<hbm>>
      %dma_start3A_145 = tpu.memref_squeeze %dma_start3A_144 : memref<1x512xf32, #tpu.memory_space<hbm>> -> memref<512xf32, #tpu.memory_space<hbm>>
      %dma_start3A_146 = arith.constant 2560 : i32
      %dma_start3A_147 = tpu.memref_slice %arg10[%dma_start3A_146] : memref<16384xf32, #tpu.memory_space<vmem>> -> memref<512xf32, #tpu.memory_space<vmem>>
      %dma_start3A_148 = tpu.memref_slice %arg3[%run_scoped3A_25, %mul3A_24] : memref<32x16384xf32, #tpu.memory_space<hbm>> -> memref<1x512xf32, #tpu.memory_space<hbm>>
      %dma_start3A_149 = tpu.memref_squeeze %dma_start3A_148 : memref<1x512xf32, #tpu.memory_space<hbm>> -> memref<512xf32, #tpu.memory_space<hbm>>
      tpu.enqueue_dma source(%dma_start3A_149 : memref<512xf32, #tpu.memory_space<hbm>>) target(%dma_start3A_147 : memref<512xf32, #tpu.memory_space<vmem>>) target_semaphore(%run_scoped3A_142 : memref<!tpu.dma_semaphore, #tpu.memory_space<semaphore_mem>>)
      %dma_wait3A = arith.constant 2560 : i32
      %dma_wait3A_150 = tpu.memref_slice %arg10[%dma_wait3A] : memref<16384xf32, #tpu.memory_space<vmem>> -> memref<512xf32, #tpu.memory_space<vmem>>
      %dma_wait3A_151 = tpu.memref_slice %arg3[%run_scoped3A_25, %mul3A_24] : memref<32x16384xf32, #tpu.memory_space<hbm>> -> memref<1x512xf32, #tpu.memory_space<hbm>>
      %dma_wait3A_152 = tpu.memref_squeeze %dma_wait3A_151 : memref<1x512xf32, #tpu.memory_space<hbm>> -> memref<512xf32, #tpu.memory_space<hbm>>
      %dma_wait3A_153 = arith.constant 2560 : i32
      %dma_wait3A_154 = tpu.memref_slice %arg10[%dma_wait3A_153] : memref<16384xf32, #tpu.memory_space<vmem>> -> memref<512xf32, #tpu.memory_space<vmem>>
      %dma_wait3A_155 = tpu.memref_slice %arg3[%run_scoped3A_25, %mul3A_24] : memref<32x16384xf32, #tpu.memory_space<hbm>> -> memref<1x512xf32, #tpu.memory_space<hbm>>
      %dma_wait3A_156 = tpu.memref_squeeze %dma_wait3A_155 : memref<1x512xf32, #tpu.memory_space<hbm>> -> memref<512xf32, #tpu.memory_space<hbm>>
      tpu.wait_dma2 semaphore(%run_scoped3A_142 : memref<!tpu.dma_semaphore, #tpu.memory_space<semaphore_mem>>) src(%dma_wait3A_156 : memref<512xf32, #tpu.memory_space<hbm>>) dst(%dma_wait3A_154 : memref<512xf32, #tpu.memory_space<vmem>>)
      tpu.yield
    }) : () -> ()
    %run_scoped3A_26 = arith.constant 6 : i32
    "tpu.region"() ({
      %run_scoped3A_142 = tpu.sem_alloc : memref<!tpu.dma_semaphore, #tpu.memory_space<semaphore_mem>>
      %dma_start3A = arith.constant 768 : i32
      %dma_start3A_143 = tpu.memref_slice %arg9[%dma_start3A] : memref<4096xf32, #tpu.memory_space<vmem>> -> memref<128xf32, #tpu.memory_space<vmem>>
      %dma_start3A_144 = tpu.memref_slice %arg2[%run_scoped3A_26, %mul3A_2] : memref<32x4096xf32, #tpu.memory_space<hbm>> -> memref<1x128xf32, #tpu.memory_space<hbm>>
      %dma_start3A_145 = tpu.memref_squeeze %dma_start3A_144 : memref<1x128xf32, #tpu.memory_space<hbm>> -> memref<128xf32, #tpu.memory_space<hbm>>
      %dma_start3A_146 = arith.constant 768 : i32
      %dma_start3A_147 = tpu.memref_slice %arg9[%dma_start3A_146] : memref<4096xf32, #tpu.memory_space<vmem>> -> memref<128xf32, #tpu.memory_space<vmem>>
      %dma_start3A_148 = tpu.memref_slice %arg2[%run_scoped3A_26, %mul3A_2] : memref<32x4096xf32, #tpu.memory_space<hbm>> -> memref<1x128xf32, #tpu.memory_space<hbm>>
      %dma_start3A_149 = tpu.memref_squeeze %dma_start3A_148 : memref<1x128xf32, #tpu.memory_space<hbm>> -> memref<128xf32, #tpu.memory_space<hbm>>
      tpu.enqueue_dma source(%dma_start3A_149 : memref<128xf32, #tpu.memory_space<hbm>>) target(%dma_start3A_147 : memref<128xf32, #tpu.memory_space<vmem>>) target_semaphore(%run_scoped3A_142 : memref<!tpu.dma_semaphore, #tpu.memory_space<semaphore_mem>>)
      %dma_wait3A = arith.constant 768 : i32
      %dma_wait3A_150 = tpu.memref_slice %arg9[%dma_wait3A] : memref<4096xf32, #tpu.memory_space<vmem>> -> memref<128xf32, #tpu.memory_space<vmem>>
      %dma_wait3A_151 = tpu.memref_slice %arg2[%run_scoped3A_26, %mul3A_2] : memref<32x4096xf32, #tpu.memory_space<hbm>> -> memref<1x128xf32, #tpu.memory_space<hbm>>
      %dma_wait3A_152 = tpu.memref_squeeze %dma_wait3A_151 : memref<1x128xf32, #tpu.memory_space<hbm>> -> memref<128xf32, #tpu.memory_space<hbm>>
      %dma_wait3A_153 = arith.constant 768 : i32
      %dma_wait3A_154 = tpu.memref_slice %arg9[%dma_wait3A_153] : memref<4096xf32, #tpu.memory_space<vmem>> -> memref<128xf32, #tpu.memory_space<vmem>>
      %dma_wait3A_155 = tpu.memref_slice %arg2[%run_scoped3A_26, %mul3A_2] : memref<32x4096xf32, #tpu.memory_space<hbm>> -> memref<1x128xf32, #tpu.memory_space<hbm>>
      %dma_wait3A_156 = tpu.memref_squeeze %dma_wait3A_155 : memref<1x128xf32, #tpu.memory_space<hbm>> -> memref<128xf32, #tpu.memory_space<hbm>>
      tpu.wait_dma2 semaphore(%run_scoped3A_142 : memref<!tpu.dma_semaphore, #tpu.memory_space<semaphore_mem>>) src(%dma_wait3A_156 : memref<128xf32, #tpu.memory_space<hbm>>) dst(%dma_wait3A_154 : memref<128xf32, #tpu.memory_space<vmem>>)
      tpu.yield
    }) : () -> ()
    %mul3A_27 = arith.constant 4 : i32
    %mul3A_28 = arith.muli %mul3A_2, %mul3A_27 : i32
    %run_scoped3A_29 = arith.constant 6 : i32
    "tpu.region"() ({
      %run_scoped3A_142 = tpu.sem_alloc : memref<!tpu.dma_semaphore, #tpu.memory_space<semaphore_mem>>
      %dma_start3A = arith.constant 3072 : i32
      %dma_start3A_143 = tpu.memref_slice %arg10[%dma_start3A] : memref<16384xf32, #tpu.memory_space<vmem>> -> memref<512xf32, #tpu.memory_space<vmem>>
      %dma_start3A_144 = tpu.memref_slice %arg3[%run_scoped3A_29, %mul3A_28] : memref<32x16384xf32, #tpu.memory_space<hbm>> -> memref<1x512xf32, #tpu.memory_space<hbm>>
      %dma_start3A_145 = tpu.memref_squeeze %dma_start3A_144 : memref<1x512xf32, #tpu.memory_space<hbm>> -> memref<512xf32, #tpu.memory_space<hbm>>
      %dma_start3A_146 = arith.constant 3072 : i32
      %dma_start3A_147 = tpu.memref_slice %arg10[%dma_start3A_146] : memref<16384xf32, #tpu.memory_space<vmem>> -> memref<512xf32, #tpu.memory_space<vmem>>
      %dma_start3A_148 = tpu.memref_slice %arg3[%run_scoped3A_29, %mul3A_28] : memref<32x16384xf32, #tpu.memory_space<hbm>> -> memref<1x512xf32, #tpu.memory_space<hbm>>
      %dma_start3A_149 = tpu.memref_squeeze %dma_start3A_148 : memref<1x512xf32, #tpu.memory_space<hbm>> -> memref<512xf32, #tpu.memory_space<hbm>>
      tpu.enqueue_dma source(%dma_start3A_149 : memref<512xf32, #tpu.memory_space<hbm>>) target(%dma_start3A_147 : memref<512xf32, #tpu.memory_space<vmem>>) target_semaphore(%run_scoped3A_142 : memref<!tpu.dma_semaphore, #tpu.memory_space<semaphore_mem>>)
      %dma_wait3A = arith.constant 3072 : i32
      %dma_wait3A_150 = tpu.memref_slice %arg10[%dma_wait3A] : memref<16384xf32, #tpu.memory_space<vmem>> -> memref<512xf32, #tpu.memory_space<vmem>>
      %dma_wait3A_151 = tpu.memref_slice %arg3[%run_scoped3A_29, %mul3A_28] : memref<32x16384xf32, #tpu.memory_space<hbm>> -> memref<1x512xf32, #tpu.memory_space<hbm>>
      %dma_wait3A_152 = tpu.memref_squeeze %dma_wait3A_151 : memref<1x512xf32, #tpu.memory_space<hbm>> -> memref<512xf32, #tpu.memory_space<hbm>>
      %dma_wait3A_153 = arith.constant 3072 : i32
      %dma_wait3A_154 = tpu.memref_slice %arg10[%dma_wait3A_153] : memref<16384xf32, #tpu.memory_space<vmem>> -> memref<512xf32, #tpu.memory_space<vmem>>
      %dma_wait3A_155 = tpu.memref_slice %arg3[%run_scoped3A_29, %mul3A_28] : memref<32x16384xf32, #tpu.memory_space<hbm>> -> memref<1x512xf32, #tpu.memory_space<hbm>>
      %dma_wait3A_156 = tpu.memref_squeeze %dma_wait3A_155 : memref<1x512xf32, #tpu.memory_space<hbm>> -> memref<512xf32, #tpu.memory_space<hbm>>
      tpu.wait_dma2 semaphore(%run_scoped3A_142 : memref<!tpu.dma_semaphore, #tpu.memory_space<semaphore_mem>>) src(%dma_wait3A_156 : memref<512xf32, #tpu.memory_space<hbm>>) dst(%dma_wait3A_154 : memref<512xf32, #tpu.memory_space<vmem>>)
      tpu.yield
    }) : () -> ()
    %run_scoped3A_30 = arith.constant 7 : i32
    "tpu.region"() ({
      %run_scoped3A_142 = tpu.sem_alloc : memref<!tpu.dma_semaphore, #tpu.memory_space<semaphore_mem>>
      %dma_start3A = arith.constant 896 : i32
      %dma_start3A_143 = tpu.memref_slice %arg9[%dma_start3A] : memref<4096xf32, #tpu.memory_space<vmem>> -> memref<128xf32, #tpu.memory_space<vmem>>
      %dma_start3A_144 = tpu.memref_slice %arg2[%run_scoped3A_30, %mul3A_2] : memref<32x4096xf32, #tpu.memory_space<hbm>> -> memref<1x128xf32, #tpu.memory_space<hbm>>
      %dma_start3A_145 = tpu.memref_squeeze %dma_start3A_144 : memref<1x128xf32, #tpu.memory_space<hbm>> -> memref<128xf32, #tpu.memory_space<hbm>>
      %dma_start3A_146 = arith.constant 896 : i32
      %dma_start3A_147 = tpu.memref_slice %arg9[%dma_start3A_146] : memref<4096xf32, #tpu.memory_space<vmem>> -> memref<128xf32, #tpu.memory_space<vmem>>
      %dma_start3A_148 = tpu.memref_slice %arg2[%run_scoped3A_30, %mul3A_2] : memref<32x4096xf32, #tpu.memory_space<hbm>> -> memref<1x128xf32, #tpu.memory_space<hbm>>
      %dma_start3A_149 = tpu.memref_squeeze %dma_start3A_148 : memref<1x128xf32, #tpu.memory_space<hbm>> -> memref<128xf32, #tpu.memory_space<hbm>>
      tpu.enqueue_dma source(%dma_start3A_149 : memref<128xf32, #tpu.memory_space<hbm>>) target(%dma_start3A_147 : memref<128xf32, #tpu.memory_space<vmem>>) target_semaphore(%run_scoped3A_142 : memref<!tpu.dma_semaphore, #tpu.memory_space<semaphore_mem>>)
      %dma_wait3A = arith.constant 896 : i32
      %dma_wait3A_150 = tpu.memref_slice %arg9[%dma_wait3A] : memref<4096xf32, #tpu.memory_space<vmem>> -> memref<128xf32, #tpu.memory_space<vmem>>
      %dma_wait3A_151 = tpu.memref_slice %arg2[%run_scoped3A_30, %mul3A_2] : memref<32x4096xf32, #tpu.memory_space<hbm>> -> memref<1x128xf32, #tpu.memory_space<hbm>>
      %dma_wait3A_152 = tpu.memref_squeeze %dma_wait3A_151 : memref<1x128xf32, #tpu.memory_space<hbm>> -> memref<128xf32, #tpu.memory_space<hbm>>
      %dma_wait3A_153 = arith.constant 896 : i32
      %dma_wait3A_154 = tpu.memref_slice %arg9[%dma_wait3A_153] : memref<4096xf32, #tpu.memory_space<vmem>> -> memref<128xf32, #tpu.memory_space<vmem>>
      %dma_wait3A_155 = tpu.memref_slice %arg2[%run_scoped3A_30, %mul3A_2] : memref<32x4096xf32, #tpu.memory_space<hbm>> -> memref<1x128xf32, #tpu.memory_space<hbm>>
      %dma_wait3A_156 = tpu.memref_squeeze %dma_wait3A_155 : memref<1x128xf32, #tpu.memory_space<hbm>> -> memref<128xf32, #tpu.memory_space<hbm>>
      tpu.wait_dma2 semaphore(%run_scoped3A_142 : memref<!tpu.dma_semaphore, #tpu.memory_space<semaphore_mem>>) src(%dma_wait3A_156 : memref<128xf32, #tpu.memory_space<hbm>>) dst(%dma_wait3A_154 : memref<128xf32, #tpu.memory_space<vmem>>)
      tpu.yield
    }) : () -> ()
    %mul3A_31 = arith.constant 4 : i32
    %mul3A_32 = arith.muli %mul3A_2, %mul3A_31 : i32
    %run_scoped3A_33 = arith.constant 7 : i32
    "tpu.region"() ({
      %run_scoped3A_142 = tpu.sem_alloc : memref<!tpu.dma_semaphore, #tpu.memory_space<semaphore_mem>>
      %dma_start3A = arith.constant 3584 : i32
      %dma_start3A_143 = tpu.memref_slice %arg10[%dma_start3A] : memref<16384xf32, #tpu.memory_space<vmem>> -> memref<512xf32, #tpu.memory_space<vmem>>
      %dma_start3A_144 = tpu.memref_slice %arg3[%run_scoped3A_33, %mul3A_32] : memref<32x16384xf32, #tpu.memory_space<hbm>> -> memref<1x512xf32, #tpu.memory_space<hbm>>
      %dma_start3A_145 = tpu.memref_squeeze %dma_start3A_144 : memref<1x512xf32, #tpu.memory_space<hbm>> -> memref<512xf32, #tpu.memory_space<hbm>>
      %dma_start3A_146 = arith.constant 3584 : i32
      %dma_start3A_147 = tpu.memref_slice %arg10[%dma_start3A_146] : memref<16384xf32, #tpu.memory_space<vmem>> -> memref<512xf32, #tpu.memory_space<vmem>>
      %dma_start3A_148 = tpu.memref_slice %arg3[%run_scoped3A_33, %mul3A_32] : memref<32x16384xf32, #tpu.memory_space<hbm>> -> memref<1x512xf32, #tpu.memory_space<hbm>>
      %dma_start3A_149 = tpu.memref_squeeze %dma_start3A_148 : memref<1x512xf32, #tpu.memory_space<hbm>> -> memref<512xf32, #tpu.memory_space<hbm>>
      tpu.enqueue_dma source(%dma_start3A_149 : memref<512xf32, #tpu.memory_space<hbm>>) target(%dma_start3A_147 : memref<512xf32, #tpu.memory_space<vmem>>) target_semaphore(%run_scoped3A_142 : memref<!tpu.dma_semaphore, #tpu.memory_space<semaphore_mem>>)
      %dma_wait3A = arith.constant 3584 : i32
      %dma_wait3A_150 = tpu.memref_slice %arg10[%dma_wait3A] : memref<16384xf32, #tpu.memory_space<vmem>> -> memref<512xf32, #tpu.memory_space<vmem>>
      %dma_wait3A_151 = tpu.memref_slice %arg3[%run_scoped3A_33, %mul3A_32] : memref<32x16384xf32, #tpu.memory_space<hbm>> -> memref<1x512xf32, #tpu.memory_space<hbm>>
      %dma_wait3A_152 = tpu.memref_squeeze %dma_wait3A_151 : memref<1x512xf32, #tpu.memory_space<hbm>> -> memref<512xf32, #tpu.memory_space<hbm>>
      %dma_wait3A_153 = arith.constant 3584 : i32
      %dma_wait3A_154 = tpu.memref_slice %arg10[%dma_wait3A_153] : memref<16384xf32, #tpu.memory_space<vmem>> -> memref<512xf32, #tpu.memory_space<vmem>>
      %dma_wait3A_155 = tpu.memref_slice %arg3[%run_scoped3A_33, %mul3A_32] : memref<32x16384xf32, #tpu.memory_space<hbm>> -> memref<1x512xf32, #tpu.memory_space<hbm>>
      %dma_wait3A_156 = tpu.memref_squeeze %dma_wait3A_155 : memref<1x512xf32, #tpu.memory_space<hbm>> -> memref<512xf32, #tpu.memory_space<hbm>>
      tpu.wait_dma2 semaphore(%run_scoped3A_142 : memref<!tpu.dma_semaphore, #tpu.memory_space<semaphore_mem>>) src(%dma_wait3A_156 : memref<512xf32, #tpu.memory_space<hbm>>) dst(%dma_wait3A_154 : memref<512xf32, #tpu.memory_space<vmem>>)
      tpu.yield
    }) : () -> ()
    %run_scoped3A_34 = arith.constant 8 : i32
    "tpu.region"() ({
      %run_scoped3A_142 = tpu.sem_alloc : memref<!tpu.dma_semaphore, #tpu.memory_space<semaphore_mem>>
      %dma_start3A = arith.constant 1024 : i32
      %dma_start3A_143 = tpu.memref_slice %arg9[%dma_start3A] : memref<4096xf32, #tpu.memory_space<vmem>> -> memref<128xf32, #tpu.memory_space<vmem>>
      %dma_start3A_144 = tpu.memref_slice %arg2[%run_scoped3A_34, %mul3A_2] : memref<32x4096xf32, #tpu.memory_space<hbm>> -> memref<1x128xf32, #tpu.memory_space<hbm>>
      %dma_start3A_145 = tpu.memref_squeeze %dma_start3A_144 : memref<1x128xf32, #tpu.memory_space<hbm>> -> memref<128xf32, #tpu.memory_space<hbm>>
      %dma_start3A_146 = arith.constant 1024 : i32
      %dma_start3A_147 = tpu.memref_slice %arg9[%dma_start3A_146] : memref<4096xf32, #tpu.memory_space<vmem>> -> memref<128xf32, #tpu.memory_space<vmem>>
      %dma_start3A_148 = tpu.memref_slice %arg2[%run_scoped3A_34, %mul3A_2] : memref<32x4096xf32, #tpu.memory_space<hbm>> -> memref<1x128xf32, #tpu.memory_space<hbm>>
      %dma_start3A_149 = tpu.memref_squeeze %dma_start3A_148 : memref<1x128xf32, #tpu.memory_space<hbm>> -> memref<128xf32, #tpu.memory_space<hbm>>
      tpu.enqueue_dma source(%dma_start3A_149 : memref<128xf32, #tpu.memory_space<hbm>>) target(%dma_start3A_147 : memref<128xf32, #tpu.memory_space<vmem>>) target_semaphore(%run_scoped3A_142 : memref<!tpu.dma_semaphore, #tpu.memory_space<semaphore_mem>>)
      %dma_wait3A = arith.constant 1024 : i32
      %dma_wait3A_150 = tpu.memref_slice %arg9[%dma_wait3A] : memref<4096xf32, #tpu.memory_space<vmem>> -> memref<128xf32, #tpu.memory_space<vmem>>
      %dma_wait3A_151 = tpu.memref_slice %arg2[%run_scoped3A_34, %mul3A_2] : memref<32x4096xf32, #tpu.memory_space<hbm>> -> memref<1x128xf32, #tpu.memory_space<hbm>>
      %dma_wait3A_152 = tpu.memref_squeeze %dma_wait3A_151 : memref<1x128xf32, #tpu.memory_space<hbm>> -> memref<128xf32, #tpu.memory_space<hbm>>
      %dma_wait3A_153 = arith.constant 1024 : i32
      %dma_wait3A_154 = tpu.memref_slice %arg9[%dma_wait3A_153] : memref<4096xf32, #tpu.memory_space<vmem>> -> memref<128xf32, #tpu.memory_space<vmem>>
      %dma_wait3A_155 = tpu.memref_slice %arg2[%run_scoped3A_34, %mul3A_2] : memref<32x4096xf32, #tpu.memory_space<hbm>> -> memref<1x128xf32, #tpu.memory_space<hbm>>
      %dma_wait3A_156 = tpu.memref_squeeze %dma_wait3A_155 : memref<1x128xf32, #tpu.memory_space<hbm>> -> memref<128xf32, #tpu.memory_space<hbm>>
      tpu.wait_dma2 semaphore(%run_scoped3A_142 : memref<!tpu.dma_semaphore, #tpu.memory_space<semaphore_mem>>) src(%dma_wait3A_156 : memref<128xf32, #tpu.memory_space<hbm>>) dst(%dma_wait3A_154 : memref<128xf32, #tpu.memory_space<vmem>>)
      tpu.yield
    }) : () -> ()
    %mul3A_35 = arith.constant 4 : i32
    %mul3A_36 = arith.muli %mul3A_2, %mul3A_35 : i32
    %run_scoped3A_37 = arith.constant 8 : i32
    "tpu.region"() ({
      %run_scoped3A_142 = tpu.sem_alloc : memref<!tpu.dma_semaphore, #tpu.memory_space<semaphore_mem>>
      %dma_start3A = arith.constant 4096 : i32
      %dma_start3A_143 = tpu.memref_slice %arg10[%dma_start3A] : memref<16384xf32, #tpu.memory_space<vmem>> -> memref<512xf32, #tpu.memory_space<vmem>>
      %dma_start3A_144 = tpu.memref_slice %arg3[%run_scoped3A_37, %mul3A_36] : memref<32x16384xf32, #tpu.memory_space<hbm>> -> memref<1x512xf32, #tpu.memory_space<hbm>>
      %dma_start3A_145 = tpu.memref_squeeze %dma_start3A_144 : memref<1x512xf32, #tpu.memory_space<hbm>> -> memref<512xf32, #tpu.memory_space<hbm>>
      %dma_start3A_146 = arith.constant 4096 : i32
      %dma_start3A_147 = tpu.memref_slice %arg10[%dma_start3A_146] : memref<16384xf32, #tpu.memory_space<vmem>> -> memref<512xf32, #tpu.memory_space<vmem>>
      %dma_start3A_148 = tpu.memref_slice %arg3[%run_scoped3A_37, %mul3A_36] : memref<32x16384xf32, #tpu.memory_space<hbm>> -> memref<1x512xf32, #tpu.memory_space<hbm>>
      %dma_start3A_149 = tpu.memref_squeeze %dma_start3A_148 : memref<1x512xf32, #tpu.memory_space<hbm>> -> memref<512xf32, #tpu.memory_space<hbm>>
      tpu.enqueue_dma source(%dma_start3A_149 : memref<512xf32, #tpu.memory_space<hbm>>) target(%dma_start3A_147 : memref<512xf32, #tpu.memory_space<vmem>>) target_semaphore(%run_scoped3A_142 : memref<!tpu.dma_semaphore, #tpu.memory_space<semaphore_mem>>)
      %dma_wait3A = arith.constant 4096 : i32
      %dma_wait3A_150 = tpu.memref_slice %arg10[%dma_wait3A] : memref<16384xf32, #tpu.memory_space<vmem>> -> memref<512xf32, #tpu.memory_space<vmem>>
      %dma_wait3A_151 = tpu.memref_slice %arg3[%run_scoped3A_37, %mul3A_36] : memref<32x16384xf32, #tpu.memory_space<hbm>> -> memref<1x512xf32, #tpu.memory_space<hbm>>
      %dma_wait3A_152 = tpu.memref_squeeze %dma_wait3A_151 : memref<1x512xf32, #tpu.memory_space<hbm>> -> memref<512xf32, #tpu.memory_space<hbm>>
      %dma_wait3A_153 = arith.constant 4096 : i32
      %dma_wait3A_154 = tpu.memref_slice %arg10[%dma_wait3A_153] : memref<16384xf32, #tpu.memory_space<vmem>> -> memref<512xf32, #tpu.memory_space<vmem>>
      %dma_wait3A_155 = tpu.memref_slice %arg3[%run_scoped3A_37, %mul3A_36] : memref<32x16384xf32, #tpu.memory_space<hbm>> -> memref<1x512xf32, #tpu.memory_space<hbm>>
      %dma_wait3A_156 = tpu.memref_squeeze %dma_wait3A_155 : memref<1x512xf32, #tpu.memory_space<hbm>> -> memref<512xf32, #tpu.memory_space<hbm>>
      tpu.wait_dma2 semaphore(%run_scoped3A_142 : memref<!tpu.dma_semaphore, #tpu.memory_space<semaphore_mem>>) src(%dma_wait3A_156 : memref<512xf32, #tpu.memory_space<hbm>>) dst(%dma_wait3A_154 : memref<512xf32, #tpu.memory_space<vmem>>)
      tpu.yield
    }) : () -> ()
    %run_scoped3A_38 = arith.constant 9 : i32
    "tpu.region"() ({
      %run_scoped3A_142 = tpu.sem_alloc : memref<!tpu.dma_semaphore, #tpu.memory_space<semaphore_mem>>
      %dma_start3A = arith.constant 1152 : i32
      %dma_start3A_143 = tpu.memref_slice %arg9[%dma_start3A] : memref<4096xf32, #tpu.memory_space<vmem>> -> memref<128xf32, #tpu.memory_space<vmem>>
      %dma_start3A_144 = tpu.memref_slice %arg2[%run_scoped3A_38, %mul3A_2] : memref<32x4096xf32, #tpu.memory_space<hbm>> -> memref<1x128xf32, #tpu.memory_space<hbm>>
      %dma_start3A_145 = tpu.memref_squeeze %dma_start3A_144 : memref<1x128xf32, #tpu.memory_space<hbm>> -> memref<128xf32, #tpu.memory_space<hbm>>
      %dma_start3A_146 = arith.constant 1152 : i32
      %dma_start3A_147 = tpu.memref_slice %arg9[%dma_start3A_146] : memref<4096xf32, #tpu.memory_space<vmem>> -> memref<128xf32, #tpu.memory_space<vmem>>
      %dma_start3A_148 = tpu.memref_slice %arg2[%run_scoped3A_38, %mul3A_2] : memref<32x4096xf32, #tpu.memory_space<hbm>> -> memref<1x128xf32, #tpu.memory_space<hbm>>
      %dma_start3A_149 = tpu.memref_squeeze %dma_start3A_148 : memref<1x128xf32, #tpu.memory_space<hbm>> -> memref<128xf32, #tpu.memory_space<hbm>>
      tpu.enqueue_dma source(%dma_start3A_149 : memref<128xf32, #tpu.memory_space<hbm>>) target(%dma_start3A_147 : memref<128xf32, #tpu.memory_space<vmem>>) target_semaphore(%run_scoped3A_142 : memref<!tpu.dma_semaphore, #tpu.memory_space<semaphore_mem>>)
      %dma_wait3A = arith.constant 1152 : i32
      %dma_wait3A_150 = tpu.memref_slice %arg9[%dma_wait3A] : memref<4096xf32, #tpu.memory_space<vmem>> -> memref<128xf32, #tpu.memory_space<vmem>>
      %dma_wait3A_151 = tpu.memref_slice %arg2[%run_scoped3A_38, %mul3A_2] : memref<32x4096xf32, #tpu.memory_space<hbm>> -> memref<1x128xf32, #tpu.memory_space<hbm>>
      %dma_wait3A_152 = tpu.memref_squeeze %dma_wait3A_151 : memref<1x128xf32, #tpu.memory_space<hbm>> -> memref<128xf32, #tpu.memory_space<hbm>>
      %dma_wait3A_153 = arith.constant 1152 : i32
      %dma_wait3A_154 = tpu.memref_slice %arg9[%dma_wait3A_153] : memref<4096xf32, #tpu.memory_space<vmem>> -> memref<128xf32, #tpu.memory_space<vmem>>
      %dma_wait3A_155 = tpu.memref_slice %arg2[%run_scoped3A_38, %mul3A_2] : memref<32x4096xf32, #tpu.memory_space<hbm>> -> memref<1x128xf32, #tpu.memory_space<hbm>>
      %dma_wait3A_156 = tpu.memref_squeeze %dma_wait3A_155 : memref<1x128xf32, #tpu.memory_space<hbm>> -> memref<128xf32, #tpu.memory_space<hbm>>
      tpu.wait_dma2 semaphore(%run_scoped3A_142 : memref<!tpu.dma_semaphore, #tpu.memory_space<semaphore_mem>>) src(%dma_wait3A_156 : memref<128xf32, #tpu.memory_space<hbm>>) dst(%dma_wait3A_154 : memref<128xf32, #tpu.memory_space<vmem>>)
      tpu.yield
    }) : () -> ()
    %mul3A_39 = arith.constant 4 : i32
    %mul3A_40 = arith.muli %mul3A_2, %mul3A_39 : i32
    %run_scoped3A_41 = arith.constant 9 : i32
    "tpu.region"() ({
      %run_scoped3A_142 = tpu.sem_alloc : memref<!tpu.dma_semaphore, #tpu.memory_space<semaphore_mem>>
      %dma_start3A = arith.constant 4608 : i32
      %dma_start3A_143 = tpu.memref_slice %arg10[%dma_start3A] : memref<16384xf32, #tpu.memory_space<vmem>> -> memref<512xf32, #tpu.memory_space<vmem>>
      %dma_start3A_144 = tpu.memref_slice %arg3[%run_scoped3A_41, %mul3A_40] : memref<32x16384xf32, #tpu.memory_space<hbm>> -> memref<1x512xf32, #tpu.memory_space<hbm>>
      %dma_start3A_145 = tpu.memref_squeeze %dma_start3A_144 : memref<1x512xf32, #tpu.memory_space<hbm>> -> memref<512xf32, #tpu.memory_space<hbm>>
      %dma_start3A_146 = arith.constant 4608 : i32
      %dma_start3A_147 = tpu.memref_slice %arg10[%dma_start3A_146] : memref<16384xf32, #tpu.memory_space<vmem>> -> memref<512xf32, #tpu.memory_space<vmem>>
      %dma_start3A_148 = tpu.memref_slice %arg3[%run_scoped3A_41, %mul3A_40] : memref<32x16384xf32, #tpu.memory_space<hbm>> -> memref<1x512xf32, #tpu.memory_space<hbm>>
      %dma_start3A_149 = tpu.memref_squeeze %dma_start3A_148 : memref<1x512xf32, #tpu.memory_space<hbm>> -> memref<512xf32, #tpu.memory_space<hbm>>
      tpu.enqueue_dma source(%dma_start3A_149 : memref<512xf32, #tpu.memory_space<hbm>>) target(%dma_start3A_147 : memref<512xf32, #tpu.memory_space<vmem>>) target_semaphore(%run_scoped3A_142 : memref<!tpu.dma_semaphore, #tpu.memory_space<semaphore_mem>>)
      %dma_wait3A = arith.constant 4608 : i32
      %dma_wait3A_150 = tpu.memref_slice %arg10[%dma_wait3A] : memref<16384xf32, #tpu.memory_space<vmem>> -> memref<512xf32, #tpu.memory_space<vmem>>
      %dma_wait3A_151 = tpu.memref_slice %arg3[%run_scoped3A_41, %mul3A_40] : memref<32x16384xf32, #tpu.memory_space<hbm>> -> memref<1x512xf32, #tpu.memory_space<hbm>>
      %dma_wait3A_152 = tpu.memref_squeeze %dma_wait3A_151 : memref<1x512xf32, #tpu.memory_space<hbm>> -> memref<512xf32, #tpu.memory_space<hbm>>
      %dma_wait3A_153 = arith.constant 4608 : i32
      %dma_wait3A_154 = tpu.memref_slice %arg10[%dma_wait3A_153] : memref<16384xf32, #tpu.memory_space<vmem>> -> memref<512xf32, #tpu.memory_space<vmem>>
      %dma_wait3A_155 = tpu.memref_slice %arg3[%run_scoped3A_41, %mul3A_40] : memref<32x16384xf32, #tpu.memory_space<hbm>> -> memref<1x512xf32, #tpu.memory_space<hbm>>
      %dma_wait3A_156 = tpu.memref_squeeze %dma_wait3A_155 : memref<1x512xf32, #tpu.memory_space<hbm>> -> memref<512xf32, #tpu.memory_space<hbm>>
      tpu.wait_dma2 semaphore(%run_scoped3A_142 : memref<!tpu.dma_semaphore, #tpu.memory_space<semaphore_mem>>) src(%dma_wait3A_156 : memref<512xf32, #tpu.memory_space<hbm>>) dst(%dma_wait3A_154 : memref<512xf32, #tpu.memory_space<vmem>>)
      tpu.yield
    }) : () -> ()
    %run_scoped3A_42 = arith.constant 10 : i32
    "tpu.region"() ({
      %run_scoped3A_142 = tpu.sem_alloc : memref<!tpu.dma_semaphore, #tpu.memory_space<semaphore_mem>>
      %dma_start3A = arith.constant 1280 : i32
      %dma_start3A_143 = tpu.memref_slice %arg9[%dma_start3A] : memref<4096xf32, #tpu.memory_space<vmem>> -> memref<128xf32, #tpu.memory_space<vmem>>
      %dma_start3A_144 = tpu.memref_slice %arg2[%run_scoped3A_42, %mul3A_2] : memref<32x4096xf32, #tpu.memory_space<hbm>> -> memref<1x128xf32, #tpu.memory_space<hbm>>
      %dma_start3A_145 = tpu.memref_squeeze %dma_start3A_144 : memref<1x128xf32, #tpu.memory_space<hbm>> -> memref<128xf32, #tpu.memory_space<hbm>>
      %dma_start3A_146 = arith.constant 1280 : i32
      %dma_start3A_147 = tpu.memref_slice %arg9[%dma_start3A_146] : memref<4096xf32, #tpu.memory_space<vmem>> -> memref<128xf32, #tpu.memory_space<vmem>>
      %dma_start3A_148 = tpu.memref_slice %arg2[%run_scoped3A_42, %mul3A_2] : memref<32x4096xf32, #tpu.memory_space<hbm>> -> memref<1x128xf32, #tpu.memory_space<hbm>>
      %dma_start3A_149 = tpu.memref_squeeze %dma_start3A_148 : memref<1x128xf32, #tpu.memory_space<hbm>> -> memref<128xf32, #tpu.memory_space<hbm>>
      tpu.enqueue_dma source(%dma_start3A_149 : memref<128xf32, #tpu.memory_space<hbm>>) target(%dma_start3A_147 : memref<128xf32, #tpu.memory_space<vmem>>) target_semaphore(%run_scoped3A_142 : memref<!tpu.dma_semaphore, #tpu.memory_space<semaphore_mem>>)
      %dma_wait3A = arith.constant 1280 : i32
      %dma_wait3A_150 = tpu.memref_slice %arg9[%dma_wait3A] : memref<4096xf32, #tpu.memory_space<vmem>> -> memref<128xf32, #tpu.memory_space<vmem>>
      %dma_wait3A_151 = tpu.memref_slice %arg2[%run_scoped3A_42, %mul3A_2] : memref<32x4096xf32, #tpu.memory_space<hbm>> -> memref<1x128xf32, #tpu.memory_space<hbm>>
      %dma_wait3A_152 = tpu.memref_squeeze %dma_wait3A_151 : memref<1x128xf32, #tpu.memory_space<hbm>> -> memref<128xf32, #tpu.memory_space<hbm>>
      %dma_wait3A_153 = arith.constant 1280 : i32
      %dma_wait3A_154 = tpu.memref_slice %arg9[%dma_wait3A_153] : memref<4096xf32, #tpu.memory_space<vmem>> -> memref<128xf32, #tpu.memory_space<vmem>>
      %dma_wait3A_155 = tpu.memref_slice %arg2[%run_scoped3A_42, %mul3A_2] : memref<32x4096xf32, #tpu.memory_space<hbm>> -> memref<1x128xf32, #tpu.memory_space<hbm>>
      %dma_wait3A_156 = tpu.memref_squeeze %dma_wait3A_155 : memref<1x128xf32, #tpu.memory_space<hbm>> -> memref<128xf32, #tpu.memory_space<hbm>>
      tpu.wait_dma2 semaphore(%run_scoped3A_142 : memref<!tpu.dma_semaphore, #tpu.memory_space<semaphore_mem>>) src(%dma_wait3A_156 : memref<128xf32, #tpu.memory_space<hbm>>) dst(%dma_wait3A_154 : memref<128xf32, #tpu.memory_space<vmem>>)
      tpu.yield
    }) : () -> ()
    %mul3A_43 = arith.constant 4 : i32
    %mul3A_44 = arith.muli %mul3A_2, %mul3A_43 : i32
    %run_scoped3A_45 = arith.constant 10 : i32
    "tpu.region"() ({
      %run_scoped3A_142 = tpu.sem_alloc : memref<!tpu.dma_semaphore, #tpu.memory_space<semaphore_mem>>
      %dma_start3A = arith.constant 5120 : i32
      %dma_start3A_143 = tpu.memref_slice %arg10[%dma_start3A] : memref<16384xf32, #tpu.memory_space<vmem>> -> memref<512xf32, #tpu.memory_space<vmem>>
      %dma_start3A_144 = tpu.memref_slice %arg3[%run_scoped3A_45, %mul3A_44] : memref<32x16384xf32, #tpu.memory_space<hbm>> -> memref<1x512xf32, #tpu.memory_space<hbm>>
      %dma_start3A_145 = tpu.memref_squeeze %dma_start3A_144 : memref<1x512xf32, #tpu.memory_space<hbm>> -> memref<512xf32, #tpu.memory_space<hbm>>
      %dma_start3A_146 = arith.constant 5120 : i32
      %dma_start3A_147 = tpu.memref_slice %arg10[%dma_start3A_146] : memref<16384xf32, #tpu.memory_space<vmem>> -> memref<512xf32, #tpu.memory_space<vmem>>
      %dma_start3A_148 = tpu.memref_slice %arg3[%run_scoped3A_45, %mul3A_44] : memref<32x16384xf32, #tpu.memory_space<hbm>> -> memref<1x512xf32, #tpu.memory_space<hbm>>
      %dma_start3A_149 = tpu.memref_squeeze %dma_start3A_148 : memref<1x512xf32, #tpu.memory_space<hbm>> -> memref<512xf32, #tpu.memory_space<hbm>>
      tpu.enqueue_dma source(%dma_start3A_149 : memref<512xf32, #tpu.memory_space<hbm>>) target(%dma_start3A_147 : memref<512xf32, #tpu.memory_space<vmem>>) target_semaphore(%run_scoped3A_142 : memref<!tpu.dma_semaphore, #tpu.memory_space<semaphore_mem>>)
      %dma_wait3A = arith.constant 5120 : i32
      %dma_wait3A_150 = tpu.memref_slice %arg10[%dma_wait3A] : memref<16384xf32, #tpu.memory_space<vmem>> -> memref<512xf32, #tpu.memory_space<vmem>>
      %dma_wait3A_151 = tpu.memref_slice %arg3[%run_scoped3A_45, %mul3A_44] : memref<32x16384xf32, #tpu.memory_space<hbm>> -> memref<1x512xf32, #tpu.memory_space<hbm>>
      %dma_wait3A_152 = tpu.memref_squeeze %dma_wait3A_151 : memref<1x512xf32, #tpu.memory_space<hbm>> -> memref<512xf32, #tpu.memory_space<hbm>>
      %dma_wait3A_153 = arith.constant 5120 : i32
      %dma_wait3A_154 = tpu.memref_slice %arg10[%dma_wait3A_153] : memref<16384xf32, #tpu.memory_space<vmem>> -> memref<512xf32, #tpu.memory_space<vmem>>
      %dma_wait3A_155 = tpu.memref_slice %arg3[%run_scoped3A_45, %mul3A_44] : memref<32x16384xf32, #tpu.memory_space<hbm>> -> memref<1x512xf32, #tpu.memory_space<hbm>>
      %dma_wait3A_156 = tpu.memref_squeeze %dma_wait3A_155 : memref<1x512xf32, #tpu.memory_space<hbm>> -> memref<512xf32, #tpu.memory_space<hbm>>
      tpu.wait_dma2 semaphore(%run_scoped3A_142 : memref<!tpu.dma_semaphore, #tpu.memory_space<semaphore_mem>>) src(%dma_wait3A_156 : memref<512xf32, #tpu.memory_space<hbm>>) dst(%dma_wait3A_154 : memref<512xf32, #tpu.memory_space<vmem>>)
      tpu.yield
    }) : () -> ()
    %run_scoped3A_46 = arith.constant 11 : i32
    "tpu.region"() ({
      %run_scoped3A_142 = tpu.sem_alloc : memref<!tpu.dma_semaphore, #tpu.memory_space<semaphore_mem>>
      %dma_start3A = arith.constant 1408 : i32
      %dma_start3A_143 = tpu.memref_slice %arg9[%dma_start3A] : memref<4096xf32, #tpu.memory_space<vmem>> -> memref<128xf32, #tpu.memory_space<vmem>>
      %dma_start3A_144 = tpu.memref_slice %arg2[%run_scoped3A_46, %mul3A_2] : memref<32x4096xf32, #tpu.memory_space<hbm>> -> memref<1x128xf32, #tpu.memory_space<hbm>>
      %dma_start3A_145 = tpu.memref_squeeze %dma_start3A_144 : memref<1x128xf32, #tpu.memory_space<hbm>> -> memref<128xf32, #tpu.memory_space<hbm>>
      %dma_start3A_146 = arith.constant 1408 : i32
      %dma_start3A_147 = tpu.memref_slice %arg9[%dma_start3A_146] : memref<4096xf32, #tpu.memory_space<vmem>> -> memref<128xf32, #tpu.memory_space<vmem>>
      %dma_start3A_148 = tpu.memref_slice %arg2[%run_scoped3A_46, %mul3A_2] : memref<32x4096xf32, #tpu.memory_space<hbm>> -> memref<1x128xf32, #tpu.memory_space<hbm>>
      %dma_start3A_149 = tpu.memref_squeeze %dma_start3A_148 : memref<1x128xf32, #tpu.memory_space<hbm>> -> memref<128xf32, #tpu.memory_space<hbm>>
      tpu.enqueue_dma source(%dma_start3A_149 : memref<128xf32, #tpu.memory_space<hbm>>) target(%dma_start3A_147 : memref<128xf32, #tpu.memory_space<vmem>>) target_semaphore(%run_scoped3A_142 : memref<!tpu.dma_semaphore, #tpu.memory_space<semaphore_mem>>)
      %dma_wait3A = arith.constant 1408 : i32
      %dma_wait3A_150 = tpu.memref_slice %arg9[%dma_wait3A] : memref<4096xf32, #tpu.memory_space<vmem>> -> memref<128xf32, #tpu.memory_space<vmem>>
      %dma_wait3A_151 = tpu.memref_slice %arg2[%run_scoped3A_46, %mul3A_2] : memref<32x4096xf32, #tpu.memory_space<hbm>> -> memref<1x128xf32, #tpu.memory_space<hbm>>
      %dma_wait3A_152 = tpu.memref_squeeze %dma_wait3A_151 : memref<1x128xf32, #tpu.memory_space<hbm>> -> memref<128xf32, #tpu.memory_space<hbm>>
      %dma_wait3A_153 = arith.constant 1408 : i32
      %dma_wait3A_154 = tpu.memref_slice %arg9[%dma_wait3A_153] : memref<4096xf32, #tpu.memory_space<vmem>> -> memref<128xf32, #tpu.memory_space<vmem>>
      %dma_wait3A_155 = tpu.memref_slice %arg2[%run_scoped3A_46, %mul3A_2] : memref<32x4096xf32, #tpu.memory_space<hbm>> -> memref<1x128xf32, #tpu.memory_space<hbm>>
      %dma_wait3A_156 = tpu.memref_squeeze %dma_wait3A_155 : memref<1x128xf32, #tpu.memory_space<hbm>> -> memref<128xf32, #tpu.memory_space<hbm>>
      tpu.wait_dma2 semaphore(%run_scoped3A_142 : memref<!tpu.dma_semaphore, #tpu.memory_space<semaphore_mem>>) src(%dma_wait3A_156 : memref<128xf32, #tpu.memory_space<hbm>>) dst(%dma_wait3A_154 : memref<128xf32, #tpu.memory_space<vmem>>)
      tpu.yield
    }) : () -> ()
    %mul3A_47 = arith.constant 4 : i32
    %mul3A_48 = arith.muli %mul3A_2, %mul3A_47 : i32
    %run_scoped3A_49 = arith.constant 11 : i32
    "tpu.region"() ({
      %run_scoped3A_142 = tpu.sem_alloc : memref<!tpu.dma_semaphore, #tpu.memory_space<semaphore_mem>>
      %dma_start3A = arith.constant 5632 : i32
      %dma_start3A_143 = tpu.memref_slice %arg10[%dma_start3A] : memref<16384xf32, #tpu.memory_space<vmem>> -> memref<512xf32, #tpu.memory_space<vmem>>
      %dma_start3A_144 = tpu.memref_slice %arg3[%run_scoped3A_49, %mul3A_48] : memref<32x16384xf32, #tpu.memory_space<hbm>> -> memref<1x512xf32, #tpu.memory_space<hbm>>
      %dma_start3A_145 = tpu.memref_squeeze %dma_start3A_144 : memref<1x512xf32, #tpu.memory_space<hbm>> -> memref<512xf32, #tpu.memory_space<hbm>>
      %dma_start3A_146 = arith.constant 5632 : i32
      %dma_start3A_147 = tpu.memref_slice %arg10[%dma_start3A_146] : memref<16384xf32, #tpu.memory_space<vmem>> -> memref<512xf32, #tpu.memory_space<vmem>>
      %dma_start3A_148 = tpu.memref_slice %arg3[%run_scoped3A_49, %mul3A_48] : memref<32x16384xf32, #tpu.memory_space<hbm>> -> memref<1x512xf32, #tpu.memory_space<hbm>>
      %dma_start3A_149 = tpu.memref_squeeze %dma_start3A_148 : memref<1x512xf32, #tpu.memory_space<hbm>> -> memref<512xf32, #tpu.memory_space<hbm>>
      tpu.enqueue_dma source(%dma_start3A_149 : memref<512xf32, #tpu.memory_space<hbm>>) target(%dma_start3A_147 : memref<512xf32, #tpu.memory_space<vmem>>) target_semaphore(%run_scoped3A_142 : memref<!tpu.dma_semaphore, #tpu.memory_space<semaphore_mem>>)
      %dma_wait3A = arith.constant 5632 : i32
      %dma_wait3A_150 = tpu.memref_slice %arg10[%dma_wait3A] : memref<16384xf32, #tpu.memory_space<vmem>> -> memref<512xf32, #tpu.memory_space<vmem>>
      %dma_wait3A_151 = tpu.memref_slice %arg3[%run_scoped3A_49, %mul3A_48] : memref<32x16384xf32, #tpu.memory_space<hbm>> -> memref<1x512xf32, #tpu.memory_space<hbm>>
      %dma_wait3A_152 = tpu.memref_squeeze %dma_wait3A_151 : memref<1x512xf32, #tpu.memory_space<hbm>> -> memref<512xf32, #tpu.memory_space<hbm>>
      %dma_wait3A_153 = arith.constant 5632 : i32
      %dma_wait3A_154 = tpu.memref_slice %arg10[%dma_wait3A_153] : memref<16384xf32, #tpu.memory_space<vmem>> -> memref<512xf32, #tpu.memory_space<vmem>>
      %dma_wait3A_155 = tpu.memref_slice %arg3[%run_scoped3A_49, %mul3A_48] : memref<32x16384xf32, #tpu.memory_space<hbm>> -> memref<1x512xf32, #tpu.memory_space<hbm>>
      %dma_wait3A_156 = tpu.memref_squeeze %dma_wait3A_155 : memref<1x512xf32, #tpu.memory_space<hbm>> -> memref<512xf32, #tpu.memory_space<hbm>>
      tpu.wait_dma2 semaphore(%run_scoped3A_142 : memref<!tpu.dma_semaphore, #tpu.memory_space<semaphore_mem>>) src(%dma_wait3A_156 : memref<512xf32, #tpu.memory_space<hbm>>) dst(%dma_wait3A_154 : memref<512xf32, #tpu.memory_space<vmem>>)
      tpu.yield
    }) : () -> ()
    %run_scoped3A_50 = arith.constant 12 : i32
    "tpu.region"() ({
      %run_scoped3A_142 = tpu.sem_alloc : memref<!tpu.dma_semaphore, #tpu.memory_space<semaphore_mem>>
      %dma_start3A = arith.constant 1536 : i32
      %dma_start3A_143 = tpu.memref_slice %arg9[%dma_start3A] : memref<4096xf32, #tpu.memory_space<vmem>> -> memref<128xf32, #tpu.memory_space<vmem>>
      %dma_start3A_144 = tpu.memref_slice %arg2[%run_scoped3A_50, %mul3A_2] : memref<32x4096xf32, #tpu.memory_space<hbm>> -> memref<1x128xf32, #tpu.memory_space<hbm>>
      %dma_start3A_145 = tpu.memref_squeeze %dma_start3A_144 : memref<1x128xf32, #tpu.memory_space<hbm>> -> memref<128xf32, #tpu.memory_space<hbm>>
      %dma_start3A_146 = arith.constant 1536 : i32
      %dma_start3A_147 = tpu.memref_slice %arg9[%dma_start3A_146] : memref<4096xf32, #tpu.memory_space<vmem>> -> memref<128xf32, #tpu.memory_space<vmem>>
      %dma_start3A_148 = tpu.memref_slice %arg2[%run_scoped3A_50, %mul3A_2] : memref<32x4096xf32, #tpu.memory_space<hbm>> -> memref<1x128xf32, #tpu.memory_space<hbm>>
      %dma_start3A_149 = tpu.memref_squeeze %dma_start3A_148 : memref<1x128xf32, #tpu.memory_space<hbm>> -> memref<128xf32, #tpu.memory_space<hbm>>
      tpu.enqueue_dma source(%dma_start3A_149 : memref<128xf32, #tpu.memory_space<hbm>>) target(%dma_start3A_147 : memref<128xf32, #tpu.memory_space<vmem>>) target_semaphore(%run_scoped3A_142 : memref<!tpu.dma_semaphore, #tpu.memory_space<semaphore_mem>>)
      %dma_wait3A = arith.constant 1536 : i32
      %dma_wait3A_150 = tpu.memref_slice %arg9[%dma_wait3A] : memref<4096xf32, #tpu.memory_space<vmem>> -> memref<128xf32, #tpu.memory_space<vmem>>
      %dma_wait3A_151 = tpu.memref_slice %arg2[%run_scoped3A_50, %mul3A_2] : memref<32x4096xf32, #tpu.memory_space<hbm>> -> memref<1x128xf32, #tpu.memory_space<hbm>>
      %dma_wait3A_152 = tpu.memref_squeeze %dma_wait3A_151 : memref<1x128xf32, #tpu.memory_space<hbm>> -> memref<128xf32, #tpu.memory_space<hbm>>
      %dma_wait3A_153 = arith.constant 1536 : i32
      %dma_wait3A_154 = tpu.memref_slice %arg9[%dma_wait3A_153] : memref<4096xf32, #tpu.memory_space<vmem>> -> memref<128xf32, #tpu.memory_space<vmem>>
      %dma_wait3A_155 = tpu.memref_slice %arg2[%run_scoped3A_50, %mul3A_2] : memref<32x4096xf32, #tpu.memory_space<hbm>> -> memref<1x128xf32, #tpu.memory_space<hbm>>
      %dma_wait3A_156 = tpu.memref_squeeze %dma_wait3A_155 : memref<1x128xf32, #tpu.memory_space<hbm>> -> memref<128xf32, #tpu.memory_space<hbm>>
      tpu.wait_dma2 semaphore(%run_scoped3A_142 : memref<!tpu.dma_semaphore, #tpu.memory_space<semaphore_mem>>) src(%dma_wait3A_156 : memref<128xf32, #tpu.memory_space<hbm>>) dst(%dma_wait3A_154 : memref<128xf32, #tpu.memory_space<vmem>>)
      tpu.yield
    }) : () -> ()
    %mul3A_51 = arith.constant 4 : i32
    %mul3A_52 = arith.muli %mul3A_2, %mul3A_51 : i32
    %run_scoped3A_53 = arith.constant 12 : i32
    "tpu.region"() ({
      %run_scoped3A_142 = tpu.sem_alloc : memref<!tpu.dma_semaphore, #tpu.memory_space<semaphore_mem>>
      %dma_start3A = arith.constant 6144 : i32
      %dma_start3A_143 = tpu.memref_slice %arg10[%dma_start3A] : memref<16384xf32, #tpu.memory_space<vmem>> -> memref<512xf32, #tpu.memory_space<vmem>>
      %dma_start3A_144 = tpu.memref_slice %arg3[%run_scoped3A_53, %mul3A_52] : memref<32x16384xf32, #tpu.memory_space<hbm>> -> memref<1x512xf32, #tpu.memory_space<hbm>>
      %dma_start3A_145 = tpu.memref_squeeze %dma_start3A_144 : memref<1x512xf32, #tpu.memory_space<hbm>> -> memref<512xf32, #tpu.memory_space<hbm>>
      %dma_start3A_146 = arith.constant 6144 : i32
      %dma_start3A_147 = tpu.memref_slice %arg10[%dma_start3A_146] : memref<16384xf32, #tpu.memory_space<vmem>> -> memref<512xf32, #tpu.memory_space<vmem>>
      %dma_start3A_148 = tpu.memref_slice %arg3[%run_scoped3A_53, %mul3A_52] : memref<32x16384xf32, #tpu.memory_space<hbm>> -> memref<1x512xf32, #tpu.memory_space<hbm>>
      %dma_start3A_149 = tpu.memref_squeeze %dma_start3A_148 : memref<1x512xf32, #tpu.memory_space<hbm>> -> memref<512xf32, #tpu.memory_space<hbm>>
      tpu.enqueue_dma source(%dma_start3A_149 : memref<512xf32, #tpu.memory_space<hbm>>) target(%dma_start3A_147 : memref<512xf32, #tpu.memory_space<vmem>>) target_semaphore(%run_scoped3A_142 : memref<!tpu.dma_semaphore, #tpu.memory_space<semaphore_mem>>)
      %dma_wait3A = arith.constant 6144 : i32
      %dma_wait3A_150 = tpu.memref_slice %arg10[%dma_wait3A] : memref<16384xf32, #tpu.memory_space<vmem>> -> memref<512xf32, #tpu.memory_space<vmem>>
      %dma_wait3A_151 = tpu.memref_slice %arg3[%run_scoped3A_53, %mul3A_52] : memref<32x16384xf32, #tpu.memory_space<hbm>> -> memref<1x512xf32, #tpu.memory_space<hbm>>
      %dma_wait3A_152 = tpu.memref_squeeze %dma_wait3A_151 : memref<1x512xf32, #tpu.memory_space<hbm>> -> memref<512xf32, #tpu.memory_space<hbm>>
      %dma_wait3A_153 = arith.constant 6144 : i32
      %dma_wait3A_154 = tpu.memref_slice %arg10[%dma_wait3A_153] : memref<16384xf32, #tpu.memory_space<vmem>> -> memref<512xf32, #tpu.memory_space<vmem>>
      %dma_wait3A_155 = tpu.memref_slice %arg3[%run_scoped3A_53, %mul3A_52] : memref<32x16384xf32, #tpu.memory_space<hbm>> -> memref<1x512xf32, #tpu.memory_space<hbm>>
      %dma_wait3A_156 = tpu.memref_squeeze %dma_wait3A_155 : memref<1x512xf32, #tpu.memory_space<hbm>> -> memref<512xf32, #tpu.memory_space<hbm>>
      tpu.wait_dma2 semaphore(%run_scoped3A_142 : memref<!tpu.dma_semaphore, #tpu.memory_space<semaphore_mem>>) src(%dma_wait3A_156 : memref<512xf32, #tpu.memory_space<hbm>>) dst(%dma_wait3A_154 : memref<512xf32, #tpu.memory_space<vmem>>)
      tpu.yield
    }) : () -> ()
    %run_scoped3A_54 = arith.constant 13 : i32
    "tpu.region"() ({
      %run_scoped3A_142 = tpu.sem_alloc : memref<!tpu.dma_semaphore, #tpu.memory_space<semaphore_mem>>
      %dma_start3A = arith.constant 1664 : i32
      %dma_start3A_143 = tpu.memref_slice %arg9[%dma_start3A] : memref<4096xf32, #tpu.memory_space<vmem>> -> memref<128xf32, #tpu.memory_space<vmem>>
      %dma_start3A_144 = tpu.memref_slice %arg2[%run_scoped3A_54, %mul3A_2] : memref<32x4096xf32, #tpu.memory_space<hbm>> -> memref<1x128xf32, #tpu.memory_space<hbm>>
      %dma_start3A_145 = tpu.memref_squeeze %dma_start3A_144 : memref<1x128xf32, #tpu.memory_space<hbm>> -> memref<128xf32, #tpu.memory_space<hbm>>
      %dma_start3A_146 = arith.constant 1664 : i32
      %dma_start3A_147 = tpu.memref_slice %arg9[%dma_start3A_146] : memref<4096xf32, #tpu.memory_space<vmem>> -> memref<128xf32, #tpu.memory_space<vmem>>
      %dma_start3A_148 = tpu.memref_slice %arg2[%run_scoped3A_54, %mul3A_2] : memref<32x4096xf32, #tpu.memory_space<hbm>> -> memref<1x128xf32, #tpu.memory_space<hbm>>
      %dma_start3A_149 = tpu.memref_squeeze %dma_start3A_148 : memref<1x128xf32, #tpu.memory_space<hbm>> -> memref<128xf32, #tpu.memory_space<hbm>>
      tpu.enqueue_dma source(%dma_start3A_149 : memref<128xf32, #tpu.memory_space<hbm>>) target(%dma_start3A_147 : memref<128xf32, #tpu.memory_space<vmem>>) target_semaphore(%run_scoped3A_142 : memref<!tpu.dma_semaphore, #tpu.memory_space<semaphore_mem>>)
      %dma_wait3A = arith.constant 1664 : i32
      %dma_wait3A_150 = tpu.memref_slice %arg9[%dma_wait3A] : memref<4096xf32, #tpu.memory_space<vmem>> -> memref<128xf32, #tpu.memory_space<vmem>>
      %dma_wait3A_151 = tpu.memref_slice %arg2[%run_scoped3A_54, %mul3A_2] : memref<32x4096xf32, #tpu.memory_space<hbm>> -> memref<1x128xf32, #tpu.memory_space<hbm>>
      %dma_wait3A_152 = tpu.memref_squeeze %dma_wait3A_151 : memref<1x128xf32, #tpu.memory_space<hbm>> -> memref<128xf32, #tpu.memory_space<hbm>>
      %dma_wait3A_153 = arith.constant 1664 : i32
      %dma_wait3A_154 = tpu.memref_slice %arg9[%dma_wait3A_153] : memref<4096xf32, #tpu.memory_space<vmem>> -> memref<128xf32, #tpu.memory_space<vmem>>
      %dma_wait3A_155 = tpu.memref_slice %arg2[%run_scoped3A_54, %mul3A_2] : memref<32x4096xf32, #tpu.memory_space<hbm>> -> memref<1x128xf32, #tpu.memory_space<hbm>>
      %dma_wait3A_156 = tpu.memref_squeeze %dma_wait3A_155 : memref<1x128xf32, #tpu.memory_space<hbm>> -> memref<128xf32, #tpu.memory_space<hbm>>
      tpu.wait_dma2 semaphore(%run_scoped3A_142 : memref<!tpu.dma_semaphore, #tpu.memory_space<semaphore_mem>>) src(%dma_wait3A_156 : memref<128xf32, #tpu.memory_space<hbm>>) dst(%dma_wait3A_154 : memref<128xf32, #tpu.memory_space<vmem>>)
      tpu.yield
    }) : () -> ()
    %mul3A_55 = arith.constant 4 : i32
    %mul3A_56 = arith.muli %mul3A_2, %mul3A_55 : i32
    %run_scoped3A_57 = arith.constant 13 : i32
    "tpu.region"() ({
      %run_scoped3A_142 = tpu.sem_alloc : memref<!tpu.dma_semaphore, #tpu.memory_space<semaphore_mem>>
      %dma_start3A = arith.constant 6656 : i32
      %dma_start3A_143 = tpu.memref_slice %arg10[%dma_start3A] : memref<16384xf32, #tpu.memory_space<vmem>> -> memref<512xf32, #tpu.memory_space<vmem>>
      %dma_start3A_144 = tpu.memref_slice %arg3[%run_scoped3A_57, %mul3A_56] : memref<32x16384xf32, #tpu.memory_space<hbm>> -> memref<1x512xf32, #tpu.memory_space<hbm>>
      %dma_start3A_145 = tpu.memref_squeeze %dma_start3A_144 : memref<1x512xf32, #tpu.memory_space<hbm>> -> memref<512xf32, #tpu.memory_space<hbm>>
      %dma_start3A_146 = arith.constant 6656 : i32
      %dma_start3A_147 = tpu.memref_slice %arg10[%dma_start3A_146] : memref<16384xf32, #tpu.memory_space<vmem>> -> memref<512xf32, #tpu.memory_space<vmem>>
      %dma_start3A_148 = tpu.memref_slice %arg3[%run_scoped3A_57, %mul3A_56] : memref<32x16384xf32, #tpu.memory_space<hbm>> -> memref<1x512xf32, #tpu.memory_space<hbm>>
      %dma_start3A_149 = tpu.memref_squeeze %dma_start3A_148 : memref<1x512xf32, #tpu.memory_space<hbm>> -> memref<512xf32, #tpu.memory_space<hbm>>
      tpu.enqueue_dma source(%dma_start3A_149 : memref<512xf32, #tpu.memory_space<hbm>>) target(%dma_start3A_147 : memref<512xf32, #tpu.memory_space<vmem>>) target_semaphore(%run_scoped3A_142 : memref<!tpu.dma_semaphore, #tpu.memory_space<semaphore_mem>>)
      %dma_wait3A = arith.constant 6656 : i32
      %dma_wait3A_150 = tpu.memref_slice %arg10[%dma_wait3A] : memref<16384xf32, #tpu.memory_space<vmem>> -> memref<512xf32, #tpu.memory_space<vmem>>
      %dma_wait3A_151 = tpu.memref_slice %arg3[%run_scoped3A_57, %mul3A_56] : memref<32x16384xf32, #tpu.memory_space<hbm>> -> memref<1x512xf32, #tpu.memory_space<hbm>>
      %dma_wait3A_152 = tpu.memref_squeeze %dma_wait3A_151 : memref<1x512xf32, #tpu.memory_space<hbm>> -> memref<512xf32, #tpu.memory_space<hbm>>
      %dma_wait3A_153 = arith.constant 6656 : i32
      %dma_wait3A_154 = tpu.memref_slice %arg10[%dma_wait3A_153] : memref<16384xf32, #tpu.memory_space<vmem>> -> memref<512xf32, #tpu.memory_space<vmem>>
      %dma_wait3A_155 = tpu.memref_slice %arg3[%run_scoped3A_57, %mul3A_56] : memref<32x16384xf32, #tpu.memory_space<hbm>> -> memref<1x512xf32, #tpu.memory_space<hbm>>
      %dma_wait3A_156 = tpu.memref_squeeze %dma_wait3A_155 : memref<1x512xf32, #tpu.memory_space<hbm>> -> memref<512xf32, #tpu.memory_space<hbm>>
      tpu.wait_dma2 semaphore(%run_scoped3A_142 : memref<!tpu.dma_semaphore, #tpu.memory_space<semaphore_mem>>) src(%dma_wait3A_156 : memref<512xf32, #tpu.memory_space<hbm>>) dst(%dma_wait3A_154 : memref<512xf32, #tpu.memory_space<vmem>>)
      tpu.yield
    }) : () -> ()
    %run_scoped3A_58 = arith.constant 14 : i32
    "tpu.region"() ({
      %run_scoped3A_142 = tpu.sem_alloc : memref<!tpu.dma_semaphore, #tpu.memory_space<semaphore_mem>>
      %dma_start3A = arith.constant 1792 : i32
      %dma_start3A_143 = tpu.memref_slice %arg9[%dma_start3A] : memref<4096xf32, #tpu.memory_space<vmem>> -> memref<128xf32, #tpu.memory_space<vmem>>
      %dma_start3A_144 = tpu.memref_slice %arg2[%run_scoped3A_58, %mul3A_2] : memref<32x4096xf32, #tpu.memory_space<hbm>> -> memref<1x128xf32, #tpu.memory_space<hbm>>
      %dma_start3A_145 = tpu.memref_squeeze %dma_start3A_144 : memref<1x128xf32, #tpu.memory_space<hbm>> -> memref<128xf32, #tpu.memory_space<hbm>>
      %dma_start3A_146 = arith.constant 1792 : i32
      %dma_start3A_147 = tpu.memref_slice %arg9[%dma_start3A_146] : memref<4096xf32, #tpu.memory_space<vmem>> -> memref<128xf32, #tpu.memory_space<vmem>>
      %dma_start3A_148 = tpu.memref_slice %arg2[%run_scoped3A_58, %mul3A_2] : memref<32x4096xf32, #tpu.memory_space<hbm>> -> memref<1x128xf32, #tpu.memory_space<hbm>>
      %dma_start3A_149 = tpu.memref_squeeze %dma_start3A_148 : memref<1x128xf32, #tpu.memory_space<hbm>> -> memref<128xf32, #tpu.memory_space<hbm>>
      tpu.enqueue_dma source(%dma_start3A_149 : memref<128xf32, #tpu.memory_space<hbm>>) target(%dma_start3A_147 : memref<128xf32, #tpu.memory_space<vmem>>) target_semaphore(%run_scoped3A_142 : memref<!tpu.dma_semaphore, #tpu.memory_space<semaphore_mem>>)
      %dma_wait3A = arith.constant 1792 : i32
      %dma_wait3A_150 = tpu.memref_slice %arg9[%dma_wait3A] : memref<4096xf32, #tpu.memory_space<vmem>> -> memref<128xf32, #tpu.memory_space<vmem>>
      %dma_wait3A_151 = tpu.memref_slice %arg2[%run_scoped3A_58, %mul3A_2] : memref<32x4096xf32, #tpu.memory_space<hbm>> -> memref<1x128xf32, #tpu.memory_space<hbm>>
      %dma_wait3A_152 = tpu.memref_squeeze %dma_wait3A_151 : memref<1x128xf32, #tpu.memory_space<hbm>> -> memref<128xf32, #tpu.memory_space<hbm>>
      %dma_wait3A_153 = arith.constant 1792 : i32
      %dma_wait3A_154 = tpu.memref_slice %arg9[%dma_wait3A_153] : memref<4096xf32, #tpu.memory_space<vmem>> -> memref<128xf32, #tpu.memory_space<vmem>>
      %dma_wait3A_155 = tpu.memref_slice %arg2[%run_scoped3A_58, %mul3A_2] : memref<32x4096xf32, #tpu.memory_space<hbm>> -> memref<1x128xf32, #tpu.memory_space<hbm>>
      %dma_wait3A_156 = tpu.memref_squeeze %dma_wait3A_155 : memref<1x128xf32, #tpu.memory_space<hbm>> -> memref<128xf32, #tpu.memory_space<hbm>>
      tpu.wait_dma2 semaphore(%run_scoped3A_142 : memref<!tpu.dma_semaphore, #tpu.memory_space<semaphore_mem>>) src(%dma_wait3A_156 : memref<128xf32, #tpu.memory_space<hbm>>) dst(%dma_wait3A_154 : memref<128xf32, #tpu.memory_space<vmem>>)
      tpu.yield
    }) : () -> ()
    %mul3A_59 = arith.constant 4 : i32
    %mul3A_60 = arith.muli %mul3A_2, %mul3A_59 : i32
    %run_scoped3A_61 = arith.constant 14 : i32
    "tpu.region"() ({
      %run_scoped3A_142 = tpu.sem_alloc : memref<!tpu.dma_semaphore, #tpu.memory_space<semaphore_mem>>
      %dma_start3A = arith.constant 7168 : i32
      %dma_start3A_143 = tpu.memref_slice %arg10[%dma_start3A] : memref<16384xf32, #tpu.memory_space<vmem>> -> memref<512xf32, #tpu.memory_space<vmem>>
      %dma_start3A_144 = tpu.memref_slice %arg3[%run_scoped3A_61, %mul3A_60] : memref<32x16384xf32, #tpu.memory_space<hbm>> -> memref<1x512xf32, #tpu.memory_space<hbm>>
      %dma_start3A_145 = tpu.memref_squeeze %dma_start3A_144 : memref<1x512xf32, #tpu.memory_space<hbm>> -> memref<512xf32, #tpu.memory_space<hbm>>
      %dma_start3A_146 = arith.constant 7168 : i32
      %dma_start3A_147 = tpu.memref_slice %arg10[%dma_start3A_146] : memref<16384xf32, #tpu.memory_space<vmem>> -> memref<512xf32, #tpu.memory_space<vmem>>
      %dma_start3A_148 = tpu.memref_slice %arg3[%run_scoped3A_61, %mul3A_60] : memref<32x16384xf32, #tpu.memory_space<hbm>> -> memref<1x512xf32, #tpu.memory_space<hbm>>
      %dma_start3A_149 = tpu.memref_squeeze %dma_start3A_148 : memref<1x512xf32, #tpu.memory_space<hbm>> -> memref<512xf32, #tpu.memory_space<hbm>>
      tpu.enqueue_dma source(%dma_start3A_149 : memref<512xf32, #tpu.memory_space<hbm>>) target(%dma_start3A_147 : memref<512xf32, #tpu.memory_space<vmem>>) target_semaphore(%run_scoped3A_142 : memref<!tpu.dma_semaphore, #tpu.memory_space<semaphore_mem>>)
      %dma_wait3A = arith.constant 7168 : i32
      %dma_wait3A_150 = tpu.memref_slice %arg10[%dma_wait3A] : memref<16384xf32, #tpu.memory_space<vmem>> -> memref<512xf32, #tpu.memory_space<vmem>>
      %dma_wait3A_151 = tpu.memref_slice %arg3[%run_scoped3A_61, %mul3A_60] : memref<32x16384xf32, #tpu.memory_space<hbm>> -> memref<1x512xf32, #tpu.memory_space<hbm>>
      %dma_wait3A_152 = tpu.memref_squeeze %dma_wait3A_151 : memref<1x512xf32, #tpu.memory_space<hbm>> -> memref<512xf32, #tpu.memory_space<hbm>>
      %dma_wait3A_153 = arith.constant 7168 : i32
      %dma_wait3A_154 = tpu.memref_slice %arg10[%dma_wait3A_153] : memref<16384xf32, #tpu.memory_space<vmem>> -> memref<512xf32, #tpu.memory_space<vmem>>
      %dma_wait3A_155 = tpu.memref_slice %arg3[%run_scoped3A_61, %mul3A_60] : memref<32x16384xf32, #tpu.memory_space<hbm>> -> memref<1x512xf32, #tpu.memory_space<hbm>>
      %dma_wait3A_156 = tpu.memref_squeeze %dma_wait3A_155 : memref<1x512xf32, #tpu.memory_space<hbm>> -> memref<512xf32, #tpu.memory_space<hbm>>
      tpu.wait_dma2 semaphore(%run_scoped3A_142 : memref<!tpu.dma_semaphore, #tpu.memory_space<semaphore_mem>>) src(%dma_wait3A_156 : memref<512xf32, #tpu.memory_space<hbm>>) dst(%dma_wait3A_154 : memref<512xf32, #tpu.memory_space<vmem>>)
      tpu.yield
    }) : () -> ()
    %run_scoped3A_62 = arith.constant 15 : i32
    "tpu.region"() ({
      %run_scoped3A_142 = tpu.sem_alloc : memref<!tpu.dma_semaphore, #tpu.memory_space<semaphore_mem>>
      %dma_start3A = arith.constant 1920 : i32
      %dma_start3A_143 = tpu.memref_slice %arg9[%dma_start3A] : memref<4096xf32, #tpu.memory_space<vmem>> -> memref<128xf32, #tpu.memory_space<vmem>>
      %dma_start3A_144 = tpu.memref_slice %arg2[%run_scoped3A_62, %mul3A_2] : memref<32x4096xf32, #tpu.memory_space<hbm>> -> memref<1x128xf32, #tpu.memory_space<hbm>>
      %dma_start3A_145 = tpu.memref_squeeze %dma_start3A_144 : memref<1x128xf32, #tpu.memory_space<hbm>> -> memref<128xf32, #tpu.memory_space<hbm>>
      %dma_start3A_146 = arith.constant 1920 : i32
      %dma_start3A_147 = tpu.memref_slice %arg9[%dma_start3A_146] : memref<4096xf32, #tpu.memory_space<vmem>> -> memref<128xf32, #tpu.memory_space<vmem>>
      %dma_start3A_148 = tpu.memref_slice %arg2[%run_scoped3A_62, %mul3A_2] : memref<32x4096xf32, #tpu.memory_space<hbm>> -> memref<1x128xf32, #tpu.memory_space<hbm>>
      %dma_start3A_149 = tpu.memref_squeeze %dma_start3A_148 : memref<1x128xf32, #tpu.memory_space<hbm>> -> memref<128xf32, #tpu.memory_space<hbm>>
      tpu.enqueue_dma source(%dma_start3A_149 : memref<128xf32, #tpu.memory_space<hbm>>) target(%dma_start3A_147 : memref<128xf32, #tpu.memory_space<vmem>>) target_semaphore(%run_scoped3A_142 : memref<!tpu.dma_semaphore, #tpu.memory_space<semaphore_mem>>)
      %dma_wait3A = arith.constant 1920 : i32
      %dma_wait3A_150 = tpu.memref_slice %arg9[%dma_wait3A] : memref<4096xf32, #tpu.memory_space<vmem>> -> memref<128xf32, #tpu.memory_space<vmem>>
      %dma_wait3A_151 = tpu.memref_slice %arg2[%run_scoped3A_62, %mul3A_2] : memref<32x4096xf32, #tpu.memory_space<hbm>> -> memref<1x128xf32, #tpu.memory_space<hbm>>
      %dma_wait3A_152 = tpu.memref_squeeze %dma_wait3A_151 : memref<1x128xf32, #tpu.memory_space<hbm>> -> memref<128xf32, #tpu.memory_space<hbm>>
      %dma_wait3A_153 = arith.constant 1920 : i32
      %dma_wait3A_154 = tpu.memref_slice %arg9[%dma_wait3A_153] : memref<4096xf32, #tpu.memory_space<vmem>> -> memref<128xf32, #tpu.memory_space<vmem>>
      %dma_wait3A_155 = tpu.memref_slice %arg2[%run_scoped3A_62, %mul3A_2] : memref<32x4096xf32, #tpu.memory_space<hbm>> -> memref<1x128xf32, #tpu.memory_space<hbm>>
      %dma_wait3A_156 = tpu.memref_squeeze %dma_wait3A_155 : memref<1x128xf32, #tpu.memory_space<hbm>> -> memref<128xf32, #tpu.memory_space<hbm>>
      tpu.wait_dma2 semaphore(%run_scoped3A_142 : memref<!tpu.dma_semaphore, #tpu.memory_space<semaphore_mem>>) src(%dma_wait3A_156 : memref<128xf32, #tpu.memory_space<hbm>>) dst(%dma_wait3A_154 : memref<128xf32, #tpu.memory_space<vmem>>)
      tpu.yield
    }) : () -> ()
    %mul3A_63 = arith.constant 4 : i32
    %mul3A_64 = arith.muli %mul3A_2, %mul3A_63 : i32
    %run_scoped3A_65 = arith.constant 15 : i32
    "tpu.region"() ({
      %run_scoped3A_142 = tpu.sem_alloc : memref<!tpu.dma_semaphore, #tpu.memory_space<semaphore_mem>>
      %dma_start3A = arith.constant 7680 : i32
      %dma_start3A_143 = tpu.memref_slice %arg10[%dma_start3A] : memref<16384xf32, #tpu.memory_space<vmem>> -> memref<512xf32, #tpu.memory_space<vmem>>
      %dma_start3A_144 = tpu.memref_slice %arg3[%run_scoped3A_65, %mul3A_64] : memref<32x16384xf32, #tpu.memory_space<hbm>> -> memref<1x512xf32, #tpu.memory_space<hbm>>
      %dma_start3A_145 = tpu.memref_squeeze %dma_start3A_144 : memref<1x512xf32, #tpu.memory_space<hbm>> -> memref<512xf32, #tpu.memory_space<hbm>>
      %dma_start3A_146 = arith.constant 7680 : i32
      %dma_start3A_147 = tpu.memref_slice %arg10[%dma_start3A_146] : memref<16384xf32, #tpu.memory_space<vmem>> -> memref<512xf32, #tpu.memory_space<vmem>>
      %dma_start3A_148 = tpu.memref_slice %arg3[%run_scoped3A_65, %mul3A_64] : memref<32x16384xf32, #tpu.memory_space<hbm>> -> memref<1x512xf32, #tpu.memory_space<hbm>>
      %dma_start3A_149 = tpu.memref_squeeze %dma_start3A_148 : memref<1x512xf32, #tpu.memory_space<hbm>> -> memref<512xf32, #tpu.memory_space<hbm>>
      tpu.enqueue_dma source(%dma_start3A_149 : memref<512xf32, #tpu.memory_space<hbm>>) target(%dma_start3A_147 : memref<512xf32, #tpu.memory_space<vmem>>) target_semaphore(%run_scoped3A_142 : memref<!tpu.dma_semaphore, #tpu.memory_space<semaphore_mem>>)
      %dma_wait3A = arith.constant 7680 : i32
      %dma_wait3A_150 = tpu.memref_slice %arg10[%dma_wait3A] : memref<16384xf32, #tpu.memory_space<vmem>> -> memref<512xf32, #tpu.memory_space<vmem>>
      %dma_wait3A_151 = tpu.memref_slice %arg3[%run_scoped3A_65, %mul3A_64] : memref<32x16384xf32, #tpu.memory_space<hbm>> -> memref<1x512xf32, #tpu.memory_space<hbm>>
      %dma_wait3A_152 = tpu.memref_squeeze %dma_wait3A_151 : memref<1x512xf32, #tpu.memory_space<hbm>> -> memref<512xf32, #tpu.memory_space<hbm>>
      %dma_wait3A_153 = arith.constant 7680 : i32
      %dma_wait3A_154 = tpu.memref_slice %arg10[%dma_wait3A_153] : memref<16384xf32, #tpu.memory_space<vmem>> -> memref<512xf32, #tpu.memory_space<vmem>>
      %dma_wait3A_155 = tpu.memref_slice %arg3[%run_scoped3A_65, %mul3A_64] : memref<32x16384xf32, #tpu.memory_space<hbm>> -> memref<1x512xf32, #tpu.memory_space<hbm>>
      %dma_wait3A_156 = tpu.memref_squeeze %dma_wait3A_155 : memref<1x512xf32, #tpu.memory_space<hbm>> -> memref<512xf32, #tpu.memory_space<hbm>>
      tpu.wait_dma2 semaphore(%run_scoped3A_142 : memref<!tpu.dma_semaphore, #tpu.memory_space<semaphore_mem>>) src(%dma_wait3A_156 : memref<512xf32, #tpu.memory_space<hbm>>) dst(%dma_wait3A_154 : memref<512xf32, #tpu.memory_space<vmem>>)
      tpu.yield
    }) : () -> ()
    %run_scoped3A_66 = arith.constant 16 : i32
    "tpu.region"() ({
      %run_scoped3A_142 = tpu.sem_alloc : memref<!tpu.dma_semaphore, #tpu.memory_space<semaphore_mem>>
      %dma_start3A = arith.constant 2048 : i32
      %dma_start3A_143 = tpu.memref_slice %arg9[%dma_start3A] : memref<4096xf32, #tpu.memory_space<vmem>> -> memref<128xf32, #tpu.memory_space<vmem>>
      %dma_start3A_144 = tpu.memref_slice %arg2[%run_scoped3A_66, %mul3A_2] : memref<32x4096xf32, #tpu.memory_space<hbm>> -> memref<1x128xf32, #tpu.memory_space<hbm>>
      %dma_start3A_145 = tpu.memref_squeeze %dma_start3A_144 : memref<1x128xf32, #tpu.memory_space<hbm>> -> memref<128xf32, #tpu.memory_space<hbm>>
      %dma_start3A_146 = arith.constant 2048 : i32
      %dma_start3A_147 = tpu.memref_slice %arg9[%dma_start3A_146] : memref<4096xf32, #tpu.memory_space<vmem>> -> memref<128xf32, #tpu.memory_space<vmem>>
      %dma_start3A_148 = tpu.memref_slice %arg2[%run_scoped3A_66, %mul3A_2] : memref<32x4096xf32, #tpu.memory_space<hbm>> -> memref<1x128xf32, #tpu.memory_space<hbm>>
      %dma_start3A_149 = tpu.memref_squeeze %dma_start3A_148 : memref<1x128xf32, #tpu.memory_space<hbm>> -> memref<128xf32, #tpu.memory_space<hbm>>
      tpu.enqueue_dma source(%dma_start3A_149 : memref<128xf32, #tpu.memory_space<hbm>>) target(%dma_start3A_147 : memref<128xf32, #tpu.memory_space<vmem>>) target_semaphore(%run_scoped3A_142 : memref<!tpu.dma_semaphore, #tpu.memory_space<semaphore_mem>>)
      %dma_wait3A = arith.constant 2048 : i32
      %dma_wait3A_150 = tpu.memref_slice %arg9[%dma_wait3A] : memref<4096xf32, #tpu.memory_space<vmem>> -> memref<128xf32, #tpu.memory_space<vmem>>
      %dma_wait3A_151 = tpu.memref_slice %arg2[%run_scoped3A_66, %mul3A_2] : memref<32x4096xf32, #tpu.memory_space<hbm>> -> memref<1x128xf32, #tpu.memory_space<hbm>>
      %dma_wait3A_152 = tpu.memref_squeeze %dma_wait3A_151 : memref<1x128xf32, #tpu.memory_space<hbm>> -> memref<128xf32, #tpu.memory_space<hbm>>
      %dma_wait3A_153 = arith.constant 2048 : i32
      %dma_wait3A_154 = tpu.memref_slice %arg9[%dma_wait3A_153] : memref<4096xf32, #tpu.memory_space<vmem>> -> memref<128xf32, #tpu.memory_space<vmem>>
      %dma_wait3A_155 = tpu.memref_slice %arg2[%run_scoped3A_66, %mul3A_2] : memref<32x4096xf32, #tpu.memory_space<hbm>> -> memref<1x128xf32, #tpu.memory_space<hbm>>
      %dma_wait3A_156 = tpu.memref_squeeze %dma_wait3A_155 : memref<1x128xf32, #tpu.memory_space<hbm>> -> memref<128xf32, #tpu.memory_space<hbm>>
      tpu.wait_dma2 semaphore(%run_scoped3A_142 : memref<!tpu.dma_semaphore, #tpu.memory_space<semaphore_mem>>) src(%dma_wait3A_156 : memref<128xf32, #tpu.memory_space<hbm>>) dst(%dma_wait3A_154 : memref<128xf32, #tpu.memory_space<vmem>>)
      tpu.yield
    }) : () -> ()
    %mul3A_67 = arith.constant 4 : i32
    %mul3A_68 = arith.muli %mul3A_2, %mul3A_67 : i32
    %run_scoped3A_69 = arith.constant 16 : i32
    "tpu.region"() ({
      %run_scoped3A_142 = tpu.sem_alloc : memref<!tpu.dma_semaphore, #tpu.memory_space<semaphore_mem>>
      %dma_start3A = arith.constant 8192 : i32
      %dma_start3A_143 = tpu.memref_slice %arg10[%dma_start3A] : memref<16384xf32, #tpu.memory_space<vmem>> -> memref<512xf32, #tpu.memory_space<vmem>>
      %dma_start3A_144 = tpu.memref_slice %arg3[%run_scoped3A_69, %mul3A_68] : memref<32x16384xf32, #tpu.memory_space<hbm>> -> memref<1x512xf32, #tpu.memory_space<hbm>>
      %dma_start3A_145 = tpu.memref_squeeze %dma_start3A_144 : memref<1x512xf32, #tpu.memory_space<hbm>> -> memref<512xf32, #tpu.memory_space<hbm>>
      %dma_start3A_146 = arith.constant 8192 : i32
      %dma_start3A_147 = tpu.memref_slice %arg10[%dma_start3A_146] : memref<16384xf32, #tpu.memory_space<vmem>> -> memref<512xf32, #tpu.memory_space<vmem>>
      %dma_start3A_148 = tpu.memref_slice %arg3[%run_scoped3A_69, %mul3A_68] : memref<32x16384xf32, #tpu.memory_space<hbm>> -> memref<1x512xf32, #tpu.memory_space<hbm>>
      %dma_start3A_149 = tpu.memref_squeeze %dma_start3A_148 : memref<1x512xf32, #tpu.memory_space<hbm>> -> memref<512xf32, #tpu.memory_space<hbm>>
      tpu.enqueue_dma source(%dma_start3A_149 : memref<512xf32, #tpu.memory_space<hbm>>) target(%dma_start3A_147 : memref<512xf32, #tpu.memory_space<vmem>>) target_semaphore(%run_scoped3A_142 : memref<!tpu.dma_semaphore, #tpu.memory_space<semaphore_mem>>)
      %dma_wait3A = arith.constant 8192 : i32
      %dma_wait3A_150 = tpu.memref_slice %arg10[%dma_wait3A] : memref<16384xf32, #tpu.memory_space<vmem>> -> memref<512xf32, #tpu.memory_space<vmem>>
      %dma_wait3A_151 = tpu.memref_slice %arg3[%run_scoped3A_69, %mul3A_68] : memref<32x16384xf32, #tpu.memory_space<hbm>> -> memref<1x512xf32, #tpu.memory_space<hbm>>
      %dma_wait3A_152 = tpu.memref_squeeze %dma_wait3A_151 : memref<1x512xf32, #tpu.memory_space<hbm>> -> memref<512xf32, #tpu.memory_space<hbm>>
      %dma_wait3A_153 = arith.constant 8192 : i32
      %dma_wait3A_154 = tpu.memref_slice %arg10[%dma_wait3A_153] : memref<16384xf32, #tpu.memory_space<vmem>> -> memref<512xf32, #tpu.memory_space<vmem>>
      %dma_wait3A_155 = tpu.memref_slice %arg3[%run_scoped3A_69, %mul3A_68] : memref<32x16384xf32, #tpu.memory_space<hbm>> -> memref<1x512xf32, #tpu.memory_space<hbm>>
      %dma_wait3A_156 = tpu.memref_squeeze %dma_wait3A_155 : memref<1x512xf32, #tpu.memory_space<hbm>> -> memref<512xf32, #tpu.memory_space<hbm>>
      tpu.wait_dma2 semaphore(%run_scoped3A_142 : memref<!tpu.dma_semaphore, #tpu.memory_space<semaphore_mem>>) src(%dma_wait3A_156 : memref<512xf32, #tpu.memory_space<hbm>>) dst(%dma_wait3A_154 : memref<512xf32, #tpu.memory_space<vmem>>)
      tpu.yield
    }) : () -> ()
    %run_scoped3A_70 = arith.constant 17 : i32
    "tpu.region"() ({
      %run_scoped3A_142 = tpu.sem_alloc : memref<!tpu.dma_semaphore, #tpu.memory_space<semaphore_mem>>
      %dma_start3A = arith.constant 2176 : i32
      %dma_start3A_143 = tpu.memref_slice %arg9[%dma_start3A] : memref<4096xf32, #tpu.memory_space<vmem>> -> memref<128xf32, #tpu.memory_space<vmem>>
      %dma_start3A_144 = tpu.memref_slice %arg2[%run_scoped3A_70, %mul3A_2] : memref<32x4096xf32, #tpu.memory_space<hbm>> -> memref<1x128xf32, #tpu.memory_space<hbm>>
      %dma_start3A_145 = tpu.memref_squeeze %dma_start3A_144 : memref<1x128xf32, #tpu.memory_space<hbm>> -> memref<128xf32, #tpu.memory_space<hbm>>
      %dma_start3A_146 = arith.constant 2176 : i32
      %dma_start3A_147 = tpu.memref_slice %arg9[%dma_start3A_146] : memref<4096xf32, #tpu.memory_space<vmem>> -> memref<128xf32, #tpu.memory_space<vmem>>
      %dma_start3A_148 = tpu.memref_slice %arg2[%run_scoped3A_70, %mul3A_2] : memref<32x4096xf32, #tpu.memory_space<hbm>> -> memref<1x128xf32, #tpu.memory_space<hbm>>
      %dma_start3A_149 = tpu.memref_squeeze %dma_start3A_148 : memref<1x128xf32, #tpu.memory_space<hbm>> -> memref<128xf32, #tpu.memory_space<hbm>>
      tpu.enqueue_dma source(%dma_start3A_149 : memref<128xf32, #tpu.memory_space<hbm>>) target(%dma_start3A_147 : memref<128xf32, #tpu.memory_space<vmem>>) target_semaphore(%run_scoped3A_142 : memref<!tpu.dma_semaphore, #tpu.memory_space<semaphore_mem>>)
      %dma_wait3A = arith.constant 2176 : i32
      %dma_wait3A_150 = tpu.memref_slice %arg9[%dma_wait3A] : memref<4096xf32, #tpu.memory_space<vmem>> -> memref<128xf32, #tpu.memory_space<vmem>>
      %dma_wait3A_151 = tpu.memref_slice %arg2[%run_scoped3A_70, %mul3A_2] : memref<32x4096xf32, #tpu.memory_space<hbm>> -> memref<1x128xf32, #tpu.memory_space<hbm>>
      %dma_wait3A_152 = tpu.memref_squeeze %dma_wait3A_151 : memref<1x128xf32, #tpu.memory_space<hbm>> -> memref<128xf32, #tpu.memory_space<hbm>>
      %dma_wait3A_153 = arith.constant 2176 : i32
      %dma_wait3A_154 = tpu.memref_slice %arg9[%dma_wait3A_153] : memref<4096xf32, #tpu.memory_space<vmem>> -> memref<128xf32, #tpu.memory_space<vmem>>
      %dma_wait3A_155 = tpu.memref_slice %arg2[%run_scoped3A_70, %mul3A_2] : memref<32x4096xf32, #tpu.memory_space<hbm>> -> memref<1x128xf32, #tpu.memory_space<hbm>>
      %dma_wait3A_156 = tpu.memref_squeeze %dma_wait3A_155 : memref<1x128xf32, #tpu.memory_space<hbm>> -> memref<128xf32, #tpu.memory_space<hbm>>
      tpu.wait_dma2 semaphore(%run_scoped3A_142 : memref<!tpu.dma_semaphore, #tpu.memory_space<semaphore_mem>>) src(%dma_wait3A_156 : memref<128xf32, #tpu.memory_space<hbm>>) dst(%dma_wait3A_154 : memref<128xf32, #tpu.memory_space<vmem>>)
      tpu.yield
    }) : () -> ()
    %mul3A_71 = arith.constant 4 : i32
    %mul3A_72 = arith.muli %mul3A_2, %mul3A_71 : i32
    %run_scoped3A_73 = arith.constant 17 : i32
    "tpu.region"() ({
      %run_scoped3A_142 = tpu.sem_alloc : memref<!tpu.dma_semaphore, #tpu.memory_space<semaphore_mem>>
      %dma_start3A = arith.constant 8704 : i32
      %dma_start3A_143 = tpu.memref_slice %arg10[%dma_start3A] : memref<16384xf32, #tpu.memory_space<vmem>> -> memref<512xf32, #tpu.memory_space<vmem>>
      %dma_start3A_144 = tpu.memref_slice %arg3[%run_scoped3A_73, %mul3A_72] : memref<32x16384xf32, #tpu.memory_space<hbm>> -> memref<1x512xf32, #tpu.memory_space<hbm>>
      %dma_start3A_145 = tpu.memref_squeeze %dma_start3A_144 : memref<1x512xf32, #tpu.memory_space<hbm>> -> memref<512xf32, #tpu.memory_space<hbm>>
      %dma_start3A_146 = arith.constant 8704 : i32
      %dma_start3A_147 = tpu.memref_slice %arg10[%dma_start3A_146] : memref<16384xf32, #tpu.memory_space<vmem>> -> memref<512xf32, #tpu.memory_space<vmem>>
      %dma_start3A_148 = tpu.memref_slice %arg3[%run_scoped3A_73, %mul3A_72] : memref<32x16384xf32, #tpu.memory_space<hbm>> -> memref<1x512xf32, #tpu.memory_space<hbm>>
      %dma_start3A_149 = tpu.memref_squeeze %dma_start3A_148 : memref<1x512xf32, #tpu.memory_space<hbm>> -> memref<512xf32, #tpu.memory_space<hbm>>
      tpu.enqueue_dma source(%dma_start3A_149 : memref<512xf32, #tpu.memory_space<hbm>>) target(%dma_start3A_147 : memref<512xf32, #tpu.memory_space<vmem>>) target_semaphore(%run_scoped3A_142 : memref<!tpu.dma_semaphore, #tpu.memory_space<semaphore_mem>>)
      %dma_wait3A = arith.constant 8704 : i32
      %dma_wait3A_150 = tpu.memref_slice %arg10[%dma_wait3A] : memref<16384xf32, #tpu.memory_space<vmem>> -> memref<512xf32, #tpu.memory_space<vmem>>
      %dma_wait3A_151 = tpu.memref_slice %arg3[%run_scoped3A_73, %mul3A_72] : memref<32x16384xf32, #tpu.memory_space<hbm>> -> memref<1x512xf32, #tpu.memory_space<hbm>>
      %dma_wait3A_152 = tpu.memref_squeeze %dma_wait3A_151 : memref<1x512xf32, #tpu.memory_space<hbm>> -> memref<512xf32, #tpu.memory_space<hbm>>
      %dma_wait3A_153 = arith.constant 8704 : i32
      %dma_wait3A_154 = tpu.memref_slice %arg10[%dma_wait3A_153] : memref<16384xf32, #tpu.memory_space<vmem>> -> memref<512xf32, #tpu.memory_space<vmem>>
      %dma_wait3A_155 = tpu.memref_slice %arg3[%run_scoped3A_73, %mul3A_72] : memref<32x16384xf32, #tpu.memory_space<hbm>> -> memref<1x512xf32, #tpu.memory_space<hbm>>
      %dma_wait3A_156 = tpu.memref_squeeze %dma_wait3A_155 : memref<1x512xf32, #tpu.memory_space<hbm>> -> memref<512xf32, #tpu.memory_space<hbm>>
      tpu.wait_dma2 semaphore(%run_scoped3A_142 : memref<!tpu.dma_semaphore, #tpu.memory_space<semaphore_mem>>) src(%dma_wait3A_156 : memref<512xf32, #tpu.memory_space<hbm>>) dst(%dma_wait3A_154 : memref<512xf32, #tpu.memory_space<vmem>>)
      tpu.yield
    }) : () -> ()
    %run_scoped3A_74 = arith.constant 18 : i32
    "tpu.region"() ({
      %run_scoped3A_142 = tpu.sem_alloc : memref<!tpu.dma_semaphore, #tpu.memory_space<semaphore_mem>>
      %dma_start3A = arith.constant 2304 : i32
      %dma_start3A_143 = tpu.memref_slice %arg9[%dma_start3A] : memref<4096xf32, #tpu.memory_space<vmem>> -> memref<128xf32, #tpu.memory_space<vmem>>
      %dma_start3A_144 = tpu.memref_slice %arg2[%run_scoped3A_74, %mul3A_2] : memref<32x4096xf32, #tpu.memory_space<hbm>> -> memref<1x128xf32, #tpu.memory_space<hbm>>
      %dma_start3A_145 = tpu.memref_squeeze %dma_start3A_144 : memref<1x128xf32, #tpu.memory_space<hbm>> -> memref<128xf32, #tpu.memory_space<hbm>>
      %dma_start3A_146 = arith.constant 2304 : i32
      %dma_start3A_147 = tpu.memref_slice %arg9[%dma_start3A_146] : memref<4096xf32, #tpu.memory_space<vmem>> -> memref<128xf32, #tpu.memory_space<vmem>>
      %dma_start3A_148 = tpu.memref_slice %arg2[%run_scoped3A_74, %mul3A_2] : memref<32x4096xf32, #tpu.memory_space<hbm>> -> memref<1x128xf32, #tpu.memory_space<hbm>>
      %dma_start3A_149 = tpu.memref_squeeze %dma_start3A_148 : memref<1x128xf32, #tpu.memory_space<hbm>> -> memref<128xf32, #tpu.memory_space<hbm>>
      tpu.enqueue_dma source(%dma_start3A_149 : memref<128xf32, #tpu.memory_space<hbm>>) target(%dma_start3A_147 : memref<128xf32, #tpu.memory_space<vmem>>) target_semaphore(%run_scoped3A_142 : memref<!tpu.dma_semaphore, #tpu.memory_space<semaphore_mem>>)
      %dma_wait3A = arith.constant 2304 : i32
      %dma_wait3A_150 = tpu.memref_slice %arg9[%dma_wait3A] : memref<4096xf32, #tpu.memory_space<vmem>> -> memref<128xf32, #tpu.memory_space<vmem>>
      %dma_wait3A_151 = tpu.memref_slice %arg2[%run_scoped3A_74, %mul3A_2] : memref<32x4096xf32, #tpu.memory_space<hbm>> -> memref<1x128xf32, #tpu.memory_space<hbm>>
      %dma_wait3A_152 = tpu.memref_squeeze %dma_wait3A_151 : memref<1x128xf32, #tpu.memory_space<hbm>> -> memref<128xf32, #tpu.memory_space<hbm>>
      %dma_wait3A_153 = arith.constant 2304 : i32
      %dma_wait3A_154 = tpu.memref_slice %arg9[%dma_wait3A_153] : memref<4096xf32, #tpu.memory_space<vmem>> -> memref<128xf32, #tpu.memory_space<vmem>>
      %dma_wait3A_155 = tpu.memref_slice %arg2[%run_scoped3A_74, %mul3A_2] : memref<32x4096xf32, #tpu.memory_space<hbm>> -> memref<1x128xf32, #tpu.memory_space<hbm>>
      %dma_wait3A_156 = tpu.memref_squeeze %dma_wait3A_155 : memref<1x128xf32, #tpu.memory_space<hbm>> -> memref<128xf32, #tpu.memory_space<hbm>>
      tpu.wait_dma2 semaphore(%run_scoped3A_142 : memref<!tpu.dma_semaphore, #tpu.memory_space<semaphore_mem>>) src(%dma_wait3A_156 : memref<128xf32, #tpu.memory_space<hbm>>) dst(%dma_wait3A_154 : memref<128xf32, #tpu.memory_space<vmem>>)
      tpu.yield
    }) : () -> ()
    %mul3A_75 = arith.constant 4 : i32
    %mul3A_76 = arith.muli %mul3A_2, %mul3A_75 : i32
    %run_scoped3A_77 = arith.constant 18 : i32
    "tpu.region"() ({
      %run_scoped3A_142 = tpu.sem_alloc : memref<!tpu.dma_semaphore, #tpu.memory_space<semaphore_mem>>
      %dma_start3A = arith.constant 9216 : i32
      %dma_start3A_143 = tpu.memref_slice %arg10[%dma_start3A] : memref<16384xf32, #tpu.memory_space<vmem>> -> memref<512xf32, #tpu.memory_space<vmem>>
      %dma_start3A_144 = tpu.memref_slice %arg3[%run_scoped3A_77, %mul3A_76] : memref<32x16384xf32, #tpu.memory_space<hbm>> -> memref<1x512xf32, #tpu.memory_space<hbm>>
      %dma_start3A_145 = tpu.memref_squeeze %dma_start3A_144 : memref<1x512xf32, #tpu.memory_space<hbm>> -> memref<512xf32, #tpu.memory_space<hbm>>
      %dma_start3A_146 = arith.constant 9216 : i32
      %dma_start3A_147 = tpu.memref_slice %arg10[%dma_start3A_146] : memref<16384xf32, #tpu.memory_space<vmem>> -> memref<512xf32, #tpu.memory_space<vmem>>
      %dma_start3A_148 = tpu.memref_slice %arg3[%run_scoped3A_77, %mul3A_76] : memref<32x16384xf32, #tpu.memory_space<hbm>> -> memref<1x512xf32, #tpu.memory_space<hbm>>
      %dma_start3A_149 = tpu.memref_squeeze %dma_start3A_148 : memref<1x512xf32, #tpu.memory_space<hbm>> -> memref<512xf32, #tpu.memory_space<hbm>>
      tpu.enqueue_dma source(%dma_start3A_149 : memref<512xf32, #tpu.memory_space<hbm>>) target(%dma_start3A_147 : memref<512xf32, #tpu.memory_space<vmem>>) target_semaphore(%run_scoped3A_142 : memref<!tpu.dma_semaphore, #tpu.memory_space<semaphore_mem>>)
      %dma_wait3A = arith.constant 9216 : i32
      %dma_wait3A_150 = tpu.memref_slice %arg10[%dma_wait3A] : memref<16384xf32, #tpu.memory_space<vmem>> -> memref<512xf32, #tpu.memory_space<vmem>>
      %dma_wait3A_151 = tpu.memref_slice %arg3[%run_scoped3A_77, %mul3A_76] : memref<32x16384xf32, #tpu.memory_space<hbm>> -> memref<1x512xf32, #tpu.memory_space<hbm>>
      %dma_wait3A_152 = tpu.memref_squeeze %dma_wait3A_151 : memref<1x512xf32, #tpu.memory_space<hbm>> -> memref<512xf32, #tpu.memory_space<hbm>>
      %dma_wait3A_153 = arith.constant 9216 : i32
      %dma_wait3A_154 = tpu.memref_slice %arg10[%dma_wait3A_153] : memref<16384xf32, #tpu.memory_space<vmem>> -> memref<512xf32, #tpu.memory_space<vmem>>
      %dma_wait3A_155 = tpu.memref_slice %arg3[%run_scoped3A_77, %mul3A_76] : memref<32x16384xf32, #tpu.memory_space<hbm>> -> memref<1x512xf32, #tpu.memory_space<hbm>>
      %dma_wait3A_156 = tpu.memref_squeeze %dma_wait3A_155 : memref<1x512xf32, #tpu.memory_space<hbm>> -> memref<512xf32, #tpu.memory_space<hbm>>
      tpu.wait_dma2 semaphore(%run_scoped3A_142 : memref<!tpu.dma_semaphore, #tpu.memory_space<semaphore_mem>>) src(%dma_wait3A_156 : memref<512xf32, #tpu.memory_space<hbm>>) dst(%dma_wait3A_154 : memref<512xf32, #tpu.memory_space<vmem>>)
      tpu.yield
    }) : () -> ()
    %run_scoped3A_78 = arith.constant 19 : i32
    "tpu.region"() ({
      %run_scoped3A_142 = tpu.sem_alloc : memref<!tpu.dma_semaphore, #tpu.memory_space<semaphore_mem>>
      %dma_start3A = arith.constant 2432 : i32
      %dma_start3A_143 = tpu.memref_slice %arg9[%dma_start3A] : memref<4096xf32, #tpu.memory_space<vmem>> -> memref<128xf32, #tpu.memory_space<vmem>>
      %dma_start3A_144 = tpu.memref_slice %arg2[%run_scoped3A_78, %mul3A_2] : memref<32x4096xf32, #tpu.memory_space<hbm>> -> memref<1x128xf32, #tpu.memory_space<hbm>>
      %dma_start3A_145 = tpu.memref_squeeze %dma_start3A_144 : memref<1x128xf32, #tpu.memory_space<hbm>> -> memref<128xf32, #tpu.memory_space<hbm>>
      %dma_start3A_146 = arith.constant 2432 : i32
      %dma_start3A_147 = tpu.memref_slice %arg9[%dma_start3A_146] : memref<4096xf32, #tpu.memory_space<vmem>> -> memref<128xf32, #tpu.memory_space<vmem>>
      %dma_start3A_148 = tpu.memref_slice %arg2[%run_scoped3A_78, %mul3A_2] : memref<32x4096xf32, #tpu.memory_space<hbm>> -> memref<1x128xf32, #tpu.memory_space<hbm>>
      %dma_start3A_149 = tpu.memref_squeeze %dma_start3A_148 : memref<1x128xf32, #tpu.memory_space<hbm>> -> memref<128xf32, #tpu.memory_space<hbm>>
      tpu.enqueue_dma source(%dma_start3A_149 : memref<128xf32, #tpu.memory_space<hbm>>) target(%dma_start3A_147 : memref<128xf32, #tpu.memory_space<vmem>>) target_semaphore(%run_scoped3A_142 : memref<!tpu.dma_semaphore, #tpu.memory_space<semaphore_mem>>)
      %dma_wait3A = arith.constant 2432 : i32
      %dma_wait3A_150 = tpu.memref_slice %arg9[%dma_wait3A] : memref<4096xf32, #tpu.memory_space<vmem>> -> memref<128xf32, #tpu.memory_space<vmem>>
      %dma_wait3A_151 = tpu.memref_slice %arg2[%run_scoped3A_78, %mul3A_2] : memref<32x4096xf32, #tpu.memory_space<hbm>> -> memref<1x128xf32, #tpu.memory_space<hbm>>
      %dma_wait3A_152 = tpu.memref_squeeze %dma_wait3A_151 : memref<1x128xf32, #tpu.memory_space<hbm>> -> memref<128xf32, #tpu.memory_space<hbm>>
      %dma_wait3A_153 = arith.constant 2432 : i32
      %dma_wait3A_154 = tpu.memref_slice %arg9[%dma_wait3A_153] : memref<4096xf32, #tpu.memory_space<vmem>> -> memref<128xf32, #tpu.memory_space<vmem>>
      %dma_wait3A_155 = tpu.memref_slice %arg2[%run_scoped3A_78, %mul3A_2] : memref<32x4096xf32, #tpu.memory_space<hbm>> -> memref<1x128xf32, #tpu.memory_space<hbm>>
      %dma_wait3A_156 = tpu.memref_squeeze %dma_wait3A_155 : memref<1x128xf32, #tpu.memory_space<hbm>> -> memref<128xf32, #tpu.memory_space<hbm>>
      tpu.wait_dma2 semaphore(%run_scoped3A_142 : memref<!tpu.dma_semaphore, #tpu.memory_space<semaphore_mem>>) src(%dma_wait3A_156 : memref<128xf32, #tpu.memory_space<hbm>>) dst(%dma_wait3A_154 : memref<128xf32, #tpu.memory_space<vmem>>)
      tpu.yield
    }) : () -> ()
    %mul3A_79 = arith.constant 4 : i32
    %mul3A_80 = arith.muli %mul3A_2, %mul3A_79 : i32
    %run_scoped3A_81 = arith.constant 19 : i32
    "tpu.region"() ({
      %run_scoped3A_142 = tpu.sem_alloc : memref<!tpu.dma_semaphore, #tpu.memory_space<semaphore_mem>>
      %dma_start3A = arith.constant 9728 : i32
      %dma_start3A_143 = tpu.memref_slice %arg10[%dma_start3A] : memref<16384xf32, #tpu.memory_space<vmem>> -> memref<512xf32, #tpu.memory_space<vmem>>
      %dma_start3A_144 = tpu.memref_slice %arg3[%run_scoped3A_81, %mul3A_80] : memref<32x16384xf32, #tpu.memory_space<hbm>> -> memref<1x512xf32, #tpu.memory_space<hbm>>
      %dma_start3A_145 = tpu.memref_squeeze %dma_start3A_144 : memref<1x512xf32, #tpu.memory_space<hbm>> -> memref<512xf32, #tpu.memory_space<hbm>>
      %dma_start3A_146 = arith.constant 9728 : i32
      %dma_start3A_147 = tpu.memref_slice %arg10[%dma_start3A_146] : memref<16384xf32, #tpu.memory_space<vmem>> -> memref<512xf32, #tpu.memory_space<vmem>>
      %dma_start3A_148 = tpu.memref_slice %arg3[%run_scoped3A_81, %mul3A_80] : memref<32x16384xf32, #tpu.memory_space<hbm>> -> memref<1x512xf32, #tpu.memory_space<hbm>>
      %dma_start3A_149 = tpu.memref_squeeze %dma_start3A_148 : memref<1x512xf32, #tpu.memory_space<hbm>> -> memref<512xf32, #tpu.memory_space<hbm>>
      tpu.enqueue_dma source(%dma_start3A_149 : memref<512xf32, #tpu.memory_space<hbm>>) target(%dma_start3A_147 : memref<512xf32, #tpu.memory_space<vmem>>) target_semaphore(%run_scoped3A_142 : memref<!tpu.dma_semaphore, #tpu.memory_space<semaphore_mem>>)
      %dma_wait3A = arith.constant 9728 : i32
      %dma_wait3A_150 = tpu.memref_slice %arg10[%dma_wait3A] : memref<16384xf32, #tpu.memory_space<vmem>> -> memref<512xf32, #tpu.memory_space<vmem>>
      %dma_wait3A_151 = tpu.memref_slice %arg3[%run_scoped3A_81, %mul3A_80] : memref<32x16384xf32, #tpu.memory_space<hbm>> -> memref<1x512xf32, #tpu.memory_space<hbm>>
      %dma_wait3A_152 = tpu.memref_squeeze %dma_wait3A_151 : memref<1x512xf32, #tpu.memory_space<hbm>> -> memref<512xf32, #tpu.memory_space<hbm>>
      %dma_wait3A_153 = arith.constant 9728 : i32
      %dma_wait3A_154 = tpu.memref_slice %arg10[%dma_wait3A_153] : memref<16384xf32, #tpu.memory_space<vmem>> -> memref<512xf32, #tpu.memory_space<vmem>>
      %dma_wait3A_155 = tpu.memref_slice %arg3[%run_scoped3A_81, %mul3A_80] : memref<32x16384xf32, #tpu.memory_space<hbm>> -> memref<1x512xf32, #tpu.memory_space<hbm>>
      %dma_wait3A_156 = tpu.memref_squeeze %dma_wait3A_155 : memref<1x512xf32, #tpu.memory_space<hbm>> -> memref<512xf32, #tpu.memory_space<hbm>>
      tpu.wait_dma2 semaphore(%run_scoped3A_142 : memref<!tpu.dma_semaphore, #tpu.memory_space<semaphore_mem>>) src(%dma_wait3A_156 : memref<512xf32, #tpu.memory_space<hbm>>) dst(%dma_wait3A_154 : memref<512xf32, #tpu.memory_space<vmem>>)
      tpu.yield
    }) : () -> ()
    %run_scoped3A_82 = arith.constant 20 : i32
    "tpu.region"() ({
      %run_scoped3A_142 = tpu.sem_alloc : memref<!tpu.dma_semaphore, #tpu.memory_space<semaphore_mem>>
      %dma_start3A = arith.constant 2560 : i32
      %dma_start3A_143 = tpu.memref_slice %arg9[%dma_start3A] : memref<4096xf32, #tpu.memory_space<vmem>> -> memref<128xf32, #tpu.memory_space<vmem>>
      %dma_start3A_144 = tpu.memref_slice %arg2[%run_scoped3A_82, %mul3A_2] : memref<32x4096xf32, #tpu.memory_space<hbm>> -> memref<1x128xf32, #tpu.memory_space<hbm>>
      %dma_start3A_145 = tpu.memref_squeeze %dma_start3A_144 : memref<1x128xf32, #tpu.memory_space<hbm>> -> memref<128xf32, #tpu.memory_space<hbm>>
      %dma_start3A_146 = arith.constant 2560 : i32
      %dma_start3A_147 = tpu.memref_slice %arg9[%dma_start3A_146] : memref<4096xf32, #tpu.memory_space<vmem>> -> memref<128xf32, #tpu.memory_space<vmem>>
      %dma_start3A_148 = tpu.memref_slice %arg2[%run_scoped3A_82, %mul3A_2] : memref<32x4096xf32, #tpu.memory_space<hbm>> -> memref<1x128xf32, #tpu.memory_space<hbm>>
      %dma_start3A_149 = tpu.memref_squeeze %dma_start3A_148 : memref<1x128xf32, #tpu.memory_space<hbm>> -> memref<128xf32, #tpu.memory_space<hbm>>
      tpu.enqueue_dma source(%dma_start3A_149 : memref<128xf32, #tpu.memory_space<hbm>>) target(%dma_start3A_147 : memref<128xf32, #tpu.memory_space<vmem>>) target_semaphore(%run_scoped3A_142 : memref<!tpu.dma_semaphore, #tpu.memory_space<semaphore_mem>>)
      %dma_wait3A = arith.constant 2560 : i32
      %dma_wait3A_150 = tpu.memref_slice %arg9[%dma_wait3A] : memref<4096xf32, #tpu.memory_space<vmem>> -> memref<128xf32, #tpu.memory_space<vmem>>
      %dma_wait3A_151 = tpu.memref_slice %arg2[%run_scoped3A_82, %mul3A_2] : memref<32x4096xf32, #tpu.memory_space<hbm>> -> memref<1x128xf32, #tpu.memory_space<hbm>>
      %dma_wait3A_152 = tpu.memref_squeeze %dma_wait3A_151 : memref<1x128xf32, #tpu.memory_space<hbm>> -> memref<128xf32, #tpu.memory_space<hbm>>
      %dma_wait3A_153 = arith.constant 2560 : i32
      %dma_wait3A_154 = tpu.memref_slice %arg9[%dma_wait3A_153] : memref<4096xf32, #tpu.memory_space<vmem>> -> memref<128xf32, #tpu.memory_space<vmem>>
      %dma_wait3A_155 = tpu.memref_slice %arg2[%run_scoped3A_82, %mul3A_2] : memref<32x4096xf32, #tpu.memory_space<hbm>> -> memref<1x128xf32, #tpu.memory_space<hbm>>
      %dma_wait3A_156 = tpu.memref_squeeze %dma_wait3A_155 : memref<1x128xf32, #tpu.memory_space<hbm>> -> memref<128xf32, #tpu.memory_space<hbm>>
      tpu.wait_dma2 semaphore(%run_scoped3A_142 : memref<!tpu.dma_semaphore, #tpu.memory_space<semaphore_mem>>) src(%dma_wait3A_156 : memref<128xf32, #tpu.memory_space<hbm>>) dst(%dma_wait3A_154 : memref<128xf32, #tpu.memory_space<vmem>>)
      tpu.yield
    }) : () -> ()
    %mul3A_83 = arith.constant 4 : i32
    %mul3A_84 = arith.muli %mul3A_2, %mul3A_83 : i32
    %run_scoped3A_85 = arith.constant 20 : i32
    "tpu.region"() ({
      %run_scoped3A_142 = tpu.sem_alloc : memref<!tpu.dma_semaphore, #tpu.memory_space<semaphore_mem>>
      %dma_start3A = arith.constant 10240 : i32
      %dma_start3A_143 = tpu.memref_slice %arg10[%dma_start3A] : memref<16384xf32, #tpu.memory_space<vmem>> -> memref<512xf32, #tpu.memory_space<vmem>>
      %dma_start3A_144 = tpu.memref_slice %arg3[%run_scoped3A_85, %mul3A_84] : memref<32x16384xf32, #tpu.memory_space<hbm>> -> memref<1x512xf32, #tpu.memory_space<hbm>>
      %dma_start3A_145 = tpu.memref_squeeze %dma_start3A_144 : memref<1x512xf32, #tpu.memory_space<hbm>> -> memref<512xf32, #tpu.memory_space<hbm>>
      %dma_start3A_146 = arith.constant 10240 : i32
      %dma_start3A_147 = tpu.memref_slice %arg10[%dma_start3A_146] : memref<16384xf32, #tpu.memory_space<vmem>> -> memref<512xf32, #tpu.memory_space<vmem>>
      %dma_start3A_148 = tpu.memref_slice %arg3[%run_scoped3A_85, %mul3A_84] : memref<32x16384xf32, #tpu.memory_space<hbm>> -> memref<1x512xf32, #tpu.memory_space<hbm>>
      %dma_start3A_149 = tpu.memref_squeeze %dma_start3A_148 : memref<1x512xf32, #tpu.memory_space<hbm>> -> memref<512xf32, #tpu.memory_space<hbm>>
      tpu.enqueue_dma source(%dma_start3A_149 : memref<512xf32, #tpu.memory_space<hbm>>) target(%dma_start3A_147 : memref<512xf32, #tpu.memory_space<vmem>>) target_semaphore(%run_scoped3A_142 : memref<!tpu.dma_semaphore, #tpu.memory_space<semaphore_mem>>)
      %dma_wait3A = arith.constant 10240 : i32
      %dma_wait3A_150 = tpu.memref_slice %arg10[%dma_wait3A] : memref<16384xf32, #tpu.memory_space<vmem>> -> memref<512xf32, #tpu.memory_space<vmem>>
      %dma_wait3A_151 = tpu.memref_slice %arg3[%run_scoped3A_85, %mul3A_84] : memref<32x16384xf32, #tpu.memory_space<hbm>> -> memref<1x512xf32, #tpu.memory_space<hbm>>
      %dma_wait3A_152 = tpu.memref_squeeze %dma_wait3A_151 : memref<1x512xf32, #tpu.memory_space<hbm>> -> memref<512xf32, #tpu.memory_space<hbm>>
      %dma_wait3A_153 = arith.constant 10240 : i32
      %dma_wait3A_154 = tpu.memref_slice %arg10[%dma_wait3A_153] : memref<16384xf32, #tpu.memory_space<vmem>> -> memref<512xf32, #tpu.memory_space<vmem>>
      %dma_wait3A_155 = tpu.memref_slice %arg3[%run_scoped3A_85, %mul3A_84] : memref<32x16384xf32, #tpu.memory_space<hbm>> -> memref<1x512xf32, #tpu.memory_space<hbm>>
      %dma_wait3A_156 = tpu.memref_squeeze %dma_wait3A_155 : memref<1x512xf32, #tpu.memory_space<hbm>> -> memref<512xf32, #tpu.memory_space<hbm>>
      tpu.wait_dma2 semaphore(%run_scoped3A_142 : memref<!tpu.dma_semaphore, #tpu.memory_space<semaphore_mem>>) src(%dma_wait3A_156 : memref<512xf32, #tpu.memory_space<hbm>>) dst(%dma_wait3A_154 : memref<512xf32, #tpu.memory_space<vmem>>)
      tpu.yield
    }) : () -> ()
    %run_scoped3A_86 = arith.constant 21 : i32
    "tpu.region"() ({
      %run_scoped3A_142 = tpu.sem_alloc : memref<!tpu.dma_semaphore, #tpu.memory_space<semaphore_mem>>
      %dma_start3A = arith.constant 2688 : i32
      %dma_start3A_143 = tpu.memref_slice %arg9[%dma_start3A] : memref<4096xf32, #tpu.memory_space<vmem>> -> memref<128xf32, #tpu.memory_space<vmem>>
      %dma_start3A_144 = tpu.memref_slice %arg2[%run_scoped3A_86, %mul3A_2] : memref<32x4096xf32, #tpu.memory_space<hbm>> -> memref<1x128xf32, #tpu.memory_space<hbm>>
      %dma_start3A_145 = tpu.memref_squeeze %dma_start3A_144 : memref<1x128xf32, #tpu.memory_space<hbm>> -> memref<128xf32, #tpu.memory_space<hbm>>
      %dma_start3A_146 = arith.constant 2688 : i32
      %dma_start3A_147 = tpu.memref_slice %arg9[%dma_start3A_146] : memref<4096xf32, #tpu.memory_space<vmem>> -> memref<128xf32, #tpu.memory_space<vmem>>
      %dma_start3A_148 = tpu.memref_slice %arg2[%run_scoped3A_86, %mul3A_2] : memref<32x4096xf32, #tpu.memory_space<hbm>> -> memref<1x128xf32, #tpu.memory_space<hbm>>
      %dma_start3A_149 = tpu.memref_squeeze %dma_start3A_148 : memref<1x128xf32, #tpu.memory_space<hbm>> -> memref<128xf32, #tpu.memory_space<hbm>>
      tpu.enqueue_dma source(%dma_start3A_149 : memref<128xf32, #tpu.memory_space<hbm>>) target(%dma_start3A_147 : memref<128xf32, #tpu.memory_space<vmem>>) target_semaphore(%run_scoped3A_142 : memref<!tpu.dma_semaphore, #tpu.memory_space<semaphore_mem>>)
      %dma_wait3A = arith.constant 2688 : i32
      %dma_wait3A_150 = tpu.memref_slice %arg9[%dma_wait3A] : memref<4096xf32, #tpu.memory_space<vmem>> -> memref<128xf32, #tpu.memory_space<vmem>>
      %dma_wait3A_151 = tpu.memref_slice %arg2[%run_scoped3A_86, %mul3A_2] : memref<32x4096xf32, #tpu.memory_space<hbm>> -> memref<1x128xf32, #tpu.memory_space<hbm>>
      %dma_wait3A_152 = tpu.memref_squeeze %dma_wait3A_151 : memref<1x128xf32, #tpu.memory_space<hbm>> -> memref<128xf32, #tpu.memory_space<hbm>>
      %dma_wait3A_153 = arith.constant 2688 : i32
      %dma_wait3A_154 = tpu.memref_slice %arg9[%dma_wait3A_153] : memref<4096xf32, #tpu.memory_space<vmem>> -> memref<128xf32, #tpu.memory_space<vmem>>
      %dma_wait3A_155 = tpu.memref_slice %arg2[%run_scoped3A_86, %mul3A_2] : memref<32x4096xf32, #tpu.memory_space<hbm>> -> memref<1x128xf32, #tpu.memory_space<hbm>>
      %dma_wait3A_156 = tpu.memref_squeeze %dma_wait3A_155 : memref<1x128xf32, #tpu.memory_space<hbm>> -> memref<128xf32, #tpu.memory_space<hbm>>
      tpu.wait_dma2 semaphore(%run_scoped3A_142 : memref<!tpu.dma_semaphore, #tpu.memory_space<semaphore_mem>>) src(%dma_wait3A_156 : memref<128xf32, #tpu.memory_space<hbm>>) dst(%dma_wait3A_154 : memref<128xf32, #tpu.memory_space<vmem>>)
      tpu.yield
    }) : () -> ()
    %mul3A_87 = arith.constant 4 : i32
    %mul3A_88 = arith.muli %mul3A_2, %mul3A_87 : i32
    %run_scoped3A_89 = arith.constant 21 : i32
    "tpu.region"() ({
      %run_scoped3A_142 = tpu.sem_alloc : memref<!tpu.dma_semaphore, #tpu.memory_space<semaphore_mem>>
      %dma_start3A = arith.constant 10752 : i32
      %dma_start3A_143 = tpu.memref_slice %arg10[%dma_start3A] : memref<16384xf32, #tpu.memory_space<vmem>> -> memref<512xf32, #tpu.memory_space<vmem>>
      %dma_start3A_144 = tpu.memref_slice %arg3[%run_scoped3A_89, %mul3A_88] : memref<32x16384xf32, #tpu.memory_space<hbm>> -> memref<1x512xf32, #tpu.memory_space<hbm>>
      %dma_start3A_145 = tpu.memref_squeeze %dma_start3A_144 : memref<1x512xf32, #tpu.memory_space<hbm>> -> memref<512xf32, #tpu.memory_space<hbm>>
      %dma_start3A_146 = arith.constant 10752 : i32
      %dma_start3A_147 = tpu.memref_slice %arg10[%dma_start3A_146] : memref<16384xf32, #tpu.memory_space<vmem>> -> memref<512xf32, #tpu.memory_space<vmem>>
      %dma_start3A_148 = tpu.memref_slice %arg3[%run_scoped3A_89, %mul3A_88] : memref<32x16384xf32, #tpu.memory_space<hbm>> -> memref<1x512xf32, #tpu.memory_space<hbm>>
      %dma_start3A_149 = tpu.memref_squeeze %dma_start3A_148 : memref<1x512xf32, #tpu.memory_space<hbm>> -> memref<512xf32, #tpu.memory_space<hbm>>
      tpu.enqueue_dma source(%dma_start3A_149 : memref<512xf32, #tpu.memory_space<hbm>>) target(%dma_start3A_147 : memref<512xf32, #tpu.memory_space<vmem>>) target_semaphore(%run_scoped3A_142 : memref<!tpu.dma_semaphore, #tpu.memory_space<semaphore_mem>>)
      %dma_wait3A = arith.constant 10752 : i32
      %dma_wait3A_150 = tpu.memref_slice %arg10[%dma_wait3A] : memref<16384xf32, #tpu.memory_space<vmem>> -> memref<512xf32, #tpu.memory_space<vmem>>
      %dma_wait3A_151 = tpu.memref_slice %arg3[%run_scoped3A_89, %mul3A_88] : memref<32x16384xf32, #tpu.memory_space<hbm>> -> memref<1x512xf32, #tpu.memory_space<hbm>>
      %dma_wait3A_152 = tpu.memref_squeeze %dma_wait3A_151 : memref<1x512xf32, #tpu.memory_space<hbm>> -> memref<512xf32, #tpu.memory_space<hbm>>
      %dma_wait3A_153 = arith.constant 10752 : i32
      %dma_wait3A_154 = tpu.memref_slice %arg10[%dma_wait3A_153] : memref<16384xf32, #tpu.memory_space<vmem>> -> memref<512xf32, #tpu.memory_space<vmem>>
      %dma_wait3A_155 = tpu.memref_slice %arg3[%run_scoped3A_89, %mul3A_88] : memref<32x16384xf32, #tpu.memory_space<hbm>> -> memref<1x512xf32, #tpu.memory_space<hbm>>
      %dma_wait3A_156 = tpu.memref_squeeze %dma_wait3A_155 : memref<1x512xf32, #tpu.memory_space<hbm>> -> memref<512xf32, #tpu.memory_space<hbm>>
      tpu.wait_dma2 semaphore(%run_scoped3A_142 : memref<!tpu.dma_semaphore, #tpu.memory_space<semaphore_mem>>) src(%dma_wait3A_156 : memref<512xf32, #tpu.memory_space<hbm>>) dst(%dma_wait3A_154 : memref<512xf32, #tpu.memory_space<vmem>>)
      tpu.yield
    }) : () -> ()
    %run_scoped3A_90 = arith.constant 22 : i32
    "tpu.region"() ({
      %run_scoped3A_142 = tpu.sem_alloc : memref<!tpu.dma_semaphore, #tpu.memory_space<semaphore_mem>>
      %dma_start3A = arith.constant 2816 : i32
      %dma_start3A_143 = tpu.memref_slice %arg9[%dma_start3A] : memref<4096xf32, #tpu.memory_space<vmem>> -> memref<128xf32, #tpu.memory_space<vmem>>
      %dma_start3A_144 = tpu.memref_slice %arg2[%run_scoped3A_90, %mul3A_2] : memref<32x4096xf32, #tpu.memory_space<hbm>> -> memref<1x128xf32, #tpu.memory_space<hbm>>
      %dma_start3A_145 = tpu.memref_squeeze %dma_start3A_144 : memref<1x128xf32, #tpu.memory_space<hbm>> -> memref<128xf32, #tpu.memory_space<hbm>>
      %dma_start3A_146 = arith.constant 2816 : i32
      %dma_start3A_147 = tpu.memref_slice %arg9[%dma_start3A_146] : memref<4096xf32, #tpu.memory_space<vmem>> -> memref<128xf32, #tpu.memory_space<vmem>>
      %dma_start3A_148 = tpu.memref_slice %arg2[%run_scoped3A_90, %mul3A_2] : memref<32x4096xf32, #tpu.memory_space<hbm>> -> memref<1x128xf32, #tpu.memory_space<hbm>>
      %dma_start3A_149 = tpu.memref_squeeze %dma_start3A_148 : memref<1x128xf32, #tpu.memory_space<hbm>> -> memref<128xf32, #tpu.memory_space<hbm>>
      tpu.enqueue_dma source(%dma_start3A_149 : memref<128xf32, #tpu.memory_space<hbm>>) target(%dma_start3A_147 : memref<128xf32, #tpu.memory_space<vmem>>) target_semaphore(%run_scoped3A_142 : memref<!tpu.dma_semaphore, #tpu.memory_space<semaphore_mem>>)
      %dma_wait3A = arith.constant 2816 : i32
      %dma_wait3A_150 = tpu.memref_slice %arg9[%dma_wait3A] : memref<4096xf32, #tpu.memory_space<vmem>> -> memref<128xf32, #tpu.memory_space<vmem>>
      %dma_wait3A_151 = tpu.memref_slice %arg2[%run_scoped3A_90, %mul3A_2] : memref<32x4096xf32, #tpu.memory_space<hbm>> -> memref<1x128xf32, #tpu.memory_space<hbm>>
      %dma_wait3A_152 = tpu.memref_squeeze %dma_wait3A_151 : memref<1x128xf32, #tpu.memory_space<hbm>> -> memref<128xf32, #tpu.memory_space<hbm>>
      %dma_wait3A_153 = arith.constant 2816 : i32
      %dma_wait3A_154 = tpu.memref_slice %arg9[%dma_wait3A_153] : memref<4096xf32, #tpu.memory_space<vmem>> -> memref<128xf32, #tpu.memory_space<vmem>>
      %dma_wait3A_155 = tpu.memref_slice %arg2[%run_scoped3A_90, %mul3A_2] : memref<32x4096xf32, #tpu.memory_space<hbm>> -> memref<1x128xf32, #tpu.memory_space<hbm>>
      %dma_wait3A_156 = tpu.memref_squeeze %dma_wait3A_155 : memref<1x128xf32, #tpu.memory_space<hbm>> -> memref<128xf32, #tpu.memory_space<hbm>>
      tpu.wait_dma2 semaphore(%run_scoped3A_142 : memref<!tpu.dma_semaphore, #tpu.memory_space<semaphore_mem>>) src(%dma_wait3A_156 : memref<128xf32, #tpu.memory_space<hbm>>) dst(%dma_wait3A_154 : memref<128xf32, #tpu.memory_space<vmem>>)
      tpu.yield
    }) : () -> ()
    %mul3A_91 = arith.constant 4 : i32
    %mul3A_92 = arith.muli %mul3A_2, %mul3A_91 : i32
    %run_scoped3A_93 = arith.constant 22 : i32
    "tpu.region"() ({
      %run_scoped3A_142 = tpu.sem_alloc : memref<!tpu.dma_semaphore, #tpu.memory_space<semaphore_mem>>
      %dma_start3A = arith.constant 11264 : i32
      %dma_start3A_143 = tpu.memref_slice %arg10[%dma_start3A] : memref<16384xf32, #tpu.memory_space<vmem>> -> memref<512xf32, #tpu.memory_space<vmem>>
      %dma_start3A_144 = tpu.memref_slice %arg3[%run_scoped3A_93, %mul3A_92] : memref<32x16384xf32, #tpu.memory_space<hbm>> -> memref<1x512xf32, #tpu.memory_space<hbm>>
      %dma_start3A_145 = tpu.memref_squeeze %dma_start3A_144 : memref<1x512xf32, #tpu.memory_space<hbm>> -> memref<512xf32, #tpu.memory_space<hbm>>
      %dma_start3A_146 = arith.constant 11264 : i32
      %dma_start3A_147 = tpu.memref_slice %arg10[%dma_start3A_146] : memref<16384xf32, #tpu.memory_space<vmem>> -> memref<512xf32, #tpu.memory_space<vmem>>
      %dma_start3A_148 = tpu.memref_slice %arg3[%run_scoped3A_93, %mul3A_92] : memref<32x16384xf32, #tpu.memory_space<hbm>> -> memref<1x512xf32, #tpu.memory_space<hbm>>
      %dma_start3A_149 = tpu.memref_squeeze %dma_start3A_148 : memref<1x512xf32, #tpu.memory_space<hbm>> -> memref<512xf32, #tpu.memory_space<hbm>>
      tpu.enqueue_dma source(%dma_start3A_149 : memref<512xf32, #tpu.memory_space<hbm>>) target(%dma_start3A_147 : memref<512xf32, #tpu.memory_space<vmem>>) target_semaphore(%run_scoped3A_142 : memref<!tpu.dma_semaphore, #tpu.memory_space<semaphore_mem>>)
      %dma_wait3A = arith.constant 11264 : i32
      %dma_wait3A_150 = tpu.memref_slice %arg10[%dma_wait3A] : memref<16384xf32, #tpu.memory_space<vmem>> -> memref<512xf32, #tpu.memory_space<vmem>>
      %dma_wait3A_151 = tpu.memref_slice %arg3[%run_scoped3A_93, %mul3A_92] : memref<32x16384xf32, #tpu.memory_space<hbm>> -> memref<1x512xf32, #tpu.memory_space<hbm>>
      %dma_wait3A_152 = tpu.memref_squeeze %dma_wait3A_151 : memref<1x512xf32, #tpu.memory_space<hbm>> -> memref<512xf32, #tpu.memory_space<hbm>>
      %dma_wait3A_153 = arith.constant 11264 : i32
      %dma_wait3A_154 = tpu.memref_slice %arg10[%dma_wait3A_153] : memref<16384xf32, #tpu.memory_space<vmem>> -> memref<512xf32, #tpu.memory_space<vmem>>
      %dma_wait3A_155 = tpu.memref_slice %arg3[%run_scoped3A_93, %mul3A_92] : memref<32x16384xf32, #tpu.memory_space<hbm>> -> memref<1x512xf32, #tpu.memory_space<hbm>>
      %dma_wait3A_156 = tpu.memref_squeeze %dma_wait3A_155 : memref<1x512xf32, #tpu.memory_space<hbm>> -> memref<512xf32, #tpu.memory_space<hbm>>
      tpu.wait_dma2 semaphore(%run_scoped3A_142 : memref<!tpu.dma_semaphore, #tpu.memory_space<semaphore_mem>>) src(%dma_wait3A_156 : memref<512xf32, #tpu.memory_space<hbm>>) dst(%dma_wait3A_154 : memref<512xf32, #tpu.memory_space<vmem>>)
      tpu.yield
    }) : () -> ()
    %run_scoped3A_94 = arith.constant 23 : i32
    "tpu.region"() ({
      %run_scoped3A_142 = tpu.sem_alloc : memref<!tpu.dma_semaphore, #tpu.memory_space<semaphore_mem>>
      %dma_start3A = arith.constant 2944 : i32
      %dma_start3A_143 = tpu.memref_slice %arg9[%dma_start3A] : memref<4096xf32, #tpu.memory_space<vmem>> -> memref<128xf32, #tpu.memory_space<vmem>>
      %dma_start3A_144 = tpu.memref_slice %arg2[%run_scoped3A_94, %mul3A_2] : memref<32x4096xf32, #tpu.memory_space<hbm>> -> memref<1x128xf32, #tpu.memory_space<hbm>>
      %dma_start3A_145 = tpu.memref_squeeze %dma_start3A_144 : memref<1x128xf32, #tpu.memory_space<hbm>> -> memref<128xf32, #tpu.memory_space<hbm>>
      %dma_start3A_146 = arith.constant 2944 : i32
      %dma_start3A_147 = tpu.memref_slice %arg9[%dma_start3A_146] : memref<4096xf32, #tpu.memory_space<vmem>> -> memref<128xf32, #tpu.memory_space<vmem>>
      %dma_start3A_148 = tpu.memref_slice %arg2[%run_scoped3A_94, %mul3A_2] : memref<32x4096xf32, #tpu.memory_space<hbm>> -> memref<1x128xf32, #tpu.memory_space<hbm>>
      %dma_start3A_149 = tpu.memref_squeeze %dma_start3A_148 : memref<1x128xf32, #tpu.memory_space<hbm>> -> memref<128xf32, #tpu.memory_space<hbm>>
      tpu.enqueue_dma source(%dma_start3A_149 : memref<128xf32, #tpu.memory_space<hbm>>) target(%dma_start3A_147 : memref<128xf32, #tpu.memory_space<vmem>>) target_semaphore(%run_scoped3A_142 : memref<!tpu.dma_semaphore, #tpu.memory_space<semaphore_mem>>)
      %dma_wait3A = arith.constant 2944 : i32
      %dma_wait3A_150 = tpu.memref_slice %arg9[%dma_wait3A] : memref<4096xf32, #tpu.memory_space<vmem>> -> memref<128xf32, #tpu.memory_space<vmem>>
      %dma_wait3A_151 = tpu.memref_slice %arg2[%run_scoped3A_94, %mul3A_2] : memref<32x4096xf32, #tpu.memory_space<hbm>> -> memref<1x128xf32, #tpu.memory_space<hbm>>
      %dma_wait3A_152 = tpu.memref_squeeze %dma_wait3A_151 : memref<1x128xf32, #tpu.memory_space<hbm>> -> memref<128xf32, #tpu.memory_space<hbm>>
      %dma_wait3A_153 = arith.constant 2944 : i32
      %dma_wait3A_154 = tpu.memref_slice %arg9[%dma_wait3A_153] : memref<4096xf32, #tpu.memory_space<vmem>> -> memref<128xf32, #tpu.memory_space<vmem>>
      %dma_wait3A_155 = tpu.memref_slice %arg2[%run_scoped3A_94, %mul3A_2] : memref<32x4096xf32, #tpu.memory_space<hbm>> -> memref<1x128xf32, #tpu.memory_space<hbm>>
      %dma_wait3A_156 = tpu.memref_squeeze %dma_wait3A_155 : memref<1x128xf32, #tpu.memory_space<hbm>> -> memref<128xf32, #tpu.memory_space<hbm>>
      tpu.wait_dma2 semaphore(%run_scoped3A_142 : memref<!tpu.dma_semaphore, #tpu.memory_space<semaphore_mem>>) src(%dma_wait3A_156 : memref<128xf32, #tpu.memory_space<hbm>>) dst(%dma_wait3A_154 : memref<128xf32, #tpu.memory_space<vmem>>)
      tpu.yield
    }) : () -> ()
    %mul3A_95 = arith.constant 4 : i32
    %mul3A_96 = arith.muli %mul3A_2, %mul3A_95 : i32
    %run_scoped3A_97 = arith.constant 23 : i32
    "tpu.region"() ({
      %run_scoped3A_142 = tpu.sem_alloc : memref<!tpu.dma_semaphore, #tpu.memory_space<semaphore_mem>>
      %dma_start3A = arith.constant 11776 : i32
      %dma_start3A_143 = tpu.memref_slice %arg10[%dma_start3A] : memref<16384xf32, #tpu.memory_space<vmem>> -> memref<512xf32, #tpu.memory_space<vmem>>
      %dma_start3A_144 = tpu.memref_slice %arg3[%run_scoped3A_97, %mul3A_96] : memref<32x16384xf32, #tpu.memory_space<hbm>> -> memref<1x512xf32, #tpu.memory_space<hbm>>
      %dma_start3A_145 = tpu.memref_squeeze %dma_start3A_144 : memref<1x512xf32, #tpu.memory_space<hbm>> -> memref<512xf32, #tpu.memory_space<hbm>>
      %dma_start3A_146 = arith.constant 11776 : i32
      %dma_start3A_147 = tpu.memref_slice %arg10[%dma_start3A_146] : memref<16384xf32, #tpu.memory_space<vmem>> -> memref<512xf32, #tpu.memory_space<vmem>>
      %dma_start3A_148 = tpu.memref_slice %arg3[%run_scoped3A_97, %mul3A_96] : memref<32x16384xf32, #tpu.memory_space<hbm>> -> memref<1x512xf32, #tpu.memory_space<hbm>>
      %dma_start3A_149 = tpu.memref_squeeze %dma_start3A_148 : memref<1x512xf32, #tpu.memory_space<hbm>> -> memref<512xf32, #tpu.memory_space<hbm>>
      tpu.enqueue_dma source(%dma_start3A_149 : memref<512xf32, #tpu.memory_space<hbm>>) target(%dma_start3A_147 : memref<512xf32, #tpu.memory_space<vmem>>) target_semaphore(%run_scoped3A_142 : memref<!tpu.dma_semaphore, #tpu.memory_space<semaphore_mem>>)
      %dma_wait3A = arith.constant 11776 : i32
      %dma_wait3A_150 = tpu.memref_slice %arg10[%dma_wait3A] : memref<16384xf32, #tpu.memory_space<vmem>> -> memref<512xf32, #tpu.memory_space<vmem>>
      %dma_wait3A_151 = tpu.memref_slice %arg3[%run_scoped3A_97, %mul3A_96] : memref<32x16384xf32, #tpu.memory_space<hbm>> -> memref<1x512xf32, #tpu.memory_space<hbm>>
      %dma_wait3A_152 = tpu.memref_squeeze %dma_wait3A_151 : memref<1x512xf32, #tpu.memory_space<hbm>> -> memref<512xf32, #tpu.memory_space<hbm>>
      %dma_wait3A_153 = arith.constant 11776 : i32
      %dma_wait3A_154 = tpu.memref_slice %arg10[%dma_wait3A_153] : memref<16384xf32, #tpu.memory_space<vmem>> -> memref<512xf32, #tpu.memory_space<vmem>>
      %dma_wait3A_155 = tpu.memref_slice %arg3[%run_scoped3A_97, %mul3A_96] : memref<32x16384xf32, #tpu.memory_space<hbm>> -> memref<1x512xf32, #tpu.memory_space<hbm>>
      %dma_wait3A_156 = tpu.memref_squeeze %dma_wait3A_155 : memref<1x512xf32, #tpu.memory_space<hbm>> -> memref<512xf32, #tpu.memory_space<hbm>>
      tpu.wait_dma2 semaphore(%run_scoped3A_142 : memref<!tpu.dma_semaphore, #tpu.memory_space<semaphore_mem>>) src(%dma_wait3A_156 : memref<512xf32, #tpu.memory_space<hbm>>) dst(%dma_wait3A_154 : memref<512xf32, #tpu.memory_space<vmem>>)
      tpu.yield
    }) : () -> ()
    %run_scoped3A_98 = arith.constant 24 : i32
    "tpu.region"() ({
      %run_scoped3A_142 = tpu.sem_alloc : memref<!tpu.dma_semaphore, #tpu.memory_space<semaphore_mem>>
      %dma_start3A = arith.constant 3072 : i32
      %dma_start3A_143 = tpu.memref_slice %arg9[%dma_start3A] : memref<4096xf32, #tpu.memory_space<vmem>> -> memref<128xf32, #tpu.memory_space<vmem>>
      %dma_start3A_144 = tpu.memref_slice %arg2[%run_scoped3A_98, %mul3A_2] : memref<32x4096xf32, #tpu.memory_space<hbm>> -> memref<1x128xf32, #tpu.memory_space<hbm>>
      %dma_start3A_145 = tpu.memref_squeeze %dma_start3A_144 : memref<1x128xf32, #tpu.memory_space<hbm>> -> memref<128xf32, #tpu.memory_space<hbm>>
      %dma_start3A_146 = arith.constant 3072 : i32
      %dma_start3A_147 = tpu.memref_slice %arg9[%dma_start3A_146] : memref<4096xf32, #tpu.memory_space<vmem>> -> memref<128xf32, #tpu.memory_space<vmem>>
      %dma_start3A_148 = tpu.memref_slice %arg2[%run_scoped3A_98, %mul3A_2] : memref<32x4096xf32, #tpu.memory_space<hbm>> -> memref<1x128xf32, #tpu.memory_space<hbm>>
      %dma_start3A_149 = tpu.memref_squeeze %dma_start3A_148 : memref<1x128xf32, #tpu.memory_space<hbm>> -> memref<128xf32, #tpu.memory_space<hbm>>
      tpu.enqueue_dma source(%dma_start3A_149 : memref<128xf32, #tpu.memory_space<hbm>>) target(%dma_start3A_147 : memref<128xf32, #tpu.memory_space<vmem>>) target_semaphore(%run_scoped3A_142 : memref<!tpu.dma_semaphore, #tpu.memory_space<semaphore_mem>>)
      %dma_wait3A = arith.constant 3072 : i32
      %dma_wait3A_150 = tpu.memref_slice %arg9[%dma_wait3A] : memref<4096xf32, #tpu.memory_space<vmem>> -> memref<128xf32, #tpu.memory_space<vmem>>
      %dma_wait3A_151 = tpu.memref_slice %arg2[%run_scoped3A_98, %mul3A_2] : memref<32x4096xf32, #tpu.memory_space<hbm>> -> memref<1x128xf32, #tpu.memory_space<hbm>>
      %dma_wait3A_152 = tpu.memref_squeeze %dma_wait3A_151 : memref<1x128xf32, #tpu.memory_space<hbm>> -> memref<128xf32, #tpu.memory_space<hbm>>
      %dma_wait3A_153 = arith.constant 3072 : i32
      %dma_wait3A_154 = tpu.memref_slice %arg9[%dma_wait3A_153] : memref<4096xf32, #tpu.memory_space<vmem>> -> memref<128xf32, #tpu.memory_space<vmem>>
      %dma_wait3A_155 = tpu.memref_slice %arg2[%run_scoped3A_98, %mul3A_2] : memref<32x4096xf32, #tpu.memory_space<hbm>> -> memref<1x128xf32, #tpu.memory_space<hbm>>
      %dma_wait3A_156 = tpu.memref_squeeze %dma_wait3A_155 : memref<1x128xf32, #tpu.memory_space<hbm>> -> memref<128xf32, #tpu.memory_space<hbm>>
      tpu.wait_dma2 semaphore(%run_scoped3A_142 : memref<!tpu.dma_semaphore, #tpu.memory_space<semaphore_mem>>) src(%dma_wait3A_156 : memref<128xf32, #tpu.memory_space<hbm>>) dst(%dma_wait3A_154 : memref<128xf32, #tpu.memory_space<vmem>>)
      tpu.yield
    }) : () -> ()
    %mul3A_99 = arith.constant 4 : i32
    %mul3A_100 = arith.muli %mul3A_2, %mul3A_99 : i32
    %run_scoped3A_101 = arith.constant 24 : i32
    "tpu.region"() ({
      %run_scoped3A_142 = tpu.sem_alloc : memref<!tpu.dma_semaphore, #tpu.memory_space<semaphore_mem>>
      %dma_start3A = arith.constant 12288 : i32
      %dma_start3A_143 = tpu.memref_slice %arg10[%dma_start3A] : memref<16384xf32, #tpu.memory_space<vmem>> -> memref<512xf32, #tpu.memory_space<vmem>>
      %dma_start3A_144 = tpu.memref_slice %arg3[%run_scoped3A_101, %mul3A_100] : memref<32x16384xf32, #tpu.memory_space<hbm>> -> memref<1x512xf32, #tpu.memory_space<hbm>>
      %dma_start3A_145 = tpu.memref_squeeze %dma_start3A_144 : memref<1x512xf32, #tpu.memory_space<hbm>> -> memref<512xf32, #tpu.memory_space<hbm>>
      %dma_start3A_146 = arith.constant 12288 : i32
      %dma_start3A_147 = tpu.memref_slice %arg10[%dma_start3A_146] : memref<16384xf32, #tpu.memory_space<vmem>> -> memref<512xf32, #tpu.memory_space<vmem>>
      %dma_start3A_148 = tpu.memref_slice %arg3[%run_scoped3A_101, %mul3A_100] : memref<32x16384xf32, #tpu.memory_space<hbm>> -> memref<1x512xf32, #tpu.memory_space<hbm>>
      %dma_start3A_149 = tpu.memref_squeeze %dma_start3A_148 : memref<1x512xf32, #tpu.memory_space<hbm>> -> memref<512xf32, #tpu.memory_space<hbm>>
      tpu.enqueue_dma source(%dma_start3A_149 : memref<512xf32, #tpu.memory_space<hbm>>) target(%dma_start3A_147 : memref<512xf32, #tpu.memory_space<vmem>>) target_semaphore(%run_scoped3A_142 : memref<!tpu.dma_semaphore, #tpu.memory_space<semaphore_mem>>)
      %dma_wait3A = arith.constant 12288 : i32
      %dma_wait3A_150 = tpu.memref_slice %arg10[%dma_wait3A] : memref<16384xf32, #tpu.memory_space<vmem>> -> memref<512xf32, #tpu.memory_space<vmem>>
      %dma_wait3A_151 = tpu.memref_slice %arg3[%run_scoped3A_101, %mul3A_100] : memref<32x16384xf32, #tpu.memory_space<hbm>> -> memref<1x512xf32, #tpu.memory_space<hbm>>
      %dma_wait3A_152 = tpu.memref_squeeze %dma_wait3A_151 : memref<1x512xf32, #tpu.memory_space<hbm>> -> memref<512xf32, #tpu.memory_space<hbm>>
      %dma_wait3A_153 = arith.constant 12288 : i32
      %dma_wait3A_154 = tpu.memref_slice %arg10[%dma_wait3A_153] : memref<16384xf32, #tpu.memory_space<vmem>> -> memref<512xf32, #tpu.memory_space<vmem>>
      %dma_wait3A_155 = tpu.memref_slice %arg3[%run_scoped3A_101, %mul3A_100] : memref<32x16384xf32, #tpu.memory_space<hbm>> -> memref<1x512xf32, #tpu.memory_space<hbm>>
      %dma_wait3A_156 = tpu.memref_squeeze %dma_wait3A_155 : memref<1x512xf32, #tpu.memory_space<hbm>> -> memref<512xf32, #tpu.memory_space<hbm>>
      tpu.wait_dma2 semaphore(%run_scoped3A_142 : memref<!tpu.dma_semaphore, #tpu.memory_space<semaphore_mem>>) src(%dma_wait3A_156 : memref<512xf32, #tpu.memory_space<hbm>>) dst(%dma_wait3A_154 : memref<512xf32, #tpu.memory_space<vmem>>)
      tpu.yield
    }) : () -> ()
    %run_scoped3A_102 = arith.constant 25 : i32
    "tpu.region"() ({
      %run_scoped3A_142 = tpu.sem_alloc : memref<!tpu.dma_semaphore, #tpu.memory_space<semaphore_mem>>
      %dma_start3A = arith.constant 3200 : i32
      %dma_start3A_143 = tpu.memref_slice %arg9[%dma_start3A] : memref<4096xf32, #tpu.memory_space<vmem>> -> memref<128xf32, #tpu.memory_space<vmem>>
      %dma_start3A_144 = tpu.memref_slice %arg2[%run_scoped3A_102, %mul3A_2] : memref<32x4096xf32, #tpu.memory_space<hbm>> -> memref<1x128xf32, #tpu.memory_space<hbm>>
      %dma_start3A_145 = tpu.memref_squeeze %dma_start3A_144 : memref<1x128xf32, #tpu.memory_space<hbm>> -> memref<128xf32, #tpu.memory_space<hbm>>
      %dma_start3A_146 = arith.constant 3200 : i32
      %dma_start3A_147 = tpu.memref_slice %arg9[%dma_start3A_146] : memref<4096xf32, #tpu.memory_space<vmem>> -> memref<128xf32, #tpu.memory_space<vmem>>
      %dma_start3A_148 = tpu.memref_slice %arg2[%run_scoped3A_102, %mul3A_2] : memref<32x4096xf32, #tpu.memory_space<hbm>> -> memref<1x128xf32, #tpu.memory_space<hbm>>
      %dma_start3A_149 = tpu.memref_squeeze %dma_start3A_148 : memref<1x128xf32, #tpu.memory_space<hbm>> -> memref<128xf32, #tpu.memory_space<hbm>>
      tpu.enqueue_dma source(%dma_start3A_149 : memref<128xf32, #tpu.memory_space<hbm>>) target(%dma_start3A_147 : memref<128xf32, #tpu.memory_space<vmem>>) target_semaphore(%run_scoped3A_142 : memref<!tpu.dma_semaphore, #tpu.memory_space<semaphore_mem>>)
      %dma_wait3A = arith.constant 3200 : i32
      %dma_wait3A_150 = tpu.memref_slice %arg9[%dma_wait3A] : memref<4096xf32, #tpu.memory_space<vmem>> -> memref<128xf32, #tpu.memory_space<vmem>>
      %dma_wait3A_151 = tpu.memref_slice %arg2[%run_scoped3A_102, %mul3A_2] : memref<32x4096xf32, #tpu.memory_space<hbm>> -> memref<1x128xf32, #tpu.memory_space<hbm>>
      %dma_wait3A_152 = tpu.memref_squeeze %dma_wait3A_151 : memref<1x128xf32, #tpu.memory_space<hbm>> -> memref<128xf32, #tpu.memory_space<hbm>>
      %dma_wait3A_153 = arith.constant 3200 : i32
      %dma_wait3A_154 = tpu.memref_slice %arg9[%dma_wait3A_153] : memref<4096xf32, #tpu.memory_space<vmem>> -> memref<128xf32, #tpu.memory_space<vmem>>
      %dma_wait3A_155 = tpu.memref_slice %arg2[%run_scoped3A_102, %mul3A_2] : memref<32x4096xf32, #tpu.memory_space<hbm>> -> memref<1x128xf32, #tpu.memory_space<hbm>>
      %dma_wait3A_156 = tpu.memref_squeeze %dma_wait3A_155 : memref<1x128xf32, #tpu.memory_space<hbm>> -> memref<128xf32, #tpu.memory_space<hbm>>
      tpu.wait_dma2 semaphore(%run_scoped3A_142 : memref<!tpu.dma_semaphore, #tpu.memory_space<semaphore_mem>>) src(%dma_wait3A_156 : memref<128xf32, #tpu.memory_space<hbm>>) dst(%dma_wait3A_154 : memref<128xf32, #tpu.memory_space<vmem>>)
      tpu.yield
    }) : () -> ()
    %mul3A_103 = arith.constant 4 : i32
    %mul3A_104 = arith.muli %mul3A_2, %mul3A_103 : i32
    %run_scoped3A_105 = arith.constant 25 : i32
    "tpu.region"() ({
      %run_scoped3A_142 = tpu.sem_alloc : memref<!tpu.dma_semaphore, #tpu.memory_space<semaphore_mem>>
      %dma_start3A = arith.constant 12800 : i32
      %dma_start3A_143 = tpu.memref_slice %arg10[%dma_start3A] : memref<16384xf32, #tpu.memory_space<vmem>> -> memref<512xf32, #tpu.memory_space<vmem>>
      %dma_start3A_144 = tpu.memref_slice %arg3[%run_scoped3A_105, %mul3A_104] : memref<32x16384xf32, #tpu.memory_space<hbm>> -> memref<1x512xf32, #tpu.memory_space<hbm>>
      %dma_start3A_145 = tpu.memref_squeeze %dma_start3A_144 : memref<1x512xf32, #tpu.memory_space<hbm>> -> memref<512xf32, #tpu.memory_space<hbm>>
      %dma_start3A_146 = arith.constant 12800 : i32
      %dma_start3A_147 = tpu.memref_slice %arg10[%dma_start3A_146] : memref<16384xf32, #tpu.memory_space<vmem>> -> memref<512xf32, #tpu.memory_space<vmem>>
      %dma_start3A_148 = tpu.memref_slice %arg3[%run_scoped3A_105, %mul3A_104] : memref<32x16384xf32, #tpu.memory_space<hbm>> -> memref<1x512xf32, #tpu.memory_space<hbm>>
      %dma_start3A_149 = tpu.memref_squeeze %dma_start3A_148 : memref<1x512xf32, #tpu.memory_space<hbm>> -> memref<512xf32, #tpu.memory_space<hbm>>
      tpu.enqueue_dma source(%dma_start3A_149 : memref<512xf32, #tpu.memory_space<hbm>>) target(%dma_start3A_147 : memref<512xf32, #tpu.memory_space<vmem>>) target_semaphore(%run_scoped3A_142 : memref<!tpu.dma_semaphore, #tpu.memory_space<semaphore_mem>>)
      %dma_wait3A = arith.constant 12800 : i32
      %dma_wait3A_150 = tpu.memref_slice %arg10[%dma_wait3A] : memref<16384xf32, #tpu.memory_space<vmem>> -> memref<512xf32, #tpu.memory_space<vmem>>
      %dma_wait3A_151 = tpu.memref_slice %arg3[%run_scoped3A_105, %mul3A_104] : memref<32x16384xf32, #tpu.memory_space<hbm>> -> memref<1x512xf32, #tpu.memory_space<hbm>>
      %dma_wait3A_152 = tpu.memref_squeeze %dma_wait3A_151 : memref<1x512xf32, #tpu.memory_space<hbm>> -> memref<512xf32, #tpu.memory_space<hbm>>
      %dma_wait3A_153 = arith.constant 12800 : i32
      %dma_wait3A_154 = tpu.memref_slice %arg10[%dma_wait3A_153] : memref<16384xf32, #tpu.memory_space<vmem>> -> memref<512xf32, #tpu.memory_space<vmem>>
      %dma_wait3A_155 = tpu.memref_slice %arg3[%run_scoped3A_105, %mul3A_104] : memref<32x16384xf32, #tpu.memory_space<hbm>> -> memref<1x512xf32, #tpu.memory_space<hbm>>
      %dma_wait3A_156 = tpu.memref_squeeze %dma_wait3A_155 : memref<1x512xf32, #tpu.memory_space<hbm>> -> memref<512xf32, #tpu.memory_space<hbm>>
      tpu.wait_dma2 semaphore(%run_scoped3A_142 : memref<!tpu.dma_semaphore, #tpu.memory_space<semaphore_mem>>) src(%dma_wait3A_156 : memref<512xf32, #tpu.memory_space<hbm>>) dst(%dma_wait3A_154 : memref<512xf32, #tpu.memory_space<vmem>>)
      tpu.yield
    }) : () -> ()
    %run_scoped3A_106 = arith.constant 26 : i32
    "tpu.region"() ({
      %run_scoped3A_142 = tpu.sem_alloc : memref<!tpu.dma_semaphore, #tpu.memory_space<semaphore_mem>>
      %dma_start3A = arith.constant 3328 : i32
      %dma_start3A_143 = tpu.memref_slice %arg9[%dma_start3A] : memref<4096xf32, #tpu.memory_space<vmem>> -> memref<128xf32, #tpu.memory_space<vmem>>
      %dma_start3A_144 = tpu.memref_slice %arg2[%run_scoped3A_106, %mul3A_2] : memref<32x4096xf32, #tpu.memory_space<hbm>> -> memref<1x128xf32, #tpu.memory_space<hbm>>
      %dma_start3A_145 = tpu.memref_squeeze %dma_start3A_144 : memref<1x128xf32, #tpu.memory_space<hbm>> -> memref<128xf32, #tpu.memory_space<hbm>>
      %dma_start3A_146 = arith.constant 3328 : i32
      %dma_start3A_147 = tpu.memref_slice %arg9[%dma_start3A_146] : memref<4096xf32, #tpu.memory_space<vmem>> -> memref<128xf32, #tpu.memory_space<vmem>>
      %dma_start3A_148 = tpu.memref_slice %arg2[%run_scoped3A_106, %mul3A_2] : memref<32x4096xf32, #tpu.memory_space<hbm>> -> memref<1x128xf32, #tpu.memory_space<hbm>>
      %dma_start3A_149 = tpu.memref_squeeze %dma_start3A_148 : memref<1x128xf32, #tpu.memory_space<hbm>> -> memref<128xf32, #tpu.memory_space<hbm>>
      tpu.enqueue_dma source(%dma_start3A_149 : memref<128xf32, #tpu.memory_space<hbm>>) target(%dma_start3A_147 : memref<128xf32, #tpu.memory_space<vmem>>) target_semaphore(%run_scoped3A_142 : memref<!tpu.dma_semaphore, #tpu.memory_space<semaphore_mem>>)
      %dma_wait3A = arith.constant 3328 : i32
      %dma_wait3A_150 = tpu.memref_slice %arg9[%dma_wait3A] : memref<4096xf32, #tpu.memory_space<vmem>> -> memref<128xf32, #tpu.memory_space<vmem>>
      %dma_wait3A_151 = tpu.memref_slice %arg2[%run_scoped3A_106, %mul3A_2] : memref<32x4096xf32, #tpu.memory_space<hbm>> -> memref<1x128xf32, #tpu.memory_space<hbm>>
      %dma_wait3A_152 = tpu.memref_squeeze %dma_wait3A_151 : memref<1x128xf32, #tpu.memory_space<hbm>> -> memref<128xf32, #tpu.memory_space<hbm>>
      %dma_wait3A_153 = arith.constant 3328 : i32
      %dma_wait3A_154 = tpu.memref_slice %arg9[%dma_wait3A_153] : memref<4096xf32, #tpu.memory_space<vmem>> -> memref<128xf32, #tpu.memory_space<vmem>>
      %dma_wait3A_155 = tpu.memref_slice %arg2[%run_scoped3A_106, %mul3A_2] : memref<32x4096xf32, #tpu.memory_space<hbm>> -> memref<1x128xf32, #tpu.memory_space<hbm>>
      %dma_wait3A_156 = tpu.memref_squeeze %dma_wait3A_155 : memref<1x128xf32, #tpu.memory_space<hbm>> -> memref<128xf32, #tpu.memory_space<hbm>>
      tpu.wait_dma2 semaphore(%run_scoped3A_142 : memref<!tpu.dma_semaphore, #tpu.memory_space<semaphore_mem>>) src(%dma_wait3A_156 : memref<128xf32, #tpu.memory_space<hbm>>) dst(%dma_wait3A_154 : memref<128xf32, #tpu.memory_space<vmem>>)
      tpu.yield
    }) : () -> ()
    %mul3A_107 = arith.constant 4 : i32
    %mul3A_108 = arith.muli %mul3A_2, %mul3A_107 : i32
    %run_scoped3A_109 = arith.constant 26 : i32
    "tpu.region"() ({
      %run_scoped3A_142 = tpu.sem_alloc : memref<!tpu.dma_semaphore, #tpu.memory_space<semaphore_mem>>
      %dma_start3A = arith.constant 13312 : i32
      %dma_start3A_143 = tpu.memref_slice %arg10[%dma_start3A] : memref<16384xf32, #tpu.memory_space<vmem>> -> memref<512xf32, #tpu.memory_space<vmem>>
      %dma_start3A_144 = tpu.memref_slice %arg3[%run_scoped3A_109, %mul3A_108] : memref<32x16384xf32, #tpu.memory_space<hbm>> -> memref<1x512xf32, #tpu.memory_space<hbm>>
      %dma_start3A_145 = tpu.memref_squeeze %dma_start3A_144 : memref<1x512xf32, #tpu.memory_space<hbm>> -> memref<512xf32, #tpu.memory_space<hbm>>
      %dma_start3A_146 = arith.constant 13312 : i32
      %dma_start3A_147 = tpu.memref_slice %arg10[%dma_start3A_146] : memref<16384xf32, #tpu.memory_space<vmem>> -> memref<512xf32, #tpu.memory_space<vmem>>
      %dma_start3A_148 = tpu.memref_slice %arg3[%run_scoped3A_109, %mul3A_108] : memref<32x16384xf32, #tpu.memory_space<hbm>> -> memref<1x512xf32, #tpu.memory_space<hbm>>
      %dma_start3A_149 = tpu.memref_squeeze %dma_start3A_148 : memref<1x512xf32, #tpu.memory_space<hbm>> -> memref<512xf32, #tpu.memory_space<hbm>>
      tpu.enqueue_dma source(%dma_start3A_149 : memref<512xf32, #tpu.memory_space<hbm>>) target(%dma_start3A_147 : memref<512xf32, #tpu.memory_space<vmem>>) target_semaphore(%run_scoped3A_142 : memref<!tpu.dma_semaphore, #tpu.memory_space<semaphore_mem>>)
      %dma_wait3A = arith.constant 13312 : i32
      %dma_wait3A_150 = tpu.memref_slice %arg10[%dma_wait3A] : memref<16384xf32, #tpu.memory_space<vmem>> -> memref<512xf32, #tpu.memory_space<vmem>>
      %dma_wait3A_151 = tpu.memref_slice %arg3[%run_scoped3A_109, %mul3A_108] : memref<32x16384xf32, #tpu.memory_space<hbm>> -> memref<1x512xf32, #tpu.memory_space<hbm>>
      %dma_wait3A_152 = tpu.memref_squeeze %dma_wait3A_151 : memref<1x512xf32, #tpu.memory_space<hbm>> -> memref<512xf32, #tpu.memory_space<hbm>>
      %dma_wait3A_153 = arith.constant 13312 : i32
      %dma_wait3A_154 = tpu.memref_slice %arg10[%dma_wait3A_153] : memref<16384xf32, #tpu.memory_space<vmem>> -> memref<512xf32, #tpu.memory_space<vmem>>
      %dma_wait3A_155 = tpu.memref_slice %arg3[%run_scoped3A_109, %mul3A_108] : memref<32x16384xf32, #tpu.memory_space<hbm>> -> memref<1x512xf32, #tpu.memory_space<hbm>>
      %dma_wait3A_156 = tpu.memref_squeeze %dma_wait3A_155 : memref<1x512xf32, #tpu.memory_space<hbm>> -> memref<512xf32, #tpu.memory_space<hbm>>
      tpu.wait_dma2 semaphore(%run_scoped3A_142 : memref<!tpu.dma_semaphore, #tpu.memory_space<semaphore_mem>>) src(%dma_wait3A_156 : memref<512xf32, #tpu.memory_space<hbm>>) dst(%dma_wait3A_154 : memref<512xf32, #tpu.memory_space<vmem>>)
      tpu.yield
    }) : () -> ()
    %run_scoped3A_110 = arith.constant 27 : i32
    "tpu.region"() ({
      %run_scoped3A_142 = tpu.sem_alloc : memref<!tpu.dma_semaphore, #tpu.memory_space<semaphore_mem>>
      %dma_start3A = arith.constant 3456 : i32
      %dma_start3A_143 = tpu.memref_slice %arg9[%dma_start3A] : memref<4096xf32, #tpu.memory_space<vmem>> -> memref<128xf32, #tpu.memory_space<vmem>>
      %dma_start3A_144 = tpu.memref_slice %arg2[%run_scoped3A_110, %mul3A_2] : memref<32x4096xf32, #tpu.memory_space<hbm>> -> memref<1x128xf32, #tpu.memory_space<hbm>>
      %dma_start3A_145 = tpu.memref_squeeze %dma_start3A_144 : memref<1x128xf32, #tpu.memory_space<hbm>> -> memref<128xf32, #tpu.memory_space<hbm>>
      %dma_start3A_146 = arith.constant 3456 : i32
      %dma_start3A_147 = tpu.memref_slice %arg9[%dma_start3A_146] : memref<4096xf32, #tpu.memory_space<vmem>> -> memref<128xf32, #tpu.memory_space<vmem>>
      %dma_start3A_148 = tpu.memref_slice %arg2[%run_scoped3A_110, %mul3A_2] : memref<32x4096xf32, #tpu.memory_space<hbm>> -> memref<1x128xf32, #tpu.memory_space<hbm>>
      %dma_start3A_149 = tpu.memref_squeeze %dma_start3A_148 : memref<1x128xf32, #tpu.memory_space<hbm>> -> memref<128xf32, #tpu.memory_space<hbm>>
      tpu.enqueue_dma source(%dma_start3A_149 : memref<128xf32, #tpu.memory_space<hbm>>) target(%dma_start3A_147 : memref<128xf32, #tpu.memory_space<vmem>>) target_semaphore(%run_scoped3A_142 : memref<!tpu.dma_semaphore, #tpu.memory_space<semaphore_mem>>)
      %dma_wait3A = arith.constant 3456 : i32
      %dma_wait3A_150 = tpu.memref_slice %arg9[%dma_wait3A] : memref<4096xf32, #tpu.memory_space<vmem>> -> memref<128xf32, #tpu.memory_space<vmem>>
      %dma_wait3A_151 = tpu.memref_slice %arg2[%run_scoped3A_110, %mul3A_2] : memref<32x4096xf32, #tpu.memory_space<hbm>> -> memref<1x128xf32, #tpu.memory_space<hbm>>
      %dma_wait3A_152 = tpu.memref_squeeze %dma_wait3A_151 : memref<1x128xf32, #tpu.memory_space<hbm>> -> memref<128xf32, #tpu.memory_space<hbm>>
      %dma_wait3A_153 = arith.constant 3456 : i32
      %dma_wait3A_154 = tpu.memref_slice %arg9[%dma_wait3A_153] : memref<4096xf32, #tpu.memory_space<vmem>> -> memref<128xf32, #tpu.memory_space<vmem>>
      %dma_wait3A_155 = tpu.memref_slice %arg2[%run_scoped3A_110, %mul3A_2] : memref<32x4096xf32, #tpu.memory_space<hbm>> -> memref<1x128xf32, #tpu.memory_space<hbm>>
      %dma_wait3A_156 = tpu.memref_squeeze %dma_wait3A_155 : memref<1x128xf32, #tpu.memory_space<hbm>> -> memref<128xf32, #tpu.memory_space<hbm>>
      tpu.wait_dma2 semaphore(%run_scoped3A_142 : memref<!tpu.dma_semaphore, #tpu.memory_space<semaphore_mem>>) src(%dma_wait3A_156 : memref<128xf32, #tpu.memory_space<hbm>>) dst(%dma_wait3A_154 : memref<128xf32, #tpu.memory_space<vmem>>)
      tpu.yield
    }) : () -> ()
    %mul3A_111 = arith.constant 4 : i32
    %mul3A_112 = arith.muli %mul3A_2, %mul3A_111 : i32
    %run_scoped3A_113 = arith.constant 27 : i32
    "tpu.region"() ({
      %run_scoped3A_142 = tpu.sem_alloc : memref<!tpu.dma_semaphore, #tpu.memory_space<semaphore_mem>>
      %dma_start3A = arith.constant 13824 : i32
      %dma_start3A_143 = tpu.memref_slice %arg10[%dma_start3A] : memref<16384xf32, #tpu.memory_space<vmem>> -> memref<512xf32, #tpu.memory_space<vmem>>
      %dma_start3A_144 = tpu.memref_slice %arg3[%run_scoped3A_113, %mul3A_112] : memref<32x16384xf32, #tpu.memory_space<hbm>> -> memref<1x512xf32, #tpu.memory_space<hbm>>
      %dma_start3A_145 = tpu.memref_squeeze %dma_start3A_144 : memref<1x512xf32, #tpu.memory_space<hbm>> -> memref<512xf32, #tpu.memory_space<hbm>>
      %dma_start3A_146 = arith.constant 13824 : i32
      %dma_start3A_147 = tpu.memref_slice %arg10[%dma_start3A_146] : memref<16384xf32, #tpu.memory_space<vmem>> -> memref<512xf32, #tpu.memory_space<vmem>>
      %dma_start3A_148 = tpu.memref_slice %arg3[%run_scoped3A_113, %mul3A_112] : memref<32x16384xf32, #tpu.memory_space<hbm>> -> memref<1x512xf32, #tpu.memory_space<hbm>>
      %dma_start3A_149 = tpu.memref_squeeze %dma_start3A_148 : memref<1x512xf32, #tpu.memory_space<hbm>> -> memref<512xf32, #tpu.memory_space<hbm>>
      tpu.enqueue_dma source(%dma_start3A_149 : memref<512xf32, #tpu.memory_space<hbm>>) target(%dma_start3A_147 : memref<512xf32, #tpu.memory_space<vmem>>) target_semaphore(%run_scoped3A_142 : memref<!tpu.dma_semaphore, #tpu.memory_space<semaphore_mem>>)
      %dma_wait3A = arith.constant 13824 : i32
      %dma_wait3A_150 = tpu.memref_slice %arg10[%dma_wait3A] : memref<16384xf32, #tpu.memory_space<vmem>> -> memref<512xf32, #tpu.memory_space<vmem>>
      %dma_wait3A_151 = tpu.memref_slice %arg3[%run_scoped3A_113, %mul3A_112] : memref<32x16384xf32, #tpu.memory_space<hbm>> -> memref<1x512xf32, #tpu.memory_space<hbm>>
      %dma_wait3A_152 = tpu.memref_squeeze %dma_wait3A_151 : memref<1x512xf32, #tpu.memory_space<hbm>> -> memref<512xf32, #tpu.memory_space<hbm>>
      %dma_wait3A_153 = arith.constant 13824 : i32
      %dma_wait3A_154 = tpu.memref_slice %arg10[%dma_wait3A_153] : memref<16384xf32, #tpu.memory_space<vmem>> -> memref<512xf32, #tpu.memory_space<vmem>>
      %dma_wait3A_155 = tpu.memref_slice %arg3[%run_scoped3A_113, %mul3A_112] : memref<32x16384xf32, #tpu.memory_space<hbm>> -> memref<1x512xf32, #tpu.memory_space<hbm>>
      %dma_wait3A_156 = tpu.memref_squeeze %dma_wait3A_155 : memref<1x512xf32, #tpu.memory_space<hbm>> -> memref<512xf32, #tpu.memory_space<hbm>>
      tpu.wait_dma2 semaphore(%run_scoped3A_142 : memref<!tpu.dma_semaphore, #tpu.memory_space<semaphore_mem>>) src(%dma_wait3A_156 : memref<512xf32, #tpu.memory_space<hbm>>) dst(%dma_wait3A_154 : memref<512xf32, #tpu.memory_space<vmem>>)
      tpu.yield
    }) : () -> ()
    %run_scoped3A_114 = arith.constant 28 : i32
    "tpu.region"() ({
      %run_scoped3A_142 = tpu.sem_alloc : memref<!tpu.dma_semaphore, #tpu.memory_space<semaphore_mem>>
      %dma_start3A = arith.constant 3584 : i32
      %dma_start3A_143 = tpu.memref_slice %arg9[%dma_start3A] : memref<4096xf32, #tpu.memory_space<vmem>> -> memref<128xf32, #tpu.memory_space<vmem>>
      %dma_start3A_144 = tpu.memref_slice %arg2[%run_scoped3A_114, %mul3A_2] : memref<32x4096xf32, #tpu.memory_space<hbm>> -> memref<1x128xf32, #tpu.memory_space<hbm>>
      %dma_start3A_145 = tpu.memref_squeeze %dma_start3A_144 : memref<1x128xf32, #tpu.memory_space<hbm>> -> memref<128xf32, #tpu.memory_space<hbm>>
      %dma_start3A_146 = arith.constant 3584 : i32
      %dma_start3A_147 = tpu.memref_slice %arg9[%dma_start3A_146] : memref<4096xf32, #tpu.memory_space<vmem>> -> memref<128xf32, #tpu.memory_space<vmem>>
      %dma_start3A_148 = tpu.memref_slice %arg2[%run_scoped3A_114, %mul3A_2] : memref<32x4096xf32, #tpu.memory_space<hbm>> -> memref<1x128xf32, #tpu.memory_space<hbm>>
      %dma_start3A_149 = tpu.memref_squeeze %dma_start3A_148 : memref<1x128xf32, #tpu.memory_space<hbm>> -> memref<128xf32, #tpu.memory_space<hbm>>
      tpu.enqueue_dma source(%dma_start3A_149 : memref<128xf32, #tpu.memory_space<hbm>>) target(%dma_start3A_147 : memref<128xf32, #tpu.memory_space<vmem>>) target_semaphore(%run_scoped3A_142 : memref<!tpu.dma_semaphore, #tpu.memory_space<semaphore_mem>>)
      %dma_wait3A = arith.constant 3584 : i32
      %dma_wait3A_150 = tpu.memref_slice %arg9[%dma_wait3A] : memref<4096xf32, #tpu.memory_space<vmem>> -> memref<128xf32, #tpu.memory_space<vmem>>
      %dma_wait3A_151 = tpu.memref_slice %arg2[%run_scoped3A_114, %mul3A_2] : memref<32x4096xf32, #tpu.memory_space<hbm>> -> memref<1x128xf32, #tpu.memory_space<hbm>>
      %dma_wait3A_152 = tpu.memref_squeeze %dma_wait3A_151 : memref<1x128xf32, #tpu.memory_space<hbm>> -> memref<128xf32, #tpu.memory_space<hbm>>
      %dma_wait3A_153 = arith.constant 3584 : i32
      %dma_wait3A_154 = tpu.memref_slice %arg9[%dma_wait3A_153] : memref<4096xf32, #tpu.memory_space<vmem>> -> memref<128xf32, #tpu.memory_space<vmem>>
      %dma_wait3A_155 = tpu.memref_slice %arg2[%run_scoped3A_114, %mul3A_2] : memref<32x4096xf32, #tpu.memory_space<hbm>> -> memref<1x128xf32, #tpu.memory_space<hbm>>
      %dma_wait3A_156 = tpu.memref_squeeze %dma_wait3A_155 : memref<1x128xf32, #tpu.memory_space<hbm>> -> memref<128xf32, #tpu.memory_space<hbm>>
      tpu.wait_dma2 semaphore(%run_scoped3A_142 : memref<!tpu.dma_semaphore, #tpu.memory_space<semaphore_mem>>) src(%dma_wait3A_156 : memref<128xf32, #tpu.memory_space<hbm>>) dst(%dma_wait3A_154 : memref<128xf32, #tpu.memory_space<vmem>>)
      tpu.yield
    }) : () -> ()
    %mul3A_115 = arith.constant 4 : i32
    %mul3A_116 = arith.muli %mul3A_2, %mul3A_115 : i32
    %run_scoped3A_117 = arith.constant 28 : i32
    "tpu.region"() ({
      %run_scoped3A_142 = tpu.sem_alloc : memref<!tpu.dma_semaphore, #tpu.memory_space<semaphore_mem>>
      %dma_start3A = arith.constant 14336 : i32
      %dma_start3A_143 = tpu.memref_slice %arg10[%dma_start3A] : memref<16384xf32, #tpu.memory_space<vmem>> -> memref<512xf32, #tpu.memory_space<vmem>>
      %dma_start3A_144 = tpu.memref_slice %arg3[%run_scoped3A_117, %mul3A_116] : memref<32x16384xf32, #tpu.memory_space<hbm>> -> memref<1x512xf32, #tpu.memory_space<hbm>>
      %dma_start3A_145 = tpu.memref_squeeze %dma_start3A_144 : memref<1x512xf32, #tpu.memory_space<hbm>> -> memref<512xf32, #tpu.memory_space<hbm>>
      %dma_start3A_146 = arith.constant 14336 : i32
      %dma_start3A_147 = tpu.memref_slice %arg10[%dma_start3A_146] : memref<16384xf32, #tpu.memory_space<vmem>> -> memref<512xf32, #tpu.memory_space<vmem>>
      %dma_start3A_148 = tpu.memref_slice %arg3[%run_scoped3A_117, %mul3A_116] : memref<32x16384xf32, #tpu.memory_space<hbm>> -> memref<1x512xf32, #tpu.memory_space<hbm>>
      %dma_start3A_149 = tpu.memref_squeeze %dma_start3A_148 : memref<1x512xf32, #tpu.memory_space<hbm>> -> memref<512xf32, #tpu.memory_space<hbm>>
      tpu.enqueue_dma source(%dma_start3A_149 : memref<512xf32, #tpu.memory_space<hbm>>) target(%dma_start3A_147 : memref<512xf32, #tpu.memory_space<vmem>>) target_semaphore(%run_scoped3A_142 : memref<!tpu.dma_semaphore, #tpu.memory_space<semaphore_mem>>)
      %dma_wait3A = arith.constant 14336 : i32
      %dma_wait3A_150 = tpu.memref_slice %arg10[%dma_wait3A] : memref<16384xf32, #tpu.memory_space<vmem>> -> memref<512xf32, #tpu.memory_space<vmem>>
      %dma_wait3A_151 = tpu.memref_slice %arg3[%run_scoped3A_117, %mul3A_116] : memref<32x16384xf32, #tpu.memory_space<hbm>> -> memref<1x512xf32, #tpu.memory_space<hbm>>
      %dma_wait3A_152 = tpu.memref_squeeze %dma_wait3A_151 : memref<1x512xf32, #tpu.memory_space<hbm>> -> memref<512xf32, #tpu.memory_space<hbm>>
      %dma_wait3A_153 = arith.constant 14336 : i32
      %dma_wait3A_154 = tpu.memref_slice %arg10[%dma_wait3A_153] : memref<16384xf32, #tpu.memory_space<vmem>> -> memref<512xf32, #tpu.memory_space<vmem>>
      %dma_wait3A_155 = tpu.memref_slice %arg3[%run_scoped3A_117, %mul3A_116] : memref<32x16384xf32, #tpu.memory_space<hbm>> -> memref<1x512xf32, #tpu.memory_space<hbm>>
      %dma_wait3A_156 = tpu.memref_squeeze %dma_wait3A_155 : memref<1x512xf32, #tpu.memory_space<hbm>> -> memref<512xf32, #tpu.memory_space<hbm>>
      tpu.wait_dma2 semaphore(%run_scoped3A_142 : memref<!tpu.dma_semaphore, #tpu.memory_space<semaphore_mem>>) src(%dma_wait3A_156 : memref<512xf32, #tpu.memory_space<hbm>>) dst(%dma_wait3A_154 : memref<512xf32, #tpu.memory_space<vmem>>)
      tpu.yield
    }) : () -> ()
    %run_scoped3A_118 = arith.constant 29 : i32
    "tpu.region"() ({
      %run_scoped3A_142 = tpu.sem_alloc : memref<!tpu.dma_semaphore, #tpu.memory_space<semaphore_mem>>
      %dma_start3A = arith.constant 3712 : i32
      %dma_start3A_143 = tpu.memref_slice %arg9[%dma_start3A] : memref<4096xf32, #tpu.memory_space<vmem>> -> memref<128xf32, #tpu.memory_space<vmem>>
      %dma_start3A_144 = tpu.memref_slice %arg2[%run_scoped3A_118, %mul3A_2] : memref<32x4096xf32, #tpu.memory_space<hbm>> -> memref<1x128xf32, #tpu.memory_space<hbm>>
      %dma_start3A_145 = tpu.memref_squeeze %dma_start3A_144 : memref<1x128xf32, #tpu.memory_space<hbm>> -> memref<128xf32, #tpu.memory_space<hbm>>
      %dma_start3A_146 = arith.constant 3712 : i32
      %dma_start3A_147 = tpu.memref_slice %arg9[%dma_start3A_146] : memref<4096xf32, #tpu.memory_space<vmem>> -> memref<128xf32, #tpu.memory_space<vmem>>
      %dma_start3A_148 = tpu.memref_slice %arg2[%run_scoped3A_118, %mul3A_2] : memref<32x4096xf32, #tpu.memory_space<hbm>> -> memref<1x128xf32, #tpu.memory_space<hbm>>
      %dma_start3A_149 = tpu.memref_squeeze %dma_start3A_148 : memref<1x128xf32, #tpu.memory_space<hbm>> -> memref<128xf32, #tpu.memory_space<hbm>>
      tpu.enqueue_dma source(%dma_start3A_149 : memref<128xf32, #tpu.memory_space<hbm>>) target(%dma_start3A_147 : memref<128xf32, #tpu.memory_space<vmem>>) target_semaphore(%run_scoped3A_142 : memref<!tpu.dma_semaphore, #tpu.memory_space<semaphore_mem>>)
      %dma_wait3A = arith.constant 3712 : i32
      %dma_wait3A_150 = tpu.memref_slice %arg9[%dma_wait3A] : memref<4096xf32, #tpu.memory_space<vmem>> -> memref<128xf32, #tpu.memory_space<vmem>>
      %dma_wait3A_151 = tpu.memref_slice %arg2[%run_scoped3A_118, %mul3A_2] : memref<32x4096xf32, #tpu.memory_space<hbm>> -> memref<1x128xf32, #tpu.memory_space<hbm>>
      %dma_wait3A_152 = tpu.memref_squeeze %dma_wait3A_151 : memref<1x128xf32, #tpu.memory_space<hbm>> -> memref<128xf32, #tpu.memory_space<hbm>>
      %dma_wait3A_153 = arith.constant 3712 : i32
      %dma_wait3A_154 = tpu.memref_slice %arg9[%dma_wait3A_153] : memref<4096xf32, #tpu.memory_space<vmem>> -> memref<128xf32, #tpu.memory_space<vmem>>
      %dma_wait3A_155 = tpu.memref_slice %arg2[%run_scoped3A_118, %mul3A_2] : memref<32x4096xf32, #tpu.memory_space<hbm>> -> memref<1x128xf32, #tpu.memory_space<hbm>>
      %dma_wait3A_156 = tpu.memref_squeeze %dma_wait3A_155 : memref<1x128xf32, #tpu.memory_space<hbm>> -> memref<128xf32, #tpu.memory_space<hbm>>
      tpu.wait_dma2 semaphore(%run_scoped3A_142 : memref<!tpu.dma_semaphore, #tpu.memory_space<semaphore_mem>>) src(%dma_wait3A_156 : memref<128xf32, #tpu.memory_space<hbm>>) dst(%dma_wait3A_154 : memref<128xf32, #tpu.memory_space<vmem>>)
      tpu.yield
    }) : () -> ()
    %mul3A_119 = arith.constant 4 : i32
    %mul3A_120 = arith.muli %mul3A_2, %mul3A_119 : i32
    %run_scoped3A_121 = arith.constant 29 : i32
    "tpu.region"() ({
      %run_scoped3A_142 = tpu.sem_alloc : memref<!tpu.dma_semaphore, #tpu.memory_space<semaphore_mem>>
      %dma_start3A = arith.constant 14848 : i32
      %dma_start3A_143 = tpu.memref_slice %arg10[%dma_start3A] : memref<16384xf32, #tpu.memory_space<vmem>> -> memref<512xf32, #tpu.memory_space<vmem>>
      %dma_start3A_144 = tpu.memref_slice %arg3[%run_scoped3A_121, %mul3A_120] : memref<32x16384xf32, #tpu.memory_space<hbm>> -> memref<1x512xf32, #tpu.memory_space<hbm>>
      %dma_start3A_145 = tpu.memref_squeeze %dma_start3A_144 : memref<1x512xf32, #tpu.memory_space<hbm>> -> memref<512xf32, #tpu.memory_space<hbm>>
      %dma_start3A_146 = arith.constant 14848 : i32
      %dma_start3A_147 = tpu.memref_slice %arg10[%dma_start3A_146] : memref<16384xf32, #tpu.memory_space<vmem>> -> memref<512xf32, #tpu.memory_space<vmem>>
      %dma_start3A_148 = tpu.memref_slice %arg3[%run_scoped3A_121, %mul3A_120] : memref<32x16384xf32, #tpu.memory_space<hbm>> -> memref<1x512xf32, #tpu.memory_space<hbm>>
      %dma_start3A_149 = tpu.memref_squeeze %dma_start3A_148 : memref<1x512xf32, #tpu.memory_space<hbm>> -> memref<512xf32, #tpu.memory_space<hbm>>
      tpu.enqueue_dma source(%dma_start3A_149 : memref<512xf32, #tpu.memory_space<hbm>>) target(%dma_start3A_147 : memref<512xf32, #tpu.memory_space<vmem>>) target_semaphore(%run_scoped3A_142 : memref<!tpu.dma_semaphore, #tpu.memory_space<semaphore_mem>>)
      %dma_wait3A = arith.constant 14848 : i32
      %dma_wait3A_150 = tpu.memref_slice %arg10[%dma_wait3A] : memref<16384xf32, #tpu.memory_space<vmem>> -> memref<512xf32, #tpu.memory_space<vmem>>
      %dma_wait3A_151 = tpu.memref_slice %arg3[%run_scoped3A_121, %mul3A_120] : memref<32x16384xf32, #tpu.memory_space<hbm>> -> memref<1x512xf32, #tpu.memory_space<hbm>>
      %dma_wait3A_152 = tpu.memref_squeeze %dma_wait3A_151 : memref<1x512xf32, #tpu.memory_space<hbm>> -> memref<512xf32, #tpu.memory_space<hbm>>
      %dma_wait3A_153 = arith.constant 14848 : i32
      %dma_wait3A_154 = tpu.memref_slice %arg10[%dma_wait3A_153] : memref<16384xf32, #tpu.memory_space<vmem>> -> memref<512xf32, #tpu.memory_space<vmem>>
      %dma_wait3A_155 = tpu.memref_slice %arg3[%run_scoped3A_121, %mul3A_120] : memref<32x16384xf32, #tpu.memory_space<hbm>> -> memref<1x512xf32, #tpu.memory_space<hbm>>
      %dma_wait3A_156 = tpu.memref_squeeze %dma_wait3A_155 : memref<1x512xf32, #tpu.memory_space<hbm>> -> memref<512xf32, #tpu.memory_space<hbm>>
      tpu.wait_dma2 semaphore(%run_scoped3A_142 : memref<!tpu.dma_semaphore, #tpu.memory_space<semaphore_mem>>) src(%dma_wait3A_156 : memref<512xf32, #tpu.memory_space<hbm>>) dst(%dma_wait3A_154 : memref<512xf32, #tpu.memory_space<vmem>>)
      tpu.yield
    }) : () -> ()
    %run_scoped3A_122 = arith.constant 30 : i32
    "tpu.region"() ({
      %run_scoped3A_142 = tpu.sem_alloc : memref<!tpu.dma_semaphore, #tpu.memory_space<semaphore_mem>>
      %dma_start3A = arith.constant 3840 : i32
      %dma_start3A_143 = tpu.memref_slice %arg9[%dma_start3A] : memref<4096xf32, #tpu.memory_space<vmem>> -> memref<128xf32, #tpu.memory_space<vmem>>
      %dma_start3A_144 = tpu.memref_slice %arg2[%run_scoped3A_122, %mul3A_2] : memref<32x4096xf32, #tpu.memory_space<hbm>> -> memref<1x128xf32, #tpu.memory_space<hbm>>
      %dma_start3A_145 = tpu.memref_squeeze %dma_start3A_144 : memref<1x128xf32, #tpu.memory_space<hbm>> -> memref<128xf32, #tpu.memory_space<hbm>>
      %dma_start3A_146 = arith.constant 3840 : i32
      %dma_start3A_147 = tpu.memref_slice %arg9[%dma_start3A_146] : memref<4096xf32, #tpu.memory_space<vmem>> -> memref<128xf32, #tpu.memory_space<vmem>>
      %dma_start3A_148 = tpu.memref_slice %arg2[%run_scoped3A_122, %mul3A_2] : memref<32x4096xf32, #tpu.memory_space<hbm>> -> memref<1x128xf32, #tpu.memory_space<hbm>>
      %dma_start3A_149 = tpu.memref_squeeze %dma_start3A_148 : memref<1x128xf32, #tpu.memory_space<hbm>> -> memref<128xf32, #tpu.memory_space<hbm>>
      tpu.enqueue_dma source(%dma_start3A_149 : memref<128xf32, #tpu.memory_space<hbm>>) target(%dma_start3A_147 : memref<128xf32, #tpu.memory_space<vmem>>) target_semaphore(%run_scoped3A_142 : memref<!tpu.dma_semaphore, #tpu.memory_space<semaphore_mem>>)
      %dma_wait3A = arith.constant 3840 : i32
      %dma_wait3A_150 = tpu.memref_slice %arg9[%dma_wait3A] : memref<4096xf32, #tpu.memory_space<vmem>> -> memref<128xf32, #tpu.memory_space<vmem>>
      %dma_wait3A_151 = tpu.memref_slice %arg2[%run_scoped3A_122, %mul3A_2] : memref<32x4096xf32, #tpu.memory_space<hbm>> -> memref<1x128xf32, #tpu.memory_space<hbm>>
      %dma_wait3A_152 = tpu.memref_squeeze %dma_wait3A_151 : memref<1x128xf32, #tpu.memory_space<hbm>> -> memref<128xf32, #tpu.memory_space<hbm>>
      %dma_wait3A_153 = arith.constant 3840 : i32
      %dma_wait3A_154 = tpu.memref_slice %arg9[%dma_wait3A_153] : memref<4096xf32, #tpu.memory_space<vmem>> -> memref<128xf32, #tpu.memory_space<vmem>>
      %dma_wait3A_155 = tpu.memref_slice %arg2[%run_scoped3A_122, %mul3A_2] : memref<32x4096xf32, #tpu.memory_space<hbm>> -> memref<1x128xf32, #tpu.memory_space<hbm>>
      %dma_wait3A_156 = tpu.memref_squeeze %dma_wait3A_155 : memref<1x128xf32, #tpu.memory_space<hbm>> -> memref<128xf32, #tpu.memory_space<hbm>>
      tpu.wait_dma2 semaphore(%run_scoped3A_142 : memref<!tpu.dma_semaphore, #tpu.memory_space<semaphore_mem>>) src(%dma_wait3A_156 : memref<128xf32, #tpu.memory_space<hbm>>) dst(%dma_wait3A_154 : memref<128xf32, #tpu.memory_space<vmem>>)
      tpu.yield
    }) : () -> ()
    %mul3A_123 = arith.constant 4 : i32
    %mul3A_124 = arith.muli %mul3A_2, %mul3A_123 : i32
    %run_scoped3A_125 = arith.constant 30 : i32
    "tpu.region"() ({
      %run_scoped3A_142 = tpu.sem_alloc : memref<!tpu.dma_semaphore, #tpu.memory_space<semaphore_mem>>
      %dma_start3A = arith.constant 15360 : i32
      %dma_start3A_143 = tpu.memref_slice %arg10[%dma_start3A] : memref<16384xf32, #tpu.memory_space<vmem>> -> memref<512xf32, #tpu.memory_space<vmem>>
      %dma_start3A_144 = tpu.memref_slice %arg3[%run_scoped3A_125, %mul3A_124] : memref<32x16384xf32, #tpu.memory_space<hbm>> -> memref<1x512xf32, #tpu.memory_space<hbm>>
      %dma_start3A_145 = tpu.memref_squeeze %dma_start3A_144 : memref<1x512xf32, #tpu.memory_space<hbm>> -> memref<512xf32, #tpu.memory_space<hbm>>
      %dma_start3A_146 = arith.constant 15360 : i32
      %dma_start3A_147 = tpu.memref_slice %arg10[%dma_start3A_146] : memref<16384xf32, #tpu.memory_space<vmem>> -> memref<512xf32, #tpu.memory_space<vmem>>
      %dma_start3A_148 = tpu.memref_slice %arg3[%run_scoped3A_125, %mul3A_124] : memref<32x16384xf32, #tpu.memory_space<hbm>> -> memref<1x512xf32, #tpu.memory_space<hbm>>
      %dma_start3A_149 = tpu.memref_squeeze %dma_start3A_148 : memref<1x512xf32, #tpu.memory_space<hbm>> -> memref<512xf32, #tpu.memory_space<hbm>>
      tpu.enqueue_dma source(%dma_start3A_149 : memref<512xf32, #tpu.memory_space<hbm>>) target(%dma_start3A_147 : memref<512xf32, #tpu.memory_space<vmem>>) target_semaphore(%run_scoped3A_142 : memref<!tpu.dma_semaphore, #tpu.memory_space<semaphore_mem>>)
      %dma_wait3A = arith.constant 15360 : i32
      %dma_wait3A_150 = tpu.memref_slice %arg10[%dma_wait3A] : memref<16384xf32, #tpu.memory_space<vmem>> -> memref<512xf32, #tpu.memory_space<vmem>>
      %dma_wait3A_151 = tpu.memref_slice %arg3[%run_scoped3A_125, %mul3A_124] : memref<32x16384xf32, #tpu.memory_space<hbm>> -> memref<1x512xf32, #tpu.memory_space<hbm>>
      %dma_wait3A_152 = tpu.memref_squeeze %dma_wait3A_151 : memref<1x512xf32, #tpu.memory_space<hbm>> -> memref<512xf32, #tpu.memory_space<hbm>>
      %dma_wait3A_153 = arith.constant 15360 : i32
      %dma_wait3A_154 = tpu.memref_slice %arg10[%dma_wait3A_153] : memref<16384xf32, #tpu.memory_space<vmem>> -> memref<512xf32, #tpu.memory_space<vmem>>
      %dma_wait3A_155 = tpu.memref_slice %arg3[%run_scoped3A_125, %mul3A_124] : memref<32x16384xf32, #tpu.memory_space<hbm>> -> memref<1x512xf32, #tpu.memory_space<hbm>>
      %dma_wait3A_156 = tpu.memref_squeeze %dma_wait3A_155 : memref<1x512xf32, #tpu.memory_space<hbm>> -> memref<512xf32, #tpu.memory_space<hbm>>
      tpu.wait_dma2 semaphore(%run_scoped3A_142 : memref<!tpu.dma_semaphore, #tpu.memory_space<semaphore_mem>>) src(%dma_wait3A_156 : memref<512xf32, #tpu.memory_space<hbm>>) dst(%dma_wait3A_154 : memref<512xf32, #tpu.memory_space<vmem>>)
      tpu.yield
    }) : () -> ()
    %run_scoped3A_126 = arith.constant 31 : i32
    "tpu.region"() ({
      %run_scoped3A_142 = tpu.sem_alloc : memref<!tpu.dma_semaphore, #tpu.memory_space<semaphore_mem>>
      %dma_start3A = arith.constant 3968 : i32
      %dma_start3A_143 = tpu.memref_slice %arg9[%dma_start3A] : memref<4096xf32, #tpu.memory_space<vmem>> -> memref<128xf32, #tpu.memory_space<vmem>>
      %dma_start3A_144 = tpu.memref_slice %arg2[%run_scoped3A_126, %mul3A_2] : memref<32x4096xf32, #tpu.memory_space<hbm>> -> memref<1x128xf32, #tpu.memory_space<hbm>>
      %dma_start3A_145 = tpu.memref_squeeze %dma_start3A_144 : memref<1x128xf32, #tpu.memory_space<hbm>> -> memref<128xf32, #tpu.memory_space<hbm>>
      %dma_start3A_146 = arith.constant 3968 : i32
      %dma_start3A_147 = tpu.memref_slice %arg9[%dma_start3A_146] : memref<4096xf32, #tpu.memory_space<vmem>> -> memref<128xf32, #tpu.memory_space<vmem>>
      %dma_start3A_148 = tpu.memref_slice %arg2[%run_scoped3A_126, %mul3A_2] : memref<32x4096xf32, #tpu.memory_space<hbm>> -> memref<1x128xf32, #tpu.memory_space<hbm>>
      %dma_start3A_149 = tpu.memref_squeeze %dma_start3A_148 : memref<1x128xf32, #tpu.memory_space<hbm>> -> memref<128xf32, #tpu.memory_space<hbm>>
      tpu.enqueue_dma source(%dma_start3A_149 : memref<128xf32, #tpu.memory_space<hbm>>) target(%dma_start3A_147 : memref<128xf32, #tpu.memory_space<vmem>>) target_semaphore(%run_scoped3A_142 : memref<!tpu.dma_semaphore, #tpu.memory_space<semaphore_mem>>)
      %dma_wait3A = arith.constant 3968 : i32
      %dma_wait3A_150 = tpu.memref_slice %arg9[%dma_wait3A] : memref<4096xf32, #tpu.memory_space<vmem>> -> memref<128xf32, #tpu.memory_space<vmem>>
      %dma_wait3A_151 = tpu.memref_slice %arg2[%run_scoped3A_126, %mul3A_2] : memref<32x4096xf32, #tpu.memory_space<hbm>> -> memref<1x128xf32, #tpu.memory_space<hbm>>
      %dma_wait3A_152 = tpu.memref_squeeze %dma_wait3A_151 : memref<1x128xf32, #tpu.memory_space<hbm>> -> memref<128xf32, #tpu.memory_space<hbm>>
      %dma_wait3A_153 = arith.constant 3968 : i32
      %dma_wait3A_154 = tpu.memref_slice %arg9[%dma_wait3A_153] : memref<4096xf32, #tpu.memory_space<vmem>> -> memref<128xf32, #tpu.memory_space<vmem>>
      %dma_wait3A_155 = tpu.memref_slice %arg2[%run_scoped3A_126, %mul3A_2] : memref<32x4096xf32, #tpu.memory_space<hbm>> -> memref<1x128xf32, #tpu.memory_space<hbm>>
      %dma_wait3A_156 = tpu.memref_squeeze %dma_wait3A_155 : memref<1x128xf32, #tpu.memory_space<hbm>> -> memref<128xf32, #tpu.memory_space<hbm>>
      tpu.wait_dma2 semaphore(%run_scoped3A_142 : memref<!tpu.dma_semaphore, #tpu.memory_space<semaphore_mem>>) src(%dma_wait3A_156 : memref<128xf32, #tpu.memory_space<hbm>>) dst(%dma_wait3A_154 : memref<128xf32, #tpu.memory_space<vmem>>)
      tpu.yield
    }) : () -> ()
    %mul3A_127 = arith.constant 4 : i32
    %mul3A_128 = arith.muli %mul3A_2, %mul3A_127 : i32
    %run_scoped3A_129 = arith.constant 31 : i32
    "tpu.region"() ({
      %run_scoped3A_142 = tpu.sem_alloc : memref<!tpu.dma_semaphore, #tpu.memory_space<semaphore_mem>>
      %dma_start3A = arith.constant 15872 : i32
      %dma_start3A_143 = tpu.memref_slice %arg10[%dma_start3A] : memref<16384xf32, #tpu.memory_space<vmem>> -> memref<512xf32, #tpu.memory_space<vmem>>
      %dma_start3A_144 = tpu.memref_slice %arg3[%run_scoped3A_129, %mul3A_128] : memref<32x16384xf32, #tpu.memory_space<hbm>> -> memref<1x512xf32, #tpu.memory_space<hbm>>
      %dma_start3A_145 = tpu.memref_squeeze %dma_start3A_144 : memref<1x512xf32, #tpu.memory_space<hbm>> -> memref<512xf32, #tpu.memory_space<hbm>>
      %dma_start3A_146 = arith.constant 15872 : i32
      %dma_start3A_147 = tpu.memref_slice %arg10[%dma_start3A_146] : memref<16384xf32, #tpu.memory_space<vmem>> -> memref<512xf32, #tpu.memory_space<vmem>>
      %dma_start3A_148 = tpu.memref_slice %arg3[%run_scoped3A_129, %mul3A_128] : memref<32x16384xf32, #tpu.memory_space<hbm>> -> memref<1x512xf32, #tpu.memory_space<hbm>>
      %dma_start3A_149 = tpu.memref_squeeze %dma_start3A_148 : memref<1x512xf32, #tpu.memory_space<hbm>> -> memref<512xf32, #tpu.memory_space<hbm>>
      tpu.enqueue_dma source(%dma_start3A_149 : memref<512xf32, #tpu.memory_space<hbm>>) target(%dma_start3A_147 : memref<512xf32, #tpu.memory_space<vmem>>) target_semaphore(%run_scoped3A_142 : memref<!tpu.dma_semaphore, #tpu.memory_space<semaphore_mem>>)
      %dma_wait3A = arith.constant 15872 : i32
      %dma_wait3A_150 = tpu.memref_slice %arg10[%dma_wait3A] : memref<16384xf32, #tpu.memory_space<vmem>> -> memref<512xf32, #tpu.memory_space<vmem>>
      %dma_wait3A_151 = tpu.memref_slice %arg3[%run_scoped3A_129, %mul3A_128] : memref<32x16384xf32, #tpu.memory_space<hbm>> -> memref<1x512xf32, #tpu.memory_space<hbm>>
      %dma_wait3A_152 = tpu.memref_squeeze %dma_wait3A_151 : memref<1x512xf32, #tpu.memory_space<hbm>> -> memref<512xf32, #tpu.memory_space<hbm>>
      %dma_wait3A_153 = arith.constant 15872 : i32
      %dma_wait3A_154 = tpu.memref_slice %arg10[%dma_wait3A_153] : memref<16384xf32, #tpu.memory_space<vmem>> -> memref<512xf32, #tpu.memory_space<vmem>>
      %dma_wait3A_155 = tpu.memref_slice %arg3[%run_scoped3A_129, %mul3A_128] : memref<32x16384xf32, #tpu.memory_space<hbm>> -> memref<1x512xf32, #tpu.memory_space<hbm>>
      %dma_wait3A_156 = tpu.memref_squeeze %dma_wait3A_155 : memref<1x512xf32, #tpu.memory_space<hbm>> -> memref<512xf32, #tpu.memory_space<hbm>>
      tpu.wait_dma2 semaphore(%run_scoped3A_142 : memref<!tpu.dma_semaphore, #tpu.memory_space<semaphore_mem>>) src(%dma_wait3A_156 : memref<512xf32, #tpu.memory_space<hbm>>) dst(%dma_wait3A_154 : memref<512xf32, #tpu.memory_space<vmem>>)
      tpu.yield
    }) : () -> ()
    "tpu.region"() ({
      %run_scoped3A_142 = tpu.sem_alloc : memref<!tpu.dma_semaphore, #tpu.memory_space<semaphore_mem>>
      %dma_start3A = tpu.memref_slice %arg4[%mul3A_2] : memref<4096xf32, #tpu.memory_space<hbm>> -> memref<128xf32, #tpu.memory_space<hbm>>
      %dma_start3A_143 = tpu.memref_slice %arg4[%mul3A_2] : memref<4096xf32, #tpu.memory_space<hbm>> -> memref<128xf32, #tpu.memory_space<hbm>>
      tpu.enqueue_dma source(%dma_start3A_143 : memref<128xf32, #tpu.memory_space<hbm>>) target(%arg13 : memref<128xf32, #tpu.memory_space<vmem>>) target_semaphore(%run_scoped3A_142 : memref<!tpu.dma_semaphore, #tpu.memory_space<semaphore_mem>>)
      %dma_wait3A = tpu.memref_slice %arg4[%mul3A_2] : memref<4096xf32, #tpu.memory_space<hbm>> -> memref<128xf32, #tpu.memory_space<hbm>>
      %dma_wait3A_144 = tpu.memref_slice %arg4[%mul3A_2] : memref<4096xf32, #tpu.memory_space<hbm>> -> memref<128xf32, #tpu.memory_space<hbm>>
      tpu.wait_dma2 semaphore(%run_scoped3A_142 : memref<!tpu.dma_semaphore, #tpu.memory_space<semaphore_mem>>) src(%dma_wait3A_144 : memref<128xf32, #tpu.memory_space<hbm>>) dst(%arg13 : memref<128xf32, #tpu.memory_space<vmem>>)
      tpu.yield
    }) : () -> ()
    "tpu.region"() ({
      %run_scoped3A_142 = tpu.sem_alloc : memref<!tpu.dma_semaphore, #tpu.memory_space<semaphore_mem>>
      tpu.enqueue_dma source(%arg5 : memref<16xi32, #tpu.memory_space<hbm>>) target(%arg14 : memref<16xi32, #tpu.memory_space<vmem>>) target_semaphore(%run_scoped3A_142 : memref<!tpu.dma_semaphore, #tpu.memory_space<semaphore_mem>>)
      tpu.wait_dma2 semaphore(%run_scoped3A_142 : memref<!tpu.dma_semaphore, #tpu.memory_space<semaphore_mem>>) src(%arg5 : memref<16xi32, #tpu.memory_space<hbm>>) dst(%arg14 : memref<16xi32, #tpu.memory_space<vmem>>)
      tpu.yield
    }) : () -> ()
    %broadcast_in_dim3A = arith.constant 0.000000e+00 : f32
    %broadcast_in_dim3A_130 = vector.broadcast %broadcast_in_dim3A : f32 to vector<16xf32>
    %parallel_loop3A = arith.constant 0 : i32
    %parallel_loop3A_131 = arith.constant 8 : i32
    %parallel_loop3A_132 = arith.constant 1 : i32
    scf.for %parallel_loop3A_142 = %parallel_loop3A to %parallel_loop3A_131 step %parallel_loop3A_132  : i32 {
      %parallel_loop3A_143 = arith.constant 16 : i32
      %parallel_loop3A_144 = arith.muli %parallel_loop3A_142, %parallel_loop3A_143 : i32
      %parallel_loop3A_145 = arith.constant 0 : i32
      %parallel_loop3A_146 = arith.addi %parallel_loop3A_145, %parallel_loop3A_144 : i32
      %parallel_loop3A_147 = arith.index_cast %parallel_loop3A_146 : i32 to index
      %parallel_loop3A_148 = tpu.vector_load %arg9[%parallel_loop3A_147] {strides = array<i32>} : memref<4096xf32, #tpu.memory_space<vmem>>, vector<16xf32>,
      %parallel_loop3A_149 = arith.addf %broadcast_in_dim3A_130, %parallel_loop3A_148 : vector<16xf32>
      %parallel_loop3A_150 = arith.constant 16 : i32
      %parallel_loop3A_151 = arith.muli %parallel_loop3A_142, %parallel_loop3A_150 : i32
      %parallel_loop3A_152 = arith.constant 128 : i32
      %parallel_loop3A_153 = arith.addi %parallel_loop3A_152, %parallel_loop3A_151 : i32
      %parallel_loop3A_154 = arith.index_cast %parallel_loop3A_153 : i32 to index
      %parallel_loop3A_155 = tpu.vector_load %arg9[%parallel_loop3A_154] {strides = array<i32>} : memref<4096xf32, #tpu.memory_space<vmem>>, vector<16xf32>,
      %parallel_loop3A_156 = arith.addf %parallel_loop3A_149, %parallel_loop3A_155 : vector<16xf32>
      %parallel_loop3A_157 = arith.constant 16 : i32
      %parallel_loop3A_158 = arith.muli %parallel_loop3A_142, %parallel_loop3A_157 : i32
      %parallel_loop3A_159 = arith.constant 256 : i32
      %parallel_loop3A_160 = arith.addi %parallel_loop3A_159, %parallel_loop3A_158 : i32
      %parallel_loop3A_161 = arith.index_cast %parallel_loop3A_160 : i32 to index
      %parallel_loop3A_162 = tpu.vector_load %arg9[%parallel_loop3A_161] {strides = array<i32>} : memref<4096xf32, #tpu.memory_space<vmem>>, vector<16xf32>,
      %parallel_loop3A_163 = arith.addf %parallel_loop3A_156, %parallel_loop3A_162 : vector<16xf32>
      %parallel_loop3A_164 = arith.constant 16 : i32
      %parallel_loop3A_165 = arith.muli %parallel_loop3A_142, %parallel_loop3A_164 : i32
      %parallel_loop3A_166 = arith.constant 384 : i32
      %parallel_loop3A_167 = arith.addi %parallel_loop3A_166, %parallel_loop3A_165 : i32
      %parallel_loop3A_168 = arith.index_cast %parallel_loop3A_167 : i32 to index
      %parallel_loop3A_169 = tpu.vector_load %arg9[%parallel_loop3A_168] {strides = array<i32>} : memref<4096xf32, #tpu.memory_space<vmem>>, vector<16xf32>,
      %parallel_loop3A_170 = arith.addf %parallel_loop3A_163, %parallel_loop3A_169 : vector<16xf32>
      %parallel_loop3A_171 = arith.constant 16 : i32
      %parallel_loop3A_172 = arith.muli %parallel_loop3A_142, %parallel_loop3A_171 : i32
      %parallel_loop3A_173 = arith.constant 512 : i32
      %parallel_loop3A_174 = arith.addi %parallel_loop3A_173, %parallel_loop3A_172 : i32
      %parallel_loop3A_175 = arith.index_cast %parallel_loop3A_174 : i32 to index
      %parallel_loop3A_176 = tpu.vector_load %arg9[%parallel_loop3A_175] {strides = array<i32>} : memref<4096xf32, #tpu.memory_space<vmem>>, vector<16xf32>,
      %parallel_loop3A_177 = arith.addf %parallel_loop3A_170, %parallel_loop3A_176 : vector<16xf32>
      %parallel_loop3A_178 = arith.constant 16 : i32
      %parallel_loop3A_179 = arith.muli %parallel_loop3A_142, %parallel_loop3A_178 : i32
      %parallel_loop3A_180 = arith.constant 640 : i32
      %parallel_loop3A_181 = arith.addi %parallel_loop3A_180, %parallel_loop3A_179 : i32
      %parallel_loop3A_182 = arith.index_cast %parallel_loop3A_181 : i32 to index
      %parallel_loop3A_183 = tpu.vector_load %arg9[%parallel_loop3A_182] {strides = array<i32>} : memref<4096xf32, #tpu.memory_space<vmem>>, vector<16xf32>,
      %parallel_loop3A_184 = arith.addf %parallel_loop3A_177, %parallel_loop3A_183 : vector<16xf32>
      %parallel_loop3A_185 = arith.constant 16 : i32
      %parallel_loop3A_186 = arith.muli %parallel_loop3A_142, %parallel_loop3A_185 : i32
      %parallel_loop3A_187 = arith.constant 768 : i32
      %parallel_loop3A_188 = arith.addi %parallel_loop3A_187, %parallel_loop3A_186 : i32
      %parallel_loop3A_189 = arith.index_cast %parallel_loop3A_188 : i32 to index
      %parallel_loop3A_190 = tpu.vector_load %arg9[%parallel_loop3A_189] {strides = array<i32>} : memref<4096xf32, #tpu.memory_space<vmem>>, vector<16xf32>,
      %parallel_loop3A_191 = arith.addf %parallel_loop3A_184, %parallel_loop3A_190 : vector<16xf32>
      %parallel_loop3A_192 = arith.constant 16 : i32
      %parallel_loop3A_193 = arith.muli %parallel_loop3A_142, %parallel_loop3A_192 : i32
      %parallel_loop3A_194 = arith.constant 896 : i32
      %parallel_loop3A_195 = arith.addi %parallel_loop3A_194, %parallel_loop3A_193 : i32
      %parallel_loop3A_196 = arith.index_cast %parallel_loop3A_195 : i32 to index
      %parallel_loop3A_197 = tpu.vector_load %arg9[%parallel_loop3A_196] {strides = array<i32>} : memref<4096xf32, #tpu.memory_space<vmem>>, vector<16xf32>,
      %parallel_loop3A_198 = arith.addf %parallel_loop3A_191, %parallel_loop3A_197 : vector<16xf32>
      %parallel_loop3A_199 = arith.constant 16 : i32
      %parallel_loop3A_200 = arith.muli %parallel_loop3A_142, %parallel_loop3A_199 : i32
      %parallel_loop3A_201 = arith.constant 1024 : i32
      %parallel_loop3A_202 = arith.addi %parallel_loop3A_201, %parallel_loop3A_200 : i32
      %parallel_loop3A_203 = arith.index_cast %parallel_loop3A_202 : i32 to index
      %parallel_loop3A_204 = tpu.vector_load %arg9[%parallel_loop3A_203] {strides = array<i32>} : memref<4096xf32, #tpu.memory_space<vmem>>, vector<16xf32>,
      %parallel_loop3A_205 = arith.addf %parallel_loop3A_198, %parallel_loop3A_204 : vector<16xf32>
      %parallel_loop3A_206 = arith.constant 16 : i32
      %parallel_loop3A_207 = arith.muli %parallel_loop3A_142, %parallel_loop3A_206 : i32
      %parallel_loop3A_208 = arith.constant 1152 : i32
      %parallel_loop3A_209 = arith.addi %parallel_loop3A_208, %parallel_loop3A_207 : i32
      %parallel_loop3A_210 = arith.index_cast %parallel_loop3A_209 : i32 to index
      %parallel_loop3A_211 = tpu.vector_load %arg9[%parallel_loop3A_210] {strides = array<i32>} : memref<4096xf32, #tpu.memory_space<vmem>>, vector<16xf32>,
      %parallel_loop3A_212 = arith.addf %parallel_loop3A_205, %parallel_loop3A_211 : vector<16xf32>
      %parallel_loop3A_213 = arith.constant 16 : i32
      %parallel_loop3A_214 = arith.muli %parallel_loop3A_142, %parallel_loop3A_213 : i32
      %parallel_loop3A_215 = arith.constant 1280 : i32
      %parallel_loop3A_216 = arith.addi %parallel_loop3A_215, %parallel_loop3A_214 : i32
      %parallel_loop3A_217 = arith.index_cast %parallel_loop3A_216 : i32 to index
      %parallel_loop3A_218 = tpu.vector_load %arg9[%parallel_loop3A_217] {strides = array<i32>} : memref<4096xf32, #tpu.memory_space<vmem>>, vector<16xf32>,
      %parallel_loop3A_219 = arith.addf %parallel_loop3A_212, %parallel_loop3A_218 : vector<16xf32>
      %parallel_loop3A_220 = arith.constant 16 : i32
      %parallel_loop3A_221 = arith.muli %parallel_loop3A_142, %parallel_loop3A_220 : i32
      %parallel_loop3A_222 = arith.constant 1408 : i32
      %parallel_loop3A_223 = arith.addi %parallel_loop3A_222, %parallel_loop3A_221 : i32
      %parallel_loop3A_224 = arith.index_cast %parallel_loop3A_223 : i32 to index
      %parallel_loop3A_225 = tpu.vector_load %arg9[%parallel_loop3A_224] {strides = array<i32>} : memref<4096xf32, #tpu.memory_space<vmem>>, vector<16xf32>,
      %parallel_loop3A_226 = arith.addf %parallel_loop3A_219, %parallel_loop3A_225 : vector<16xf32>
      %parallel_loop3A_227 = arith.constant 16 : i32
      %parallel_loop3A_228 = arith.muli %parallel_loop3A_142, %parallel_loop3A_227 : i32
      %parallel_loop3A_229 = arith.constant 1536 : i32
      %parallel_loop3A_230 = arith.addi %parallel_loop3A_229, %parallel_loop3A_228 : i32
      %parallel_loop3A_231 = arith.index_cast %parallel_loop3A_230 : i32 to index
      %parallel_loop3A_232 = tpu.vector_load %arg9[%parallel_loop3A_231] {strides = array<i32>} : memref<4096xf32, #tpu.memory_space<vmem>>, vector<16xf32>,
      %parallel_loop3A_233 = arith.addf %parallel_loop3A_226, %parallel_loop3A_232 : vector<16xf32>
      %parallel_loop3A_234 = arith.constant 16 : i32
      %parallel_loop3A_235 = arith.muli %parallel_loop3A_142, %parallel_loop3A_234 : i32
      %parallel_loop3A_236 = arith.constant 1664 : i32
      %parallel_loop3A_237 = arith.addi %parallel_loop3A_236, %parallel_loop3A_235 : i32
      %parallel_loop3A_238 = arith.index_cast %parallel_loop3A_237 : i32 to index
      %parallel_loop3A_239 = tpu.vector_load %arg9[%parallel_loop3A_238] {strides = array<i32>} : memref<4096xf32, #tpu.memory_space<vmem>>, vector<16xf32>,
      %parallel_loop3A_240 = arith.addf %parallel_loop3A_233, %parallel_loop3A_239 : vector<16xf32>
      %parallel_loop3A_241 = arith.constant 16 : i32
      %parallel_loop3A_242 = arith.muli %parallel_loop3A_142, %parallel_loop3A_241 : i32
      %parallel_loop3A_243 = arith.constant 1792 : i32
      %parallel_loop3A_244 = arith.addi %parallel_loop3A_243, %parallel_loop3A_242 : i32
      %parallel_loop3A_245 = arith.index_cast %parallel_loop3A_244 : i32 to index
      %parallel_loop3A_246 = tpu.vector_load %arg9[%parallel_loop3A_245] {strides = array<i32>} : memref<4096xf32, #tpu.memory_space<vmem>>, vector<16xf32>,
      %parallel_loop3A_247 = arith.addf %parallel_loop3A_240, %parallel_loop3A_246 : vector<16xf32>
      %parallel_loop3A_248 = arith.constant 16 : i32
      %parallel_loop3A_249 = arith.muli %parallel_loop3A_142, %parallel_loop3A_248 : i32
      %parallel_loop3A_250 = arith.constant 1920 : i32
      %parallel_loop3A_251 = arith.addi %parallel_loop3A_250, %parallel_loop3A_249 : i32
      %parallel_loop3A_252 = arith.index_cast %parallel_loop3A_251 : i32 to index
      %parallel_loop3A_253 = tpu.vector_load %arg9[%parallel_loop3A_252] {strides = array<i32>} : memref<4096xf32, #tpu.memory_space<vmem>>, vector<16xf32>,
      %parallel_loop3A_254 = arith.addf %parallel_loop3A_247, %parallel_loop3A_253 : vector<16xf32>
      %parallel_loop3A_255 = arith.constant 16 : i32
      %parallel_loop3A_256 = arith.muli %parallel_loop3A_142, %parallel_loop3A_255 : i32
      %parallel_loop3A_257 = arith.constant 2048 : i32
      %parallel_loop3A_258 = arith.addi %parallel_loop3A_257, %parallel_loop3A_256 : i32
      %parallel_loop3A_259 = arith.index_cast %parallel_loop3A_258 : i32 to index
      %parallel_loop3A_260 = tpu.vector_load %arg9[%parallel_loop3A_259] {strides = array<i32>} : memref<4096xf32, #tpu.memory_space<vmem>>, vector<16xf32>,
      %parallel_loop3A_261 = arith.addf %parallel_loop3A_254, %parallel_loop3A_260 : vector<16xf32>
      %parallel_loop3A_262 = arith.constant 16 : i32
      %parallel_loop3A_263 = arith.muli %parallel_loop3A_142, %parallel_loop3A_262 : i32
      %parallel_loop3A_264 = arith.constant 2176 : i32
      %parallel_loop3A_265 = arith.addi %parallel_loop3A_264, %parallel_loop3A_263 : i32
      %parallel_loop3A_266 = arith.index_cast %parallel_loop3A_265 : i32 to index
      %parallel_loop3A_267 = tpu.vector_load %arg9[%parallel_loop3A_266] {strides = array<i32>} : memref<4096xf32, #tpu.memory_space<vmem>>, vector<16xf32>,
      %parallel_loop3A_268 = arith.addf %parallel_loop3A_261, %parallel_loop3A_267 : vector<16xf32>
      %parallel_loop3A_269 = arith.constant 16 : i32
      %parallel_loop3A_270 = arith.muli %parallel_loop3A_142, %parallel_loop3A_269 : i32
      %parallel_loop3A_271 = arith.constant 2304 : i32
      %parallel_loop3A_272 = arith.addi %parallel_loop3A_271, %parallel_loop3A_270 : i32
      %parallel_loop3A_273 = arith.index_cast %parallel_loop3A_272 : i32 to index
      %parallel_loop3A_274 = tpu.vector_load %arg9[%parallel_loop3A_273] {strides = array<i32>} : memref<4096xf32, #tpu.memory_space<vmem>>, vector<16xf32>,
      %parallel_loop3A_275 = arith.addf %parallel_loop3A_268, %parallel_loop3A_274 : vector<16xf32>
      %parallel_loop3A_276 = arith.constant 16 : i32
      %parallel_loop3A_277 = arith.muli %parallel_loop3A_142, %parallel_loop3A_276 : i32
      %parallel_loop3A_278 = arith.constant 2432 : i32
      %parallel_loop3A_279 = arith.addi %parallel_loop3A_278, %parallel_loop3A_277 : i32
      %parallel_loop3A_280 = arith.index_cast %parallel_loop3A_279 : i32 to index
      %parallel_loop3A_281 = tpu.vector_load %arg9[%parallel_loop3A_280] {strides = array<i32>} : memref<4096xf32, #tpu.memory_space<vmem>>, vector<16xf32>,
      %parallel_loop3A_282 = arith.addf %parallel_loop3A_275, %parallel_loop3A_281 : vector<16xf32>
      %parallel_loop3A_283 = arith.constant 16 : i32
      %parallel_loop3A_284 = arith.muli %parallel_loop3A_142, %parallel_loop3A_283 : i32
      %parallel_loop3A_285 = arith.constant 2560 : i32
      %parallel_loop3A_286 = arith.addi %parallel_loop3A_285, %parallel_loop3A_284 : i32
      %parallel_loop3A_287 = arith.index_cast %parallel_loop3A_286 : i32 to index
      %parallel_loop3A_288 = tpu.vector_load %arg9[%parallel_loop3A_287] {strides = array<i32>} : memref<4096xf32, #tpu.memory_space<vmem>>, vector<16xf32>,
      %parallel_loop3A_289 = arith.addf %parallel_loop3A_282, %parallel_loop3A_288 : vector<16xf32>
      %parallel_loop3A_290 = arith.constant 16 : i32
      %parallel_loop3A_291 = arith.muli %parallel_loop3A_142, %parallel_loop3A_290 : i32
      %parallel_loop3A_292 = arith.constant 2688 : i32
      %parallel_loop3A_293 = arith.addi %parallel_loop3A_292, %parallel_loop3A_291 : i32
      %parallel_loop3A_294 = arith.index_cast %parallel_loop3A_293 : i32 to index
      %parallel_loop3A_295 = tpu.vector_load %arg9[%parallel_loop3A_294] {strides = array<i32>} : memref<4096xf32, #tpu.memory_space<vmem>>, vector<16xf32>,
      %parallel_loop3A_296 = arith.addf %parallel_loop3A_289, %parallel_loop3A_295 : vector<16xf32>
      %parallel_loop3A_297 = arith.constant 16 : i32
      %parallel_loop3A_298 = arith.muli %parallel_loop3A_142, %parallel_loop3A_297 : i32
      %parallel_loop3A_299 = arith.constant 2816 : i32
      %parallel_loop3A_300 = arith.addi %parallel_loop3A_299, %parallel_loop3A_298 : i32
      %parallel_loop3A_301 = arith.index_cast %parallel_loop3A_300 : i32 to index
      %parallel_loop3A_302 = tpu.vector_load %arg9[%parallel_loop3A_301] {strides = array<i32>} : memref<4096xf32, #tpu.memory_space<vmem>>, vector<16xf32>,
      %parallel_loop3A_303 = arith.addf %parallel_loop3A_296, %parallel_loop3A_302 : vector<16xf32>
      %parallel_loop3A_304 = arith.constant 16 : i32
      %parallel_loop3A_305 = arith.muli %parallel_loop3A_142, %parallel_loop3A_304 : i32
      %parallel_loop3A_306 = arith.constant 2944 : i32
      %parallel_loop3A_307 = arith.addi %parallel_loop3A_306, %parallel_loop3A_305 : i32
      %parallel_loop3A_308 = arith.index_cast %parallel_loop3A_307 : i32 to index
      %parallel_loop3A_309 = tpu.vector_load %arg9[%parallel_loop3A_308] {strides = array<i32>} : memref<4096xf32, #tpu.memory_space<vmem>>, vector<16xf32>,
      %parallel_loop3A_310 = arith.addf %parallel_loop3A_303, %parallel_loop3A_309 : vector<16xf32>
      %parallel_loop3A_311 = arith.constant 16 : i32
      %parallel_loop3A_312 = arith.muli %parallel_loop3A_142, %parallel_loop3A_311 : i32
      %parallel_loop3A_313 = arith.constant 3072 : i32
      %parallel_loop3A_314 = arith.addi %parallel_loop3A_313, %parallel_loop3A_312 : i32
      %parallel_loop3A_315 = arith.index_cast %parallel_loop3A_314 : i32 to index
      %parallel_loop3A_316 = tpu.vector_load %arg9[%parallel_loop3A_315] {strides = array<i32>} : memref<4096xf32, #tpu.memory_space<vmem>>, vector<16xf32>,
      %parallel_loop3A_317 = arith.addf %parallel_loop3A_310, %parallel_loop3A_316 : vector<16xf32>
      %parallel_loop3A_318 = arith.constant 16 : i32
      %parallel_loop3A_319 = arith.muli %parallel_loop3A_142, %parallel_loop3A_318 : i32
      %parallel_loop3A_320 = arith.constant 3200 : i32
      %parallel_loop3A_321 = arith.addi %parallel_loop3A_320, %parallel_loop3A_319 : i32
      %parallel_loop3A_322 = arith.index_cast %parallel_loop3A_321 : i32 to index
      %parallel_loop3A_323 = tpu.vector_load %arg9[%parallel_loop3A_322] {strides = array<i32>} : memref<4096xf32, #tpu.memory_space<vmem>>, vector<16xf32>,
      %parallel_loop3A_324 = arith.addf %parallel_loop3A_317, %parallel_loop3A_323 : vector<16xf32>
      %parallel_loop3A_325 = arith.constant 16 : i32
      %parallel_loop3A_326 = arith.muli %parallel_loop3A_142, %parallel_loop3A_325 : i32
      %parallel_loop3A_327 = arith.constant 3328 : i32
      %parallel_loop3A_328 = arith.addi %parallel_loop3A_327, %parallel_loop3A_326 : i32
      %parallel_loop3A_329 = arith.index_cast %parallel_loop3A_328 : i32 to index
      %parallel_loop3A_330 = tpu.vector_load %arg9[%parallel_loop3A_329] {strides = array<i32>} : memref<4096xf32, #tpu.memory_space<vmem>>, vector<16xf32>,
      %parallel_loop3A_331 = arith.addf %parallel_loop3A_324, %parallel_loop3A_330 : vector<16xf32>
      %parallel_loop3A_332 = arith.constant 16 : i32
      %parallel_loop3A_333 = arith.muli %parallel_loop3A_142, %parallel_loop3A_332 : i32
      %parallel_loop3A_334 = arith.constant 3456 : i32
      %parallel_loop3A_335 = arith.addi %parallel_loop3A_334, %parallel_loop3A_333 : i32
      %parallel_loop3A_336 = arith.index_cast %parallel_loop3A_335 : i32 to index
      %parallel_loop3A_337 = tpu.vector_load %arg9[%parallel_loop3A_336] {strides = array<i32>} : memref<4096xf32, #tpu.memory_space<vmem>>, vector<16xf32>,
      %parallel_loop3A_338 = arith.addf %parallel_loop3A_331, %parallel_loop3A_337 : vector<16xf32>
      %parallel_loop3A_339 = arith.constant 16 : i32
      %parallel_loop3A_340 = arith.muli %parallel_loop3A_142, %parallel_loop3A_339 : i32
      %parallel_loop3A_341 = arith.constant 3584 : i32
      %parallel_loop3A_342 = arith.addi %parallel_loop3A_341, %parallel_loop3A_340 : i32
      %parallel_loop3A_343 = arith.index_cast %parallel_loop3A_342 : i32 to index
      %parallel_loop3A_344 = tpu.vector_load %arg9[%parallel_loop3A_343] {strides = array<i32>} : memref<4096xf32, #tpu.memory_space<vmem>>, vector<16xf32>,
      %parallel_loop3A_345 = arith.addf %parallel_loop3A_338, %parallel_loop3A_344 : vector<16xf32>
      %parallel_loop3A_346 = arith.constant 16 : i32
      %parallel_loop3A_347 = arith.muli %parallel_loop3A_142, %parallel_loop3A_346 : i32
      %parallel_loop3A_348 = arith.constant 3712 : i32
      %parallel_loop3A_349 = arith.addi %parallel_loop3A_348, %parallel_loop3A_347 : i32
      %parallel_loop3A_350 = arith.index_cast %parallel_loop3A_349 : i32 to index
      %parallel_loop3A_351 = tpu.vector_load %arg9[%parallel_loop3A_350] {strides = array<i32>} : memref<4096xf32, #tpu.memory_space<vmem>>, vector<16xf32>,
      %parallel_loop3A_352 = arith.addf %parallel_loop3A_345, %parallel_loop3A_351 : vector<16xf32>
      %parallel_loop3A_353 = arith.constant 16 : i32
      %parallel_loop3A_354 = arith.muli %parallel_loop3A_142, %parallel_loop3A_353 : i32
      %parallel_loop3A_355 = arith.constant 3840 : i32
      %parallel_loop3A_356 = arith.addi %parallel_loop3A_355, %parallel_loop3A_354 : i32
      %parallel_loop3A_357 = arith.index_cast %parallel_loop3A_356 : i32 to index
      %parallel_loop3A_358 = tpu.vector_load %arg9[%parallel_loop3A_357] {strides = array<i32>} : memref<4096xf32, #tpu.memory_space<vmem>>, vector<16xf32>,
      %parallel_loop3A_359 = arith.addf %parallel_loop3A_352, %parallel_loop3A_358 : vector<16xf32>
      %parallel_loop3A_360 = arith.constant 16 : i32
      %parallel_loop3A_361 = arith.muli %parallel_loop3A_142, %parallel_loop3A_360 : i32
      %parallel_loop3A_362 = arith.constant 3968 : i32
      %parallel_loop3A_363 = arith.addi %parallel_loop3A_362, %parallel_loop3A_361 : i32
      %parallel_loop3A_364 = arith.index_cast %parallel_loop3A_363 : i32 to index
      %parallel_loop3A_365 = tpu.vector_load %arg9[%parallel_loop3A_364] {strides = array<i32>} : memref<4096xf32, #tpu.memory_space<vmem>>, vector<16xf32>,
      %parallel_loop3A_366 = arith.addf %parallel_loop3A_359, %parallel_loop3A_365 : vector<16xf32>
      %parallel_loop3A_367 = arith.constant 16 : i32
      %parallel_loop3A_368 = arith.muli %parallel_loop3A_142, %parallel_loop3A_367 : i32
      %parallel_loop3A_369 = arith.index_cast %parallel_loop3A_368 : i32 to index
      %parallel_loop3A_370 = tpu.vector_load %arg11[%parallel_loop3A_369] {strides = array<i32>} : memref<128xf32, #tpu.memory_space<vmem>>, vector<16xf32>,
      tpu.vector_store %arg11[%parallel_loop3A_369], %parallel_loop3A_366 {strides = array<i32>} : memref<128xf32, #tpu.memory_space<vmem>>, vector<16xf32>,
    } {sc.loop_unroll_factor = 1 : i64, sc.parallel_access}
    %parallel_loop3A_133 = arith.constant 0 : i32
    %parallel_loop3A_134 = arith.constant 32 : i32
    %parallel_loop3A_135 = arith.constant 1 : i32
    scf.for %parallel_loop3A_142 = %parallel_loop3A_133 to %parallel_loop3A_134 step %parallel_loop3A_135  : i32 {
      %parallel_loop3A_143 = arith.constant 16 : i32
      %parallel_loop3A_144 = arith.muli %parallel_loop3A_142, %parallel_loop3A_143 : i32
      %parallel_loop3A_145 = arith.constant 0 : i32
      %parallel_loop3A_146 = arith.addi %parallel_loop3A_145, %parallel_loop3A_144 : i32
      %parallel_loop3A_147 = arith.index_cast %parallel_loop3A_146 : i32 to index
      %parallel_loop3A_148 = tpu.vector_load %arg10[%parallel_loop3A_147] {strides = array<i32>} : memref<16384xf32, #tpu.memory_space<vmem>>, vector<16xf32>,
      %parallel_loop3A_149 = arith.addf %broadcast_in_dim3A_130, %parallel_loop3A_148 : vector<16xf32>
      %parallel_loop3A_150 = arith.constant 16 : i32
      %parallel_loop3A_151 = arith.muli %parallel_loop3A_142, %parallel_loop3A_150 : i32
      %parallel_loop3A_152 = arith.constant 512 : i32
      %parallel_loop3A_153 = arith.addi %parallel_loop3A_152, %parallel_loop3A_151 : i32
      %parallel_loop3A_154 = arith.index_cast %parallel_loop3A_153 : i32 to index
      %parallel_loop3A_155 = tpu.vector_load %arg10[%parallel_loop3A_154] {strides = array<i32>} : memref<16384xf32, #tpu.memory_space<vmem>>, vector<16xf32>,
      %parallel_loop3A_156 = arith.addf %parallel_loop3A_149, %parallel_loop3A_155 : vector<16xf32>
      %parallel_loop3A_157 = arith.constant 16 : i32
      %parallel_loop3A_158 = arith.muli %parallel_loop3A_142, %parallel_loop3A_157 : i32
      %parallel_loop3A_159 = arith.constant 1024 : i32
      %parallel_loop3A_160 = arith.addi %parallel_loop3A_159, %parallel_loop3A_158 : i32
      %parallel_loop3A_161 = arith.index_cast %parallel_loop3A_160 : i32 to index
      %parallel_loop3A_162 = tpu.vector_load %arg10[%parallel_loop3A_161] {strides = array<i32>} : memref<16384xf32, #tpu.memory_space<vmem>>, vector<16xf32>,
      %parallel_loop3A_163 = arith.addf %parallel_loop3A_156, %parallel_loop3A_162 : vector<16xf32>
      %parallel_loop3A_164 = arith.constant 16 : i32
      %parallel_loop3A_165 = arith.muli %parallel_loop3A_142, %parallel_loop3A_164 : i32
      %parallel_loop3A_166 = arith.constant 1536 : i32
      %parallel_loop3A_167 = arith.addi %parallel_loop3A_166, %parallel_loop3A_165 : i32
      %parallel_loop3A_168 = arith.index_cast %parallel_loop3A_167 : i32 to index
      %parallel_loop3A_169 = tpu.vector_load %arg10[%parallel_loop3A_168] {strides = array<i32>} : memref<16384xf32, #tpu.memory_space<vmem>>, vector<16xf32>,
      %parallel_loop3A_170 = arith.addf %parallel_loop3A_163, %parallel_loop3A_169 : vector<16xf32>
      %parallel_loop3A_171 = arith.constant 16 : i32
      %parallel_loop3A_172 = arith.muli %parallel_loop3A_142, %parallel_loop3A_171 : i32
      %parallel_loop3A_173 = arith.constant 2048 : i32
      %parallel_loop3A_174 = arith.addi %parallel_loop3A_173, %parallel_loop3A_172 : i32
      %parallel_loop3A_175 = arith.index_cast %parallel_loop3A_174 : i32 to index
      %parallel_loop3A_176 = tpu.vector_load %arg10[%parallel_loop3A_175] {strides = array<i32>} : memref<16384xf32, #tpu.memory_space<vmem>>, vector<16xf32>,
      %parallel_loop3A_177 = arith.addf %parallel_loop3A_170, %parallel_loop3A_176 : vector<16xf32>
      %parallel_loop3A_178 = arith.constant 16 : i32
      %parallel_loop3A_179 = arith.muli %parallel_loop3A_142, %parallel_loop3A_178 : i32
      %parallel_loop3A_180 = arith.constant 2560 : i32
      %parallel_loop3A_181 = arith.addi %parallel_loop3A_180, %parallel_loop3A_179 : i32
      %parallel_loop3A_182 = arith.index_cast %parallel_loop3A_181 : i32 to index
      %parallel_loop3A_183 = tpu.vector_load %arg10[%parallel_loop3A_182] {strides = array<i32>} : memref<16384xf32, #tpu.memory_space<vmem>>, vector<16xf32>,
      %parallel_loop3A_184 = arith.addf %parallel_loop3A_177, %parallel_loop3A_183 : vector<16xf32>
      %parallel_loop3A_185 = arith.constant 16 : i32
      %parallel_loop3A_186 = arith.muli %parallel_loop3A_142, %parallel_loop3A_185 : i32
      %parallel_loop3A_187 = arith.constant 3072 : i32
      %parallel_loop3A_188 = arith.addi %parallel_loop3A_187, %parallel_loop3A_186 : i32
      %parallel_loop3A_189 = arith.index_cast %parallel_loop3A_188 : i32 to index
      %parallel_loop3A_190 = tpu.vector_load %arg10[%parallel_loop3A_189] {strides = array<i32>} : memref<16384xf32, #tpu.memory_space<vmem>>, vector<16xf32>,
      %parallel_loop3A_191 = arith.addf %parallel_loop3A_184, %parallel_loop3A_190 : vector<16xf32>
      %parallel_loop3A_192 = arith.constant 16 : i32
      %parallel_loop3A_193 = arith.muli %parallel_loop3A_142, %parallel_loop3A_192 : i32
      %parallel_loop3A_194 = arith.constant 3584 : i32
      %parallel_loop3A_195 = arith.addi %parallel_loop3A_194, %parallel_loop3A_193 : i32
      %parallel_loop3A_196 = arith.index_cast %parallel_loop3A_195 : i32 to index
      %parallel_loop3A_197 = tpu.vector_load %arg10[%parallel_loop3A_196] {strides = array<i32>} : memref<16384xf32, #tpu.memory_space<vmem>>, vector<16xf32>,
      %parallel_loop3A_198 = arith.addf %parallel_loop3A_191, %parallel_loop3A_197 : vector<16xf32>
      %parallel_loop3A_199 = arith.constant 16 : i32
      %parallel_loop3A_200 = arith.muli %parallel_loop3A_142, %parallel_loop3A_199 : i32
      %parallel_loop3A_201 = arith.constant 4096 : i32
      %parallel_loop3A_202 = arith.addi %parallel_loop3A_201, %parallel_loop3A_200 : i32
      %parallel_loop3A_203 = arith.index_cast %parallel_loop3A_202 : i32 to index
      %parallel_loop3A_204 = tpu.vector_load %arg10[%parallel_loop3A_203] {strides = array<i32>} : memref<16384xf32, #tpu.memory_space<vmem>>, vector<16xf32>,
      %parallel_loop3A_205 = arith.addf %parallel_loop3A_198, %parallel_loop3A_204 : vector<16xf32>
      %parallel_loop3A_206 = arith.constant 16 : i32
      %parallel_loop3A_207 = arith.muli %parallel_loop3A_142, %parallel_loop3A_206 : i32
      %parallel_loop3A_208 = arith.constant 4608 : i32
      %parallel_loop3A_209 = arith.addi %parallel_loop3A_208, %parallel_loop3A_207 : i32
      %parallel_loop3A_210 = arith.index_cast %parallel_loop3A_209 : i32 to index
      %parallel_loop3A_211 = tpu.vector_load %arg10[%parallel_loop3A_210] {strides = array<i32>} : memref<16384xf32, #tpu.memory_space<vmem>>, vector<16xf32>,
      %parallel_loop3A_212 = arith.addf %parallel_loop3A_205, %parallel_loop3A_211 : vector<16xf32>
      %parallel_loop3A_213 = arith.constant 16 : i32
      %parallel_loop3A_214 = arith.muli %parallel_loop3A_142, %parallel_loop3A_213 : i32
      %parallel_loop3A_215 = arith.constant 5120 : i32
      %parallel_loop3A_216 = arith.addi %parallel_loop3A_215, %parallel_loop3A_214 : i32
      %parallel_loop3A_217 = arith.index_cast %parallel_loop3A_216 : i32 to index
      %parallel_loop3A_218 = tpu.vector_load %arg10[%parallel_loop3A_217] {strides = array<i32>} : memref<16384xf32, #tpu.memory_space<vmem>>, vector<16xf32>,
      %parallel_loop3A_219 = arith.addf %parallel_loop3A_212, %parallel_loop3A_218 : vector<16xf32>
      %parallel_loop3A_220 = arith.constant 16 : i32
      %parallel_loop3A_221 = arith.muli %parallel_loop3A_142, %parallel_loop3A_220 : i32
      %parallel_loop3A_222 = arith.constant 5632 : i32
      %parallel_loop3A_223 = arith.addi %parallel_loop3A_222, %parallel_loop3A_221 : i32
      %parallel_loop3A_224 = arith.index_cast %parallel_loop3A_223 : i32 to index
      %parallel_loop3A_225 = tpu.vector_load %arg10[%parallel_loop3A_224] {strides = array<i32>} : memref<16384xf32, #tpu.memory_space<vmem>>, vector<16xf32>,
      %parallel_loop3A_226 = arith.addf %parallel_loop3A_219, %parallel_loop3A_225 : vector<16xf32>
      %parallel_loop3A_227 = arith.constant 16 : i32
      %parallel_loop3A_228 = arith.muli %parallel_loop3A_142, %parallel_loop3A_227 : i32
      %parallel_loop3A_229 = arith.constant 6144 : i32
      %parallel_loop3A_230 = arith.addi %parallel_loop3A_229, %parallel_loop3A_228 : i32
      %parallel_loop3A_231 = arith.index_cast %parallel_loop3A_230 : i32 to index
      %parallel_loop3A_232 = tpu.vector_load %arg10[%parallel_loop3A_231] {strides = array<i32>} : memref<16384xf32, #tpu.memory_space<vmem>>, vector<16xf32>,
      %parallel_loop3A_233 = arith.addf %parallel_loop3A_226, %parallel_loop3A_232 : vector<16xf32>
      %parallel_loop3A_234 = arith.constant 16 : i32
      %parallel_loop3A_235 = arith.muli %parallel_loop3A_142, %parallel_loop3A_234 : i32
      %parallel_loop3A_236 = arith.constant 6656 : i32
      %parallel_loop3A_237 = arith.addi %parallel_loop3A_236, %parallel_loop3A_235 : i32
      %parallel_loop3A_238 = arith.index_cast %parallel_loop3A_237 : i32 to index
      %parallel_loop3A_239 = tpu.vector_load %arg10[%parallel_loop3A_238] {strides = array<i32>} : memref<16384xf32, #tpu.memory_space<vmem>>, vector<16xf32>,
      %parallel_loop3A_240 = arith.addf %parallel_loop3A_233, %parallel_loop3A_239 : vector<16xf32>
      %parallel_loop3A_241 = arith.constant 16 : i32
      %parallel_loop3A_242 = arith.muli %parallel_loop3A_142, %parallel_loop3A_241 : i32
      %parallel_loop3A_243 = arith.constant 7168 : i32
      %parallel_loop3A_244 = arith.addi %parallel_loop3A_243, %parallel_loop3A_242 : i32
      %parallel_loop3A_245 = arith.index_cast %parallel_loop3A_244 : i32 to index
      %parallel_loop3A_246 = tpu.vector_load %arg10[%parallel_loop3A_245] {strides = array<i32>} : memref<16384xf32, #tpu.memory_space<vmem>>, vector<16xf32>,
      %parallel_loop3A_247 = arith.addf %parallel_loop3A_240, %parallel_loop3A_246 : vector<16xf32>
      %parallel_loop3A_248 = arith.constant 16 : i32
      %parallel_loop3A_249 = arith.muli %parallel_loop3A_142, %parallel_loop3A_248 : i32
      %parallel_loop3A_250 = arith.constant 7680 : i32
      %parallel_loop3A_251 = arith.addi %parallel_loop3A_250, %parallel_loop3A_249 : i32
      %parallel_loop3A_252 = arith.index_cast %parallel_loop3A_251 : i32 to index
      %parallel_loop3A_253 = tpu.vector_load %arg10[%parallel_loop3A_252] {strides = array<i32>} : memref<16384xf32, #tpu.memory_space<vmem>>, vector<16xf32>,
      %parallel_loop3A_254 = arith.addf %parallel_loop3A_247, %parallel_loop3A_253 : vector<16xf32>
      %parallel_loop3A_255 = arith.constant 16 : i32
      %parallel_loop3A_256 = arith.muli %parallel_loop3A_142, %parallel_loop3A_255 : i32
      %parallel_loop3A_257 = arith.constant 8192 : i32
      %parallel_loop3A_258 = arith.addi %parallel_loop3A_257, %parallel_loop3A_256 : i32
      %parallel_loop3A_259 = arith.index_cast %parallel_loop3A_258 : i32 to index
      %parallel_loop3A_260 = tpu.vector_load %arg10[%parallel_loop3A_259] {strides = array<i32>} : memref<16384xf32, #tpu.memory_space<vmem>>, vector<16xf32>,
      %parallel_loop3A_261 = arith.addf %parallel_loop3A_254, %parallel_loop3A_260 : vector<16xf32>
      %parallel_loop3A_262 = arith.constant 16 : i32
      %parallel_loop3A_263 = arith.muli %parallel_loop3A_142, %parallel_loop3A_262 : i32
      %parallel_loop3A_264 = arith.constant 8704 : i32
      %parallel_loop3A_265 = arith.addi %parallel_loop3A_264, %parallel_loop3A_263 : i32
      %parallel_loop3A_266 = arith.index_cast %parallel_loop3A_265 : i32 to index
      %parallel_loop3A_267 = tpu.vector_load %arg10[%parallel_loop3A_266] {strides = array<i32>} : memref<16384xf32, #tpu.memory_space<vmem>>, vector<16xf32>,
      %parallel_loop3A_268 = arith.addf %parallel_loop3A_261, %parallel_loop3A_267 : vector<16xf32>
      %parallel_loop3A_269 = arith.constant 16 : i32
      %parallel_loop3A_270 = arith.muli %parallel_loop3A_142, %parallel_loop3A_269 : i32
      %parallel_loop3A_271 = arith.constant 9216 : i32
      %parallel_loop3A_272 = arith.addi %parallel_loop3A_271, %parallel_loop3A_270 : i32
      %parallel_loop3A_273 = arith.index_cast %parallel_loop3A_272 : i32 to index
      %parallel_loop3A_274 = tpu.vector_load %arg10[%parallel_loop3A_273] {strides = array<i32>} : memref<16384xf32, #tpu.memory_space<vmem>>, vector<16xf32>,
      %parallel_loop3A_275 = arith.addf %parallel_loop3A_268, %parallel_loop3A_274 : vector<16xf32>
      %parallel_loop3A_276 = arith.constant 16 : i32
      %parallel_loop3A_277 = arith.muli %parallel_loop3A_142, %parallel_loop3A_276 : i32
      %parallel_loop3A_278 = arith.constant 9728 : i32
      %parallel_loop3A_279 = arith.addi %parallel_loop3A_278, %parallel_loop3A_277 : i32
      %parallel_loop3A_280 = arith.index_cast %parallel_loop3A_279 : i32 to index
      %parallel_loop3A_281 = tpu.vector_load %arg10[%parallel_loop3A_280] {strides = array<i32>} : memref<16384xf32, #tpu.memory_space<vmem>>, vector<16xf32>,
      %parallel_loop3A_282 = arith.addf %parallel_loop3A_275, %parallel_loop3A_281 : vector<16xf32>
      %parallel_loop3A_283 = arith.constant 16 : i32
      %parallel_loop3A_284 = arith.muli %parallel_loop3A_142, %parallel_loop3A_283 : i32
      %parallel_loop3A_285 = arith.constant 10240 : i32
      %parallel_loop3A_286 = arith.addi %parallel_loop3A_285, %parallel_loop3A_284 : i32
      %parallel_loop3A_287 = arith.index_cast %parallel_loop3A_286 : i32 to index
      %parallel_loop3A_288 = tpu.vector_load %arg10[%parallel_loop3A_287] {strides = array<i32>} : memref<16384xf32, #tpu.memory_space<vmem>>, vector<16xf32>,
      %parallel_loop3A_289 = arith.addf %parallel_loop3A_282, %parallel_loop3A_288 : vector<16xf32>
      %parallel_loop3A_290 = arith.constant 16 : i32
      %parallel_loop3A_291 = arith.muli %parallel_loop3A_142, %parallel_loop3A_290 : i32
      %parallel_loop3A_292 = arith.constant 10752 : i32
      %parallel_loop3A_293 = arith.addi %parallel_loop3A_292, %parallel_loop3A_291 : i32
      %parallel_loop3A_294 = arith.index_cast %parallel_loop3A_293 : i32 to index
      %parallel_loop3A_295 = tpu.vector_load %arg10[%parallel_loop3A_294] {strides = array<i32>} : memref<16384xf32, #tpu.memory_space<vmem>>, vector<16xf32>,
      %parallel_loop3A_296 = arith.addf %parallel_loop3A_289, %parallel_loop3A_295 : vector<16xf32>
      %parallel_loop3A_297 = arith.constant 16 : i32
      %parallel_loop3A_298 = arith.muli %parallel_loop3A_142, %parallel_loop3A_297 : i32
      %parallel_loop3A_299 = arith.constant 11264 : i32
      %parallel_loop3A_300 = arith.addi %parallel_loop3A_299, %parallel_loop3A_298 : i32
      %parallel_loop3A_301 = arith.index_cast %parallel_loop3A_300 : i32 to index
      %parallel_loop3A_302 = tpu.vector_load %arg10[%parallel_loop3A_301] {strides = array<i32>} : memref<16384xf32, #tpu.memory_space<vmem>>, vector<16xf32>,
      %parallel_loop3A_303 = arith.addf %parallel_loop3A_296, %parallel_loop3A_302 : vector<16xf32>
      %parallel_loop3A_304 = arith.constant 16 : i32
      %parallel_loop3A_305 = arith.muli %parallel_loop3A_142, %parallel_loop3A_304 : i32
      %parallel_loop3A_306 = arith.constant 11776 : i32
      %parallel_loop3A_307 = arith.addi %parallel_loop3A_306, %parallel_loop3A_305 : i32
      %parallel_loop3A_308 = arith.index_cast %parallel_loop3A_307 : i32 to index
      %parallel_loop3A_309 = tpu.vector_load %arg10[%parallel_loop3A_308] {strides = array<i32>} : memref<16384xf32, #tpu.memory_space<vmem>>, vector<16xf32>,
      %parallel_loop3A_310 = arith.addf %parallel_loop3A_303, %parallel_loop3A_309 : vector<16xf32>
      %parallel_loop3A_311 = arith.constant 16 : i32
      %parallel_loop3A_312 = arith.muli %parallel_loop3A_142, %parallel_loop3A_311 : i32
      %parallel_loop3A_313 = arith.constant 12288 : i32
      %parallel_loop3A_314 = arith.addi %parallel_loop3A_313, %parallel_loop3A_312 : i32
      %parallel_loop3A_315 = arith.index_cast %parallel_loop3A_314 : i32 to index
      %parallel_loop3A_316 = tpu.vector_load %arg10[%parallel_loop3A_315] {strides = array<i32>} : memref<16384xf32, #tpu.memory_space<vmem>>, vector<16xf32>,
      %parallel_loop3A_317 = arith.addf %parallel_loop3A_310, %parallel_loop3A_316 : vector<16xf32>
      %parallel_loop3A_318 = arith.constant 16 : i32
      %parallel_loop3A_319 = arith.muli %parallel_loop3A_142, %parallel_loop3A_318 : i32
      %parallel_loop3A_320 = arith.constant 12800 : i32
      %parallel_loop3A_321 = arith.addi %parallel_loop3A_320, %parallel_loop3A_319 : i32
      %parallel_loop3A_322 = arith.index_cast %parallel_loop3A_321 : i32 to index
      %parallel_loop3A_323 = tpu.vector_load %arg10[%parallel_loop3A_322] {strides = array<i32>} : memref<16384xf32, #tpu.memory_space<vmem>>, vector<16xf32>,
      %parallel_loop3A_324 = arith.addf %parallel_loop3A_317, %parallel_loop3A_323 : vector<16xf32>
      %parallel_loop3A_325 = arith.constant 16 : i32
      %parallel_loop3A_326 = arith.muli %parallel_loop3A_142, %parallel_loop3A_325 : i32
      %parallel_loop3A_327 = arith.constant 13312 : i32
      %parallel_loop3A_328 = arith.addi %parallel_loop3A_327, %parallel_loop3A_326 : i32
      %parallel_loop3A_329 = arith.index_cast %parallel_loop3A_328 : i32 to index
      %parallel_loop3A_330 = tpu.vector_load %arg10[%parallel_loop3A_329] {strides = array<i32>} : memref<16384xf32, #tpu.memory_space<vmem>>, vector<16xf32>,
      %parallel_loop3A_331 = arith.addf %parallel_loop3A_324, %parallel_loop3A_330 : vector<16xf32>
      %parallel_loop3A_332 = arith.constant 16 : i32
      %parallel_loop3A_333 = arith.muli %parallel_loop3A_142, %parallel_loop3A_332 : i32
      %parallel_loop3A_334 = arith.constant 13824 : i32
      %parallel_loop3A_335 = arith.addi %parallel_loop3A_334, %parallel_loop3A_333 : i32
      %parallel_loop3A_336 = arith.index_cast %parallel_loop3A_335 : i32 to index
      %parallel_loop3A_337 = tpu.vector_load %arg10[%parallel_loop3A_336] {strides = array<i32>} : memref<16384xf32, #tpu.memory_space<vmem>>, vector<16xf32>,
      %parallel_loop3A_338 = arith.addf %parallel_loop3A_331, %parallel_loop3A_337 : vector<16xf32>
      %parallel_loop3A_339 = arith.constant 16 : i32
      %parallel_loop3A_340 = arith.muli %parallel_loop3A_142, %parallel_loop3A_339 : i32
      %parallel_loop3A_341 = arith.constant 14336 : i32
      %parallel_loop3A_342 = arith.addi %parallel_loop3A_341, %parallel_loop3A_340 : i32
      %parallel_loop3A_343 = arith.index_cast %parallel_loop3A_342 : i32 to index
      %parallel_loop3A_344 = tpu.vector_load %arg10[%parallel_loop3A_343] {strides = array<i32>} : memref<16384xf32, #tpu.memory_space<vmem>>, vector<16xf32>,
      %parallel_loop3A_345 = arith.addf %parallel_loop3A_338, %parallel_loop3A_344 : vector<16xf32>
      %parallel_loop3A_346 = arith.constant 16 : i32
      %parallel_loop3A_347 = arith.muli %parallel_loop3A_142, %parallel_loop3A_346 : i32
      %parallel_loop3A_348 = arith.constant 14848 : i32
      %parallel_loop3A_349 = arith.addi %parallel_loop3A_348, %parallel_loop3A_347 : i32
      %parallel_loop3A_350 = arith.index_cast %parallel_loop3A_349 : i32 to index
      %parallel_loop3A_351 = tpu.vector_load %arg10[%parallel_loop3A_350] {strides = array<i32>} : memref<16384xf32, #tpu.memory_space<vmem>>, vector<16xf32>,
      %parallel_loop3A_352 = arith.addf %parallel_loop3A_345, %parallel_loop3A_351 : vector<16xf32>
      %parallel_loop3A_353 = arith.constant 16 : i32
      %parallel_loop3A_354 = arith.muli %parallel_loop3A_142, %parallel_loop3A_353 : i32
      %parallel_loop3A_355 = arith.constant 15360 : i32
      %parallel_loop3A_356 = arith.addi %parallel_loop3A_355, %parallel_loop3A_354 : i32
      %parallel_loop3A_357 = arith.index_cast %parallel_loop3A_356 : i32 to index
      %parallel_loop3A_358 = tpu.vector_load %arg10[%parallel_loop3A_357] {strides = array<i32>} : memref<16384xf32, #tpu.memory_space<vmem>>, vector<16xf32>,
      %parallel_loop3A_359 = arith.addf %parallel_loop3A_352, %parallel_loop3A_358 : vector<16xf32>
      %parallel_loop3A_360 = arith.constant 16 : i32
      %parallel_loop3A_361 = arith.muli %parallel_loop3A_142, %parallel_loop3A_360 : i32
      %parallel_loop3A_362 = arith.constant 15872 : i32
      %parallel_loop3A_363 = arith.addi %parallel_loop3A_362, %parallel_loop3A_361 : i32
      %parallel_loop3A_364 = arith.index_cast %parallel_loop3A_363 : i32 to index
      %parallel_loop3A_365 = tpu.vector_load %arg10[%parallel_loop3A_364] {strides = array<i32>} : memref<16384xf32, #tpu.memory_space<vmem>>, vector<16xf32>,
      %parallel_loop3A_366 = arith.addf %parallel_loop3A_359, %parallel_loop3A_365 : vector<16xf32>
      %parallel_loop3A_367 = arith.constant 16 : i32
      %parallel_loop3A_368 = arith.muli %parallel_loop3A_142, %parallel_loop3A_367 : i32
      %parallel_loop3A_369 = arith.index_cast %parallel_loop3A_368 : i32 to index
      %parallel_loop3A_370 = tpu.vector_load %arg12[%parallel_loop3A_369] {strides = array<i32>} : memref<512xf32, #tpu.memory_space<vmem>>, vector<16xf32>,
      tpu.vector_store %arg12[%parallel_loop3A_369], %parallel_loop3A_366 {strides = array<i32>} : memref<512xf32, #tpu.memory_space<vmem>>, vector<16xf32>,
    } {sc.loop_unroll_factor = 1 : i64, sc.parallel_access}
    %iota3A = tpu.iota {dimensions = array<i32: 0>} : vector<16xi32>
    %get3A = arith.constant 0 : index
    %get3A_136 = tpu.vector_load %arg14[%get3A] {strides = array<i32>} : memref<16xi32, #tpu.memory_space<vmem>>, vector<16xi32>,
    %parallel_loop3A_137 = arith.constant 0 : i32
    %parallel_loop3A_138 = arith.constant 8 : i32
    %parallel_loop3A_139 = arith.constant 1 : i32
    scf.for %parallel_loop3A_142 = %parallel_loop3A_137 to %parallel_loop3A_138 step %parallel_loop3A_139  : i32 {
      %parallel_loop3A_143 = arith.constant 16 : i32
      %parallel_loop3A_144 = arith.muli %parallel_loop3A_142, %parallel_loop3A_143 : i32
      %parallel_loop3A_145 = arith.index_cast %parallel_loop3A_144 : i32 to index
      %parallel_loop3A_146 = tpu.vector_load %arg11[%parallel_loop3A_145] {strides = array<i32>} : memref<128xf32, #tpu.memory_space<vmem>>, vector<16xf32>,
      %parallel_loop3A_147 = arith.constant 0.000000e+00 : f32
      %parallel_loop3A_148 = vector.broadcast %parallel_loop3A_147 : f32 to vector<16xf32>
      %parallel_loop3A_149 = arith.subf %parallel_loop3A_148, %parallel_loop3A_146 : vector<16xf32>
      %parallel_loop3A_150 = math.exp %parallel_loop3A_149 : vector<16xf32>
      %parallel_loop3A_151 = arith.constant 16 : i32
      %parallel_loop3A_152 = arith.muli %parallel_loop3A_142, %parallel_loop3A_151 : i32
      %parallel_loop3A_153 = vector.broadcast %parallel_loop3A_152 : i32 to vector<16xi32>
      %parallel_loop3A_154 = arith.addi %iota3A, %parallel_loop3A_153 : vector<16xi32>
      %parallel_loop3A_155 = arith.constant 4 : i32
      %parallel_loop3A_156 = vector.broadcast %parallel_loop3A_155 : i32 to vector<16xi32>
      %parallel_loop3A_157 = arith.muli %parallel_loop3A_154, %parallel_loop3A_156 : vector<16xi32>
      %parallel_loop3A_158 = tpu.vector_load_idx %arg12[%parallel_loop3A_157] : memref<512xf32, #tpu.memory_space<vmem>>[vector<16xi32>], vector<16xf32>,
      %parallel_loop3A_159 = arith.constant 1 : i32
      %parallel_loop3A_160 = vector.broadcast %parallel_loop3A_159 : i32 to vector<16xi32>
      %parallel_loop3A_161 = arith.addi %parallel_loop3A_157, %parallel_loop3A_160 : vector<16xi32>
      %parallel_loop3A_162 = tpu.vector_load_idx %arg12[%parallel_loop3A_161] : memref<512xf32, #tpu.memory_space<vmem>>[vector<16xi32>], vector<16xf32>,
      %parallel_loop3A_163 = arith.constant 2 : i32
      %parallel_loop3A_164 = vector.broadcast %parallel_loop3A_163 : i32 to vector<16xi32>
      %parallel_loop3A_165 = arith.addi %parallel_loop3A_157, %parallel_loop3A_164 : vector<16xi32>
      %parallel_loop3A_166 = tpu.vector_load_idx %arg12[%parallel_loop3A_165] : memref<512xf32, #tpu.memory_space<vmem>>[vector<16xi32>], vector<16xf32>,
      %parallel_loop3A_167 = arith.constant 3 : i32
      %parallel_loop3A_168 = vector.broadcast %parallel_loop3A_167 : i32 to vector<16xi32>
      %parallel_loop3A_169 = arith.addi %parallel_loop3A_157, %parallel_loop3A_168 : vector<16xi32>
      %parallel_loop3A_170 = tpu.vector_load_idx %arg12[%parallel_loop3A_169] : memref<512xf32, #tpu.memory_space<vmem>>[vector<16xi32>], vector<16xf32>,
      %parallel_loop3A_171 = arith.constant 0 : i32
      %parallel_loop3A_172 = vector.broadcast %parallel_loop3A_171 : i32 to vector<16xi32>
      %parallel_loop3A_173 = arith.cmpi ne, %get3A_136, %parallel_loop3A_172 : vector<16xi32>
      %parallel_loop3A_174 = arith.index_cast %parallel_loop3A_144 : i32 to index
      %parallel_loop3A_175 = tpu.vector_load %arg13[%parallel_loop3A_174] {strides = array<i32>} : memref<128xf32, #tpu.memory_space<vmem>>, vector<16xf32>,
      %parallel_loop3A_176 = arith.mulf %parallel_loop3A_150, %parallel_loop3A_175 : vector<16xf32>
      %parallel_loop3A_177 = arith.addf %parallel_loop3A_170, %parallel_loop3A_176 : vector<16xf32>
      %parallel_loop3A_178 = arith.select %parallel_loop3A_173, %parallel_loop3A_177, %parallel_loop3A_170 : vector<16xi1>, vector<16xf32>
      %parallel_loop3A_179 = arith.index_cast %parallel_loop3A_144 : i32 to index
      %parallel_loop3A_180 = tpu.vector_load %arg17[%parallel_loop3A_179] {strides = array<i32>} : memref<128xf32, #tpu.memory_space<vmem>>, vector<16xf32>,
      tpu.vector_store %arg17[%parallel_loop3A_179], %parallel_loop3A_150 {strides = array<i32>} : memref<128xf32, #tpu.memory_space<vmem>>, vector<16xf32>,
      %parallel_loop3A_181 = arith.index_cast %parallel_loop3A_144 : i32 to index
      %parallel_loop3A_182 = tpu.vector_load %arg16[%parallel_loop3A_181] {strides = array<i32>} : memref<128xf32, #tpu.memory_space<vmem>>, vector<16xf32>,
      tpu.vector_store %arg16[%parallel_loop3A_181], %parallel_loop3A_178 {strides = array<i32>} : memref<128xf32, #tpu.memory_space<vmem>>, vector<16xf32>,
      %parallel_loop3A_183 = arith.constant 16 : i32
      %parallel_loop3A_184 = arith.muli %parallel_loop3A_142, %parallel_loop3A_183 : i32
      %parallel_loop3A_185 = vector.broadcast %parallel_loop3A_184 : i32 to vector<16xi32>
      %parallel_loop3A_186 = arith.addi %iota3A, %parallel_loop3A_185 : vector<16xi32>
      %parallel_loop3A_187 = arith.constant 3 : i32
      %parallel_loop3A_188 = vector.broadcast %parallel_loop3A_187 : i32 to vector<16xi32>
      %parallel_loop3A_189 = arith.muli %parallel_loop3A_186, %parallel_loop3A_188 : vector<16xi32>
      tpu.vector_store_idx %arg15[%parallel_loop3A_189], %parallel_loop3A_158 : memref<384xf32, #tpu.memory_space<vmem>>[vector<16xi32>], vector<16xf32>,
      %parallel_loop3A_190 = arith.constant 1 : i32
      %parallel_loop3A_191 = vector.broadcast %parallel_loop3A_190 : i32 to vector<16xi32>
      %parallel_loop3A_192 = arith.addi %parallel_loop3A_189, %parallel_loop3A_191 : vector<16xi32>
      tpu.vector_store_idx %arg15[%parallel_loop3A_192], %parallel_loop3A_162 : memref<384xf32, #tpu.memory_space<vmem>>[vector<16xi32>], vector<16xf32>,
      %parallel_loop3A_193 = arith.constant 2 : i32
      %parallel_loop3A_194 = vector.broadcast %parallel_loop3A_193 : i32 to vector<16xi32>
      %parallel_loop3A_195 = arith.addi %parallel_loop3A_189, %parallel_loop3A_194 : vector<16xi32>
      tpu.vector_store_idx %arg15[%parallel_loop3A_195], %parallel_loop3A_166 : memref<384xf32, #tpu.memory_space<vmem>>[vector<16xi32>], vector<16xf32>,
    } {sc.loop_unroll_factor = 2 : i64, sc.parallel_access}
    %mul3A_140 = arith.constant 3 : i32
    %mul3A_141 = arith.muli %mul3A_2, %mul3A_140 : i32
    "tpu.region"() ({
      %run_scoped3A_142 = tpu.sem_alloc : memref<!tpu.dma_semaphore, #tpu.memory_space<semaphore_mem>>
      %dma_start3A = tpu.memref_slice %arg6[%mul3A_141] : memref<12288xf32, #tpu.memory_space<hbm>> -> memref<384xf32, #tpu.memory_space<hbm>>
      %dma_start3A_143 = tpu.memref_slice %arg6[%mul3A_141] : memref<12288xf32, #tpu.memory_space<hbm>> -> memref<384xf32, #tpu.memory_space<hbm>>
      tpu.enqueue_dma source(%arg15 : memref<384xf32, #tpu.memory_space<vmem>>) target(%dma_start3A_143 : memref<384xf32, #tpu.memory_space<hbm>>) target_semaphore(%run_scoped3A_142 : memref<!tpu.dma_semaphore, #tpu.memory_space<semaphore_mem>>)
      %dma_wait3A = tpu.memref_slice %arg6[%mul3A_141] : memref<12288xf32, #tpu.memory_space<hbm>> -> memref<384xf32, #tpu.memory_space<hbm>>
      %dma_wait3A_144 = tpu.memref_slice %arg6[%mul3A_141] : memref<12288xf32, #tpu.memory_space<hbm>> -> memref<384xf32, #tpu.memory_space<hbm>>
      tpu.wait_dma2 semaphore(%run_scoped3A_142 : memref<!tpu.dma_semaphore, #tpu.memory_space<semaphore_mem>>) src(%arg15 : memref<384xf32, #tpu.memory_space<vmem>>) dst(%dma_wait3A_144 : memref<384xf32, #tpu.memory_space<hbm>>)
      tpu.yield
    }) : () -> ()
    "tpu.region"() ({
      %run_scoped3A_142 = tpu.sem_alloc : memref<!tpu.dma_semaphore, #tpu.memory_space<semaphore_mem>>
      %dma_start3A = tpu.memref_slice %arg7[%mul3A_2] : memref<4096xf32, #tpu.memory_space<hbm>> -> memref<128xf32, #tpu.memory_space<hbm>>
      %dma_start3A_143 = tpu.memref_slice %arg7[%mul3A_2] : memref<4096xf32, #tpu.memory_space<hbm>> -> memref<128xf32, #tpu.memory_space<hbm>>
      tpu.enqueue_dma source(%arg16 : memref<128xf32, #tpu.memory_space<vmem>>) target(%dma_start3A_143 : memref<128xf32, #tpu.memory_space<hbm>>) target_semaphore(%run_scoped3A_142 : memref<!tpu.dma_semaphore, #tpu.memory_space<semaphore_mem>>)
      %dma_wait3A = tpu.memref_slice %arg7[%mul3A_2] : memref<4096xf32, #tpu.memory_space<hbm>> -> memref<128xf32, #tpu.memory_space<hbm>>
      %dma_wait3A_144 = tpu.memref_slice %arg7[%mul3A_2] : memref<4096xf32, #tpu.memory_space<hbm>> -> memref<128xf32, #tpu.memory_space<hbm>>
      tpu.wait_dma2 semaphore(%run_scoped3A_142 : memref<!tpu.dma_semaphore, #tpu.memory_space<semaphore_mem>>) src(%arg16 : memref<128xf32, #tpu.memory_space<vmem>>) dst(%dma_wait3A_144 : memref<128xf32, #tpu.memory_space<hbm>>)
      tpu.yield
    }) : () -> ()
    "tpu.region"() ({
      %run_scoped3A_142 = tpu.sem_alloc : memref<!tpu.dma_semaphore, #tpu.memory_space<semaphore_mem>>
      %dma_start3A = tpu.memref_slice %arg8[%mul3A_2] : memref<4096xf32, #tpu.memory_space<hbm>> -> memref<128xf32, #tpu.memory_space<hbm>>
      %dma_start3A_143 = tpu.memref_slice %arg8[%mul3A_2] : memref<4096xf32, #tpu.memory_space<hbm>> -> memref<128xf32, #tpu.memory_space<hbm>>
      tpu.enqueue_dma source(%arg17 : memref<128xf32, #tpu.memory_space<vmem>>) target(%dma_start3A_143 : memref<128xf32, #tpu.memory_space<hbm>>) target_semaphore(%run_scoped3A_142 : memref<!tpu.dma_semaphore, #tpu.memory_space<semaphore_mem>>)
      %dma_wait3A = tpu.memref_slice %arg8[%mul3A_2] : memref<4096xf32, #tpu.memory_space<hbm>> -> memref<128xf32, #tpu.memory_space<hbm>>
      %dma_wait3A_144 = tpu.memref_slice %arg8[%mul3A_2] : memref<4096xf32, #tpu.memory_space<hbm>> -> memref<128xf32, #tpu.memory_space<hbm>>
      tpu.wait_dma2 semaphore(%run_scoped3A_142 : memref<!tpu.dma_semaphore, #tpu.memory_space<semaphore_mem>>) src(%arg17 : memref<128xf32, #tpu.memory_space<vmem>>) dst(%dma_wait3A_144 : memref<128xf32, #tpu.memory_space<hbm>>)
      tpu.yield
    }) : () -> ()
    return
  }
}

</mosaic_0001>

<sc_bundles>
// kernel: kernel.11.cloned.1.call-start
scs
__scs_entry_jumppad:
0x0: {  	(pc) =	sbr.rel $0x88, $3  }
0x1: {  	(tag) =	ssettag $0x0;
	lr =	simm.s32 $0x1  }
0x2: {  	[smem:$0x3F9A] =	sst lr;
	_ =	strace $0xD0000000  }
0x3: {  	_ = 	snop  }
0x4: {  	_ = 	snop  }
0x5: {  	_ = 	snop  }
0x6: {  	_ = 	snop  }
0x7: {  	_ = 	snop  }
__scs_overlays_trampoline_lowered:
0x8: {  	[smem:$0x3FA9] =	sst s0  }
0x9: {  	[smem:$0x3FAA] =	sst s1  }
0xa: {  	[smem:$0x3FAB] =	sst s2  }
0xb: {  	[smem:$0x3FAC] =	sst s3  }
0xc: {  	[smem:$0x3FAD] =	sst s4  }
0xd: {  	[smem:$0x3FAE] =	sst s5  }
0xe: {  	[smem:$0x3FAF] =	sst s6  }
0xf: {  	[smem:$0x3FB0] =	sst s7  }
0x10: {  	[smem:$0x3FB1] =	sst s8  }
0x11: {  	[smem:$0x3FB2] =	sst s9;
	s0 =	simm.s32 @!p0 $0x0  }
0x12: {  	s1 =	sld [smem:$0x3F98];
	s0 =	simm.s32 @p0 $0x1  }
0x13: {  	[smem:$0x3FB3] =	sst s0;
	s0 =	simm.s32 @!p1 $0x0  }
0x14: {  	s2 =	sld [smem:$0x3F97];
	s0 =	simm.s32 @p1 $0x1  }
0x15: {  	[smem:$0x3FB4] =	sst s0;
	s0 =	simm.s32 @!p2 $0x0  }
0x16: {  	s3 =	sld [smem:$0x3FDB];
	s0 =	simm.s32 @p2 $0x1  }
0x17: {  	s4 =	simm.s32 $0x1BF5;
	[smem:$0x3FB6] =	sst s0  }
0x18: {  	s0 =	sld [smem:$0x3F99];
	_ =	swait.ge [sflag:s4], $0x0  }
0x19: {  	s7 =	sld [smem:$0x3F9A]  }
0x1a: {  	s8 =	sadd.s32 $0xFFFFE003, lr  }
0x1b: {  	s9 =	sadd.s32 $0xFFFFFEF7, lr;
	s5 =	simm.s32 $0xFFFFFFFF;
	p2 =	slt.u32 s8, $0xFFFFF086  }
0x1c: {  	p1 =	slt.u32 s9, $0xF7A;
	s5 =	simm.s32 @!p2 $0x0  }
0x1d: {  	s5 =	simm.s32 @p1 $0x1;
	p0 =	seq.s32 s7, s2  }
0x1e: {  	s7 =	smul.u32 @!p0 $0xF7A, s2;
	p2 =	seq.s32 @!p0 s5, $0x0  }
0x1f: {  	s9 =	smul.u32 $0xF7A, s1;
	s8 =	simm.s32 @!p0 $0x1BF5;
	p2 =	por !p2, p0  }
0x20: {  	[sflag:s8] =	ssyncset.s32 @!p0 $0xFFFFF086;
	s6 =	sadd.s32 @!p0 s3, s7;
	s7 =	simm.s32 @!p0 $0x108  }
0x21: {  	s3 =	sadd.s32 s3, s9;
	s6 =	sadd.s32 @!p0 $0x88, s6;
	s7 =	simm.s32 @p2 $0x1082  }
0x22: {  	[simem:s7], [sflag:s8] =	dma.local @!p0 [hbm:s6], $0xF7A  }
0x23: {  	s9 =	sor.u32 $0xD0000000, s2;
	s6 =	simm.s32 $0x108;
	_ =	swait.ge @!p0 [sflag:s8], $0x0  }
0x24: {  	s3 =	sadd.s32 $0x88, s3;
	s6 =	simm.s32 @!p1 $0x1082;
	[sflag:s4] =	ssyncset.s32 $0xFFFFF086  }
0x25: {  	[simem:s6], [sflag:s4] =	dma.local [hbm:s3], $0xF7A  }
0x26: {  	[smem:$0x3F9A] =	sst s1;
	(tag) =	ssettag s2;
	_ =	strace s9  }
0x27: {  	s1 =	sld [smem:$0x3FAA]  }
0x28: {  	s2 =	sld [smem:$0x3FAB]  }
0x29: {  	s4 =	sld [smem:$0x3FAD]  }
0x2a: {  	p0 =	seq.s32 s5, $0x0;
	s5 =	sld [smem:$0x3FAE]  }
0x2b: {  	s6 =	sld [smem:$0x3FAF]  }
0x2c: {  	s7 =	sld [smem:$0x3FB0]  }
0x2d: {  	s3 =	simm.s32 $0x108;
	s8 =	sld [smem:$0x3FB1]  }
0x2e: {  	s3 =	simm.s32 @!p0 $0x1082;
	s9 =	sld [smem:$0x3FB2]  }
0x2f: {  	lr =	sadd.s32 s0, s3;
	s0 =	sld [smem:$0x3FA9]  }
0x30: {  	s3 =	sld [smem:$0x3FAC]  }
0x31: {  	[smem:$0x3FB5] =	sst s10  }
0x32: {  	s10 =	sld [smem:$0x3FB3];
	_ =	sdelay $0x3  }
0x33: {  	p0 =	seq.s32 s10, $0x1;
	s10 =	sld [smem:$0x3FB5];
	_ =	sdelay $0x3  }
0x34: {  	[smem:$0x3FB5] =	sst s10  }
0x35: {  	s10 =	sld [smem:$0x3FB4];
	_ =	sdelay $0x3  }
0x36: {  	p1 =	seq.s32 s10, $0x1;
	s10 =	sld [smem:$0x3FB5];
	_ =	sdelay $0x3  }
0x37: {  	[smem:$0x3FB5] =	sst s10  }
0x38: {  	s10 =	sld [smem:$0x3FB6]  }
0x39: {  	_ = 	snop;
	(pc) =	sbr.ind lr, $3  }
0x3a: {  	_ = 	snop  }
0x3b: {  	_ = 	snop  }
0x3c: {  	p2 =	seq.s32 s10, $0x1;
	s10 =	sld [smem:$0x3FB5]  }
0x3d: {  	_ =	shalt  }
0x3e: {  	_ =	shalt  }
0x3f: {  	_ =	shalt  }
0x40: {  	_ =	shalt  }
0x41: {  	_ =	shalt  }
0x42: {  	_ =	shalt  }
0x43: {  	_ =	shalt  }
0x44: {  	_ =	shalt  }
0x45: {  	_ =	shalt  }
0x46: {  	_ =	shalt  }
0x47: {  	_ =	shalt  }
0x48: {  	_ =	shalt  }
0x49: {  	_ =	shalt  }
0x4a: {  	_ =	shalt  }
0x4b: {  	_ =	shalt  }
0x4c: {  	_ =	shalt  }
0x4d: {  	_ =	shalt  }
0x4e: {  	_ =	shalt  }
0x4f: {  	_ =	shalt  }
0x50: {  	_ =	shalt  }
0x51: {  	_ =	shalt  }
0x52: {  	_ =	shalt  }
0x53: {  	_ =	shalt  }
0x54: {  	_ =	shalt  }
0x55: {  	_ =	shalt  }
0x56: {  	_ =	shalt  }
0x57: {  	_ =	shalt  }
0x58: {  	_ =	shalt  }
0x59: {  	_ =	shalt  }
0x5a: {  	_ =	shalt  }
0x5b: {  	_ =	shalt  }
0x5c: {  	_ =	shalt  }
0x5d: {  	_ =	shalt  }
0x5e: {  	_ =	shalt  }
0x5f: {  	_ =	shalt  }
0x60: {  	_ =	shalt  }
0x61: {  	_ =	shalt  }
0x62: {  	_ =	shalt  }
0x63: {  	_ =	shalt  }
0x64: {  	_ =	shalt  }
0x65: {  	_ =	shalt  }
0x66: {  	_ =	shalt  }
0x67: {  	_ =	shalt  }
0x68: {  	_ =	shalt  }
0x69: {  	_ =	shalt  }
0x6a: {  	_ =	shalt  }
0x6b: {  	_ =	shalt  }
0x6c: {  	_ =	shalt  }
0x6d: {  	_ =	shalt  }
0x6e: {  	_ =	shalt  }
0x6f: {  	_ =	shalt  }
0x70: {  	_ =	shalt  }
0x71: {  	_ =	shalt  }
0x72: {  	_ =	shalt  }
0x73: {  	_ =	shalt  }
0x74: {  	_ =	shalt  }
0x75: {  	_ =	shalt  }
0x76: {  	_ =	shalt  }
0x77: {  	_ =	shalt  }
0x78: {  	_ =	shalt  }
0x79: {  	_ =	shalt  }
0x7a: {  	_ =	shalt  }
0x7b: {  	_ =	shalt  }
0x7c: {  	_ =	shalt  }
0x7d: {  	_ =	shalt  }
0x7e: {  	_ =	shalt  }
0x7f: {  	_ =	shalt  }
0x80: {  	_ =	shalt  }
0x81: {  	_ =	shalt  }
0x82: {  	_ =	shalt  }
0x83: {  	_ =	shalt  }
0x84: {  	_ =	shalt  }
0x85: {  	_ =	shalt  }
0x86: {  	_ =	shalt  }
0x87: {  	_ =	shalt  }
.Lfunc_end0:
.L_simem_size_0:
called_computation.2_lowered:
.L_overlay_start_0:
0x88: {  	s2 =	sld [smem:$0x3FD9]  }
0x89: {  	s3 =	sld [smem:$0x3FFE];
	_ =	sdelay $0x1  }
0x8a: {  	s1 =	srdreg.scid  }
0x8b: {  	s0 =	sand.u32 $0x1, s1  }
0x8c: {  	s14 =	sshll.u32 s0, $0xA;
	s2 =	sadd.s32 s3, s2  }
0x8d: {  	s2 =	sadd.s32 s2, s14  }
0x8e: {  	[smem:$0x3FC1] =	sst s2  }
0x8f: {  	_ = 	snop  }
0x90: {  	s2 =	sld [smem:$0x3FD0];
	_ =	sdelay $0x2  }
0x91: {  	s4 =	simm.s32 $0xA;
	s5 =	simm.s32 $0x10;
	s15 =	sld [smem:$0x3FC5]  }
0x92: {  	[smem:s5], [sflag:s4] =	dma.local [hbm:s2], $0x1  }
0x93: {  	_ =	swait.eq [sflag:s4], $0x1  }
0x94: {  	s16 =	sld [smem:$0x10];
	[sflag:s4] =	ssyncset.done $0x0  }
0x95: {  	s17 =	sld [smem:$0x11];
	[sflag:s4] =	ssyncadd.s32 $0xFFFFFFFF  }
0x96: {  	s18 =	sld [smem:$0x12];
	(tm) =	ssettm $0x1  }
0x97: {  	s6 =	sld [smem:$0x3FFB];
	_ =	sdelay $0x3  }
0x98: {  	_ =	strace s6  }
0x99: {  	s6 =	sld [smem:$0x3FFC];
	_ =	sdelay $0x3  }
0x9a: {  	_ =	strace s6  }
0x9b: {  	s6 =	sld [smem:$0x3FFD];
	_ =	sdelay $0x3  }
0x9c: {  	_ =	strace s6  }
0x9d: {  	_ =	strace $0x8FFFFFFF  }
0x9e: {  	s19 =	sld [smem:$0x3FDB];
	_ =	sdelay $0x1  }
0x9f: {  	s7 =	simm.s32 $_scs_section_size  }
0xa0: {  	s8 =	simm.s32 $_size__tile_overlayer_lowered;
	s9 =	simm.s32 $_tile_overlayer_lowered  }
0xa1: {  	s22 =	simm.s32 $0x1BFF;
	s21 =	sshll.u32 s9, $0x1;
	s6 =	sadd.s32 s7, s19  }
0xa2: {  	s10 =	simm.s32 $0x0;
	s20 =	sshll.u32 s8, $0x1;
	s8 =	sadd.s32 s21, s6  }
0xa3: {  	[timem:s10], [sflag:s22] =	dma.local [hbm:s8], s20  }
0xa4: {  	_ =	swait.ge [sflag:s22], s20  }
0xa5: {  	s7 =	ssub.s32 $0x0, s20;
	[sflag:s22] =	ssyncset.done $0x0  }
0xa6: {  	[sflag:s22] =	ssyncadd.s32 s7;
	_ =	sdelay $0x1  }
0xa7: {  	s23 =	simm.s32 $0x1B8B  }
0xa8: {  	_ =	swait.ge [sflag:s23], $0x1  }
0xa9: {  	[sflag:s23] =	ssyncset.done $0x0  }
0xaa: {  	s25 =	simm.s32 $0x1B8E;
	s24 =	sld [smem:$0x3FFE];
	[sflag:s23] =	ssyncadd.s32 $0xFFFFFFFF  }
0xab: {  	s26 =	simm.s32 $execute0_lowered;
	[smem:$0x3FD2] =	sst s25  }
0xac: {  	s8 =	sshll.u32 s26, $0x1;
	_ =	strace $0x8000004C;
	[dreg:$0x1] =	wrdreg $0xFFFFFFFF  }
0xad: {  	s28 =	simm.s32 $_size_execute0_lowered;
	s6 =	sadd.s32 s6, s8;
	[dreg:$0x0] =	wrdreg $0x0  }
0xae: {  	s8 =	sshll.u32 s28, $0x1;
	[dreg:$0x2] =	wrdreg s6  }
0xaf: {  	[dreg:$0x3] =	wrdreg s8  }
0xb0: {  	[dreg:$0x4] =	wrdreg $0xC0  }
0xb1: {  	_ =	task [dreg:s10], $0x5FFFF  }
0xb2: {  	[dreg:$0x1] =	wrdreg $0xFFFFFFFF  }
0xb3: {  	[dreg:$0x0] =	wrdreg $0x60  }
0xb4: {  	[dreg:$0x2] =	wrdreg s24  }
0xb5: {  	[dreg:$0x3] =	wrdreg s15  }
0xb6: {  	[dreg:$0x4] =	wrdreg s16  }
0xb7: {  	[dreg:$0x5] =	wrdreg s17  }
0xb8: {  	[dreg:$0x6] =	wrdreg s18  }
0xb9: {  	[dreg:$0x7] =	wrdreg $0x9  }
0xba: {  	_ =	task.clear_ibuf [dreg:s10], $0x8FFFF;
	_ =	strace $0x9000004C  }
0xbb: {  	s29 =	simm.s32 $0x9;
	_ =	strace $0x8000004E  }
0xbc: {  	_ =	swait.ge [sflag:s29], $0x1  }
0xbd: {  	[sflag:s29] =	ssyncadd.s32 $0xFFFFFFFF  }
0xbe: {  	_ =	strace $0x9000004E  }
0xbf: {  	_ =	sfence  }
0xc0: {  	s30 =	sld [smem:$0x0];
	_ =	sdelay $0x2  }
0xc1: {  	s31 =	sshll.u32 s1, $0xD;
	s1 =	sshrl.u32 s1, $0x2  }
0xc2: {  	s3 =	sand.u32 $0x4000, s31;
	s1 =	sadd.s32 s1, s30  }
0xc3: {  	s0 =	sor.u32 s3, s0;
	s1 =	sshll.u32 s1, $0x11  }
0xc4: {  	s0 =	sor.u32 s1, s0  }
0xc5: {  	s0 =	sadd.s32 $0x8F2B, s0  }
0xc6: {  	[sflag:s0] =	ssyncadd.remote.s32 $0x1  }
0xc7: {  	_ =	sfence.sel $0xFFFF  }
0xc8: {  	[dreg:$0x0] =	wrdreg $0xFFFFFFFF;
	(pc) =	sbr.abs _section_cstart, $3  }
0xc9: {  	[dreg:$0x1] =	wrdreg $0xFFFFFFFF  }
0xca: {  	_ =	task.clear_ibuf [dreg:s10], $0x2FFFF;
	_ =	strace $0x9FFFFFFF  }
0xcb: {  	(tm) =	ssettm $0x7FFFFFFF  }
tec
execute0_lowered:
.L_overlay_start_1:
0x0: {  	(tag) =	ssettag $0x1  }
0x1: {  	s0 =	rddreg [dreg:$0x0]  }
0x2: {  	s1 =	rddreg [dreg:$0x1]  }
0x3: {  	s3 =	rddreg [dreg:$0x2]  }
0x4: {  	s6 =	srdreg.scid;
	s7 =	stileid.u32  }
0x5: {  	s4 =	rddreg [dreg:$0x3];
	s6 =	sand.u32 $0x1, s6;
	s7 =	sshll.u32 s7, $0x1  }
0x6: {  	s5 =	rddreg [dreg:$0x4];
	s2 =	simm.s32 $0x0;
	s7 =	sor.u32 s6, s7  }
0x7: {  	[smem:$0x7FF] =	sst s2;
	s8 =	sshll.u32 s7, $0x7;
	s9 =	sshll.u32 s7, $0x9  }
0x8: {  	s8 =	sadd.s32 s8, s0;
	s11 =	sadd.s32 s9, s0;
	s0 =	sadd.s32 $0x5600, s0  }
0x9: {  	_ =	strace $0x8000004D;
	[dreg:$0x6] =	wrdreg s0;
	s13 =	sadd.s32 $0x1600, s8  }
0xa: {  	s14 =	sadd.s32 $0x1610, s8;
	[dreg:$0x7] =	wrdreg s13  }
0xb: {  	s15 =	sadd.s32 $0x1620, s8;
	[dreg:$0x8] =	wrdreg s14  }
0xc: {  	s16 =	sadd.s32 $0x1630, s8;
	[dreg:$0x9] =	wrdreg s15  }
0xd: {  	s17 =	sadd.s32 $0x1640, s8;
	[dreg:$0xa] =	wrdreg s16  }
0xe: {  	s18 =	sadd.s32 $0x1650, s8;
	[dreg:$0xb] =	wrdreg s17  }
0xf: {  	s19 =	sadd.s32 $0x1660, s8;
	[dreg:$0xc] =	wrdreg s18  }
0x10: {  	s20 =	sadd.s32 $0x1670, s8;
	[dreg:$0xd] =	wrdreg s19  }
0x11: {  	s21 =	sadd.s32 $0x2600, s8;
	[dreg:$0xe] =	wrdreg s20  }
0x12: {  	s23 =	sadd.s32 $0x2610, s8;
	[dreg:$0xf] =	wrdreg s21  }
0x13: {  	s24 =	sadd.s32 $0x2620, s8;
	[dreg:$0x10] =	wrdreg s23  }
0x14: {  	s22 =	smul.u32 $0x30, s7;
	s25 =	sadd.s32 $0x2630, s8;
	[dreg:$0x11] =	wrdreg s24  }
0x15: {  	s26 =	sadd.s32 $0x2640, s8;
	[dreg:$0x12] =	wrdreg s25  }
0x16: {  	s0 =	sadd.s32 s3, s22;
	[dreg:$0x13] =	wrdreg s26  }
0x17: {  	s10 =	sadd.s32 $0x2650, s8;
	[dreg:$0x14] =	wrdreg s0  }
0x18: {  	s6 =	ssub.s32 $0x2, s6;
	s22 =	sadd.s32 $0x3640, s8;
	[dreg:$0x15] =	wrdreg s10  }
0x19: {  	s12 =	sshrl.u32 s6, $0x1;
	s3 =	sadd.s32 $0x4620, s8;
	[dreg:$0x1f] =	wrdreg s22  }
0x1a: {  	s12 =	ssub.s32 s6, s12;
	s6 =	sadd.s32 $0x4650, s8;
	[smem:$0x7E8] =	sst s3  }
0x1b: {  	s9 =	sshll.u32 s7, $0x4;
	s7 =	sadd.s32 $0x4660, s8;
	[smem:$0x7EB] =	sst s6  }
0x1c: {  	s13 =	sadd.s32 s1, s9;
	[smem:$0x7EC] =	sst s7  }
0x1d: {  	s14 =	sadd.s32 s4, s9;
	[dreg:$0x16] =	wrdreg s13  }
0x1e: {  	s15 =	sadd.s32 s5, s9;
	[dreg:$0x17] =	wrdreg s14  }
0x1f: {  	s16 =	sadd.s32 $0x2660, s8;
	[dreg:$0x18] =	wrdreg s15  }
0x20: {  	s17 =	sadd.s32 $0x2670, s8;
	[dreg:$0x19] =	wrdreg s16  }
0x21: {  	s18 =	sadd.s32 $0x3600, s8;
	[dreg:$0x1a] =	wrdreg s17  }
0x22: {  	s19 =	sadd.s32 $0x3610, s8;
	[dreg:$0x1b] =	wrdreg s18  }
0x23: {  	s20 =	sadd.s32 $0x3620, s8;
	[dreg:$0x1c] =	wrdreg s19  }
0x24: {  	s21 =	sadd.s32 $0x3630, s8;
	[dreg:$0x1d] =	wrdreg s20  }
0x25: {  	s23 =	sadd.s32 $0x3650, s8;
	[dreg:$0x1e] =	wrdreg s21  }
0x26: {  	s24 =	sadd.s32 $0x3660, s8;
	[smem:$0x7E3] =	sst s23  }
0x27: {  	s25 =	sadd.s32 $0x3670, s8;
	[smem:$0x7E4] =	sst s24  }
0x28: {  	s26 =	sadd.s32 $0x4600, s8;
	[smem:$0x7E5] =	sst s25  }
0x29: {  	s1 =	sadd.s32 $0x4610, s8;
	[smem:$0x7E6] =	sst s26  }
0x2a: {  	s4 =	sadd.s32 $0x4630, s8;
	[smem:$0x7E7] =	sst s1  }
0x2b: {  	s5 =	sadd.s32 $0x4640, s8;
	[smem:$0x7E9] =	sst s4  }
0x2c: {  	s8 =	sadd.s32 $0x4670, s8;
	[smem:$0x7EA] =	sst s5  }
0x2d: {  	s9 =	sadd.s32 $0x21600, s11;
	[smem:$0x7ED] =	sst s8  }
0x2e: {  	s28 =	sadd.s32 $0x29610, s11;
	s10 =	sadd.s32 $0x21610, s11;
	[smem:$0x7EE] =	sst s9  }
0x2f: {  	s29 =	sadd.s32 $0x29620, s11;
	s22 =	sadd.s32 $0x25630, s11;
	[smem:$0x7EF] =	sst s10  }
0x30: {  	s30 =	sadd.s32 $0x29630, s11;
	s13 =	sadd.s32 $0x21620, s11;
	[smem:$0x7F9] =	sst s22  }
0x31: {  	s31 =	sadd.s32 $0x29640, s11;
	s14 =	sadd.s32 $0x21630, s11;
	[smem:$0x7F0] =	sst s13  }
0x32: {  	s12 =	smax.u32 s12, $0x1;
	s15 =	sadd.s32 $0x21640, s11;
	[smem:$0x7F1] =	sst s14  }
0x33: {  	s0 =	sadd.s32 $0x29650, s11;
	s16 =	sadd.s32 $0x21650, s11;
	[smem:$0x7F2] =	sst s15  }
0x34: {  	s3 =	sadd.s32 $0x29670, s11;
	s17 =	sadd.s32 $0x21660, s11;
	[smem:$0x7F3] =	sst s16  }
0x35: {  	s6 =	sadd.s32 $0x2D620, s11;
	s18 =	sadd.s32 $0x21670, s11;
	[smem:$0x7F4] =	sst s17  }
0x36: {  	s7 =	sadd.s32 $0x2D630, s11;
	s19 =	sadd.s32 $0x25600, s11;
	[smem:$0x7F5] =	sst s18  }
0x37: {  	s20 =	sadd.s32 $0x25610, s11;
	s21 =	sadd.s32 $0x25620, s11;
	[smem:$0x7F6] =	sst s19  }
0x38: {  	s23 =	sadd.s32 $0x25640, s11;
	s24 =	sadd.s32 $0x25650, s11;
	[smem:$0x7F7] =	sst s20  }
0x39: {  	s25 =	sadd.s32 $0x25660, s11;
	s26 =	sadd.s32 $0x25670, s11;
	[smem:$0x7F8] =	sst s21  }
0x3a: {  	s1 =	sadd.s32 $0x29660, s11;
	s4 =	sadd.s32 $0x2D600, s11;
	[smem:$0x7FA] =	sst s23  }
0x3b: {  	s5 =	sadd.s32 $0x2D610, s11;
	s8 =	sadd.s32 $0x2D640, s11;
	[smem:$0x7FB] =	sst s24  }
0x3c: {  	s9 =	sadd.s32 $0x2D650, s11;
	s10 =	sadd.s32 $0x2D660, s11;
	[smem:$0x7FC] =	sst s25  }
0x3d: {  	[smem:$0x7FD] =	sst s26;
	s26 =	sadd.s32 $0x29600, s11;
	s11 =	sadd.s32 $0x2D670, s11  }
0x3e: {  	s13 =	simm.s32 $0x1;
	s14 =	simm.s32 $0x80;
	s15 =	simm.s32 $0x400  }
0x3f: {  	v0 =	vlaneseq.u32;
	s16 =	simm.s32 $0x5080;
	s17 =	simm.s32 $0x5380;
	s18 =	simm.s32 $0x0  }
.LBB2_1:
0x40: {  	s19 =	rddreg [dreg:$0x7]  }
0x41: {  	[tilespmem:s2], [sflag:$0x1] =	stream.linear.gather [hbm4b:s19+s2], $0x80, $0x38;
	[tilespmem:$0x5600] =	vst v63  }
0x42: {  	_ =	swait.ge [sflag:s13], $0x80  }
0x43: {  	s25 =	sld [smem:$0x7EE]  }
0x44: {  	[sflag:s13] =	ssyncset.done $0x0  }
0x45: {  	s20 =	simm.s32 $0x1000;
	[sflag:s13] =	ssyncadd.s32 $0xFFFFFF80  }
0x46: {  	[tilespmem:s20], [sflag:$0x1] =	stream.strided.gather [hbm4b:s25+s14], $0x200, s15, s14, $0x38;
	[tilespmem:$0x5600] =	vst v63  }
0x47: {  	_ =	swait.ge [sflag:s13], $0x200  }
0x48: {  	[sflag:s13] =	ssyncset.done $0x0  }
0x49: {  	s21 =	rddreg [dreg:$0x8];
	[sflag:s13] =	ssyncadd.s32 $0xFFFFFE00  }
0x4a: {  	[tilespmem:s14], [sflag:$0x1] =	stream.linear.gather [hbm4b:s21+s2], $0x80, $0x38;
	[tilespmem:$0x5600] =	vst v63  }
0x4b: {  	_ =	swait.ge [sflag:s13], $0x80  }
0x4c: {  	s22 =	sld [smem:$0x7EF]  }
0x4d: {  	[sflag:s13] =	ssyncset.done $0x0  }
0x4e: {  	s23 =	simm.s32 $0x1200;
	[sflag:s13] =	ssyncadd.s32 $0xFFFFFF80  }
0x4f: {  	[tilespmem:s23], [sflag:$0x1] =	stream.strided.gather [hbm4b:s22+s14], $0x200, s15, s14, $0x38;
	[tilespmem:$0x5600] =	vst v63  }
0x50: {  	_ =	swait.ge [sflag:s13], $0x200  }
0x51: {  	[sflag:s13] =	ssyncset.done $0x0  }
0x52: {  	s25 =	simm.s32 $0x100;
	s24 =	rddreg [dreg:$0x9];
	[sflag:s13] =	ssyncadd.s32 $0xFFFFFE00  }
0x53: {  	[tilespmem:s25], [sflag:$0x1] =	stream.linear.gather [hbm4b:s24+s2], $0x80, $0x38;
	[tilespmem:$0x5600] =	vst v63  }
0x54: {  	_ =	swait.ge [sflag:s13], $0x80  }
0x55: {  	s20 =	sld [smem:$0x7F0]  }
0x56: {  	[sflag:s13] =	ssyncset.done $0x0  }
0x57: {  	s21 =	simm.s32 $0x1400;
	[sflag:s13] =	ssyncadd.s32 $0xFFFFFF80  }
0x58: {  	[tilespmem:s21], [sflag:$0x1] =	stream.strided.gather [hbm4b:s20+s14], $0x200, s15, s14, $0x38;
	[tilespmem:$0x5600] =	vst v63  }
0x59: {  	_ =	swait.ge [sflag:s13], $0x200  }
0x5a: {  	[sflag:s13] =	ssyncset.done $0x0  }
0x5b: {  	s23 =	simm.s32 $0x180;
	s22 =	rddreg [dreg:$0xa];
	[sflag:s13] =	ssyncadd.s32 $0xFFFFFE00  }
0x5c: {  	[tilespmem:s23], [sflag:$0x1] =	stream.linear.gather [hbm4b:s22+s2], $0x80, $0x38;
	[tilespmem:$0x5600] =	vst v63  }
0x5d: {  	_ =	swait.ge [sflag:s13], $0x80  }
0x5e: {  	s24 =	sld [smem:$0x7F1]  }
0x5f: {  	[sflag:s13] =	ssyncset.done $0x0  }
0x60: {  	s25 =	simm.s32 $0x1600;
	[sflag:s13] =	ssyncadd.s32 $0xFFFFFF80  }
0x61: {  	[tilespmem:s25], [sflag:$0x1] =	stream.strided.gather [hbm4b:s24+s14], $0x200, s15, s14, $0x38;
	[tilespmem:$0x5600] =	vst v63  }
0x62: {  	_ =	swait.ge [sflag:s13], $0x200  }
0x63: {  	[sflag:s13] =	ssyncset.done $0x0  }
0x64: {  	s21 =	simm.s32 $0x200;
	s20 =	rddreg [dreg:$0xb];
	[sflag:s13] =	ssyncadd.s32 $0xFFFFFE00  }
0x65: {  	[tilespmem:s21], [sflag:$0x1] =	stream.linear.gather [hbm4b:s20+s2], $0x80, $0x38;
	[tilespmem:$0x5600] =	vst v63  }
0x66: {  	_ =	swait.ge [sflag:s13], $0x80  }
0x67: {  	s22 =	sld [smem:$0x7F2]  }
0x68: {  	[sflag:s13] =	ssyncset.done $0x0  }
0x69: {  	s23 =	simm.s32 $0x1800;
	[sflag:s13] =	ssyncadd.s32 $0xFFFFFF80  }
0x6a: {  	[tilespmem:s23], [sflag:$0x1] =	stream.strided.gather [hbm4b:s22+s14], $0x200, s15, s14, $0x38;
	[tilespmem:$0x5600] =	vst v63  }
0x6b: {  	_ =	swait.ge [sflag:s13], $0x200  }
0x6c: {  	[sflag:s13] =	ssyncset.done $0x0  }
0x6d: {  	s25 =	simm.s32 $0x280;
	s24 =	rddreg [dreg:$0xc];
	[sflag:s13] =	ssyncadd.s32 $0xFFFFFE00  }
0x6e: {  	[tilespmem:s25], [sflag:$0x1] =	stream.linear.gather [hbm4b:s24+s2], $0x80, $0x38;
	[tilespmem:$0x5600] =	vst v63  }
0x6f: {  	_ =	swait.ge [sflag:s13], $0x80  }
0x70: {  	s20 =	sld [smem:$0x7F3]  }
0x71: {  	[sflag:s13] =	ssyncset.done $0x0  }
0x72: {  	s21 =	simm.s32 $0x1A00;
	[sflag:s13] =	ssyncadd.s32 $0xFFFFFF80  }
0x73: {  	[tilespmem:s21], [sflag:$0x1] =	stream.strided.gather [hbm4b:s20+s14], $0x200, s15, s14, $0x38;
	[tilespmem:$0x5600] =	vst v63  }
0x74: {  	_ =	swait.ge [sflag:s13], $0x200  }
0x75: {  	[sflag:s13] =	ssyncset.done $0x0  }
0x76: {  	s23 =	simm.s32 $0x300;
	s22 =	rddreg [dreg:$0xd];
	[sflag:s13] =	ssyncadd.s32 $0xFFFFFE00  }
0x77: {  	[tilespmem:s23], [sflag:$0x1] =	stream.linear.gather [hbm4b:s22+s2], $0x80, $0x38;
	[tilespmem:$0x5600] =	vst v63  }
0x78: {  	_ =	swait.ge [sflag:s13], $0x80  }
0x79: {  	s24 =	sld [smem:$0x7F4]  }
0x7a: {  	[sflag:s13] =	ssyncset.done $0x0  }
0x7b: {  	s25 =	simm.s32 $0x1C00;
	[sflag:s13] =	ssyncadd.s32 $0xFFFFFF80  }
0x7c: {  	[tilespmem:s25], [sflag:$0x1] =	stream.strided.gather [hbm4b:s24+s14], $0x200, s15, s14, $0x38;
	[tilespmem:$0x5600] =	vst v63  }
0x7d: {  	_ =	swait.ge [sflag:s13], $0x200  }
0x7e: {  	[sflag:s13] =	ssyncset.done $0x0  }
0x7f: {  	s22 =	simm.s32 $0x380;
	s21 =	rddreg [dreg:$0xe];
	[sflag:s13] =	ssyncadd.s32 $0xFFFFFE00  }
0x80: {  	[tilespmem:s22], [sflag:$0x1] =	stream.linear.gather [hbm4b:s21+s2], $0x80, $0x38;
	[tilespmem:$0x5600] =	vst v63  }
0x81: {  	_ =	swait.ge [sflag:s13], $0x80  }
0x82: {  	s23 =	sld [smem:$0x7F5]  }
0x83: {  	[sflag:s13] =	ssyncset.done $0x0  }
0x84: {  	s24 =	simm.s32 $0x1E00;
	[sflag:s13] =	ssyncadd.s32 $0xFFFFFF80  }
0x85: {  	[tilespmem:s24], [sflag:$0x1] =	stream.strided.gather [hbm4b:s23+s14], $0x200, s15, s14, $0x38;
	[tilespmem:$0x5600] =	vst v63  }
0x86: {  	_ =	swait.ge [sflag:s13], $0x200  }
0x87: {  	[sflag:s13] =	ssyncset.done $0x0  }
0x88: {  	s25 =	rddreg [dreg:$0xf];
	[sflag:s13] =	ssyncadd.s32 $0xFFFFFE00  }
0x89: {  	[tilespmem:s15], [sflag:$0x1] =	stream.linear.gather [hbm4b:s25+s2], $0x80, $0x38;
	[tilespmem:$0x5600] =	vst v63  }
0x8a: {  	_ =	swait.ge [sflag:s13], $0x80  }
0x8b: {  	s20 =	sld [smem:$0x7F6]  }
0x8c: {  	[sflag:s13] =	ssyncset.done $0x0  }
0x8d: {  	s21 =	simm.s32 $0x2000;
	[sflag:s13] =	ssyncadd.s32 $0xFFFFFF80  }
0x8e: {  	[tilespmem:s21], [sflag:$0x1] =	stream.strided.gather [hbm4b:s20+s14], $0x200, s15, s14, $0x38;
	[tilespmem:$0x5600] =	vst v63  }
0x8f: {  	_ =	swait.ge [sflag:s13], $0x200  }
0x90: {  	[sflag:s13] =	ssyncset.done $0x0  }
0x91: {  	s23 =	simm.s32 $0x480;
	s22 =	rddreg [dreg:$0x10];
	[sflag:s13] =	ssyncadd.s32 $0xFFFFFE00  }
0x92: {  	[tilespmem:s23], [sflag:$0x1] =	stream.linear.gather [hbm4b:s22+s2], $0x80, $0x38;
	[tilespmem:$0x5600] =	vst v63  }
0x93: {  	_ =	swait.ge [sflag:s13], $0x80  }
0x94: {  	s24 =	sld [smem:$0x7F7]  }
0x95: {  	[sflag:s13] =	ssyncset.done $0x0  }
0x96: {  	s25 =	simm.s32 $0x2200;
	[sflag:s13] =	ssyncadd.s32 $0xFFFFFF80  }
0x97: {  	[tilespmem:s25], [sflag:$0x1] =	stream.strided.gather [hbm4b:s24+s14], $0x200, s15, s14, $0x38;
	[tilespmem:$0x5600] =	vst v63  }
0x98: {  	_ =	swait.ge [sflag:s13], $0x200  }
0x99: {  	[sflag:s13] =	ssyncset.done $0x0  }
0x9a: {  	s21 =	simm.s32 $0x500;
	s20 =	rddreg [dreg:$0x11];
	[sflag:s13] =	ssyncadd.s32 $0xFFFFFE00  }
0x9b: {  	[tilespmem:s21], [sflag:$0x1] =	stream.linear.gather [hbm4b:s20+s2], $0x80, $0x38;
	[tilespmem:$0x5600] =	vst v63  }
0x9c: {  	_ =	swait.ge [sflag:s13], $0x80  }
0x9d: {  	s22 =	sld [smem:$0x7F8]  }
0x9e: {  	[sflag:s13] =	ssyncset.done $0x0  }
0x9f: {  	s23 =	simm.s32 $0x2400;
	[sflag:s13] =	ssyncadd.s32 $0xFFFFFF80  }
0xa0: {  	[tilespmem:s23], [sflag:$0x1] =	stream.strided.gather [hbm4b:s22+s14], $0x200, s15, s14, $0x38;
	[tilespmem:$0x5600] =	vst v63  }
0xa1: {  	_ =	swait.ge [sflag:s13], $0x200  }
0xa2: {  	[sflag:s13] =	ssyncset.done $0x0  }
0xa3: {  	s25 =	simm.s32 $0x580;
	s24 =	rddreg [dreg:$0x12];
	[sflag:s13] =	ssyncadd.s32 $0xFFFFFE00  }
0xa4: {  	[tilespmem:s25], [sflag:$0x1] =	stream.linear.gather [hbm4b:s24+s2], $0x80, $0x38;
	[tilespmem:$0x5600] =	vst v63  }
0xa5: {  	_ =	swait.ge [sflag:s13], $0x80  }
0xa6: {  	s20 =	sld [smem:$0x7F9]  }
0xa7: {  	[sflag:s13] =	ssyncset.done $0x0  }
0xa8: {  	s21 =	simm.s32 $0x2600;
	[sflag:s13] =	ssyncadd.s32 $0xFFFFFF80  }
0xa9: {  	[tilespmem:s21], [sflag:$0x1] =	stream.strided.gather [hbm4b:s20+s14], $0x200, s15, s14, $0x38;
	[tilespmem:$0x5600] =	vst v63  }
0xaa: {  	_ =	swait.ge [sflag:s13], $0x200  }
0xab: {  	[sflag:s13] =	ssyncset.done $0x0  }
0xac: {  	s23 =	simm.s32 $0x600;
	s22 =	rddreg [dreg:$0x13];
	[sflag:s13] =	ssyncadd.s32 $0xFFFFFE00  }
0xad: {  	[tilespmem:s23], [sflag:$0x1] =	stream.linear.gather [hbm4b:s22+s2], $0x80, $0x38;
	[tilespmem:$0x5600] =	vst v63  }
0xae: {  	_ =	swait.ge [sflag:s13], $0x80  }
0xaf: {  	s24 =	sld [smem:$0x7FA]  }
0xb0: {  	[sflag:s13] =	ssyncset.done $0x0  }
0xb1: {  	s25 =	simm.s32 $0x2800;
	[sflag:s13] =	ssyncadd.s32 $0xFFFFFF80  }
0xb2: {  	[tilespmem:s25], [sflag:$0x1] =	stream.strided.gather [hbm4b:s24+s14], $0x200, s15, s14, $0x38;
	[tilespmem:$0x5600] =	vst v63  }
0xb3: {  	_ =	swait.ge [sflag:s13], $0x200  }
0xb4: {  	[sflag:s13] =	ssyncset.done $0x0  }
0xb5: {  	s21 =	simm.s32 $0x680;
	s20 =	rddreg [dreg:$0x15];
	[sflag:s13] =	ssyncadd.s32 $0xFFFFFE00  }
0xb6: {  	[tilespmem:s21], [sflag:$0x1] =	stream.linear.gather [hbm4b:s20+s2], $0x80, $0x38;
	[tilespmem:$0x5600] =	vst v63  }
0xb7: {  	_ =	swait.ge [sflag:s13], $0x80  }
0xb8: {  	s22 =	sld [smem:$0x7FB]  }
0xb9: {  	[sflag:s13] =	ssyncset.done $0x0  }
0xba: {  	s23 =	simm.s32 $0x2A00;
	[sflag:s13] =	ssyncadd.s32 $0xFFFFFF80  }
0xbb: {  	[tilespmem:s23], [sflag:$0x1] =	stream.strided.gather [hbm4b:s22+s14], $0x200, s15, s14, $0x38;
	[tilespmem:$0x5600] =	vst v63  }
0xbc: {  	_ =	swait.ge [sflag:s13], $0x200  }
0xbd: {  	[sflag:s13] =	ssyncset.done $0x0  }
0xbe: {  	s25 =	simm.s32 $0x700;
	s24 =	rddreg [dreg:$0x19];
	[sflag:s13] =	ssyncadd.s32 $0xFFFFFE00  }
0xbf: {  	[tilespmem:s25], [sflag:$0x1] =	stream.linear.gather [hbm4b:s24+s2], $0x80, $0x38;
	[tilespmem:$0x5600] =	vst v63  }
0xc0: {  	_ =	swait.ge [sflag:s13], $0x80  }
0xc1: {  	s20 =	sld [smem:$0x7FC]  }
0xc2: {  	[sflag:s13] =	ssyncset.done $0x0  }
0xc3: {  	s21 =	simm.s32 $0x2C00;
	[sflag:s13] =	ssyncadd.s32 $0xFFFFFF80  }
0xc4: {  	[tilespmem:s21], [sflag:$0x1] =	stream.strided.gather [hbm4b:s20+s14], $0x200, s15, s14, $0x38;
	[tilespmem:$0x5600] =	vst v63  }
0xc5: {  	_ =	swait.ge [sflag:s13], $0x200  }
0xc6: {  	[sflag:s13] =	ssyncset.done $0x0  }
0xc7: {  	s23 =	simm.s32 $0x780;
	s22 =	rddreg [dreg:$0x1a];
	[sflag:s13] =	ssyncadd.s32 $0xFFFFFE00  }
0xc8: {  	[tilespmem:s23], [sflag:$0x1] =	stream.linear.gather [hbm4b:s22+s2], $0x80, $0x38;
	[tilespmem:$0x5600] =	vst v63  }
0xc9: {  	_ =	swait.ge [sflag:s13], $0x80  }
0xca: {  	s24 =	sld [smem:$0x7FD]  }
0xcb: {  	[sflag:s13] =	ssyncset.done $0x0  }
0xcc: {  	s25 =	simm.s32 $0x2E00;
	[sflag:s13] =	ssyncadd.s32 $0xFFFFFF80  }
0xcd: {  	[tilespmem:s25], [sflag:$0x1] =	stream.strided.gather [hbm4b:s24+s14], $0x200, s15, s14, $0x38;
	[tilespmem:$0x5600] =	vst v63  }
0xce: {  	_ =	swait.ge [sflag:s13], $0x200  }
0xcf: {  	[sflag:s13] =	ssyncset.done $0x0  }
0xd0: {  	s22 =	simm.s32 $0x800;
	s21 =	rddreg [dreg:$0x1b];
	[sflag:s13] =	ssyncadd.s32 $0xFFFFFE00  }
0xd1: {  	[tilespmem:s22], [sflag:$0x1] =	stream.linear.gather [hbm4b:s21+s2], $0x80, $0x38;
	[tilespmem:$0x5600] =	vst v63  }
0xd2: {  	_ =	swait.ge [sflag:s13], $0x80  }
0xd3: {  	[sflag:s13] =	ssyncset.done $0x0  }
0xd4: {  	s23 =	simm.s32 $0x3000;
	[sflag:s13] =	ssyncadd.s32 $0xFFFFFF80  }
0xd5: {  	[tilespmem:s23], [sflag:$0x1] =	stream.strided.gather [hbm4b:s26+s14], $0x200, s15, s14, $0x38;
	[tilespmem:$0x5600] =	vst v63  }
0xd6: {  	_ =	swait.ge [sflag:s13], $0x200  }
0xd7: {  	[sflag:s13] =	ssyncset.done $0x0  }
0xd8: {  	s25 =	simm.s32 $0x880;
	s24 =	rddreg [dreg:$0x1c];
	[sflag:s13] =	ssyncadd.s32 $0xFFFFFE00  }
0xd9: {  	[tilespmem:s25], [sflag:$0x1] =	stream.linear.gather [hbm4b:s24+s2], $0x80, $0x38;
	[tilespmem:$0x5600] =	vst v63  }
0xda: {  	_ =	swait.ge [sflag:s13], $0x80  }
0xdb: {  	[sflag:s13] =	ssyncset.done $0x0  }
0xdc: {  	s20 =	simm.s32 $0x3200;
	[sflag:s13] =	ssyncadd.s32 $0xFFFFFF80  }
0xdd: {  	[tilespmem:s20], [sflag:$0x1] =	stream.strided.gather [hbm4b:s28+s14], $0x200, s15, s14, $0x38;
	[tilespmem:$0x5600] =	vst v63  }
0xde: {  	_ =	swait.ge [sflag:s13], $0x200  }
0xdf: {  	[sflag:s13] =	ssyncset.done $0x0  }
0xe0: {  	s22 =	simm.s32 $0x900;
	s21 =	rddreg [dreg:$0x1d];
	[sflag:s13] =	ssyncadd.s32 $0xFFFFFE00  }
0xe1: {  	[tilespmem:s22], [sflag:$0x1] =	stream.linear.gather [hbm4b:s21+s2], $0x80, $0x38;
	[tilespmem:$0x5600] =	vst v63  }
0xe2: {  	_ =	swait.ge [sflag:s13], $0x80  }
0xe3: {  	[sflag:s13] =	ssyncset.done $0x0  }
0xe4: {  	s23 =	simm.s32 $0x3400;
	[sflag:s13] =	ssyncadd.s32 $0xFFFFFF80  }
0xe5: {  	[tilespmem:s23], [sflag:$0x1] =	stream.strided.gather [hbm4b:s29+s14], $0x200, s15, s14, $0x38;
	[tilespmem:$0x5600] =	vst v63  }
0xe6: {  	_ =	swait.ge [sflag:s13], $0x200  }
0xe7: {  	[sflag:s13] =	ssyncset.done $0x0  }
0xe8: {  	s25 =	simm.s32 $0x980;
	s24 =	rddreg [dreg:$0x1e];
	[sflag:s13] =	ssyncadd.s32 $0xFFFFFE00  }
0xe9: {  	[tilespmem:s25], [sflag:$0x1] =	stream.linear.gather [hbm4b:s24+s2], $0x80, $0x38;
	[tilespmem:$0x5600] =	vst v63  }
0xea: {  	_ =	swait.ge [sflag:s13], $0x80  }
0xeb: {  	[sflag:s13] =	ssyncset.done $0x0  }
0xec: {  	s20 =	simm.s32 $0x3600;
	[sflag:s13] =	ssyncadd.s32 $0xFFFFFF80  }
0xed: {  	[tilespmem:s20], [sflag:$0x1] =	stream.strided.gather [hbm4b:s30+s14], $0x200, s15, s14, $0x38;
	[tilespmem:$0x5600] =	vst v63  }
0xee: {  	_ =	swait.ge [sflag:s13], $0x200  }
0xef: {  	[sflag:s13] =	ssyncset.done $0x0  }
0xf0: {  	s22 =	simm.s32 $0xA00;
	s21 =	rddreg [dreg:$0x1f];
	[sflag:s13] =	ssyncadd.s32 $0xFFFFFE00  }
0xf1: {  	[tilespmem:s22], [sflag:$0x1] =	stream.linear.gather [hbm4b:s21+s2], $0x80, $0x38;
	[tilespmem:$0x5600] =	vst v63  }
0xf2: {  	_ =	swait.ge [sflag:s13], $0x80  }
0xf3: {  	[sflag:s13] =	ssyncset.done $0x0  }
0xf4: {  	s23 =	simm.s32 $0x3800;
	[sflag:s13] =	ssyncadd.s32 $0xFFFFFF80  }
0xf5: {  	[tilespmem:s23], [sflag:$0x1] =	stream.strided.gather [hbm4b:s31+s14], $0x200, s15, s14, $0x38;
	[tilespmem:$0x5600] =	vst v63  }
0xf6: {  	_ =	swait.ge [sflag:s13], $0x200  }
0xf7: {  	s24 =	sld [smem:$0x7E3]  }
0xf8: {  	[sflag:s13] =	ssyncset.done $0x0  }
0xf9: {  	s25 =	simm.s32 $0xA80;
	[sflag:s13] =	ssyncadd.s32 $0xFFFFFE00  }
0xfa: {  	[tilespmem:s25], [sflag:$0x1] =	stream.linear.gather [hbm4b:s24+s2], $0x80, $0x38;
	[tilespmem:$0x5600] =	vst v63  }
0xfb: {  	_ =	swait.ge [sflag:s13], $0x80  }
0xfc: {  	[sflag:s13] =	ssyncset.done $0x0  }
0xfd: {  	s20 =	simm.s32 $0x3A00;
	[sflag:s13] =	ssyncadd.s32 $0xFFFFFF80  }
0xfe: {  	[tilespmem:s20], [sflag:$0x1] =	stream.strided.gather [hbm4b:s0+s14], $0x200, s15, s14, $0x38;
	[tilespmem:$0x5600] =	vst v63  }
0xff: {  	_ =	swait.ge [sflag:s13], $0x200  }
0x100: {  	s21 =	sld [smem:$0x7E4]  }
0x101: {  	[sflag:s13] =	ssyncset.done $0x0  }
0x102: {  	s22 =	simm.s32 $0xB00;
	[sflag:s13] =	ssyncadd.s32 $0xFFFFFE00  }
0x103: {  	[tilespmem:s22], [sflag:$0x1] =	stream.linear.gather [hbm4b:s21+s2], $0x80, $0x38;
	[tilespmem:$0x5600] =	vst v63  }
0x104: {  	_ =	swait.ge [sflag:s13], $0x80  }
0x105: {  	[sflag:s13] =	ssyncset.done $0x0  }
0x106: {  	s23 =	simm.s32 $0x3C00;
	[sflag:s13] =	ssyncadd.s32 $0xFFFFFF80  }
0x107: {  	[tilespmem:s23], [sflag:$0x1] =	stream.strided.gather [hbm4b:s1+s14], $0x200, s15, s14, $0x38;
	[tilespmem:$0x5600] =	vst v63  }
0x108: {  	_ =	swait.ge [sflag:s13], $0x200  }
0x109: {  	s24 =	sld [smem:$0x7E5]  }
0x10a: {  	[sflag:s13] =	ssyncset.done $0x0  }
0x10b: {  	s25 =	simm.s32 $0xB80;
	[sflag:s13] =	ssyncadd.s32 $0xFFFFFE00  }
0x10c: {  	[tilespmem:s25], [sflag:$0x1] =	stream.linear.gather [hbm4b:s24+s2], $0x80, $0x38;
	[tilespmem:$0x5600] =	vst v63  }
0x10d: {  	_ =	swait.ge [sflag:s13], $0x80  }
0x10e: {  	[sflag:s13] =	ssyncset.done $0x0  }
0x10f: {  	s20 =	simm.s32 $0x3E00;
	[sflag:s13] =	ssyncadd.s32 $0xFFFFFF80  }
0x110: {  	[tilespmem:s20], [sflag:$0x1] =	stream.strided.gather [hbm4b:s3+s14], $0x200, s15, s14, $0x38;
	[tilespmem:$0x5600] =	vst v63  }
0x111: {  	_ =	swait.ge [sflag:s13], $0x200  }
0x112: {  	s21 =	sld [smem:$0x7E6]  }
0x113: {  	[sflag:s13] =	ssyncset.done $0x0  }
0x114: {  	s22 =	simm.s32 $0xC00;
	[sflag:s13] =	ssyncadd.s32 $0xFFFFFE00  }
0x115: {  	[tilespmem:s22], [sflag:$0x1] =	stream.linear.gather [hbm4b:s21+s2], $0x80, $0x38;
	[tilespmem:$0x5600] =	vst v63  }
0x116: {  	_ =	swait.ge [sflag:s13], $0x80  }
0x117: {  	[sflag:s13] =	ssyncset.done $0x0  }
0x118: {  	s23 =	simm.s32 $0x4000;
	[sflag:s13] =	ssyncadd.s32 $0xFFFFFF80  }
0x119: {  	[tilespmem:s23], [sflag:$0x1] =	stream.strided.gather [hbm4b:s4+s14], $0x200, s15, s14, $0x38;
	[tilespmem:$0x5600] =	vst v63  }
0x11a: {  	_ =	swait.ge [sflag:s13], $0x200  }
0x11b: {  	s24 =	sld [smem:$0x7E7]  }
0x11c: {  	[sflag:s13] =	ssyncset.done $0x0  }
0x11d: {  	s25 =	simm.s32 $0xC80;
	[sflag:s13] =	ssyncadd.s32 $0xFFFFFE00  }
0x11e: {  	[tilespmem:s25], [sflag:$0x1] =	stream.linear.gather [hbm4b:s24+s2], $0x80, $0x38;
	[tilespmem:$0x5600] =	vst v63  }
0x11f: {  	_ =	swait.ge [sflag:s13], $0x80  }
0x120: {  	[sflag:s13] =	ssyncset.done $0x0  }
0x121: {  	s20 =	simm.s32 $0x4200;
	[sflag:s13] =	ssyncadd.s32 $0xFFFFFF80  }
0x122: {  	[tilespmem:s20], [sflag:$0x1] =	stream.strided.gather [hbm4b:s5+s14], $0x200, s15, s14, $0x38;
	[tilespmem:$0x5600] =	vst v63  }
0x123: {  	_ =	swait.ge [sflag:s13], $0x200  }
0x124: {  	s21 =	sld [smem:$0x7E8]  }
0x125: {  	[sflag:s13] =	ssyncset.done $0x0  }
0x126: {  	s22 =	simm.s32 $0xD00;
	[sflag:s13] =	ssyncadd.s32 $0xFFFFFE00  }
0x127: {  	[tilespmem:s22], [sflag:$0x1] =	stream.linear.gather [hbm4b:s21+s2], $0x80, $0x38;
	[tilespmem:$0x5600] =	vst v63  }
0x128: {  	_ =	swait.ge [sflag:s13], $0x80  }
0x129: {  	[sflag:s13] =	ssyncset.done $0x0  }
0x12a: {  	s23 =	simm.s32 $0x4400;
	[sflag:s13] =	ssyncadd.s32 $0xFFFFFF80  }
0x12b: {  	[tilespmem:s23], [sflag:$0x1] =	stream.strided.gather [hbm4b:s6+s14], $0x200, s15, s14, $0x38;
	[tilespmem:$0x5600] =	vst v63  }
0x12c: {  	_ =	swait.ge [sflag:s13], $0x200  }
0x12d: {  	s24 =	sld [smem:$0x7E9]  }
0x12e: {  	[sflag:s13] =	ssyncset.done $0x0  }
0x12f: {  	s25 =	simm.s32 $0xD80;
	[sflag:s13] =	ssyncadd.s32 $0xFFFFFE00  }
0x130: {  	[tilespmem:s25], [sflag:$0x1] =	stream.linear.gather [hbm4b:s24+s2], $0x80, $0x38;
	[tilespmem:$0x5600] =	vst v63  }
0x131: {  	_ =	swait.ge [sflag:s13], $0x80  }
0x132: {  	[sflag:s13] =	ssyncset.done $0x0  }
0x133: {  	s20 =	simm.s32 $0x4600;
	[sflag:s13] =	ssyncadd.s32 $0xFFFFFF80  }
0x134: {  	[tilespmem:s20], [sflag:$0x1] =	stream.strided.gather [hbm4b:s7+s14], $0x200, s15, s14, $0x38;
	[tilespmem:$0x5600] =	vst v63  }
0x135: {  	_ =	swait.ge [sflag:s13], $0x200  }
0x136: {  	s21 =	sld [smem:$0x7EA]  }
0x137: {  	[sflag:s13] =	ssyncset.done $0x0  }
0x138: {  	s22 =	simm.s32 $0xE00;
	[sflag:s13] =	ssyncadd.s32 $0xFFFFFE00  }
0x139: {  	[tilespmem:s22], [sflag:$0x1] =	stream.linear.gather [hbm4b:s21+s2], $0x80, $0x38;
	[tilespmem:$0x5600] =	vst v63  }
0x13a: {  	_ =	swait.ge [sflag:s13], $0x80  }
0x13b: {  	[sflag:s13] =	ssyncset.done $0x0  }
0x13c: {  	s23 =	simm.s32 $0x4800;
	[sflag:s13] =	ssyncadd.s32 $0xFFFFFF80  }
0x13d: {  	[tilespmem:s23], [sflag:$0x1] =	stream.strided.gather [hbm4b:s8+s14], $0x200, s15, s14, $0x38;
	[tilespmem:$0x5600] =	vst v63  }
0x13e: {  	_ =	swait.ge [sflag:s13], $0x200  }
0x13f: {  	s24 =	sld [smem:$0x7EB]  }
0x140: {  	[sflag:s13] =	ssyncset.done $0x0  }
0x141: {  	s25 =	simm.s32 $0xE80;
	[sflag:s13] =	ssyncadd.s32 $0xFFFFFE00  }
0x142: {  	[tilespmem:s25], [sflag:$0x1] =	stream.linear.gather [hbm4b:s24+s2], $0x80, $0x38;
	[tilespmem:$0x5600] =	vst v63  }
0x143: {  	_ =	swait.ge [sflag:s13], $0x80  }
0x144: {  	[sflag:s13] =	ssyncset.done $0x0  }
0x145: {  	s20 =	simm.s32 $0x4A00;
	[sflag:s13] =	ssyncadd.s32 $0xFFFFFF80  }
0x146: {  	[tilespmem:s20], [sflag:$0x1] =	stream.strided.gather [hbm4b:s9+s14], $0x200, s15, s14, $0x38;
	[tilespmem:$0x5600] =	vst v63  }
0x147: {  	_ =	swait.ge [sflag:s13], $0x200  }
0x148: {  	s21 =	sld [smem:$0x7EC]  }
0x149: {  	[sflag:s13] =	ssyncset.done $0x0  }
0x14a: {  	s22 =	simm.s32 $0xF00;
	[sflag:s13] =	ssyncadd.s32 $0xFFFFFE00  }
0x14b: {  	[tilespmem:s22], [sflag:$0x1] =	stream.linear.gather [hbm4b:s21+s2], $0x80, $0x38;
	[tilespmem:$0x5600] =	vst v63  }
0x14c: {  	_ =	swait.ge [sflag:s13], $0x80  }
0x14d: {  	[sflag:s13] =	ssyncset.done $0x0  }
0x14e: {  	s23 =	simm.s32 $0x4C00;
	[sflag:s13] =	ssyncadd.s32 $0xFFFFFF80  }
0x14f: {  	[tilespmem:s23], [sflag:$0x1] =	stream.strided.gather [hbm4b:s10+s14], $0x200, s15, s14, $0x38;
	[tilespmem:$0x5600] =	vst v63  }
0x150: {  	_ =	swait.ge [sflag:s13], $0x200  }
0x151: {  	s24 =	sld [smem:$0x7ED]  }
0x152: {  	[sflag:s13] =	ssyncset.done $0x0  }
0x153: {  	s25 =	simm.s32 $0xF80;
	[sflag:s13] =	ssyncadd.s32 $0xFFFFFE00  }
0x154: {  	[tilespmem:s25], [sflag:$0x1] =	stream.linear.gather [hbm4b:s24+s2], $0x80, $0x38;
	[tilespmem:$0x5600] =	vst v63  }
0x155: {  	_ =	swait.ge [sflag:s13], $0x80  }
0x156: {  	[sflag:s13] =	ssyncset.done $0x0  }
0x157: {  	s21 =	simm.s32 $0x4E00;
	[sflag:s13] =	ssyncadd.s32 $0xFFFFFF80  }
0x158: {  	[tilespmem:s21], [sflag:$0x1] =	stream.strided.gather [hbm4b:s11+s14], $0x200, s15, s14, $0x38;
	[tilespmem:$0x5600] =	vst v63  }
0x159: {  	_ =	swait.ge [sflag:s13], $0x200  }
0x15a: {  	[sflag:s13] =	ssyncset.done $0x0  }
0x15b: {  	s23 =	simm.s32 $0x5280;
	s22 =	rddreg [dreg:$0x16];
	[sflag:s13] =	ssyncadd.s32 $0xFFFFFE00  }
0x15c: {  	[tilespmem:s23], [sflag:$0x1] =	stream.linear.gather [hbm4b:s22+s2], $0x80, $0x38;
	[tilespmem:$0x5600] =	vst v63  }
0x15d: {  	_ =	swait.ge [sflag:s13], $0x80  }
0x15e: {  	[sflag:s13] =	ssyncset.done $0x0  }
0x15f: {  	s25 =	simm.s32 $0x5300;
	s24 =	rddreg [dreg:$0x6];
	[sflag:s13] =	ssyncadd.s32 $0xFFFFFF80  }
0x160: {  	[tilespmem:s25], [sflag:$0x1] =	stream.linear.gather [hbm4b:s24+s2], $0x80, $0x38;
	[tilespmem:$0x5600] =	vst v63  }
0x161: {  	_ =	swait.ge [sflag:s13], $0x80  }
0x162: {  	[sflag:s13] =	ssyncset.done $0x0  }
0x163: {  	s19 =	simm.s32 $0x0;
	[sflag:s13] =	ssyncadd.s32 $0xFFFFFF80  }
0x164: {  	v1 =	vld [tilespmem:s19+$0x0];
	_ =	sdelay $0x1  }
0x165: {  	v2 =	vld [tilespmem:s19+$0x80];
	_ =	sdelay $0x1  }
0x166: {  	v3 =	vld [tilespmem:s19+$0x100]  }
0x167: {  	v1 =	vadd.f32 $0.0e+00, v1  }
0x168: {  	v4 =	vld [tilespmem:s19+$0x180]  }
0x169: {  	v1 =	vadd.f32 v2, v1  }
0x16a: {  	v2 =	vld [tilespmem:s19+$0x200]  }
0x16b: {  	v1 =	vadd.f32 v3, v1  }
0x16c: {  	v3 =	vld [tilespmem:s19+$0x280]  }
0x16d: {  	v1 =	vadd.f32 v4, v1  }
0x16e: {  	v4 =	vld [tilespmem:s19+$0x300]  }
0x16f: {  	v1 =	vadd.f32 v2, v1  }
0x170: {  	v2 =	vld [tilespmem:s19+$0x380]  }
0x171: {  	v1 =	vadd.f32 v3, v1  }
0x172: {  	v3 =	vld [tilespmem:s19+$0x400]  }
0x173: {  	v1 =	vadd.f32 v4, v1  }
0x174: {  	v4 =	vld [tilespmem:s19+$0x480]  }
0x175: {  	v1 =	vadd.f32 v2, v1  }
0x176: {  	v2 =	vld [tilespmem:s19+$0x500]  }
0x177: {  	v1 =	vadd.f32 v3, v1  }
0x178: {  	v3 =	vld [tilespmem:s19+$0x580]  }
0x179: {  	v1 =	vadd.f32 v4, v1  }
0x17a: {  	v4 =	vld [tilespmem:s19+$0x600]  }
0x17b: {  	v1 =	vadd.f32 v2, v1  }
0x17c: {  	v2 =	vld [tilespmem:s19+$0x680]  }
0x17d: {  	v1 =	vadd.f32 v3, v1  }
0x17e: {  	v3 =	vld [tilespmem:s19+$0x700]  }
0x17f: {  	v1 =	vadd.f32 v4, v1  }
0x180: {  	s20 =	simm.s32 $0x10;
	v4 =	vld [tilespmem:s19+$0x780]  }
0x181: {  	v5 =	vld [tilespmem:s20+$0x0];
	v1 =	vadd.f32 v2, v1  }
0x182: {  	v2 =	vld [tilespmem:s19+$0x800]  }
0x183: {  	v6 =	vld [tilespmem:s20+$0x80];
	v1 =	vadd.f32 v3, v1  }
0x184: {  	v3 =	vld [tilespmem:s19+$0x880]  }
0x185: {  	v7 =	vld [tilespmem:s20+$0x100];
	v1 =	vadd.f32 v4, v1  }
0x186: {  	v4 =	vld [tilespmem:s19+$0x900]  }
0x187: {  	v8 =	vld [tilespmem:s20+$0x180];
	v5 =	vadd.f32 $0.0e+00, v5;
	v1 =	vadd.f32 v2, v1  }
0x188: {  	v2 =	vld [tilespmem:s19+$0x980]  }
0x189: {  	v5 =	vadd.f32 v6, v5;
	v6 =	vld [tilespmem:s20+$0x200];
	v1 =	vadd.f32 v3, v1  }
0x18a: {  	v3 =	vld [tilespmem:s19+$0xA00]  }
0x18b: {  	v5 =	vadd.f32 v7, v5;
	v7 =	vld [tilespmem:s20+$0x280];
	v1 =	vadd.f32 v4, v1  }
0x18c: {  	v4 =	vld [tilespmem:s19+$0xA80]  }
0x18d: {  	v5 =	vadd.f32 v8, v5;
	v8 =	vld [tilespmem:s20+$0x300];
	v1 =	vadd.f32 v2, v1  }
0x18e: {  	v2 =	vld [tilespmem:s19+$0xB00]  }
0x18f: {  	v5 =	vadd.f32 v6, v5;
	v6 =	vld [tilespmem:s20+$0x380];
	v1 =	vadd.f32 v3, v1  }
0x190: {  	v3 =	vld [tilespmem:s19+$0xB80]  }
0x191: {  	v5 =	vadd.f32 v7, v5;
	v7 =	vld [tilespmem:s20+$0x400];
	v1 =	vadd.f32 v4, v1  }
0x192: {  	v4 =	vld [tilespmem:s19+$0xC00]  }
0x193: {  	v5 =	vadd.f32 v8, v5;
	v8 =	vld [tilespmem:s20+$0x480];
	v1 =	vadd.f32 v2, v1  }
0x194: {  	v2 =	vld [tilespmem:s19+$0xC80]  }
0x195: {  	v5 =	vadd.f32 v6, v5;
	v6 =	vld [tilespmem:s20+$0x500];
	v1 =	vadd.f32 v3, v1  }
0x196: {  	v3 =	vld [tilespmem:s19+$0xD00]  }
0x197: {  	v5 =	vadd.f32 v7, v5;
	v7 =	vld [tilespmem:s20+$0x580];
	v1 =	vadd.f32 v4, v1  }
0x198: {  	v4 =	vld [tilespmem:s19+$0xD80]  }
0x199: {  	v5 =	vadd.f32 v8, v5;
	v8 =	vld [tilespmem:s20+$0x600];
	v1 =	vadd.f32 v2, v1  }
0x19a: {  	v2 =	vld [tilespmem:s19+$0xE00]  }
0x19b: {  	v9 =	vld [tilespmem:s20+$0x680];
	v5 =	vadd.f32 v6, v5;
	v1 =	vadd.f32 v3, v1  }
0x19c: {  	v3 =	vld [tilespmem:s19+$0xE80]  }
0x19d: {  	v6 =	vadd.f32 v7, v5;
	v5 =	vld [tilespmem:s20+$0x700];
	v4 =	vadd.f32 v4, v1  }
0x19e: {  	v1 =	vld [tilespmem:s19+$0xF00]  }
0x19f: {  	v7 =	vadd.f32 v8, v6;
	v6 =	vld [tilespmem:s20+$0x780];
	v8 =	vadd.f32 v2, v4  }
0x1a0: {  	v2 =	vld [tilespmem:s19+$0xF80]  }
0x1a1: {  	s21 =	simm.s32 $0x20;
	s22 =	simm.s32 $0xC0;
	v7 =	vadd.f32 v9, v7;
	v4 =	vld [tilespmem:s20+$0x800];
	v3 =	vadd.f32 v3, v8  }
.LBB2_2:
0x1a2: {  	p0 =	sne.s32 s22, $0x1C0;
	v8 =	vld [tilespmem:s21+$0x0]  }
0x1a3: {  	v5 =	vadd.f32 v5, v7;
	v7 =	vld [tilespmem:s20+$0x880];
	v1 =	vadd.f32 v1, v3  }
0x1a4: {  	v3 =	vld [tilespmem:s21+$0x80]  }
0x1a5: {  	v5 =	vadd.f32 v6, v5;
	v6 =	vld [tilespmem:s20+$0x900];
	v1 =	vadd.f32 v2, v1  }
0x1a6: {  	v2 =	vld [tilespmem:s21+$0x100]  }
0x1a7: {  	v8 =	vadd.f32 $0.0e+00, v8;
	v4 =	vadd.f32 v4, v5;
	v5 =	vld [tilespmem:s20+$0x980];
	[tilespmem:s19+$0x5000] =	vst v1;
	s19 =	smov.u32 s20;
	s20 =	smov.u32 s21  }
0x1a8: {  	v1 =	vld [tilespmem:s20+$0x180]  }
0x1a9: {  	v3 =	vadd.f32 v3, v8;
	v4 =	vadd.f32 v7, v4;
	v7 =	vld [tilespmem:s19+$0xA00]  }
0x1aa: {  	v8 =	vld [tilespmem:s20+$0x200]  }
0x1ab: {  	v2 =	vadd.f32 v2, v3;
	v3 =	vadd.f32 v6, v4;
	v4 =	vld [tilespmem:s19+$0xA80]  }
0x1ac: {  	v6 =	vld [tilespmem:s20+$0x280]  }
0x1ad: {  	v1 =	vadd.f32 v1, v2;
	v2 =	vadd.f32 v5, v3;
	v3 =	vld [tilespmem:s19+$0xB00]  }
0x1ae: {  	v5 =	vld [tilespmem:s20+$0x300]  }
0x1af: {  	v1 =	vadd.f32 v8, v1;
	v2 =	vadd.f32 v7, v2;
	v7 =	vld [tilespmem:s19+$0xB80]  }
0x1b0: {  	v8 =	vld [tilespmem:s20+$0x380]  }
0x1b1: {  	v1 =	vadd.f32 v6, v1;
	v2 =	vadd.f32 v4, v2;
	v4 =	vld [tilespmem:s19+$0xC00]  }
0x1b2: {  	v6 =	vld [tilespmem:s20+$0x400]  }
0x1b3: {  	v1 =	vadd.f32 v5, v1;
	v2 =	vadd.f32 v3, v2;
	v3 =	vld [tilespmem:s19+$0xC80]  }
0x1b4: {  	v5 =	vld [tilespmem:s20+$0x480]  }
0x1b5: {  	v1 =	vadd.f32 v8, v1;
	v2 =	vadd.f32 v7, v2;
	v7 =	vld [tilespmem:s19+$0xD00]  }
0x1b6: {  	v8 =	vld [tilespmem:s20+$0x500]  }
0x1b7: {  	v1 =	vadd.f32 v6, v1;
	v2 =	vadd.f32 v4, v2;
	v4 =	vld [tilespmem:s19+$0xD80]  }
0x1b8: {  	v6 =	vld [tilespmem:s20+$0x580]  }
0x1b9: {  	v1 =	vadd.f32 v5, v1;
	v2 =	vadd.f32 v3, v2;
	v3 =	vld [tilespmem:s19+$0xE00]  }
0x1ba: {  	v9 =	vld [tilespmem:s20+$0x600]  }
0x1bb: {  	v1 =	vadd.f32 v8, v1;
	v2 =	vadd.f32 v7, v2;
	v8 =	vld [tilespmem:s19+$0xE80]  }
0x1bc: {  	v7 =	vld [tilespmem:s20+$0x680]  }
.Ltmp0:
0x1bd: {  	v6 =	vadd.f32 v6, v1;
	v2 =	vadd.f32 v4, v2;
	v1 =	vld [tilespmem:s19+$0xF00];
	(pc) =	sbr.rel @p0 .LBB2_2-.Ltmp0, $4  }
0x1be: {  	v5 =	vld [tilespmem:s20+$0x700]  }
0x1bf: {  	v4 =	vadd.f32 v9, v6;
	v3 =	vadd.f32 v3, v2;
	v2 =	vld [tilespmem:s19+$0xF80]  }
0x1c0: {  	v6 =	vld [tilespmem:s20+$0x780]  }
0x1c1: {  	s21 =	sshra.s32 s22, $0x2;
	s22 =	sadd.s32 $0x40, s22;
	v7 =	vadd.f32 v7, v4;
	v4 =	vld [tilespmem:s20+$0x800];
	v3 =	vadd.f32 v8, v3  }
0x1c2: {  	v8 =	vld [tilespmem:s21+$0x0];
	_ =	sdelay $0x1  }
0x1c3: {  	v9 =	vld [tilespmem:s21+$0x80];
	_ =	sdelay $0x1  }
0x1c4: {  	v10 =	vld [tilespmem:s21+$0x100]  }
0x1c5: {  	v8 =	vadd.f32 $0.0e+00, v8  }
0x1c6: {  	v11 =	vld [tilespmem:s21+$0x180]  }
0x1c7: {  	v8 =	vadd.f32 v9, v8  }
0x1c8: {  	v9 =	vld [tilespmem:s21+$0x200]  }
0x1c9: {  	v8 =	vadd.f32 v10, v8  }
0x1ca: {  	v10 =	vld [tilespmem:s21+$0x280]  }
0x1cb: {  	v8 =	vadd.f32 v11, v8  }
0x1cc: {  	v11 =	vld [tilespmem:s21+$0x300]  }
0x1cd: {  	v8 =	vadd.f32 v9, v8  }
0x1ce: {  	v9 =	vld [tilespmem:s21+$0x380]  }
0x1cf: {  	v8 =	vadd.f32 v10, v8  }
0x1d0: {  	v10 =	vld [tilespmem:s21+$0x400]  }
0x1d1: {  	v8 =	vadd.f32 v11, v8  }
0x1d2: {  	v11 =	vld [tilespmem:s21+$0x480]  }
0x1d3: {  	v8 =	vadd.f32 v9, v8  }
0x1d4: {  	v9 =	vld [tilespmem:s21+$0x500]  }
0x1d5: {  	v8 =	vadd.f32 v10, v8  }
0x1d6: {  	v10 =	vld [tilespmem:s21+$0x580]  }
0x1d7: {  	v8 =	vadd.f32 v11, v8  }
0x1d8: {  	v11 =	vld [tilespmem:s21+$0x600]  }
0x1d9: {  	v8 =	vadd.f32 v9, v8  }
0x1da: {  	v9 =	vld [tilespmem:s21+$0x680]  }
0x1db: {  	v8 =	vadd.f32 v10, v8  }
0x1dc: {  	v10 =	vld [tilespmem:s21+$0x700]  }
0x1dd: {  	v8 =	vadd.f32 v11, v8  }
0x1de: {  	v11 =	vld [tilespmem:s21+$0x780]  }
0x1df: {  	v8 =	vadd.f32 v9, v8  }
0x1e0: {  	v5 =	vadd.f32 v5, v7;
	v7 =	vld [tilespmem:s21+$0x800]  }
0x1e1: {  	v9 =	vld [tilespmem:s20+$0x880];
	v8 =	vadd.f32 v10, v8  }
0x1e2: {  	v5 =	vadd.f32 v6, v5;
	v6 =	vld [tilespmem:s21+$0x880]  }
0x1e3: {  	v10 =	vld [tilespmem:s20+$0x900];
	v8 =	vadd.f32 v11, v8  }
0x1e4: {  	v4 =	vadd.f32 v4, v5;
	v5 =	vld [tilespmem:s21+$0x900]  }
0x1e5: {  	v11 =	vld [tilespmem:s20+$0x980];
	v7 =	vadd.f32 v7, v8  }
0x1e6: {  	v4 =	vadd.f32 v9, v4;
	v8 =	vld [tilespmem:s21+$0x980]  }
0x1e7: {  	v9 =	vld [tilespmem:s20+$0xA00];
	v6 =	vadd.f32 v6, v7  }
0x1e8: {  	v4 =	vadd.f32 v10, v4;
	v7 =	vld [tilespmem:s21+$0xA00]  }
0x1e9: {  	v10 =	vld [tilespmem:s20+$0xA80];
	v5 =	vadd.f32 v5, v6  }
0x1ea: {  	v4 =	vadd.f32 v11, v4;
	v6 =	vld [tilespmem:s21+$0xA80]  }
0x1eb: {  	v11 =	vld [tilespmem:s20+$0xB00];
	v5 =	vadd.f32 v8, v5  }
0x1ec: {  	v4 =	vadd.f32 v9, v4;
	v8 =	vld [tilespmem:s21+$0xB00]  }
0x1ed: {  	v9 =	vld [tilespmem:s20+$0xB80];
	v5 =	vadd.f32 v7, v5  }
0x1ee: {  	v4 =	vadd.f32 v10, v4;
	v7 =	vld [tilespmem:s21+$0xB80]  }
0x1ef: {  	v10 =	vld [tilespmem:s20+$0xC00];
	v5 =	vadd.f32 v6, v5  }
0x1f0: {  	v4 =	vadd.f32 v11, v4;
	v6 =	vld [tilespmem:s21+$0xC00]  }
0x1f1: {  	v11 =	vld [tilespmem:s20+$0xC80];
	v5 =	vadd.f32 v8, v5  }
0x1f2: {  	v4 =	vadd.f32 v9, v4;
	v8 =	vld [tilespmem:s21+$0xC80]  }
0x1f3: {  	v9 =	vld [tilespmem:s20+$0xD00];
	v5 =	vadd.f32 v7, v5  }
0x1f4: {  	v4 =	vadd.f32 v10, v4;
	v7 =	vld [tilespmem:s21+$0xD00]  }
0x1f5: {  	v10 =	vld [tilespmem:s20+$0xD80];
	v5 =	vadd.f32 v6, v5  }
0x1f6: {  	v4 =	vadd.f32 v11, v4;
	v6 =	vld [tilespmem:s21+$0xD80]  }
0x1f7: {  	v11 =	vld [tilespmem:s20+$0xE00];
	v5 =	vadd.f32 v8, v5  }
0x1f8: {  	v4 =	vadd.f32 v9, v4;
	v8 =	vld [tilespmem:s21+$0xE00]  }
0x1f9: {  	v9 =	vld [tilespmem:s20+$0xE80];
	v5 =	vadd.f32 v7, v5  }
0x1fa: {  	v4 =	vadd.f32 v10, v4;
	v7 =	vld [tilespmem:s21+$0xE80]  }
0x1fb: {  	v10 =	vld [tilespmem:s20+$0xF00];
	v5 =	vadd.f32 v6, v5  }
0x1fc: {  	v4 =	vadd.f32 v11, v4;
	v6 =	vld [tilespmem:s21+$0xF00]  }
0x1fd: {  	v11 =	vld [tilespmem:s20+$0xF80];
	v5 =	vadd.f32 v8, v5  }
0x1fe: {  	v4 =	vadd.f32 v9, v4;
	v8 =	vld [tilespmem:s21+$0xF80]  }
0x1ff: {  	v1 =	vadd.f32 v1, v3;
	v3 =	vadd.f32 v7, v5  }
0x200: {  	v4 =	vadd.f32 v10, v4  }
0x201: {  	v1 =	vadd.f32 v2, v1;
	v2 =	vadd.f32 v6, v3  }
0x202: {  	v3 =	vadd.f32 v11, v4  }
0x203: {  	[tilespmem:s19+$0x5000] =	vst v1;
	v1 =	vadd.f32 v8, v2  }
0x204: {  	[tilespmem:s20+$0x5000] =	vst v3  }
0x205: {  	s24 =	simm.s32 $0x0;
	s25 =	simm.s32 $0x1000;
	[tilespmem:s21+$0x5000] =	vst v1  }
0x206: {  	s19 =	sand.u32 $0x1F0, s24;
	v1 =	vld [tilespmem:s25+$0x0]  }
0x207: {  	v2 =	vld [tilespmem:s19+$0x1200]  }
0x208: {  	v3 =	vld [tilespmem:s19+$0x1400]  }
0x209: {  	v4 =	vld [tilespmem:s19+$0x1600]  }
0x20a: {  	v5 =	vld [tilespmem:s19+$0x1800]  }
0x20b: {  	v6 =	vld [tilespmem:s19+$0x1A00]  }
0x20c: {  	v7 =	vld [tilespmem:s19+$0x1C00]  }
0x20d: {  	v8 =	vld [tilespmem:s19+$0x1E00]  }
0x20e: {  	v9 =	vld [tilespmem:s19+$0x2000]  }
0x20f: {  	v10 =	vld [tilespmem:s19+$0x2200]  }
0x210: {  	v11 =	vld [tilespmem:s19+$0x2400]  }
0x211: {  	v12 =	vld [tilespmem:s19+$0x2600]  }
0x212: {  	v13 =	vld [tilespmem:s19+$0x2800]  }
0x213: {  	v14 =	vld [tilespmem:s19+$0x2A00]  }
0x214: {  	v15 =	vld [tilespmem:s19+$0x2C00]  }
0x215: {  	v16 =	vld [tilespmem:s19+$0x2E00]  }
0x216: {  	s22 =	simm.s32 $0x10;
	s21 =	simm.s32 $0x1010;
	v17 =	vld [tilespmem:s19+$0x3000]  }
0x217: {  	s23 =	sand.u32 $0x1F0, s22;
	v18 =	vld [tilespmem:s21+$0x0];
	v1 =	vadd.f32 $0.0e+00, v1  }
0x218: {  	v19 =	vld [tilespmem:s23+$0x1200]  }
0x219: {  	v20 =	vld [tilespmem:s23+$0x1400];
	v1 =	vadd.f32 v2, v1  }
0x21a: {  	v21 =	vld [tilespmem:s23+$0x1600]  }
0x21b: {  	v41 =	vld [tilespmem:s23+$0x1800];
	v1 =	vadd.f32 v3, v1  }
0x21c: {  	v42 =	vld [tilespmem:s23+$0x1A00];
	v18 =	vadd.f32 $0.0e+00, v18  }
0x21d: {  	v43 =	vld [tilespmem:s23+$0x1C00];
	v1 =	vadd.f32 v4, v1  }
0x21e: {  	v44 =	vld [tilespmem:s23+$0x1E00];
	v18 =	vadd.f32 v19, v18  }
0x21f: {  	v45 =	vld [tilespmem:s23+$0x2000];
	v1 =	vadd.f32 v5, v1  }
0x220: {  	v46 =	vld [tilespmem:s23+$0x2200];
	v18 =	vadd.f32 v20, v18  }
0x221: {  	v47 =	vld [tilespmem:s23+$0x2400];
	v1 =	vadd.f32 v6, v1  }
0x222: {  	v48 =	vld [tilespmem:s19+$0x4600];
	v18 =	vadd.f32 v21, v18  }
0x223: {  	v49 =	vld [tilespmem:s23+$0x2600];
	v1 =	vadd.f32 v7, v1  }
0x224: {  	v50 =	vld [tilespmem:s19+$0x4800];
	v18 =	vadd.f32 v41, v18  }
0x225: {  	v51 =	vld [tilespmem:s23+$0x2800];
	v1 =	vadd.f32 v8, v1  }
0x226: {  	v52 =	vld [tilespmem:s19+$0x4A00];
	v18 =	vadd.f32 v42, v18  }
0x227: {  	v53 =	vld [tilespmem:s23+$0x2A00];
	v1 =	vadd.f32 v9, v1  }
0x228: {  	v54 =	vld [tilespmem:s19+$0x4C00];
	v18 =	vadd.f32 v43, v18  }
0x229: {  	v55 =	vld [tilespmem:s23+$0x2C00];
	v1 =	vadd.f32 v10, v1  }
0x22a: {  	v56 =	vld [tilespmem:s19+$0x4E00];
	v18 =	vadd.f32 v44, v18  }
0x22b: {  	v57 =	vld [tilespmem:s23+$0x2E00];
	v1 =	vadd.f32 v11, v1  }
0x22c: {  	s24 =	simm.s32 $0x1020;
	v58 =	vld [tilespmem:s23+$0x3000];
	v18 =	vadd.f32 v45, v18  }
0x22d: {  	v59 =	vld [tilespmem:s24+$0x0];
	v1 =	vadd.f32 v12, v1  }
0x22e: {  	v2 =	vld [tilespmem:s19+$0x3200];
	v18 =	vadd.f32 v46, v18  }
0x22f: {  	v3 =	vld [tilespmem:s19+$0x3400];
	v1 =	vadd.f32 v13, v1  }
0x230: {  	v4 =	vld [tilespmem:s19+$0x3600];
	v18 =	vadd.f32 v47, v18  }
0x231: {  	v5 =	vld [tilespmem:s19+$0x3800];
	v1 =	vadd.f32 v14, v1  }
0x232: {  	v6 =	vld [tilespmem:s19+$0x3A00];
	v18 =	vadd.f32 v49, v18  }
0x233: {  	v7 =	vld [tilespmem:s19+$0x3C00];
	v1 =	vadd.f32 v15, v1  }
0x234: {  	v8 =	vld [tilespmem:s19+$0x3E00];
	v18 =	vadd.f32 v51, v18  }
0x235: {  	v9 =	vld [tilespmem:s19+$0x4000];
	v1 =	vadd.f32 v16, v1  }
0x236: {  	s25 =	simm.s32 $0x20;
	v10 =	vld [tilespmem:s19+$0x4200];
	v18 =	vadd.f32 v53, v18  }
0x237: {  	v11 =	vld [tilespmem:s19+$0x4400];
	s19 =	sand.u32 $0x1F0, s25;
	v1 =	vadd.f32 v17, v1  }
0x238: {  	v60 =	vld [tilespmem:s19+$0x1200];
	v18 =	vadd.f32 v55, v18  }
0x239: {  	v1 =	vadd.f32 v2, v1;
	v2 =	vld [tilespmem:s23+$0x3200]  }
0x23a: {  	v61 =	vld [tilespmem:s19+$0x1400];
	v18 =	vadd.f32 v57, v18  }
0x23b: {  	v1 =	vadd.f32 v3, v1;
	v3 =	vld [tilespmem:s23+$0x3400]  }
0x23c: {  	v19 =	vadd.f32 $0.0e+00, v59;
	v62 =	vld [tilespmem:s19+$0x1600];
	v17 =	vadd.f32 v58, v18  }
0x23d: {  	v1 =	vadd.f32 v4, v1;
	v4 =	vld [tilespmem:s23+$0x3600]  }
0x23e: {  	v63 =	vld [tilespmem:s19+$0x1800];
	v19 =	vadd.f32 v60, v19;
	v2 =	vadd.f32 v2, v17  }
0x23f: {  	v1 =	vadd.f32 v5, v1;
	v5 =	vld [tilespmem:s23+$0x3800]  }
0x240: {  	v19 =	vadd.f32 v61, v19;
	v2 =	vadd.f32 v3, v2;
	v3 =	vld [tilespmem:s19+$0x1A00]  }
0x241: {  	v1 =	vadd.f32 v6, v1;
	v6 =	vld [tilespmem:s23+$0x3A00]  }
0x242: {  	v18 =	vadd.f32 v62, v19;
	v2 =	vadd.f32 v4, v2;
	v4 =	vld [tilespmem:s19+$0x1C00]  }
0x243: {  	v1 =	vadd.f32 v7, v1;
	v7 =	vld [tilespmem:s23+$0x3C00]  }
0x244: {  	v17 =	vadd.f32 v63, v18;
	v2 =	vadd.f32 v5, v2;
	v5 =	vld [tilespmem:s19+$0x1E00]  }
0x245: {  	v1 =	vadd.f32 v8, v1;
	v8 =	vld [tilespmem:s23+$0x3E00]  }
0x246: {  	v3 =	vadd.f32 v3, v17;
	v2 =	vadd.f32 v6, v2;
	v6 =	vld [tilespmem:s19+$0x2000]  }
0x247: {  	v1 =	vadd.f32 v9, v1;
	v9 =	vld [tilespmem:s23+$0x4000]  }
0x248: {  	v3 =	vadd.f32 v4, v3;
	v4 =	vld [tilespmem:s19+$0x2200];
	v2 =	vadd.f32 v7, v2  }
0x249: {  	v1 =	vadd.f32 v10, v1;
	v10 =	vld [tilespmem:s23+$0x4200]  }
0x24a: {  	v7 =	vld [tilespmem:s23+$0x4400];
	v3 =	vadd.f32 v5, v3;
	v2 =	vadd.f32 v8, v2  }
0x24b: {  	v5 =	vld [tilespmem:s19+$0x2400];
	v1 =	vadd.f32 v11, v1  }
0x24c: {  	v8 =	vld [tilespmem:s23+$0x4600];
	v3 =	vadd.f32 v6, v3;
	v2 =	vadd.f32 v9, v2  }
0x24d: {  	v6 =	vld [tilespmem:s19+$0x2600];
	v1 =	vadd.f32 v48, v1  }
0x24e: {  	v9 =	vld [tilespmem:s23+$0x4800];
	v3 =	vadd.f32 v4, v3;
	v2 =	vadd.f32 v10, v2  }
0x24f: {  	v4 =	vld [tilespmem:s19+$0x2800];
	v1 =	vadd.f32 v50, v1  }
0x250: {  	v10 =	vld [tilespmem:s23+$0x4A00];
	v3 =	vadd.f32 v5, v3;
	v2 =	vadd.f32 v7, v2  }
0x251: {  	v7 =	vld [tilespmem:s19+$0x2A00];
	v1 =	vadd.f32 v52, v1  }
0x252: {  	v5 =	vld [tilespmem:s19+$0x2C00];
	v3 =	vadd.f32 v6, v3;
	v6 =	vadd.f32 v8, v2  }
0x253: {  	v11 =	vadd.f32 v54, v1;
	v1 =	vld [tilespmem:s23+$0x4C00]  }
0x254: {  	v2 =	vld [tilespmem:s23+$0x4E00];
	v3 =	vadd.f32 v4, v3;
	v9 =	vadd.f32 v9, v6  }
0x255: {  	v6 =	vld [tilespmem:s19+$0x2E00];
	v8 =	vadd.f32 v56, v11  }
0x256: {  	s20 =	simm.s32 $0x5080;
	s21 =	simm.s32 $0x1030;
	v4 =	vld [tilespmem:s19+$0x3000];
	v7 =	vadd.f32 v7, v3;
	v3 =	vadd.f32 v10, v9  }
0x257: {  	s22 =	simm.s32 $0x30;
	s23 =	simm.s32 $0x40;
	[tilespmem:s20+$0x0] =	vst v8;
	v8 =	vld [tilespmem:s21+$0x0]  }
.LBB2_4:
0x258: {  	p0 =	sne.s32 s23, $0x1F0;
	s24 =	sand.u32 $0x1F0, s22;
	v5 =	vadd.f32 v5, v7;
	v7 =	vld [tilespmem:s19+$0x3200];
	v1 =	vadd.f32 v1, v3;
	s22 =	smov.u32 s23  }
0x259: {  	v3 =	vld [tilespmem:s24+$0x1200]  }
0x25a: {  	v5 =	vadd.f32 v6, v5;
	v6 =	vld [tilespmem:s19+$0x3400];
	v1 =	vadd.f32 v2, v1  }
0x25b: {  	s20 =	sadd.s32 $0x10, s20;
	v2 =	vld [tilespmem:s24+$0x1400]  }
0x25c: {  	v8 =	vadd.f32 $0.0e+00, v8;
	v4 =	vadd.f32 v4, v5;
	v5 =	vld [tilespmem:s19+$0x3600];
	[tilespmem:s20+$0x0] =	vst v1  }
0x25d: {  	v1 =	vld [tilespmem:s24+$0x1600]  }
0x25e: {  	v3 =	vadd.f32 v3, v8;
	v4 =	vadd.f32 v7, v4;
	v7 =	vld [tilespmem:s19+$0x3800]  }
0x25f: {  	v8 =	vld [tilespmem:s24+$0x1800]  }
0x260: {  	v2 =	vadd.f32 v2, v3;
	v3 =	vadd.f32 v6, v4;
	v4 =	vld [tilespmem:s19+$0x3A00]  }
0x261: {  	v6 =	vld [tilespmem:s24+$0x1A00]  }
0x262: {  	v1 =	vadd.f32 v1, v2;
	v2 =	vadd.f32 v5, v3;
	v3 =	vld [tilespmem:s19+$0x3C00]  }
0x263: {  	v5 =	vld [tilespmem:s24+$0x1C00]  }
0x264: {  	v1 =	vadd.f32 v8, v1;
	v2 =	vadd.f32 v7, v2;
	v7 =	vld [tilespmem:s19+$0x3E00]  }
0x265: {  	v8 =	vld [tilespmem:s24+$0x1E00]  }
0x266: {  	v1 =	vadd.f32 v6, v1;
	v2 =	vadd.f32 v4, v2;
	v4 =	vld [tilespmem:s19+$0x4000]  }
0x267: {  	v6 =	vld [tilespmem:s24+$0x2000]  }
0x268: {  	v1 =	vadd.f32 v5, v1;
	v2 =	vadd.f32 v3, v2;
	v3 =	vld [tilespmem:s19+$0x4200]  }
0x269: {  	v5 =	vld [tilespmem:s24+$0x2200]  }
0x26a: {  	v1 =	vadd.f32 v8, v1;
	v2 =	vadd.f32 v7, v2;
	v7 =	vld [tilespmem:s19+$0x4400]  }
0x26b: {  	v8 =	vld [tilespmem:s24+$0x2400]  }
0x26c: {  	v1 =	vadd.f32 v6, v1;
	v2 =	vadd.f32 v4, v2;
	v4 =	vld [tilespmem:s19+$0x4600]  }
0x26d: {  	v6 =	vld [tilespmem:s24+$0x2600]  }
0x26e: {  	v1 =	vadd.f32 v5, v1;
	v2 =	vadd.f32 v3, v2;
	v3 =	vld [tilespmem:s19+$0x4800]  }
0x26f: {  	v9 =	vld [tilespmem:s24+$0x2800]  }
0x270: {  	v1 =	vadd.f32 v8, v1;
	v2 =	vadd.f32 v7, v2;
	v8 =	vld [tilespmem:s19+$0x4A00]  }
0x271: {  	v7 =	vld [tilespmem:s24+$0x2A00]  }
0x272: {  	v6 =	vadd.f32 v6, v1;
	v2 =	vadd.f32 v4, v2;
	v1 =	vld [tilespmem:s19+$0x4C00]  }
.Ltmp1:
0x273: {  	v5 =	vld [tilespmem:s24+$0x2C00];
	(pc) =	sbr.rel @p0 .LBB2_4-.Ltmp1, $4  }
0x274: {  	v4 =	vadd.f32 v9, v6;
	v3 =	vadd.f32 v3, v2;
	v2 =	vld [tilespmem:s19+$0x4E00];
	s19 =	smov.u32 s24  }
0x275: {  	v6 =	vld [tilespmem:s19+$0x2E00]  }
0x276: {  	s21 =	sadd.s32 $0x10, s21;
	v7 =	vadd.f32 v7, v4;
	v4 =	vld [tilespmem:s19+$0x3000];
	v3 =	vadd.f32 v8, v3  }
0x277: {  	s23 =	sadd.s32 $0x10, s23;
	v8 =	vld [tilespmem:s21+$0x0]  }
0x278: {  	s21 =	sand.u32 $0x1F0, s22  }
0x279: {  	v9 =	vld [tilespmem:s21+$0x1200];
	_ =	sdelay $0x1  }
0x27a: {  	v10 =	vld [tilespmem:s21+$0x1400]  }
0x27b: {  	v8 =	vadd.f32 $0.0e+00, v8  }
0x27c: {  	v11 =	vld [tilespmem:s21+$0x1600]  }
0x27d: {  	v8 =	vadd.f32 v9, v8  }
0x27e: {  	v9 =	vld [tilespmem:s21+$0x1800]  }
0x27f: {  	v8 =	vadd.f32 v10, v8  }
0x280: {  	v10 =	vld [tilespmem:s21+$0x1A00]  }
0x281: {  	v8 =	vadd.f32 v11, v8  }
0x282: {  	v11 =	vld [tilespmem:s21+$0x1C00]  }
0x283: {  	v8 =	vadd.f32 v9, v8  }
0x284: {  	v9 =	vld [tilespmem:s21+$0x1E00]  }
0x285: {  	v8 =	vadd.f32 v10, v8  }
0x286: {  	v10 =	vld [tilespmem:s21+$0x2000]  }
0x287: {  	v8 =	vadd.f32 v11, v8  }
0x288: {  	v11 =	vld [tilespmem:s21+$0x2200]  }
0x289: {  	v8 =	vadd.f32 v9, v8  }
0x28a: {  	v9 =	vld [tilespmem:s21+$0x2400]  }
0x28b: {  	v8 =	vadd.f32 v10, v8  }
0x28c: {  	v10 =	vld [tilespmem:s21+$0x2600]  }
0x28d: {  	v8 =	vadd.f32 v11, v8  }
0x28e: {  	v11 =	vld [tilespmem:s21+$0x2800]  }
0x28f: {  	v8 =	vadd.f32 v9, v8  }
0x290: {  	v9 =	vld [tilespmem:s21+$0x2A00]  }
0x291: {  	v8 =	vadd.f32 v10, v8  }
0x292: {  	v10 =	vld [tilespmem:s21+$0x2C00]  }
0x293: {  	v8 =	vadd.f32 v11, v8  }
0x294: {  	v11 =	vld [tilespmem:s21+$0x2E00]  }
0x295: {  	v8 =	vadd.f32 v9, v8  }
0x296: {  	v5 =	vadd.f32 v5, v7;
	v7 =	vld [tilespmem:s21+$0x3000]  }
0x297: {  	v9 =	vld [tilespmem:s19+$0x3200];
	v8 =	vadd.f32 v10, v8  }
0x298: {  	v5 =	vadd.f32 v6, v5;
	v6 =	vld [tilespmem:s21+$0x3200]  }
0x299: {  	v10 =	vld [tilespmem:s19+$0x3400];
	v8 =	vadd.f32 v11, v8  }
0x29a: {  	v4 =	vadd.f32 v4, v5;
	v5 =	vld [tilespmem:s21+$0x3400]  }
0x29b: {  	v11 =	vld [tilespmem:s19+$0x3600];
	v7 =	vadd.f32 v7, v8  }
0x29c: {  	v4 =	vadd.f32 v9, v4;
	v8 =	vld [tilespmem:s21+$0x3600]  }
0x29d: {  	v9 =	vld [tilespmem:s19+$0x3800];
	v6 =	vadd.f32 v6, v7  }
0x29e: {  	v4 =	vadd.f32 v10, v4;
	v7 =	vld [tilespmem:s21+$0x3800]  }
0x29f: {  	v10 =	vld [tilespmem:s19+$0x3A00];
	v5 =	vadd.f32 v5, v6  }
0x2a0: {  	v4 =	vadd.f32 v11, v4;
	v6 =	vld [tilespmem:s21+$0x3A00]  }
0x2a1: {  	v11 =	vld [tilespmem:s19+$0x3C00];
	v5 =	vadd.f32 v8, v5  }
0x2a2: {  	v4 =	vadd.f32 v9, v4;
	v8 =	vld [tilespmem:s21+$0x3C00]  }
0x2a3: {  	v9 =	vld [tilespmem:s19+$0x3E00];
	v5 =	vadd.f32 v7, v5  }
0x2a4: {  	v4 =	vadd.f32 v10, v4;
	v7 =	vld [tilespmem:s21+$0x3E00]  }
0x2a5: {  	v10 =	vld [tilespmem:s19+$0x4000];
	v5 =	vadd.f32 v6, v5  }
0x2a6: {  	v4 =	vadd.f32 v11, v4;
	v6 =	vld [tilespmem:s21+$0x4000]  }
0x2a7: {  	v11 =	vld [tilespmem:s19+$0x4200];
	v5 =	vadd.f32 v8, v5  }
0x2a8: {  	v4 =	vadd.f32 v9, v4;
	v8 =	vld [tilespmem:s21+$0x4200]  }
0x2a9: {  	v9 =	vld [tilespmem:s19+$0x4400];
	v5 =	vadd.f32 v7, v5  }
0x2aa: {  	v4 =	vadd.f32 v10, v4;
	v7 =	vld [tilespmem:s21+$0x4400]  }
0x2ab: {  	v10 =	vld [tilespmem:s19+$0x4600];
	v5 =	vadd.f32 v6, v5  }
0x2ac: {  	v4 =	vadd.f32 v11, v4;
	v6 =	vld [tilespmem:s21+$0x4600]  }
0x2ad: {  	v11 =	vld [tilespmem:s19+$0x4800];
	v5 =	vadd.f32 v8, v5  }
0x2ae: {  	v4 =	vadd.f32 v9, v4;
	v8 =	vld [tilespmem:s21+$0x4800]  }
0x2af: {  	v9 =	vld [tilespmem:s19+$0x4A00];
	v5 =	vadd.f32 v7, v5  }
0x2b0: {  	v4 =	vadd.f32 v10, v4;
	v7 =	vld [tilespmem:s21+$0x4A00]  }
0x2b1: {  	v10 =	vld [tilespmem:s19+$0x4C00];
	v5 =	vadd.f32 v6, v5  }
0x2b2: {  	v4 =	vadd.f32 v11, v4;
	v6 =	vld [tilespmem:s21+$0x4C00]  }
0x2b3: {  	v11 =	vld [tilespmem:s19+$0x4E00];
	v5 =	vadd.f32 v8, v5  }
0x2b4: {  	v4 =	vadd.f32 v9, v4;
	v8 =	vld [tilespmem:s21+$0x4E00]  }
0x2b5: {  	v1 =	vadd.f32 v1, v3;
	v3 =	vadd.f32 v7, v5  }
0x2b6: {  	v4 =	vadd.f32 v10, v4  }
0x2b7: {  	v1 =	vadd.f32 v2, v1;
	v2 =	vadd.f32 v6, v3  }
0x2b8: {  	s20 =	sadd.s32 $0x10, s20;
	v3 =	vadd.f32 v11, v4  }
0x2b9: {  	[tilespmem:s20+$0x0] =	vst v1;
	s19 =	sadd.s32 $0x10, s20;
	v1 =	vadd.f32 v8, v2  }
0x2ba: {  	[tilespmem:s19+$0x0] =	vst v3;
	s19 =	sadd.s32 $0x10, s19  }
0x2bb: {  	s21 =	simm.s32 $0x5010;
	[tilespmem:s19+$0x0] =	vst v1  }
0x2bc: {  	v1 =	vld [tilespmem:s21+$0x0];
	_ =	sdelay $0x4  }
0x2bd: {  	v2 =	vld [tilespmem:s21+$0xFFFFFFF0];
	v1 =	vsub.f32 $0.0e+00, v1  }
0x2be: {  	s22 =	simm.s32 $0x0  }
0x2bf: {  	s23 =	simm.s32 $0x10;
	v3 =	vor.u32 s22, v0;
	v1 =	vmul.f32 $1.442695020e+00, v1  }
0x2c0: {  	v8 =	vor.u32 s23, v0;
	v4 =	vshll.u32 v3, $0x2  }
0x2c1: {  	s24 =	simm.s32 $0x5030;
	v9 =	vshll.u32 v8, $0x2;
	(erf) = vpow2.f32 v1  }
0x2c2: {  	v6 =	vor.u32 $0x3, v9;
	v10 =	vld [tilespmem:s24+$0x0];
	v2 =	vsub.f32 $0.0e+00, v2  }
0x2c3: {  	v7 =	vor.u32 $0x3, v4;
	s19 =	simm.s32 $0x5290;
	v13 =	vld [tilespmem:s24+$0xFFFFFFF0]  }
0x2c4: {  	v12 =	vld [tilespmem:s19+$0xFFFFFFF0];
	v2 =	vmul.f32 $1.442695020e+00, v2  }
0x2c5: {  	v18 =	vmul.u32 $0x3, v8;
	v11 =	vor.u32 $0x1, v4;
	v5 =	vld.idx.msk [tilespmem:v4+s16+$0x0], $0xffff  }
0x2c6: {  	v15 =	vor.u32 $0x1, v9;
	(erf) = vpow2.f32 v2;
	v2 =	vmul.u32 $0x3, v3;
	v3 =	vld [tilespmem:s19+$0x0]  }
0x2c7: {  	v24 =	vld.idx.msk [tilespmem:v6+s16+$0x0], $0xffff  }
0x2c8: {  	s22 =	simm.s32 $0x20;
	v16 =	vor.u32 $0x2, v4;
	v19 =	vor.u32 $0x2, v9;
	v21 =	vadd.s32 $0x1, v18;
	v7 =	vld.idx.msk [tilespmem:v7+s16+$0x0], $0xffff  }
0x2c9: {  	s25 =	simm.s32 $0x30;
	v23 =	vadd.s32 $0x2, v18;
	v6 =	vor.u32 s22, v0;
	v17 =	vsub.f32 $0.0e+00, v10;
	v1 =	vld [tilespmem:$0x5300]  }
0x2ca: {  	v14 =	vld.idx.msk [tilespmem:v11+s16+$0x0], $0xffff;
	v13 =	vsub.f32 $0.0e+00, v13;
	v25 =	vshll.u32 v6, $0x2;
	v10 =	vor.u32 s25, v0;
	v26 =	vpop (erf)  }
0x2cb: {  	v20 =	vld.idx.msk [tilespmem:v15+s16+$0x0], $0xffff;
	v15 =	vor.u32 $0x1, v25;
	v11 =	vmul.f32 $1.442695020e+00, v17;
	v3 =	vmul.f32 v3, v26  }
0x2cc: {  	v17 =	vld.idx.msk [tilespmem:v9+s16+$0x0], $0xffff;
	v8 =	vmul.f32 $1.442695020e+00, v13;
	v13 =	vor.u32 $0x3, v25;
	v9 =	vshll.u32 v10, $0x2  }
0x2cd: {  	v19 =	vld.idx.msk [tilespmem:v19+s16+$0x0], $0xffff;
	v22 =	vor.u32 $0x3, v9;
	(erf) = vpow2.f32 v11;
	v27 =	vadd.f32 v3, v24  }
0x2ce: {  	s20 =	simm.s32 $0x5590;
	v11 =	vld.idx.msk [tilespmem:v16+s16+$0x0], $0xffff;
	v4 =	vadd.s32 $0x1, v2;
	vm0 =	veq.s32 v1, $0x0;
	(erf) = vpow2.f32 v8  }
0x2cf: {  	s23 =	simm.s32 $0x2;
	s21 =	simm.s32 $0x5510;
	s24 =	simm.s32 $0x5050;
	v1 =	vadd.s32 $0x2, v2;
	v8 =	vor.u32 $0x2, v25;
	v16 =	vpop (erf);
	[tilespmem:s20+$0x0] =	vst v26;
	v3 =	vld.idx.msk [tilespmem:v25+s16+$0x0], $0xffff;
	v24 =	vsel vm0, v24, v27  }
.LBB2_6:
0x2d0: {  	v25 =	vld [tilespmem:s24+$0x0];
	v26 =	vmul.u32 $0x3, v6;
	v6 =	vmul.f32 v12, v16;
	[tilespmem:s21+$0x0] =	vst v24;
	v24 =	vmov v14  }
0x2d1: {  	s19 =	sadd.s32 $0x20, s19;
	v14 =	vld [tilespmem:s24+$0xFFFFFFF0];
	[tilespmem:v18+s17+$0x0] =	vst.idx.msk $0xffff, v17  }
0x2d2: {  	v27 =	vadd.s32 $0x1, v26;
	v28 =	vadd.s32 $0x2, v26;
	v18 =	vld [tilespmem:s19+$0x0];
	v6 =	vadd.f32 v6, v7;
	[tilespmem:v21+s17+$0x0] =	vst.idx.msk $0xffff, v20  }
0x2d3: {  	s23 =	sadd.s32 $0x2, s23;
	v20 =	vor.u32 $0x1, v9;
	v29 =	vld.idx.msk [tilespmem:v22+s16+$0x0], $0xffff;
	[tilespmem:v23+s17+$0x0] =	vst.idx.msk $0xffff, v19  }
0x2d4: {  	s22 =	sadd.s32 $0x20, s22;
	p0 =	slt.u32 s23, $0x6;
	v19 =	vor.u32 $0x2, v9;
	v12 =	vld [tilespmem:s19+$0xFFFFFFF0];
	v17 =	vsel vm0, v7, v6;
	[tilespmem:s20+$0xFFFFFFF0] =	vst v16  }
0x2d5: {  	s25 =	sadd.s32 $0x10, s22;
	v6 =	vor.u32 s22, v0;
	v21 =	vsub.f32 $0.0e+00, v25;
	v7 =	vld.idx.msk [tilespmem:v13+s16+$0x0], $0xffff;
	[tilespmem:s21+$0xFFFFFFF0] =	vst v17  }
0x2d6: {  	v30 =	vor.u32 s25, v0;
	v25 =	vshll.u32 v6, $0x2;
	v13 =	vsub.f32 $0.0e+00, v14;
	v14 =	vld.idx.msk [tilespmem:v15+s16+$0x0], $0xffff;
	v31 =	vpop (erf);
	[tilespmem:v2+s17+$0x0] =	vst.idx.msk $0xffff, v5  }
.Ltmp2:
0x2d7: {  	v33 =	vmul.f32 $1.442695020e+00, v21;
	v17 =	vld.idx.msk [tilespmem:v9+s16+$0x0], $0xffff;
	v15 =	vmul.f32 v18, v31;
	v18 =	vmul.u32 $0x3, v10;
	v16 =	vpop (erf);
	[tilespmem:v4+s17+$0x0] =	vst.idx.msk $0xffff, v24;
	(pc) =	sbr.rel @p0 .LBB2_6-.Ltmp2, $4  }
0x2d8: {  	v2 =	vmovc v26;
	v9 =	vshll.u32 v30, $0x2;
	v32 =	vmul.f32 $1.442695020e+00, v13;
	v13 =	vor.u32 $0x3, v25;
	v20 =	vld.idx.msk [tilespmem:v20+s16+$0x0], $0xffff;
	[tilespmem:v1+s17+$0x0] =	vst.idx.msk $0xffff, v11  }
0x2d9: {  	v4 =	vmovc v27;
	v1 =	vmovc v28;
	(erf) = vpow2.f32 v33;
	v19 =	vld.idx.msk [tilespmem:v19+s16+$0x0], $0xffff;
	v24 =	vadd.f32 v15, v29;
	v21 =	vadd.s32 $0x1, v18  }
0x2da: {  	s20 =	sadd.s32 $0x20, s20;
	v5 =	vmovc v3;
	v10 =	vmovc v30;
	v22 =	vor.u32 $0x3, v9;
	v23 =	vadd.s32 $0x2, v18;
	(erf) = vpow2.f32 v32;
	v11 =	vld.idx.msk [tilespmem:v8+s16+$0x0], $0xffff  }
0x2db: {  	s24 =	sadd.s32 $0x20, s24;
	s21 =	sadd.s32 $0x20, s21;
	v15 =	vor.u32 $0x1, v25;
	v8 =	vor.u32 $0x2, v25;
	v3 =	vld.idx.msk [tilespmem:v25+s16+$0x0], $0xffff;
	v24 =	vsel vm0, v29, v24;
	[tilespmem:s20+$0x0] =	vst v31  }
0x2dc: {  	_ =	sdelay $0x1  }
0x2dd: {  	s19 =	sadd.s32 $0x20, s19;
	v12 =	vmul.f32 v12, v16;
	[tilespmem:s21+$0x0] =	vst v24  }
0x2de: {  	[tilespmem:s20+$0xFFFFFFF0] =	vst v16;
	v47 =	vld [tilespmem:s19+$0x0]  }
0x2df: {  	[tilespmem:v18+s17+$0x0] =	vst.idx.msk $0xffff, v17;
	v12 =	vadd.f32 v12, v7  }
0x2e0: {  	v48 =	vor.u32 $0x1, v9;
	v49 =	vld.idx.msk [tilespmem:v22+s16+$0x0], $0xffff;
	[tilespmem:v21+s17+$0x0] =	vst.idx.msk $0xffff, v20  }
0x2e1: {  	v50 =	vor.u32 $0x2, v9;
	v13 =	vld.idx.msk [tilespmem:v13+s16+$0x0], $0xffff;
	[tilespmem:v23+s17+$0x0] =	vst.idx.msk $0xffff, v19;
	v7 =	vsel vm0, v7, v12  }
0x2e2: {  	v51 =	vld [tilespmem:s19+$0xFFFFFFF0];
	[tilespmem:s21+$0xFFFFFFF0] =	vst v7;
	v52 =	vpop (erf)  }
0x2e3: {  	v10 =	vmul.u32 $0x3, v10;
	v60 =	vld.idx.msk [tilespmem:v15+s16+$0x0], $0xffff;
	[tilespmem:v2+s17+$0x0] =	vst.idx.msk $0xffff, v5;
	v53 =	vmul.f32 v47, v52  }
0x2e4: {  	v2 =	vld.idx.msk [tilespmem:v9+s16+$0x0], $0xffff;
	[tilespmem:v4+s17+$0x0] =	vst.idx.msk $0xffff, v14  }
0x2e5: {  	s20 =	sadd.s32 $0x20, s20;
	v56 =	vadd.s32 $0x1, v10;
	v54 =	vld.idx.msk [tilespmem:v48+s16+$0x0], $0xffff;
	[tilespmem:v1+s17+$0x0] =	vst.idx.msk $0xffff, v11;
	v55 =	vadd.f32 v53, v49  }
0x2e6: {  	v57 =	vadd.s32 $0x2, v10;
	v58 =	vpop (erf);
	v1 =	vld.idx.msk [tilespmem:v50+s16+$0x0], $0xffff;
	[tilespmem:s20+$0x0] =	vst v52  }
0x2e7: {  	v6 =	vmul.u32 $0x3, v6;
	v63 =	vld.idx.msk [tilespmem:v8+s16+$0x0], $0xffff;
	s21 =	sadd.s32 $0x20, s21;
	v59 =	vmul.f32 v51, v58;
	[tilespmem:s20+$0xFFFFFFF0] =	vst v58;
	v5 =	vsel vm0, v49, v55  }
0x2e8: {  	[tilespmem:s21+$0x0] =	vst v5  }
0x2e9: {  	v61 =	vadd.f32 v59, v13;
	[tilespmem:v10+s17+$0x0] =	vst.idx.msk $0xffff, v2;
	v2 =	vadd.s32 $0x1, v6  }
0x2ea: {  	v62 =	vadd.s32 $0x2, v6;
	[tilespmem:v56+s17+$0x0] =	vst.idx.msk $0xffff, v54  }
0x2eb: {  	[tilespmem:v57+s17+$0x0] =	vst.idx.msk $0xffff, v1;
	v1 =	vsel vm0, v13, v61  }
0x2ec: {  	[tilespmem:s21+$0xFFFFFFF0] =	vst v1  }
0x2ed: {  	[tilespmem:v6+s17+$0x0] =	vst.idx.msk $0xffff, v3  }
0x2ee: {  	[tilespmem:v2+s17+$0x0] =	vst.idx.msk $0xffff, v60  }
0x2ef: {  	[tilespmem:v62+s17+$0x0] =	vst.idx.msk $0xffff, v63  }
0x2f0: {  	s19 =	rddreg [dreg:$0x14]  }
0x2f1: {  	[hbm4b:s19+s2] =	stream.linear.scatter [tilespmem:s17], [sflag:$0x1], $0x180, $0x38;
	[tilespmem:$0x5600] =	vst v63  }
0x2f2: {  	_ =	swait.ge [sflag:s13], $0x180  }
0x2f3: {  	[sflag:s13] =	ssyncset.done $0x0  }
0x2f4: {  	s23 =	simm.s32 $0x5500;
	s22 =	rddreg [dreg:$0x17];
	[sflag:s13] =	ssyncadd.s32 $0xFFFFFE80  }
0x2f5: {  	[hbm4b:s22+s2] =	stream.linear.scatter [tilespmem:s23], [sflag:$0x1], $0x80, $0x38;
	[tilespmem:$0x5600] =	vst v63  }
0x2f6: {  	s18 =	sadd.s32 $0x1, s18;
	_ =	swait.ge [sflag:s13], $0x80  }
0x2f7: {  	s25 =	simm.s32 $0x5580;
	p0 =	sne.s32 s18, s12;
	[sflag:s13] =	ssyncset.done $0x0  }
.Ltmp3:
0x2f8: {  	s24 =	rddreg [dreg:$0x18];
	[sflag:s13] =	ssyncadd.s32 $0xFFFFFF80;
	(pc) =	sbr.rel @p0 .LBB2_1-.Ltmp3, $4  }
0x2f9: {  	[hbm4b:s24+s2] =	stream.linear.scatter [tilespmem:s25], [sflag:$0x1], $0x80, $0x38;
	[tilespmem:$0x5600] =	vst v63  }
0x2fa: {  	_ =	swait.ge [sflag:s13], $0x80  }
0x2fb: {  	[sflag:s13] =	ssyncset.done $0x0  }
0x2fc: {  	[sflag:s13] =	ssyncadd.s32 $0xFFFFFF80  }
0x2fd: {  	_ =	sfence.sel $0x180000  }
0x2fe: {  	[bflag:$0x0] =	sbarrier.arrive $0xFFFF  }
0x2ff: {  	_ =	strace $0x9000004D  }
0x300: {  	s0 =	stileid.u32;
	[bflag:$0x2] =	sbarrier.arrive $0xFFFF  }
0x301: {  	p0 =	sne.s32 s0, $0x0;
	s0 =	rddreg [dreg:$0x5]  }
0x302: {  	s0 =	sadd.s32 @!p0 $0x100000, s0  }
0x303: {  	[sflag:s0] =	ssyncadd.tile.s32 @!p0 $0x1;
	_ =	shalt  }
.Lfunc_end2:
_tile_overlayer_lowered:
.L_overlay_start_2:
0x304: {  	(tag) =	ssettag $0x2  }
0x305: {  	s0 =	rddreg [dreg:$0x0];
	s2 =	stileid.u32  }
0x306: {  	s1 =	rddreg [dreg:$0x1];
	p0 =	sne.s32 s2, $0x0  }
0x307: {  	s3 =	rddreg [dreg:$0x2];
	[bflag:$0x3] =	sbarrier.arrive $0xFFFF;
	s2 =	simm.s32 @!p0 $0x1C01  }
0x308: {  	[timem:s3], [sflag:s2] =	dma.local @!p0 [hbm:s0], s1  }
0x309: {  	s0 =	simm.s32 @!p0 $0x1  }
0x30a: {  	_ =	swait.ge @!p0 [sflag:s0], s1  }
0x30b: {  	s1 =	ssub.s32 @!p0 $0x0, s1;
	[sflag:s0] =	ssyncset.done @!p0 $0x0  }
0x30c: {  	[sflag:s0] =	ssyncadd.s32 @!p0 s1  }
0x30d: {  	[bflag:$0x3] =	sbarrier.arrive $0xFFFF  }
0x30e: {  	_ =	shalt  }

// kernel: kernel.5.cloned.1.call-start
scs
__scs_entry_jumppad:
0x0: {  	(pc) =	sbr.rel $0x88, $3  }
0x1: {  	(tag) =	ssettag $0x0;
	lr =	simm.s32 $0x1  }
0x2: {  	[smem:$0x3F9A] =	sst lr;
	_ =	strace $0xD0000000  }
0x3: {  	_ = 	snop  }
0x4: {  	_ = 	snop  }
0x5: {  	_ = 	snop  }
0x6: {  	_ = 	snop  }
0x7: {  	_ = 	snop  }
__scs_overlays_trampoline_lowered:
0x8: {  	[smem:$0x3FA9] =	sst s0  }
0x9: {  	[smem:$0x3FAA] =	sst s1  }
0xa: {  	[smem:$0x3FAB] =	sst s2  }
0xb: {  	[smem:$0x3FAC] =	sst s3  }
0xc: {  	[smem:$0x3FAD] =	sst s4  }
0xd: {  	[smem:$0x3FAE] =	sst s5  }
0xe: {  	[smem:$0x3FAF] =	sst s6  }
0xf: {  	[smem:$0x3FB0] =	sst s7  }
0x10: {  	[smem:$0x3FB1] =	sst s8  }
0x11: {  	[smem:$0x3FB2] =	sst s9;
	s0 =	simm.s32 @!p0 $0x0  }
0x12: {  	s1 =	sld [smem:$0x3F98];
	s0 =	simm.s32 @p0 $0x1  }
0x13: {  	[smem:$0x3FB3] =	sst s0;
	s0 =	simm.s32 @!p1 $0x0  }
0x14: {  	s2 =	sld [smem:$0x3F97];
	s0 =	simm.s32 @p1 $0x1  }
0x15: {  	[smem:$0x3FB4] =	sst s0;
	s0 =	simm.s32 @!p2 $0x0  }
0x16: {  	s3 =	sld [smem:$0x3FDB];
	s0 =	simm.s32 @p2 $0x1  }
0x17: {  	s4 =	simm.s32 $0x1BF5;
	[smem:$0x3FB6] =	sst s0  }
0x18: {  	s0 =	sld [smem:$0x3F99];
	_ =	swait.ge [sflag:s4], $0x0  }
0x19: {  	s7 =	sld [smem:$0x3F9A]  }
0x1a: {  	s8 =	sadd.s32 $0xFFFFE003, lr  }
0x1b: {  	s9 =	sadd.s32 $0xFFFFFEF7, lr;
	s5 =	simm.s32 $0xFFFFFFFF;
	p2 =	slt.u32 s8, $0xFFFFF086  }
0x1c: {  	p1 =	slt.u32 s9, $0xF7A;
	s5 =	simm.s32 @!p2 $0x0  }
0x1d: {  	s5 =	simm.s32 @p1 $0x1;
	p0 =	seq.s32 s7, s2  }
0x1e: {  	s7 =	smul.u32 @!p0 $0xF7A, s2;
	p2 =	seq.s32 @!p0 s5, $0x0  }
0x1f: {  	s9 =	smul.u32 $0xF7A, s1;
	s8 =	simm.s32 @!p0 $0x1BF5;
	p2 =	por !p2, p0  }
0x20: {  	[sflag:s8] =	ssyncset.s32 @!p0 $0xFFFFF086;
	s6 =	sadd.s32 @!p0 s3, s7;
	s7 =	simm.s32 @!p0 $0x108  }
0x21: {  	s3 =	sadd.s32 s3, s9;
	s6 =	sadd.s32 @!p0 $0x88, s6;
	s7 =	simm.s32 @p2 $0x1082  }
0x22: {  	[simem:s7], [sflag:s8] =	dma.local @!p0 [hbm:s6], $0xF7A  }
0x23: {  	s9 =	sor.u32 $0xD0000000, s2;
	s6 =	simm.s32 $0x108;
	_ =	swait.ge @!p0 [sflag:s8], $0x0  }
0x24: {  	s3 =	sadd.s32 $0x88, s3;
	s6 =	simm.s32 @!p1 $0x1082;
	[sflag:s4] =	ssyncset.s32 $0xFFFFF086  }
0x25: {  	[simem:s6], [sflag:s4] =	dma.local [hbm:s3], $0xF7A  }
0x26: {  	[smem:$0x3F9A] =	sst s1;
	(tag) =	ssettag s2;
	_ =	strace s9  }
0x27: {  	s1 =	sld [smem:$0x3FAA]  }
0x28: {  	s2 =	sld [smem:$0x3FAB]  }
0x29: {  	s4 =	sld [smem:$0x3FAD]  }
0x2a: {  	p0 =	seq.s32 s5, $0x0;
	s5 =	sld [smem:$0x3FAE]  }
0x2b: {  	s6 =	sld [smem:$0x3FAF]  }
0x2c: {  	s7 =	sld [smem:$0x3FB0]  }
0x2d: {  	s3 =	simm.s32 $0x108;
	s8 =	sld [smem:$0x3FB1]  }
0x2e: {  	s3 =	simm.s32 @!p0 $0x1082;
	s9 =	sld [smem:$0x3FB2]  }
0x2f: {  	lr =	sadd.s32 s0, s3;
	s0 =	sld [smem:$0x3FA9]  }
0x30: {  	s3 =	sld [smem:$0x3FAC]  }
0x31: {  	[smem:$0x3FB5] =	sst s10  }
0x32: {  	s10 =	sld [smem:$0x3FB3];
	_ =	sdelay $0x3  }
0x33: {  	p0 =	seq.s32 s10, $0x1;
	s10 =	sld [smem:$0x3FB5];
	_ =	sdelay $0x3  }
0x34: {  	[smem:$0x3FB5] =	sst s10  }
0x35: {  	s10 =	sld [smem:$0x3FB4];
	_ =	sdelay $0x3  }
0x36: {  	p1 =	seq.s32 s10, $0x1;
	s10 =	sld [smem:$0x3FB5];
	_ =	sdelay $0x3  }
0x37: {  	[smem:$0x3FB5] =	sst s10  }
0x38: {  	s10 =	sld [smem:$0x3FB6]  }
0x39: {  	_ = 	snop;
	(pc) =	sbr.ind lr, $3  }
0x3a: {  	_ = 	snop  }
0x3b: {  	_ = 	snop  }
0x3c: {  	p2 =	seq.s32 s10, $0x1;
	s10 =	sld [smem:$0x3FB5]  }
0x3d: {  	_ =	shalt  }
0x3e: {  	_ =	shalt  }
0x3f: {  	_ =	shalt  }
0x40: {  	_ =	shalt  }
0x41: {  	_ =	shalt  }
0x42: {  	_ =	shalt  }
0x43: {  	_ =	shalt  }
0x44: {  	_ =	shalt  }
0x45: {  	_ =	shalt  }
0x46: {  	_ =	shalt  }
0x47: {  	_ =	shalt  }
0x48: {  	_ =	shalt  }
0x49: {  	_ =	shalt  }
0x4a: {  	_ =	shalt  }
0x4b: {  	_ =	shalt  }
0x4c: {  	_ =	shalt  }
0x4d: {  	_ =	shalt  }
0x4e: {  	_ =	shalt  }
0x4f: {  	_ =	shalt  }
0x50: {  	_ =	shalt  }
0x51: {  	_ =	shalt  }
0x52: {  	_ =	shalt  }
0x53: {  	_ =	shalt  }
0x54: {  	_ =	shalt  }
0x55: {  	_ =	shalt  }
0x56: {  	_ =	shalt  }
0x57: {  	_ =	shalt  }
0x58: {  	_ =	shalt  }
0x59: {  	_ =	shalt  }
0x5a: {  	_ =	shalt  }
0x5b: {  	_ =	shalt  }
0x5c: {  	_ =	shalt  }
0x5d: {  	_ =	shalt  }
0x5e: {  	_ =	shalt  }
0x5f: {  	_ =	shalt  }
0x60: {  	_ =	shalt  }
0x61: {  	_ =	shalt  }
0x62: {  	_ =	shalt  }
0x63: {  	_ =	shalt  }
0x64: {  	_ =	shalt  }
0x65: {  	_ =	shalt  }
0x66: {  	_ =	shalt  }
0x67: {  	_ =	shalt  }
0x68: {  	_ =	shalt  }
0x69: {  	_ =	shalt  }
0x6a: {  	_ =	shalt  }
0x6b: {  	_ =	shalt  }
0x6c: {  	_ =	shalt  }
0x6d: {  	_ =	shalt  }
0x6e: {  	_ =	shalt  }
0x6f: {  	_ =	shalt  }
0x70: {  	_ =	shalt  }
0x71: {  	_ =	shalt  }
0x72: {  	_ =	shalt  }
0x73: {  	_ =	shalt  }
0x74: {  	_ =	shalt  }
0x75: {  	_ =	shalt  }
0x76: {  	_ =	shalt  }
0x77: {  	_ =	shalt  }
0x78: {  	_ =	shalt  }
0x79: {  	_ =	shalt  }
0x7a: {  	_ =	shalt  }
0x7b: {  	_ =	shalt  }
0x7c: {  	_ =	shalt  }
0x7d: {  	_ =	shalt  }
0x7e: {  	_ =	shalt  }
0x7f: {  	_ =	shalt  }
0x80: {  	_ =	shalt  }
0x81: {  	_ =	shalt  }
0x82: {  	_ =	shalt  }
0x83: {  	_ =	shalt  }
0x84: {  	_ =	shalt  }
0x85: {  	_ =	shalt  }
0x86: {  	_ =	shalt  }
0x87: {  	_ =	shalt  }
.Lfunc_end0:
.L_simem_size_0:
called_computation_lowered:
.L_overlay_start_0:
0x88: {  	s2 =	sld [smem:$0x3FD9]  }
0x89: {  	s3 =	sld [smem:$0x3FFE];
	_ =	sdelay $0x1  }
0x8a: {  	s1 =	srdreg.scid  }
0x8b: {  	s0 =	sand.u32 $0x1, s1  }
0x8c: {  	s17 =	sshll.u32 s0, $0xA;
	s2 =	sadd.s32 s3, s2  }
0x8d: {  	s2 =	sadd.s32 s2, s17  }
0x8e: {  	[smem:$0x3FC1] =	sst s2  }
0x8f: {  	_ = 	snop  }
0x90: {  	s2 =	sld [smem:$0x3FC8]  }
0x91: {  	s18 =	sld [smem:$0x3FC6]  }
0x92: {  	s4 =	sld [smem:$0x3FC4];
	(tm) =	ssettm $0x1  }
0x93: {  	s5 =	sld [smem:$0x3FFB];
	_ =	sdelay $0x3  }
0x94: {  	_ =	strace s5  }
0x95: {  	s5 =	sld [smem:$0x3FFC];
	_ =	sdelay $0x3  }
0x96: {  	_ =	strace s5  }
0x97: {  	s5 =	sld [smem:$0x3FFD];
	_ =	sdelay $0x3  }
0x98: {  	_ =	strace s5  }
0x99: {  	_ =	strace $0x8FFFFFFF  }
0x9a: {  	s19 =	sld [smem:$0x3FDB];
	_ =	sdelay $0x1  }
0x9b: {  	s6 =	simm.s32 $_scs_section_size  }
0x9c: {  	s7 =	simm.s32 $_size__tile_overlayer_lowered;
	s8 =	simm.s32 $_tile_overlayer_lowered  }
0x9d: {  	s22 =	simm.s32 $0x1BFF;
	s21 =	sshll.u32 s8, $0x1;
	s5 =	sadd.s32 s6, s19  }
0x9e: {  	s9 =	simm.s32 $0x0;
	s20 =	sshll.u32 s7, $0x1;
	s7 =	sadd.s32 s21, s5  }
0x9f: {  	[timem:s9], [sflag:s22] =	dma.local [hbm:s7], s20  }
0xa0: {  	_ =	swait.ge [sflag:s22], s20  }
0xa1: {  	s6 =	ssub.s32 $0x0, s20;
	[sflag:s22] =	ssyncset.done $0x0  }
0xa2: {  	[sflag:s22] =	ssyncadd.s32 s6;
	_ =	sdelay $0x1  }
0xa3: {  	s23 =	simm.s32 $0x1B8B  }
0xa4: {  	_ =	swait.ge [sflag:s23], $0x1  }
0xa5: {  	[sflag:s23] =	ssyncset.done $0x0  }
0xa6: {  	s25 =	simm.s32 $0x1B8E;
	s24 =	sld [smem:$0x3FFE];
	[sflag:s23] =	ssyncadd.s32 $0xFFFFFFFF  }
0xa7: {  	s26 =	simm.s32 $execute0_lowered;
	[smem:$0x3FD2] =	sst s25  }
0xa8: {  	s7 =	sshll.u32 s26, $0x1;
	_ =	strace $0x80000046;
	[dreg:$0x1] =	wrdreg $0xFFFFFFFF  }
0xa9: {  	s28 =	simm.s32 $_size_execute0_lowered;
	s5 =	sadd.s32 s5, s7;
	[dreg:$0x0] =	wrdreg $0x0  }
0xaa: {  	s7 =	sshll.u32 s28, $0x1;
	[dreg:$0x2] =	wrdreg s5  }
0xab: {  	[dreg:$0x3] =	wrdreg s7  }
0xac: {  	[dreg:$0x4] =	wrdreg $0xC0  }
0xad: {  	_ =	task [dreg:s9], $0x5FFFF  }
0xae: {  	[dreg:$0x1] =	wrdreg $0xFFFFFFFF  }
0xaf: {  	[dreg:$0x0] =	wrdreg $0x60  }
0xb0: {  	[dreg:$0x2] =	wrdreg s2  }
0xb1: {  	[dreg:$0x3] =	wrdreg s18  }
0xb2: {  	[dreg:$0x4] =	wrdreg s4  }
0xb3: {  	[dreg:$0x5] =	wrdreg s24  }
0xb4: {  	[dreg:$0x6] =	wrdreg $0x9  }
0xb5: {  	_ =	task.clear_ibuf [dreg:s9], $0x7FFFF;
	_ =	strace $0x90000046  }
0xb6: {  	s29 =	simm.s32 $0x9;
	_ =	strace $0x80000048  }
0xb7: {  	_ =	swait.ge [sflag:s29], $0x1  }
0xb8: {  	[sflag:s29] =	ssyncadd.s32 $0xFFFFFFFF  }
0xb9: {  	_ =	strace $0x90000048  }
0xba: {  	_ =	sfence  }
0xbb: {  	s30 =	sld [smem:$0x0];
	_ =	sdelay $0x2  }
0xbc: {  	s31 =	sshll.u32 s1, $0xD;
	s1 =	sshrl.u32 s1, $0x2  }
0xbd: {  	s3 =	sand.u32 $0x4000, s31;
	s1 =	sadd.s32 s1, s30  }
0xbe: {  	s0 =	sor.u32 s3, s0;
	s1 =	sshll.u32 s1, $0x11  }
0xbf: {  	s0 =	sor.u32 s1, s0  }
0xc0: {  	s0 =	sadd.s32 $0x8F2B, s0  }
0xc1: {  	[sflag:s0] =	ssyncadd.remote.s32 $0x1  }
0xc2: {  	_ =	sfence.sel $0xFFFF  }
0xc3: {  	[dreg:$0x0] =	wrdreg $0xFFFFFFFF;
	(pc) =	sbr.abs _section_cstart, $3  }
0xc4: {  	[dreg:$0x1] =	wrdreg $0xFFFFFFFF  }
0xc5: {  	_ =	task.clear_ibuf [dreg:s9], $0x2FFFF;
	_ =	strace $0x9FFFFFFF  }
0xc6: {  	(tm) =	ssettm $0x7FFFFFFF  }
0xc7: {  	_ =	shalt  }
tec
execute0_lowered:
.L_overlay_start_1:
0x0: {  	(tag) =	ssettag $0x1  }
0x1: {  	s3 =	rddreg [dreg:$0x0]  }
0x2: {  	s4 =	rddreg [dreg:$0x1]  }
0x3: {  	s5 =	rddreg [dreg:$0x2]  }
0x4: {  	s6 =	rddreg [dreg:$0x3]  }
0x5: {  	s0 =	rddreg [dreg:$0x4]  }
0x6: {  	s2 =	simm.s32 $0x0;
	s1 =	stileid.u32;
	s8 =	srdreg.scid  }
0x7: {  	s11 =	simm.s32 $0x6000;
	s12 =	simm.s32 $0x80;
	s13 =	simm.s32 $0x400  }
0x8: {  	s14 =	simm.s32 $0x0;
	[smem:$0x7FF] =	sst s2;
	s7 =	sshll.u32 s1, $0xA  }
0x9: {  	s8 =	sand.u32 $0x1, s8;
	s9 =	sshll.u32 s1, $0x1;
	_ =	strace $0x80000047  }
0xa: {  	s7 =	sand.u32 $0x3000, s7;
	s30 =	ssub.s32 $0x2, s8;
	s8 =	sor.u32 s8, s9  }
0xb: {  	s9 =	simm.s32 $0x2000;
	s6 =	sadd.s32 s7, s6;
	s31 =	sshrl.u32 s30, $0x1  }
0xc: {  	s10 =	sshll.u32 s8, $0xA;
	s8 =	sshll.u32 s8, $0x4;
	s7 =	ssub.s32 s30, s31  }
0xd: {  	s3 =	sadd.s32 s3, s10;
	s8 =	sand.u32 $0x70, s8;
	s4 =	sadd.s32 s4, s10  }
0xe: {  	s5 =	sadd.s32 s5, s10;
	s10 =	simm.s32 $0x4000;
	s6 =	sadd.s32 s8, s6  }
0xf: {  	v0 =	vimm.f32 $0.0e+00;
	s7 =	smax.u32 s7, $0x1;
	s8 =	simm.s32 $0x1;
	s6 =	sadd.s32 $0x1600, s6  }
.LBB2_1:
0x10: {  	[tilespmem:s2], [sflag:$0x1] =	stream.linear.gather [hbm4b:s3+s2], $0x2000, $0x38;
	[tilespmem:$0x7000] =	vst v63  }
0x11: {  	_ =	swait.ge [sflag:s8], $0x2000  }
0x12: {  	[sflag:s8] =	ssyncset.done $0x0  }
0x13: {  	[sflag:s8] =	ssyncadd.s32 $0xFFFFE000  }
0x14: {  	[tilespmem:s9], [sflag:$0x1] =	stream.linear.gather [hbm4b:s4+s2], $0x2000, $0x38;
	[tilespmem:$0x7000] =	vst v63  }
0x15: {  	_ =	swait.ge [sflag:s8], $0x2000  }
0x16: {  	[sflag:s8] =	ssyncset.done $0x0  }
0x17: {  	[sflag:s8] =	ssyncadd.s32 $0xFFFFE000  }
0x18: {  	[tilespmem:s10], [sflag:$0x1] =	stream.linear.gather [hbm4b:s5+s2], $0x2000, $0x38;
	[tilespmem:$0x7000] =	vst v63  }
0x19: {  	_ =	swait.ge [sflag:s8], $0x2000  }
0x1a: {  	[sflag:s8] =	ssyncset.done $0x0  }
0x1b: {  	s17 =	simm.s32 $0x6040;
	[sflag:s8] =	ssyncadd.s32 $0xFFFFE000  }
0x1c: {  	[tilespmem:s17+$0xFFFFFFC0] =	vst v0  }
0x1d: {  	[tilespmem:s17+$0x30] =	vst v0  }
0x1e: {  	[tilespmem:s17+$0x20] =	vst v0  }
0x1f: {  	[tilespmem:s17+$0x10] =	vst v0  }
0x20: {  	[tilespmem:s17+$0x0] =	vst v0  }
0x21: {  	s19 =	simm.s32 $0x0;
	[tilespmem:s17+$0xFFFFFFF0] =	vst v0  }
0x22: {  	s15 =	simm.s32 $0x4020;
	s16 =	simm.s32 $0x2020;
	s18 =	simm.s32 $0x20;
	[tilespmem:s17+$0xFFFFFFE0] =	vst v0  }
.LBB2_2:
0x23: {  	s19 =	sadd.s32 $0x8, s19;
	[tilespmem:s17+$0xFFFFFFD0] =	vst v0;
	s17 =	sadd.s32 $0x80, s17  }
0x24: {  	[tilespmem:s17+$0xFFFFFFC0] =	vst v0;
	p0 =	slt.u32 s19, $0xF8  }
0x25: {  	[tilespmem:s17+$0x30] =	vst v0  }
.Ltmp0:
0x26: {  	[tilespmem:s17+$0x20] =	vst v0;
	(pc) =	sbr.rel @p0 .LBB2_2-.Ltmp0, $4  }
0x27: {  	[tilespmem:s17+$0x10] =	vst v0  }
0x28: {  	[tilespmem:s17+$0x0] =	vst v0  }
0x29: {  	[tilespmem:s17+$0xFFFFFFF0] =	vst v0  }
0x2a: {  	[tilespmem:s17+$0xFFFFFFE0] =	vst v0  }
0x2b: {  	[tilespmem:s17+$0xFFFFFFD0] =	vst v0  }
0x2c: {  	v1 =	vld [tilespmem:s18+$0x10]  }
0x2d: {  	v2 =	vld [tilespmem:s15+$0x10]  }
0x2e: {  	v3 =	vld [tilespmem:s16+$0x10]  }
0x2f: {  	v7 =	vld [tilespmem:s16+$0xFFFFFFE0]  }
0x30: {  	v5 =	vld [tilespmem:s18+$0xFFFFFFF0]  }
0x31: {  	v6 =	vld [tilespmem:s16+$0xFFFFFFF0]  }
0x32: {  	v8 =	vld [tilespmem:s18+$0x0]  }
0x33: {  	v9 =	vld [tilespmem:s16+$0x0];
	v1 =	vmul.f32 v3, v1  }
0x34: {  	v3 =	vld [tilespmem:s18+$0xFFFFFFE0]  }
0x35: {  	[tilespmem:v2+s11+$0x0] =	vst.idx.add.f32.msk $0xffff, v1  }
0x36: {  	v1 =	vmul.f32 v6, v5;
	v5 =	vld [tilespmem:s15+$0xFFFFFFF0]  }
0x37: {  	v6 =	vld [tilespmem:s15+$0x0];
	_ =	sdelay $0x2  }
0x38: {  	s17 =	simm.s32 $0x0;
	v4 =	vld [tilespmem:s15+$0xFFFFFFE0];
	s18 =	simm.s32 $0x60;
	v2 =	vmul.f32 v9, v8;
	v3 =	vmul.f32 v7, v3  }
.LBB2_4:
0x39: {  	v7 =	vld [tilespmem:s18+$0x10];
	s15 =	sadd.s32 $0x40, s15;
	v8 =	vmov v5  }
0x3a: {  	s17 =	sadd.s32 $0x4, s17;
	s16 =	sadd.s32 $0x40, s16;
	v5 =	vld [tilespmem:s15+$0x10];
	v9 =	vmov v6  }
0x3b: {  	p0 =	slt.u32 s17, $0x1FC;
	v6 =	vld [tilespmem:s16+$0x10]  }
0x3c: {  	v10 =	vld [tilespmem:s16+$0xFFFFFFE0]  }
0x3d: {  	v11 =	vld [tilespmem:s18+$0xFFFFFFF0]  }
0x3e: {  	v12 =	vld [tilespmem:s16+$0xFFFFFFF0]  }
0x3f: {  	v13 =	vld [tilespmem:s18+$0x0]  }
0x40: {  	v14 =	vld [tilespmem:s16+$0x0];
	v6 =	vmul.f32 v6, v7  }
0x41: {  	v7 =	vld [tilespmem:s18+$0xFFFFFFE0]  }
0x42: {  	[tilespmem:v5+s11+$0x0] =	vst.idx.add.f32.msk $0xffff, v6  }
0x43: {  	v15 =	vld [tilespmem:s15+$0xFFFFFFE0];
	v11 =	vmul.f32 v12, v11  }
.Ltmp1:
0x44: {  	v5 =	vld [tilespmem:s15+$0xFFFFFFF0];
	(pc) =	sbr.rel @p0 .LBB2_4-.Ltmp1, $4  }
0x45: {  	v12 =	vmul.f32 v14, v13;
	v6 =	vld [tilespmem:s15+$0x0]  }
0x46: {  	[tilespmem:v4+s11+$0x0] =	vst.idx.add.f32.msk $0xffff, v3;
	v3 =	vmul.f32 v10, v7  }
0x47: {  	[tilespmem:v8+s11+$0x0] =	vst.idx.add.f32.msk $0xffff, v1;
	v1 =	vmov v11  }
0x48: {  	s18 =	sadd.s32 $0x40, s18;
	[tilespmem:v9+s11+$0x0] =	vst.idx.add.f32.msk $0xffff, v2;
	v4 =	vmov v15;
	v2 =	vmov v12  }
0x49: {  	_ =	sdelay $0x3  }
0x4a: {  	[tilespmem:v4+s11+$0x0] =	vst.idx.add.f32.msk $0xffff, v3;
	s14 =	sadd.s32 $0x1, s14  }
0x4b: {  	[tilespmem:v5+s11+$0x0] =	vst.idx.add.f32.msk $0xffff, v1;
	p0 =	sne.s32 s14, s7  }
.Ltmp2:
0x4c: {  	[tilespmem:v6+s11+$0x0] =	vst.idx.add.f32.msk $0xffff, v2;
	(pc) =	sbr.rel @p0 .LBB2_1-.Ltmp2, $4  }
0x4d: {  	[hbm4b:s6+s12] =	stream.strided.scatter [tilespmem:s11], [sflag:$0x1], $0x1000, s13, s12, $0x38;
	[tilespmem:$0x7000] =	vst v63  }
0x4e: {  	_ =	swait.ge [sflag:s8], $0x1000  }
0x4f: {  	[sflag:s8] =	ssyncset.done $0x0  }
0x50: {  	[sflag:s8] =	ssyncadd.s32 $0xFFFFF000  }
0x51: {  	_ =	sfence.sel $0x180000  }
0x52: {  	[bflag:$0x0] =	sbarrier.arrive $0xFFFF  }
0x53: {  	p0 =	sne.s32 s1, $0x0;
	_ =	strace $0x90000047  }
0x54: {  	s0 =	sadd.s32 @!p0 $0x100000, s0;
	[bflag:$0x2] =	sbarrier.arrive $0xFFFF  }
0x55: {  	[sflag:s0] =	ssyncadd.tile.s32 @!p0 $0x1;
	_ =	shalt  }
.Lfunc_end2:
_tile_overlayer_lowered:
.L_overlay_start_2:
0x56: {  	(tag) =	ssettag $0x2  }
0x57: {  	s0 =	rddreg [dreg:$0x0];
	s2 =	stileid.u32  }
0x58: {  	s1 =	rddreg [dreg:$0x1];
	p0 =	sne.s32 s2, $0x0  }
0x59: {  	s3 =	rddreg [dreg:$0x2];
	[bflag:$0x3] =	sbarrier.arrive $0xFFFF;
	s2 =	simm.s32 @!p0 $0x1C01  }
0x5a: {  	[timem:s3], [sflag:s2] =	dma.local @!p0 [hbm:s0], s1  }
0x5b: {  	s0 =	simm.s32 @!p0 $0x1  }
0x5c: {  	_ =	swait.ge @!p0 [sflag:s0], s1  }
0x5d: {  	s1 =	ssub.s32 @!p0 $0x0, s1;
	[sflag:s0] =	ssyncset.done @!p0 $0x0  }
0x5e: {  	[sflag:s0] =	ssyncadd.s32 @!p0 s1  }
0x5f: {  	[bflag:$0x3] =	sbarrier.arrive $0xFFFF  }
0x60: {  	_ =	shalt  }

// kernel: kernel.8.cloned.1.call-start
scs
__scs_entry_jumppad:
0x0: {  	(pc) =	sbr.rel $0x88, $3  }
0x1: {  	(tag) =	ssettag $0x0;
	lr =	simm.s32 $0x1  }
0x2: {  	[smem:$0x3F9A] =	sst lr;
	_ =	strace $0xD0000000  }
0x3: {  	_ = 	snop  }
0x4: {  	_ = 	snop  }
0x5: {  	_ = 	snop  }
0x6: {  	_ = 	snop  }
0x7: {  	_ = 	snop  }
__scs_overlays_trampoline_lowered:
0x8: {  	[smem:$0x3FA9] =	sst s0  }
0x9: {  	[smem:$0x3FAA] =	sst s1  }
0xa: {  	[smem:$0x3FAB] =	sst s2  }
0xb: {  	[smem:$0x3FAC] =	sst s3  }
0xc: {  	[smem:$0x3FAD] =	sst s4  }
0xd: {  	[smem:$0x3FAE] =	sst s5  }
0xe: {  	[smem:$0x3FAF] =	sst s6  }
0xf: {  	[smem:$0x3FB0] =	sst s7  }
0x10: {  	[smem:$0x3FB1] =	sst s8  }
0x11: {  	[smem:$0x3FB2] =	sst s9;
	s0 =	simm.s32 @!p0 $0x0  }
0x12: {  	s1 =	sld [smem:$0x3F98];
	s0 =	simm.s32 @p0 $0x1  }
0x13: {  	[smem:$0x3FB3] =	sst s0;
	s0 =	simm.s32 @!p1 $0x0  }
0x14: {  	s2 =	sld [smem:$0x3F97];
	s0 =	simm.s32 @p1 $0x1  }
0x15: {  	[smem:$0x3FB4] =	sst s0;
	s0 =	simm.s32 @!p2 $0x0  }
0x16: {  	s3 =	sld [smem:$0x3FDB];
	s0 =	simm.s32 @p2 $0x1  }
0x17: {  	s4 =	simm.s32 $0x1BF5;
	[smem:$0x3FB6] =	sst s0  }
0x18: {  	s0 =	sld [smem:$0x3F99];
	_ =	swait.ge [sflag:s4], $0x0  }
0x19: {  	s7 =	sld [smem:$0x3F9A]  }
0x1a: {  	s8 =	sadd.s32 $0xFFFFE003, lr  }
0x1b: {  	s9 =	sadd.s32 $0xFFFFFEF7, lr;
	s5 =	simm.s32 $0xFFFFFFFF;
	p2 =	slt.u32 s8, $0xFFFFF086  }
0x1c: {  	p1 =	slt.u32 s9, $0xF7A;
	s5 =	simm.s32 @!p2 $0x0  }
0x1d: {  	s5 =	simm.s32 @p1 $0x1;
	p0 =	seq.s32 s7, s2  }
0x1e: {  	s7 =	smul.u32 @!p0 $0xF7A, s2;
	p2 =	seq.s32 @!p0 s5, $0x0  }
0x1f: {  	s9 =	smul.u32 $0xF7A, s1;
	s8 =	simm.s32 @!p0 $0x1BF5;
	p2 =	por !p2, p0  }
0x20: {  	[sflag:s8] =	ssyncset.s32 @!p0 $0xFFFFF086;
	s6 =	sadd.s32 @!p0 s3, s7;
	s7 =	simm.s32 @!p0 $0x108  }
0x21: {  	s3 =	sadd.s32 s3, s9;
	s6 =	sadd.s32 @!p0 $0x88, s6;
	s7 =	simm.s32 @p2 $0x1082  }
0x22: {  	[simem:s7], [sflag:s8] =	dma.local @!p0 [hbm:s6], $0xF7A  }
0x23: {  	s9 =	sor.u32 $0xD0000000, s2;
	s6 =	simm.s32 $0x108;
	_ =	swait.ge @!p0 [sflag:s8], $0x0  }
0x24: {  	s3 =	sadd.s32 $0x88, s3;
	s6 =	simm.s32 @!p1 $0x1082;
	[sflag:s4] =	ssyncset.s32 $0xFFFFF086  }
0x25: {  	[simem:s6], [sflag:s4] =	dma.local [hbm:s3], $0xF7A  }
0x26: {  	[smem:$0x3F9A] =	sst s1;
	(tag) =	ssettag s2;
	_ =	strace s9  }
0x27: {  	s1 =	sld [smem:$0x3FAA]  }
0x28: {  	s2 =	sld [smem:$0x3FAB]  }
0x29: {  	s4 =	sld [smem:$0x3FAD]  }
0x2a: {  	p0 =	seq.s32 s5, $0x0;
	s5 =	sld [smem:$0x3FAE]  }
0x2b: {  	s6 =	sld [smem:$0x3FAF]  }
0x2c: {  	s7 =	sld [smem:$0x3FB0]  }
0x2d: {  	s3 =	simm.s32 $0x108;
	s8 =	sld [smem:$0x3FB1]  }
0x2e: {  	s3 =	simm.s32 @!p0 $0x1082;
	s9 =	sld [smem:$0x3FB2]  }
0x2f: {  	lr =	sadd.s32 s0, s3;
	s0 =	sld [smem:$0x3FA9]  }
0x30: {  	s3 =	sld [smem:$0x3FAC]  }
0x31: {  	[smem:$0x3FB5] =	sst s10  }
0x32: {  	s10 =	sld [smem:$0x3FB3];
	_ =	sdelay $0x3  }
0x33: {  	p0 =	seq.s32 s10, $0x1;
	s10 =	sld [smem:$0x3FB5];
	_ =	sdelay $0x3  }
0x34: {  	[smem:$0x3FB5] =	sst s10  }
0x35: {  	s10 =	sld [smem:$0x3FB4];
	_ =	sdelay $0x3  }
0x36: {  	p1 =	seq.s32 s10, $0x1;
	s10 =	sld [smem:$0x3FB5];
	_ =	sdelay $0x3  }
0x37: {  	[smem:$0x3FB5] =	sst s10  }
0x38: {  	s10 =	sld [smem:$0x3FB6]  }
0x39: {  	_ = 	snop;
	(pc) =	sbr.ind lr, $3  }
0x3a: {  	_ = 	snop  }
0x3b: {  	_ = 	snop  }
0x3c: {  	p2 =	seq.s32 s10, $0x1;
	s10 =	sld [smem:$0x3FB5]  }
0x3d: {  	_ =	shalt  }
0x3e: {  	_ =	shalt  }
0x3f: {  	_ =	shalt  }
0x40: {  	_ =	shalt  }
0x41: {  	_ =	shalt  }
0x42: {  	_ =	shalt  }
0x43: {  	_ =	shalt  }
0x44: {  	_ =	shalt  }
0x45: {  	_ =	shalt  }
0x46: {  	_ =	shalt  }
0x47: {  	_ =	shalt  }
0x48: {  	_ =	shalt  }
0x49: {  	_ =	shalt  }
0x4a: {  	_ =	shalt  }
0x4b: {  	_ =	shalt  }
0x4c: {  	_ =	shalt  }
0x4d: {  	_ =	shalt  }
0x4e: {  	_ =	shalt  }
0x4f: {  	_ =	shalt  }
0x50: {  	_ =	shalt  }
0x51: {  	_ =	shalt  }
0x52: {  	_ =	shalt  }
0x53: {  	_ =	shalt  }
0x54: {  	_ =	shalt  }
0x55: {  	_ =	shalt  }
0x56: {  	_ =	shalt  }
0x57: {  	_ =	shalt  }
0x58: {  	_ =	shalt  }
0x59: {  	_ =	shalt  }
0x5a: {  	_ =	shalt  }
0x5b: {  	_ =	shalt  }
0x5c: {  	_ =	shalt  }
0x5d: {  	_ =	shalt  }
0x5e: {  	_ =	shalt  }
0x5f: {  	_ =	shalt  }
0x60: {  	_ =	shalt  }
0x61: {  	_ =	shalt  }
0x62: {  	_ =	shalt  }
0x63: {  	_ =	shalt  }
0x64: {  	_ =	shalt  }
0x65: {  	_ =	shalt  }
0x66: {  	_ =	shalt  }
0x67: {  	_ =	shalt  }
0x68: {  	_ =	shalt  }
0x69: {  	_ =	shalt  }
0x6a: {  	_ =	shalt  }
0x6b: {  	_ =	shalt  }
0x6c: {  	_ =	shalt  }
0x6d: {  	_ =	shalt  }
0x6e: {  	_ =	shalt  }
0x6f: {  	_ =	shalt  }
0x70: {  	_ =	shalt  }
0x71: {  	_ =	shalt  }
0x72: {  	_ =	shalt  }
0x73: {  	_ =	shalt  }
0x74: {  	_ =	shalt  }
0x75: {  	_ =	shalt  }
0x76: {  	_ =	shalt  }
0x77: {  	_ =	shalt  }
0x78: {  	_ =	shalt  }
0x79: {  	_ =	shalt  }
0x7a: {  	_ =	shalt  }
0x7b: {  	_ =	shalt  }
0x7c: {  	_ =	shalt  }
0x7d: {  	_ =	shalt  }
0x7e: {  	_ =	shalt  }
0x7f: {  	_ =	shalt  }
0x80: {  	_ =	shalt  }
0x81: {  	_ =	shalt  }
0x82: {  	_ =	shalt  }
0x83: {  	_ =	shalt  }
0x84: {  	_ =	shalt  }
0x85: {  	_ =	shalt  }
0x86: {  	_ =	shalt  }
0x87: {  	_ =	shalt  }
.Lfunc_end0:
.L_simem_size_0:
called_computation.1_lowered:
.L_overlay_start_0:
0x88: {  	s2 =	sld [smem:$0x3FD9]  }
0x89: {  	s3 =	sld [smem:$0x3FFE];
	_ =	sdelay $0x1  }
0x8a: {  	s1 =	srdreg.scid  }
0x8b: {  	s0 =	sand.u32 $0x1, s1  }
0x8c: {  	s14 =	sshll.u32 s0, $0xA;
	s2 =	sadd.s32 s3, s2  }
0x8d: {  	s2 =	sadd.s32 s2, s14  }
0x8e: {  	[smem:$0x3FC1] =	sst s2  }
0x8f: {  	_ = 	snop  }
0x90: {  	s2 =	sld [smem:$0x3FC8]  }
0x91: {  	s15 =	sld [smem:$0x3FD0]  }
0x92: {  	s4 =	sld [smem:$0x3FC7]  }
0x93: {  	s5 =	sld [smem:$0x3FC6]  }
0x94: {  	s7 =	simm.s32 $0xA;
	s8 =	simm.s32 $0x10;
	s6 =	sld [smem:$0x3FC4]  }
0x95: {  	[smem:s8], [sflag:s7] =	dma.local [hbm:s15], $0x1  }
0x96: {  	_ =	swait.eq [sflag:s7], $0x1  }
0x97: {  	[sflag:s7] =	ssyncset.done $0x0  }
0x98: {  	[sflag:s7] =	ssyncadd.s32 $0xFFFFFFFF  }
0x99: {  	s16 =	sld [smem:$0x13];
	(tm) =	ssettm $0x1  }
0x9a: {  	s17 =	sld [smem:$0x3FFB];
	_ =	sdelay $0x3  }
0x9b: {  	_ =	strace s17  }
0x9c: {  	s7 =	sld [smem:$0x3FFC];
	_ =	sdelay $0x3  }
0x9d: {  	_ =	strace s7  }
0x9e: {  	s7 =	sld [smem:$0x3FFD];
	_ =	sdelay $0x3  }
0x9f: {  	_ =	strace s7  }
0xa0: {  	_ =	strace $0x8FFFFFFF  }
0xa1: {  	s18 =	sld [smem:$0x3FDB];
	_ =	sdelay $0x1  }
0xa2: {  	s19 =	simm.s32 $_scs_section_size  }
0xa3: {  	s9 =	simm.s32 $_size__tile_overlayer_lowered;
	s10 =	simm.s32 $_tile_overlayer_lowered  }
0xa4: {  	s22 =	simm.s32 $0x1BFF;
	s21 =	sshll.u32 s10, $0x1;
	s7 =	sadd.s32 s19, s18  }
0xa5: {  	s11 =	simm.s32 $0x0;
	s20 =	sshll.u32 s9, $0x1;
	s9 =	sadd.s32 s21, s7  }
0xa6: {  	[timem:s11], [sflag:s22] =	dma.local [hbm:s9], s20  }
0xa7: {  	_ =	swait.ge [sflag:s22], s20  }
0xa8: {  	s8 =	ssub.s32 $0x0, s20;
	[sflag:s22] =	ssyncset.done $0x0  }
0xa9: {  	[sflag:s22] =	ssyncadd.s32 s8;
	_ =	sdelay $0x1  }
0xaa: {  	s23 =	simm.s32 $0x1B8B  }
0xab: {  	_ =	swait.ge [sflag:s23], $0x1  }
0xac: {  	[sflag:s23] =	ssyncset.done $0x0  }
0xad: {  	s25 =	simm.s32 $0x1B8E;
	s24 =	sld [smem:$0x3FFE];
	[sflag:s23] =	ssyncadd.s32 $0xFFFFFFFF  }
0xae: {  	s26 =	simm.s32 $execute0_lowered;
	[smem:$0x3FD2] =	sst s25  }
0xaf: {  	s9 =	sshll.u32 s26, $0x1;
	_ =	strace $0x80000049;
	[dreg:$0x1] =	wrdreg $0xFFFFFFFF  }
0xb0: {  	s28 =	simm.s32 $_size_execute0_lowered;
	s7 =	sadd.s32 s7, s9;
	[dreg:$0x0] =	wrdreg $0x0  }
0xb1: {  	s9 =	sshll.u32 s28, $0x1;
	[dreg:$0x2] =	wrdreg s7  }
0xb2: {  	[dreg:$0x3] =	wrdreg s9  }
0xb3: {  	[dreg:$0x4] =	wrdreg $0xC0  }
0xb4: {  	_ =	task [dreg:s11], $0x5FFFF  }
0xb5: {  	[dreg:$0x1] =	wrdreg $0xFFFFFFFF  }
0xb6: {  	[dreg:$0x0] =	wrdreg $0x60  }
0xb7: {  	[dreg:$0x2] =	wrdreg s2  }
0xb8: {  	[dreg:$0x3] =	wrdreg s5  }
0xb9: {  	[dreg:$0x4] =	wrdreg s6  }
0xba: {  	[dreg:$0x5] =	wrdreg s4  }
0xbb: {  	[dreg:$0x6] =	wrdreg s24  }
0xbc: {  	[dreg:$0x7] =	wrdreg s16  }
0xbd: {  	[dreg:$0x8] =	wrdreg $0x9  }
0xbe: {  	_ =	task.clear_ibuf [dreg:s11], $0x9FFFF;
	_ =	strace $0x90000049  }
0xbf: {  	s29 =	simm.s32 $0x9;
	_ =	strace $0x8000004B  }
0xc0: {  	_ =	swait.ge [sflag:s29], $0x1  }
0xc1: {  	[sflag:s29] =	ssyncadd.s32 $0xFFFFFFFF  }
0xc2: {  	_ =	strace $0x9000004B  }
0xc3: {  	_ =	sfence  }
0xc4: {  	s30 =	sld [smem:$0x0];
	_ =	sdelay $0x2  }
0xc5: {  	s31 =	sshll.u32 s1, $0xD;
	s1 =	sshrl.u32 s1, $0x2  }
0xc6: {  	s3 =	sand.u32 $0x4000, s31;
	s1 =	sadd.s32 s1, s30  }
0xc7: {  	s0 =	sor.u32 s3, s0;
	s1 =	sshll.u32 s1, $0x11  }
0xc8: {  	s0 =	sor.u32 s1, s0  }
0xc9: {  	s0 =	sadd.s32 $0x8F2B, s0  }
0xca: {  	[sflag:s0] =	ssyncadd.remote.s32 $0x1  }
0xcb: {  	_ =	sfence.sel $0xFFFF  }
0xcc: {  	[dreg:$0x0] =	wrdreg $0xFFFFFFFF;
	(pc) =	sbr.abs _section_cstart, $3  }
0xcd: {  	[dreg:$0x1] =	wrdreg $0xFFFFFFFF  }
0xce: {  	_ =	task.clear_ibuf [dreg:s11], $0x2FFFF;
	_ =	strace $0x9FFFFFFF  }
0xcf: {  	(tm) =	ssettm $0x7FFFFFFF  }
tec
execute0_lowered:
.L_overlay_start_1:
0x0: {  	(tag) =	ssettag $0x1  }
0x1: {  	s0 =	rddreg [dreg:$0x0]  }
0x2: {  	s1 =	rddreg [dreg:$0x1]  }
0x3: {  	s6 =	rddreg [dreg:$0x2]  }
0x4: {  	s7 =	rddreg [dreg:$0x3]  }
0x5: {  	s4 =	rddreg [dreg:$0x4]  }
0x6: {  	s11 =	rddreg [dreg:$0x5]  }
0x7: {  	s2 =	simm.s32 $0x0;
	s3 =	srdreg.scid;
	s8 =	stileid.u32  }
0x8: {  	s21 =	simm.s32 $0x14080;
	s28 =	simm.s32 $0x12080;
	s29 =	simm.s32 $0x80  }
0x9: {  	s30 =	simm.s32 $0x400;
	s31 =	simm.s32 $0x0;
	[smem:$0x7FF] =	sst s2  }
0xa: {  	s3 =	sand.u32 $0x1, s3;
	s5 =	sshll.u32 s8, $0x1;
	s24 =	sshll.u32 s8, $0xC  }
0xb: {  	_ =	strace $0x8000004A;
	s15 =	sor.u32 s3, s5;
	s25 =	ssub.s32 $0x2, s3  }
0xc: {  	s5 =	sand.u32 $0xC000, s24;
	s3 =	sadd.s32 $0x1D600, s4;
	s24 =	simm.s32 $0x19100  }
0xd: {  	s12 =	sshll.u32 s15, $0xA;
	s9 =	sshrl.u32 s25, $0x1;
	s13 =	sadd.s32 s5, s4  }
0xe: {  	s26 =	sshll.u32 s15, $0x4;
	s10 =	sadd.s32 s12, s4;
	s14 =	ssub.s32 s25, s9  }
0xf: {  	s4 =	sadd.s32 s0, s12;
	s5 =	sadd.s32 s1, s12;
	s6 =	sadd.s32 s6, s12  }
0x10: {  	v3 =	vlaneseq.u32;
	s7 =	sadd.s32 s7, s12;
	s0 =	sand.u32 $0x70, s26;
	s11 =	sadd.s32 s11, s12  }
0x11: {  	v2 =	vor.u32 $0x10, v3;
	v0 =	vmul.u32 $0x1000, v3;
	v4 =	vmov s15;
	s25 =	simm.s32 $0x1;
	s26 =	simm.s32 $0x15080;
	s8 =	sadd.s32 $0x5600, s10  }
0x12: {  	v1 =	vimm.s32 $0xFFFFFFFF;
	vm0 =	vgt.u32 v4, v2;
	s9 =	sadd.s32 $0xD600, s10;
	s0 =	sadd.s32 s0, s13;
	s10 =	sadd.s32 $0x15600, s10  }
0x13: {  	v2 =	vimm.f32 $0.0e+00;
	vm1 =	vgt.u32 v4, v3;
	v3 =	vor.u32 $0x10000, v0;
	s13 =	smax.u32 s14, $0x1;
	s14 =	simm.s32 $0x2;
	s12 =	sadd.s32 $0x21600, s0  }
.LBB2_1:
0x14: {  	[tilespmem:s2], [sflag:$0x2] =	stream.linear.gather [hbm4b:s4+s2], $0x2000, $0x38;
	[tilespmem:$0x19180] =	vst v63  }
0x15: {  	_ =	swait.ge [sflag:s14], $0x2000  }
0x16: {  	[sflag:s14] =	ssyncset.done $0x0  }
0x17: {  	s0 =	simm.s32 $0x2000;
	[sflag:s14] =	ssyncadd.s32 $0xFFFFE000  }
0x18: {  	[tilespmem:s0], [sflag:$0x2] =	stream.linear.gather [hbm4b:s5+s2], $0x2000, $0x38;
	[tilespmem:$0x19180] =	vst v63  }
0x19: {  	_ =	swait.ge [sflag:s14], $0x2000  }
0x1a: {  	[sflag:s14] =	ssyncset.done $0x0  }
0x1b: {  	s18 =	simm.s32 $0x4010;
	[sflag:s14] =	ssyncadd.s32 $0xFFFFE000  }
0x1c: {  	[tilespmem:s18], [sflag:$0x2] =	stream.linear.gather [hbm4b:s6+s2], $0x2000, $0x38;
	[tilespmem:$0x19180] =	vst v63  }
0x1d: {  	_ =	swait.ge [sflag:s14], $0x2000  }
0x1e: {  	[sflag:s14] =	ssyncset.done $0x0  }
0x1f: {  	s19 =	simm.s32 $0x6080;
	[sflag:s14] =	ssyncadd.s32 $0xFFFFE000  }
0x20: {  	[tilespmem:s19], [sflag:$0x2] =	stream.linear.gather [hbm4b:s7+s2], $0x2000, $0x38;
	[tilespmem:$0x19180] =	vst v63  }
0x21: {  	_ =	swait.ge [sflag:s14], $0x2000  }
0x22: {  	[sflag:s14] =	ssyncset.done $0x0  }
0x23: {  	s20 =	simm.s32 $0x8080;
	[sflag:s14] =	ssyncadd.s32 $0xFFFFE000  }
0x24: {  	[tilespmem:s20], [sflag:$0x2] =	stream.linear.gather [hbm4b:s8+s2], $0x2000, $0x38;
	[tilespmem:$0x19180] =	vst v63  }
0x25: {  	_ =	swait.ge [sflag:s14], $0x2000  }
0x26: {  	[sflag:s14] =	ssyncset.done $0x0  }
0x27: {  	s22 =	simm.s32 $0xA080;
	[sflag:s14] =	ssyncadd.s32 $0xFFFFE000  }
0x28: {  	[tilespmem:s22], [sflag:$0x2] =	stream.linear.gather [hbm4b:s9+s2], $0x2000, $0x38;
	[tilespmem:$0x19180] =	vst v63  }
0x29: {  	_ =	swait.ge [sflag:s14], $0x2000  }
0x2a: {  	[sflag:s14] =	ssyncset.done $0x0  }
0x2b: {  	s23 =	simm.s32 $0xC080;
	[sflag:s14] =	ssyncadd.s32 $0xFFFFE000  }
0x2c: {  	[tilespmem:s23], [sflag:$0x2] =	stream.linear.gather [hbm4b:s10+s2], $0x2000, $0x38;
	[tilespmem:$0x19180] =	vst v63  }
0x2d: {  	_ =	swait.ge [sflag:s14], $0x2000  }
0x2e: {  	[sflag:s14] =	ssyncset.done $0x0  }
0x2f: {  	[sflag:s14] =	ssyncadd.s32 $0xFFFFE000  }
0x30: {  	s17 =	simm.s32 $0x150C0;
	[tilespmem:$0x4000] =	vst v1  }
0x31: {  	[tilespmem:s17+$0xFFFFFFC0] =	vst v2  }
0x32: {  	[tilespmem:s17+$0x30] =	vst v2  }
0x33: {  	[tilespmem:s17+$0x20] =	vst v2  }
0x34: {  	[tilespmem:s17+$0x10] =	vst v2  }
0x35: {  	[tilespmem:s17+$0x0] =	vst v2  }
0x36: {  	s15 =	simm.s32 $0xE0A0;
	s1 =	simm.s32 $0x100A0;
	[tilespmem:s17+$0xFFFFFFF0] =	vst v2  }
0x37: {  	s0 =	simm.s32 $0x4020;
	s18 =	simm.s32 $0x2020;
	s19 =	simm.s32 $0x0;
	[tilespmem:s17+$0xFFFFFFE0] =	vst v2  }
.LBB2_2:
0x38: {  	s19 =	sadd.s32 $0x8, s19;
	[tilespmem:s17+$0xFFFFFFD0] =	vst v2;
	s17 =	sadd.s32 $0x80, s17;
	s16 =	simm.f32 $0.0e+00  }
0x39: {  	[tilespmem:s17+$0xFFFFFFC0] =	vst v2;
	p0 =	slt.u32 s19, $0x3F8  }
0x3a: {  	[tilespmem:s17+$0x30] =	vst v2  }
.Ltmp0:
0x3b: {  	[tilespmem:s17+$0x20] =	vst v2;
	(pc) =	sbr.rel @p0 .LBB2_2-.Ltmp0, $4  }
0x3c: {  	[tilespmem:s17+$0x10] =	vst v2  }
0x3d: {  	[tilespmem:s17+$0x0] =	vst v2  }
0x3e: {  	s20 =	simm.s32 $0x20;
	[tilespmem:s17+$0xFFFFFFF0] =	vst v2  }
0x3f: {  	[tilespmem:s17+$0xFFFFFFE0] =	vst v2  }
0x40: {  	[tilespmem:s17+$0xFFFFFFD0] =	vst v2  }
0x41: {  	v4 =	vld [tilespmem:s20+$0x10]  }
0x42: {  	v5 =	vld [tilespmem:s18+$0x10]  }
0x43: {  	v6 =	vld [tilespmem:s20+$0xFFFFFFF0]  }
0x44: {  	v7 =	vld [tilespmem:s18+$0xFFFFFFF0]  }
0x45: {  	v8 =	vld [tilespmem:s20+$0xFFFFFFE0]  }
0x46: {  	v9 =	vld [tilespmem:s18+$0xFFFFFFE0];
	_ =	sdelay $0x1  }
0x47: {  	v4 =	vmul.f32 v5, v4;
	v5 =	vld [tilespmem:s20+$0x0]  }
0x48: {  	v6 =	vmul.f32 v7, v6;
	v7 =	vld [tilespmem:s18+$0x0];
	_ =	sdelay $0x1  }
0x49: {  	v8 =	vmul.f32 v9, v8;
	(xrf2) =	vadd.scan.msk.f32 $0xffff, v4  }
0x4a: {  	(xrf2) =	vadd.scan.msk.f32 $0xffff, v6  }
0x4b: {  	(xrf2) =	vadd.scan.msk.f32 $0xffff, v8  }
0x4c: {  	v5 =	vmul.f32 v7, v5  }
0x4d: {  	s22 =	simm.s32 $0x2060  }
0x4e: {  	v11 =	vld [tilespmem:s22+$0xFFFFFFF0];
	(xrf2) =	vadd.scan.msk.f32 $0xffff, v5  }
0x4f: {  	v15 =	vld [tilespmem:s22+$0xFFFFFFE0]  }
0x50: {  	s20 =	simm.s32 $0x60;
	v9 =	vld [tilespmem:s22+$0x10]  }
0x51: {  	v10 =	vld [tilespmem:s20+$0xFFFFFFF0]  }
0x52: {  	v7 =	vld [tilespmem:s20+$0x10]  }
0x53: {  	v13 =	vld [tilespmem:s20+$0xFFFFFFE0];
	v12, _, _ =	vpop (xrf2)  }
0x54: {  	v14, _, _ =	vpop (xrf2)  }
0x55: {  	v16, _, _ =	vpop (xrf2)  }
0x56: {  	(v2sf) =	vpush v16, $0xF  }
0x57: {  	v17 =	vmul.f32 v9, v7;
	v7 =	vld [tilespmem:s20+$0x0]  }
0x58: {  	v11 =	vmul.f32 v11, v10;
	v13 =	vmul.f32 v15, v13;
	v9 =	vld [tilespmem:s22+$0x0];
	(v2sf) =	vpush v14, $0xF;
	v15, _, _ =	vpop (xrf2)  }
0x59: {  	(xrf2) =	vadd.scan.msk.f32 $0xffff, v17;
	(v2sf) =	vpush v15, $0xF  }
0x5a: {  	(xrf2) =	vadd.scan.msk.f32 $0xffff, v11  }
0x5b: {  	(xrf2) =	vadd.scan.msk.f32 $0xffff, v13;
	_ =	sdelay $0x1  }
0x5c: {  	v25 =	vmul.f32 v9, v7  }
0x5d: {  	s23 =	simm.s32 $0xA0  }
0x5e: {  	v19 =	vld [tilespmem:s23+$0xFFFFFFF0];
	s18 =	simm.s32 $0x20A0;
	(xrf2) =	vadd.scan.msk.f32 $0xffff, v25  }
0x5f: {  	v18 =	vld [tilespmem:s18+$0x10]  }
0x60: {  	v20 =	vld [tilespmem:s18+$0xFFFFFFF0];
	(v2sf) =	vpush v12, $0xF  }
0x61: {  	v10 =	vld [tilespmem:s23+$0x10]  }
0x62: {  	v22 =	vld [tilespmem:s23+$0xFFFFFFE0];
	v21, _, _ =	vpop (xrf2)  }
0x63: {  	v23 =	vld [tilespmem:s18+$0xFFFFFFE0];
	[tilespmem:s15+$0x10] =	vst v4;
	v16 =	vsub.f32 v16, v8;
	v24, _, _ =	vpop (xrf2)  }
0x64: {  	s17 =	simm.s32 $0x20E0;
	[tilespmem:s15+$0xFFFFFFF0] =	vst v6;
	v14 =	vsub.f32 v14, v6;
	v26, _, _ =	vpop (xrf2);
	s19 =	spop (v2sf)  }
0x65: {  	v31 =	vld [tilespmem:s17+$0x10];
	[tilespmem:s15+$0xFFFFFFE0] =	vst v8;
	v6 =	vadd.f32 s16, v16;
	(v2sf) =	vpush v26, $0xF;
	s20 =	sadd.f32 s19, s16  }
0x66: {  	v28 =	vmul.f32 v20, v19;
	v19 =	vld [tilespmem:s18+$0x0];
	[tilespmem:s15+$0x0] =	vst v5;
	v27 =	vmul.f32 v18, v10;
	s22 =	spop (v2sf)  }
0x67: {  	v16 =	vld [tilespmem:s23+$0x0];
	s23 =	simm.s32 $0xE0E0;
	[tilespmem:s1+$0xFFFFFFE0] =	vst v6;
	v7 =	vadd.f32 s20, v14;
	s19 =	spop (v2sf);
	(v2sf) =	vpush v24, $0xF  }
0x68: {  	[tilespmem:s23+$0xFFFFFFF0] =	vst v11;
	v9 =	vld [tilespmem:s0+$0xFFFFFFF0];
	(xrf2) =	vadd.scan.msk.f32 $0xffff, v27;
	v18 =	vsub.f32 v24, v11;
	v11, _, _ =	vpop (xrf2);
	v14 =	vmul.f32 v23, v22  }
0x69: {  	(xrf2) =	vadd.scan.msk.f32 $0xffff, v28;
	s15 =	sadd.f32 s22, s20;
	v22 =	vld [tilespmem:s0+$0xFFFFFFEF];
	(v2sf) =	vpush v11, $0xF;
	[tilespmem:s1+$0xFFFFFFF0] =	vst v7  }
0x6a: {  	[tilespmem:s23+$0x10] =	vst v17;
	(xrf2) =	vadd.scan.msk.f32 $0xffff, v14;
	v10 =	vld [tilespmem:s0+$0x0]  }
0x6b: {  	v4 =	vsub.f32 v12, v4;
	[tilespmem:s23+$0xFFFFFFE0] =	vst v13;
	s16 =	simm.s32 $0xE0;
	s20 =	sadd.f32 s19, s15;
	(v2sf) =	vpush v21, $0xF;
	v29 =	vld [tilespmem:s0+$0xFFFFFFFF]  }
0x6c: {  	[tilespmem:s23+$0x0] =	vst v25;
	v16 =	vmul.f32 v19, v16;
	v30 =	vld [tilespmem:s16+$0x10];
	s22 =	simm.s32 $0xE120  }
0x6d: {  	[tilespmem:s22+$0x10] =	vst v27;
	v4 =	vadd.f32 s20, v4  }
0x6e: {  	v5 =	vsub.f32 v15, v5;
	v12 =	vsub.f32 v26, v13;
	v26 =	vld [tilespmem:s17+$0xFFFFFFF0];
	[tilespmem:s22+$0xFFFFFFF0] =	vst v28;
	(xrf2) =	vadd.scan.msk.f32 $0xffff, v16  }
0x6f: {  	v23 =	vld [tilespmem:s16+$0xFFFFFFF0];
	s23 =	spop (v2sf);
	vm2 =	vne.s32 v9, v22;
	[tilespmem:s1+$0x10] =	vst v4  }
0x70: {  	[tilespmem:s22+$0x0] =	vst v16;
	v5 =	vadd.f32 s15, v5;
	s18 =	sadd.f32 s23, s20;
	v8 =	vld [tilespmem:s0+$0x20];
	vm3 =	vne.s32 v10, v29  }
0x71: {  	[tilespmem:s22+$0xFFFFFFE0] =	vst v14;
	v13 =	vmul.f32 v31, v30;
	v20 =	vld [tilespmem:s0+$0x1F]  }
0x72: {  	v15 =	vsub.f32 v21, v17;
	v24 =	vld [tilespmem:s16+$0xFFFFFFE0];
	v21, _, _ =	vpop (xrf2);
	[tilespmem:s1+$0x0] =	vst v5;
	v12 =	vadd.f32 s18, v12;
	s1 =	simm.s32 $0xE160  }
0x73: {  	v19 =	vsub.f32 v11, v25;
	s15 =	simm.s32 $0x100E0;
	v17 =	vsub.f32 v21, v27;
	v25, _, _ =	vpop (xrf2);
	v27 =	vld [tilespmem:s17+$0xFFFFFFE0];
	[tilespmem:s1+$0x10] =	vst v13  }
0x74: {  	s19 =	simm.s32 $0xC;
	v22 =	vsub.f32 v25, v28;
	v11 =	vld [tilespmem:s0+$0x10];
	(xrf2) =	vadd.scan.msk.f32 $0xffff, v13;
	[tilespmem:s15+$0xFFFFFFE0] =	vst v12;
	s20 =	spop (v2sf);
	v28, _, _ =	vpop (xrf2)  }
.LBB2_4:
0x75: {  	s19 =	sadd.s32 $0x4, s19;
	v29 =	vmul.f32 v26, v23;
	v23 =	vsub.f32 v28, v14;
	(v2sf) =	vpush v28, $0xF;
	s18 =	sadd.f32 s20, s18;
	[tilespmem:v9+s21+$0x0] =	vst.idx.msk vm2, v6;
	v26 =	vld [tilespmem:s0+$0xF]  }
0x76: {  	v6 =	vmov v12;
	p0 =	slt.u32 s19, $0x1FC;
	v28 =	vld [tilespmem:s16+$0x0];
	s20 =	spop (v2sf);
	[tilespmem:v10+s21+$0x0] =	vst.idx.msk vm3, v7;
	vm4 =	vne.s32 v8, v20  }
0x77: {  	s0 =	sadd.s32 $0x40, s0;
	[tilespmem:s1+$0xFFFFFFF0] =	vst v29;
	v12 =	vld [tilespmem:s17+$0x0];
	(xrf2) =	vadd.scan.msk.f32 $0xffff, v29;
	(v2sf) =	vpush v25, $0xF;
	v7 =	vadd.f32 s18, v18;
	s18 =	sadd.f32 s20, s18;
	v18 =	vmovc v22  }
0x78: {  	v14 =	vmul.f32 v27, v24;
	v10, _, _ =	vpop (xrf2);
	v9 =	vld [tilespmem:s0+$0xFFFFFFF0];
	s20 =	spop (v2sf)  }
0x79: {  	v16 =	vsub.f32 v10, v16;
	(v2sf) =	vpush v10, $0xF;
	v20 =	vld [tilespmem:s0+$0xFFFFFFEF];
	[tilespmem:s15+$0xFFFFFFF0] =	vst v7;
	s20 =	sadd.f32 s20, s18  }
0x7a: {  	v22 =	vadd.f32 s18, v19;
	[tilespmem:s1+$0xFFFFFFE0] =	vst v14;
	(xrf2) =	vadd.scan.msk.f32 $0xffff, v14;
	v10 =	vld [tilespmem:s0+$0x0];
	s18 =	spop (v2sf);
	vm5 =	vne.s32 v11, v26  }
0x7b: {  	s16 =	sadd.s32 $0x40, s16;
	(v2sf) =	vpush v21, $0xF;
	v24 =	vld [tilespmem:s0+$0xFFFFFFFF];
	v25 =	vadd.f32 s20, v15;
	s18 =	sadd.f32 s18, s20;
	v19 =	vmovc v16;
	v15 =	vmov v17  }
0x7c: {  	s17 =	sadd.s32 $0x40, s17;
	v27 =	vld [tilespmem:s16+$0x10];
	v16 =	vmul.f32 v12, v28;
	[tilespmem:s15+$0x0] =	vst v22  }
0x7d: {  	v28 =	vld [tilespmem:s17+$0x10];
	v12 =	vadd.f32 s18, v23;
	[tilespmem:s15+$0x10] =	vst v25  }
0x7e: {  	s15 =	sadd.s32 $0x40, s15;
	[tilespmem:s1+$0x0] =	vst v16;
	(xrf2) =	vadd.scan.msk.f32 $0xffff, v16;
	v21, _, _ =	vpop (xrf2);
	vm2 =	vne.s32 v9, v20;
	v30 =	vld [tilespmem:s0+$0x20]  }
0x7f: {  	v23 =	vld [tilespmem:s16+$0xFFFFFFF0];
	v17 =	vsub.f32 v21, v13;
	[tilespmem:s15+$0xFFFFFFE0] =	vst v12  }
.Ltmp1:
0x80: {  	v26 =	vld [tilespmem:s17+$0xFFFFFFF0];
	vm3 =	vne.s32 v10, v24;
	[tilespmem:v8+s21+$0x0] =	vst.idx.msk vm4, v4;
	v4 =	vmov v25;
	(pc) =	sbr.rel @p0 .LBB2_4-.Ltmp1, $4  }
0x81: {  	v25, _, _ =	vpop (xrf2);
	v20 =	vld [tilespmem:s0+$0x1F];
	[tilespmem:v11+s21+$0x0] =	vst.idx.msk vm5, v5;
	v5 =	vmov v22  }
0x82: {  	v24 =	vld [tilespmem:s16+$0xFFFFFFE0];
	v13 =	vmul.f32 v28, v27;
	v22 =	vsub.f32 v25, v29  }
0x83: {  	s1 =	sadd.s32 $0x40, s1;
	v27 =	vld [tilespmem:s17+$0xFFFFFFE0];
	v8 =	vmov v30  }
0x84: {  	[tilespmem:s1+$0x10] =	vst v13;
	(xrf2) =	vadd.scan.msk.f32 $0xffff, v13;
	v28, _, _ =	vpop (xrf2);
	s20 =	spop (v2sf);
	v11 =	vld [tilespmem:s0+$0x10]  }
0x85: {  	_ = 	snop  }
0x86: {  	v29 =	vld [tilespmem:s16+$0x0]  }
0x87: {  	v23 =	vmul.f32 v26, v23;
	v26 =	vld [tilespmem:s17+$0x0]  }
0x88: {  	v24 =	vmul.f32 v27, v24  }
0x89: {  	(xrf2) =	vadd.scan.msk.f32 $0xffff, v23  }
0x8a: {  	(xrf2) =	vadd.scan.msk.f32 $0xffff, v24;
	_ =	sdelay $0x1  }
0x8b: {  	v26 =	vmul.f32 v26, v29  }
0x8c: {  	(v2sf) =	vpush v28, $0xF  }
0x8d: {  	(xrf2) =	vadd.scan.msk.f32 $0xffff, v26  }
0x8e: {  	(v2sf) =	vpush v25, $0xF  }
0x8f: {  	v25, _, _ =	vpop (xrf2)  }
0x90: {  	(v2sf) =	vpush v25, $0xF  }
0x91: {  	v27, _, _ =	vpop (xrf2)  }
0x92: {  	(v2sf) =	vpush v21, $0xF;
	v21, _, _ =	vpop (xrf2)  }
0x93: {  	v29, _, _ =	vpop (xrf2)  }
0x94: {  	s18 =	sadd.f32 s20, s18;
	(v2sf) =	vpush v29, $0xF  }
0x95: {  	s19 =	spop (v2sf)  }
0x96: {  	v31 =	vld [tilespmem:s0+$0xF];
	s0 =	sadd.s32 $0x40, s0;
	s17 =	sadd.f32 s19, s18;
	v18 =	vadd.f32 s18, v18;
	(v2sf) =	vpush v21, $0xF  }
0x97: {  	v32 =	vld [tilespmem:s0+$0xFFFFFFF0];
	s20 =	spop (v2sf);
	v30, _, _ =	vpop (xrf2)  }
0x98: {  	v33 =	vld [tilespmem:s0+$0xFFFFFFEF];
	s22 =	sadd.f32 s20, s17;
	[tilespmem:s15+$0xFFFFFFF0] =	vst v18;
	v19 =	vadd.f32 s17, v19;
	(v2sf) =	vpush v30, $0xF  }
0x99: {  	s23 =	spop (v2sf);
	v34 =	vld [tilespmem:s0+$0x0]  }
0x9a: {  	v14 =	vsub.f32 v28, v14;
	v28 =	vld [tilespmem:s0+$0xFFFFFFFF];
	v15 =	vadd.f32 s22, v15;
	s16 =	sadd.f32 s23, s22;
	[tilespmem:s15+$0x0] =	vst v19  }
0x9b: {  	v37 =	vld [tilespmem:s0+$0x10];
	s19 =	spop (v2sf)  }
0x9c: {  	v38 =	vld [tilespmem:s0+$0xF];
	[tilespmem:s15+$0x10] =	vst v15;
	v14 =	vadd.f32 s16, v14;
	s20 =	sadd.f32 s19, s16  }
0x9d: {  	s15 =	sadd.s32 $0x40, s15;
	v35 =	vld [tilespmem:s0+$0x20];
	s22 =	spop (v2sf)  }
0x9e: {  	v16 =	vsub.f32 v25, v16;
	v36 =	vld [tilespmem:s0+$0x1F];
	s0 =	sadd.s32 $0x40, s0;
	[tilespmem:s15+$0xFFFFFFE0] =	vst v14;
	s16 =	sadd.f32 s22, s20;
	v22 =	vadd.f32 s20, v22  }
0x9f: {  	[tilespmem:v9+s21+$0x0] =	vst.idx.msk vm2, v6;
	v39 =	vld [tilespmem:s0+$0xFFFFFFF0];
	s23 =	spop (v2sf)  }
0xa0: {  	v25 =	vld [tilespmem:s0+$0xFFFFFFEF];
	s19 =	sadd.f32 s23, s16;
	[tilespmem:s15+$0xFFFFFFF0] =	vst v22;
	v16 =	vadd.f32 s16, v16  }
0xa1: {  	[tilespmem:v10+s21+$0x0] =	vst.idx.msk vm3, v7;
	s20 =	spop (v2sf);
	v6 =	vld [tilespmem:s0+$0x0]  }
0xa2: {  	v9 =	vsub.f32 v29, v24;
	v29 =	vld [tilespmem:s0+$0xFFFFFFFF];
	v17 =	vadd.f32 s19, v17;
	s17 =	sadd.f32 s20, s19;
	[tilespmem:s15+$0x0] =	vst v16  }
0xa3: {  	vm2 =	vne.s32 v8, v20;
	[tilespmem:s1+$0xFFFFFFE0] =	vst v24;
	v20 =	vld [tilespmem:s0+$0x10];
	s22 =	spop (v2sf)  }
0xa4: {  	v10 =	vsub.f32 v21, v23;
	v24 =	vld [tilespmem:s0+$0xF];
	[tilespmem:s15+$0x10] =	vst v17;
	v9 =	vadd.f32 s17, v9;
	s23 =	sadd.f32 s22, s17  }
0xa5: {  	[tilespmem:s1+$0xFFFFFFF0] =	vst v23;
	vm3 =	vne.s32 v11, v31;
	s15 =	sadd.s32 $0x40, s15;
	v7 =	vld [tilespmem:s0+$0x20];
	s19 =	spop (v2sf)  }
0xa6: {  	v30 =	vsub.f32 v30, v26;
	v21 =	vld [tilespmem:s0+$0x1F];
	s0 =	sadd.s32 $0x40, s0;
	[tilespmem:s15+$0xFFFFFFE0] =	vst v9;
	s20 =	sadd.f32 s19, s23;
	v10 =	vadd.f32 s23, v10  }
0xa7: {  	vm4 =	vne.s32 v32, v33;
	[tilespmem:s1+$0x0] =	vst v26;
	v23 =	vld [tilespmem:s0+$0xFFFFFFF0];
	s22 =	spop (v2sf)  }
0xa8: {  	v13 =	vsub.f32 v27, v13;
	vm5 =	vne.s32 v34, v28;
	v31 =	vld [tilespmem:s0+$0xFFFFFFEF];
	s23 =	sadd.f32 s22, s20;
	[tilespmem:s15+$0xFFFFFFF0] =	vst v10;
	v28 =	vadd.f32 s20, v30  }
0xa9: {  	[tilespmem:v8+s21+$0x0] =	vst.idx.msk vm2, v4;
	v26 =	vld [tilespmem:s0+$0x0]  }
0xaa: {  	vm2 =	vne.s32 v37, v38;
	v30 =	vld [tilespmem:s0+$0xFFFFFFFF];
	v13 =	vadd.f32 s23, v13;
	[tilespmem:s15+$0x0] =	vst v28  }
0xab: {  	[tilespmem:v11+s21+$0x0] =	vst.idx.msk vm3, v5;
	vm6 =	vne.s32 v35, v36;
	v5 =	vld [tilespmem:s0+$0x10]  }
0xac: {  	vm3 =	vne.s32 v6, v29;
	v11 =	vld [tilespmem:s0+$0xF];
	[tilespmem:s15+$0x10] =	vst v13  }
0xad: {  	vm7 =	vne.s32 v39, v25;
	v4 =	vld [tilespmem:s0+$0x20]  }
0xae: {  	[tilespmem:v32+s21+$0x0] =	vst.idx.msk vm4, v12;
	vm13 =	vne.s32 v20, v24;
	v8 =	vld [tilespmem:s0+$0x1F]  }
0xaf: {  	[tilespmem:v34+s21+$0x0] =	vst.idx.msk vm5, v18;
	vm12 =	vne.s32 v7, v21  }
0xb0: {  	[tilespmem:v37+s21+$0x0] =	vst.idx.msk vm2, v19;
	vm14 =	vne.s32 v23, v31  }
0xb1: {  	[tilespmem:v35+s21+$0x0] =	vst.idx.msk vm6, v15;
	vm2 =	vne.s32 v26, v30  }
0xb2: {  	[tilespmem:v6+s21+$0x0] =	vst.idx.msk vm3, v22;
	vm3 =	vne.s32 v5, v11  }
0xb3: {  	[tilespmem:v39+s21+$0x0] =	vst.idx.msk vm7, v14;
	vm15 =	vne.s32 v4, v8  }
0xb4: {  	[tilespmem:v20+s21+$0x0] =	vst.idx.msk vm13, v16  }
0xb5: {  	[tilespmem:v7+s21+$0x0] =	vst.idx.msk vm12, v17  }
0xb6: {  	[tilespmem:v23+s21+$0x0] =	vst.idx.msk vm14, v9  }
0xb7: {  	[tilespmem:v26+s21+$0x0] =	vst.idx.msk vm2, v10  }
0xb8: {  	[tilespmem:v5+s21+$0x0] =	vst.idx.msk vm3, v28  }
0xb9: {  	[tilespmem:v4+s21+$0x0] =	vst.idx.msk vm15, v13  }
0xba: {  	v4 =	vld [tilespmem:$0x4010];
	_ =	sdelay $0x4  }
0xbb: {  	v5 =	vxor.u32 $0x80000000, v4  }
0xbc: {  	(xrf0) =	vmin.scan.msk.u32 $0xffff, v5;
	_ =	sdelay $0x5  }
0xbd: {  	(v2sf) =	vpush v27, $0xF;
	v5, _, _ =	vpop (xrf0)  }
0xbe: {  	(v2sf) =	vpush v5, $0xF;
	_ =	sdelay $0xd  }
0xbf: {  	s18 =	spop (v2sf)  }
0xc0: {  	s0 =	spop (v2sf)  }
0xc1: {  	s0 =	sxor.u32 $0x80000000, s0  }
0xc2: {  	v5 =	vadd.s32 s0, v0  }
0xc3: {  	[tilespmem:$0x19080] =	vst v5;
	v5 =	vadd.s32 s0, v3  }
0xc4: {  	s19 =	simm.s32 $0x20;
	s20 =	simm.s32 $0x19080;
	[tilespmem:$0x19090] =	vst v5  }
0xc5: {  	[tilespmem:s24], [sflag:$0x1] =	stream.indirect.gather [hbm4b:s3+s19], $0x1, s20, s19, $0xb8;
	[tilespmem:$0x19180] =	vst v63  }
0xc6: {  	_ =	swait.ge [sflag:s25], $0x20  }
0xc7: {  	[sflag:s25] =	ssyncset.done $0x0  }
0xc8: {  	[sflag:s25] =	ssyncadd.s32 $0xFFFFFFE0  }
0xc9: {  	v5 =	vld [tilespmem:$0x19100]  }
0xca: {  	v6 =	vld [tilespmem:$0x19110];
	_ =	sdelay $0x3  }
0xcb: {  	v5 =	vnsel vm1, $0x0, v5  }
0xcc: {  	(xrf2) =	vadd.scan.msk.f32 $0xffff, v5;
	v5 =	vnsel vm0, $0x0, v6  }
0xcd: {  	(xrf2) =	vadd.scan.msk.f32 $0xffff, v5;
	_ =	sdelay $0x8  }
0xce: {  	v5, _, _ =	vpop (xrf2)  }
0xcf: {  	(v2sf) =	vpush v5, $0xF;
	v5, _, _ =	vpop (xrf2)  }
0xd0: {  	(v2sf) =	vpush v5, $0xF;
	_ =	sdelay $0xd  }
0xd1: {  	s22 =	spop (v2sf)  }
0xd2: {  	s23 =	spop (v2sf)  }
0xd3: {  	s0 =	sadd.f32 s23, s22;
	_ =	sdelay $0x1  }
0xd4: {  	s0 =	ssub.f32 $0.0e+00, s0;
	_ =	sdelay $0x1  }
0xd5: {  	v5 =	vmov s0  }
0xd6: {  	s15 =	simm.s32 $0x4040;
	[tilespmem:v4+s21+$0x0] =	vst.idx.msk $0x1, v5  }
0xd7: {  	v4 =	vld [tilespmem:s15+$0x0];
	_ =	sdelay $0x3  }
0xd8: {  	s16 =	simm.s32 $0xE0A0  }
0xd9: {  	s17 =	simm.s32 $0x100A0;
	v5 =	vld [tilespmem:s16+$0x10]  }
0xda: {  	v7 =	vld [tilespmem:s17+$0x10]  }
0xdb: {  	v8 =	vld [tilespmem:s15+$0xFFFFFFD0]  }
0xdc: {  	v6 =	vld.idx.msk [tilespmem:v4+s21+$0x0], $0xffff;
	_ =	sdelay $0x2  }
0xdd: {  	v10 =	vld [tilespmem:s15+$0xFFFFFFE0];
	v5 =	vsub.f32 $0.0e+00, v5  }
0xde: {  	v15 =	vld [tilespmem:s15+$0xFFFFFFF0]  }
0xdf: {  	v5 =	vmul.f32 $1.442695020e+00, v5;
	v6 =	vsub.f32 v6, v7;
	v7 =	vld [tilespmem:s16+$0xFFFFFFF0]  }
0xe0: {  	v9 =	vld [tilespmem:s16+$0x0]  }
0xe1: {  	v12 =	vld [tilespmem:s17+$0xFFFFFFE0];
	(erf) = vpow2.f32 v5;
	v6 =	vmul.f32 $1.442695020e+00, v6  }
0xe2: {  	v11 =	vld.idx.msk [tilespmem:v8+s21+$0x0], $0xffff  }
0xe3: {  	v5 =	vld [tilespmem:s16+$0xFFFFFFE0];
	(erf) = vpow2.f32 v6  }
0xe4: {  	v7 =	vsub.f32 $0.0e+00, v7  }
0xe5: {  	v14 =	vld [tilespmem:s17+$0xFFFFFFF0]  }
0xe6: {  	v16 =	vld [tilespmem:s17+$0x0];
	v7 =	vmul.f32 $1.442695020e+00, v7  }
0xe7: {  	v9 =	vsub.f32 $0.0e+00, v9;
	v6 =	vld.idx.msk [tilespmem:v10+s21+$0x0], $0xffff  }
0xe8: {  	v13 =	vld.idx.msk [tilespmem:v15+s21+$0x0], $0xffff;
	v5 =	vsub.f32 $0.0e+00, v5;
	(erf) = vpow2.f32 v7;
	v7 =	vsub.f32 v11, v12  }
0xe9: {  	v9 =	vmul.f32 $1.442695020e+00, v9  }
0xea: {  	v5 =	vmul.f32 $1.442695020e+00, v5;
	v11 =	vpop (erf)  }
0xeb: {  	(erf) = vpow2.f32 v9;
	v9 =	vsub.f32 $1.000000000e+00, v11  }
0xec: {  	(erf) = vpow2.f32 v5;
	v5 =	vsub.f32 v6, v14;
	v6 =	vmul.f32 $1.442695020e+00, v7;
	v7 =	vpop (erf)  }
0xed: {  	v11 =	vsub.f32 v13, v16;
	v16 =	vmul.f32 v7, v9  }
0xee: {  	s18 =	simm.s32 $0x120A0;
	v5 =	vmul.f32 $1.442695020e+00, v5  }
0xef: {  	s19 =	simm.s32 $0x80A0;
	(erf) = vpow2.f32 v6;
	[tilespmem:s18+$0x10] =	vst v16  }
0xf0: {  	(erf) = vpow2.f32 v5;
	v5 =	vld [tilespmem:s19+$0x10];
	_ =	sdelay $0x1  }
0xf1: {  	v4 =	vshll.u32 v4, $0x2;
	v6 =	vmul.f32 $1.442695020e+00, v11  }
0xf2: {  	s22 =	simm.s32 $0x4080  }
0xf3: {  	v17 =	vld [tilespmem:s22+$0x0];
	(erf) = vpow2.f32 v6  }
0xf4: {  	s0 =	simm.s32 $0x100E0;
	v20 =	vld [tilespmem:s22+$0xFFFFFFD0];
	v5 =	vmul.f32 v16, v5  }
0xf5: {  	v21 =	vld [tilespmem:s0+$0x10];
	v6 =	vpop (erf)  }
0xf6: {  	s20 =	simm.s32 $0xA0A0;
	v7 =	vpop (erf);
	[tilespmem:v4+s26+$0x0] =	vst.idx.add.f32.msk $0xffff, v5  }
0xf7: {  	s23 =	simm.s32 $0xE0E0;
	v9 =	vpop (erf);
	v5 =	vsub.f32 $1.000000000e+00, v6;
	v6 =	vld [tilespmem:s20+$0x10]  }
0xf8: {  	v23 =	vld [tilespmem:s23+$0x0];
	v9 =	vsub.f32 $1.000000000e+00, v9  }
0xf9: {  	v24 =	vld [tilespmem:s23+$0xFFFFFFE0];
	v12 =	vor.u32 $0x1, v4;
	v11 =	vpop (erf)  }
0xfa: {  	v27 =	vld [tilespmem:s0+$0xFFFFFFE0];
	v9 =	vmul.f32 v11, v9  }
0xfb: {  	v14 =	vld [tilespmem:s22+$0xFFFFFFE0];
	v11 =	vsub.f32 $1.000000000e+00, v7;
	v7 =	vpop (erf)  }
0xfc: {  	v28 =	vld [tilespmem:s0+$0xFFFFFFF0];
	[tilespmem:s18+$0xFFFFFFE0] =	vst v9;
	v7 =	vmul.f32 v7, v5;
	v5 =	vpop (erf);
	v6 =	vmul.f32 v6, v16  }
0xfd: {  	v11 =	vmul.f32 v5, v11;
	v5 =	vld [tilespmem:s19+$0xFFFFFFE0]  }
0xfe: {  	[tilespmem:v12+s26+$0x0] =	vst.idx.add.f32.msk $0xffff, v6  }
0xff: {  	v6 =	vld [tilespmem:s23+$0x10]  }
0x100: {  	v13 =	vld [tilespmem:s22+$0xFFFFFFF0];
	v12 =	vshll.u32 v8, $0x2  }
0x101: {  	s17 =	simm.s32 $0xC0A0;
	v8 =	vld.idx.msk [tilespmem:v17+s21+$0x0], $0xffff  }
0x102: {  	v22 =	vld [tilespmem:s17+$0x10]  }
0x103: {  	v26 =	vld.idx.msk [tilespmem:v14+s21+$0x0], $0xffff;
	[tilespmem:s18+$0xFFFFFFF0] =	vst v7;
	v5 =	vmul.f32 v9, v5  }
0x104: {  	v25 =	vor.u32 $0x2, v4;
	v18 =	vld [tilespmem:s19+$0xFFFFFFF0];
	v6 =	vsub.f32 $0.0e+00, v6  }
0x105: {  	[tilespmem:v12+s26+$0x0] =	vst.idx.add.f32.msk $0xffff, v5  }
0x106: {  	[tilespmem:s18+$0x0] =	vst v11;
	v5 =	vld [tilespmem:s23+$0xFFFFFFF0];
	v8 =	vsub.f32 v8, v21;
	v6 =	vmul.f32 $1.442695020e+00, v6  }
0x107: {  	v19 =	vld [tilespmem:s19+$0x0];
	v22 =	vmul.f32 v22, v16  }
0x108: {  	v21 =	vld.idx.msk [tilespmem:v20+s21+$0x0], $0xffff;
	v8 =	vmul.f32 $1.442695020e+00, v8;
	(erf) = vpow2.f32 v6  }
0x109: {  	[tilespmem:v25+s26+$0x0] =	vst.idx.add.f32.msk $0xffff, v22  }
0x10a: {  	v10 =	vshll.u32 v10, $0x2;
	v22 =	vsub.f32 $0.0e+00, v24;
	v24 =	vld [tilespmem:s20+$0xFFFFFFE0];
	(erf) = vpow2.f32 v8  }
0x10b: {  	v6 =	vld.idx.msk [tilespmem:v13+s21+$0x0], $0xffff;
	v5 =	vsub.f32 $0.0e+00, v5  }
0x10c: {  	v8 =	vshll.u32 v15, $0x2;
	v15 =	vsub.f32 $0.0e+00, v23;
	v23 =	vld [tilespmem:s0+$0x0]  }
0x10d: {  	v18 =	vmul.f32 v7, v18;
	v5 =	vmul.f32 $1.442695020e+00, v5  }
0x10e: {  	v19 =	vmul.f32 v11, v19;
	v15 =	vmul.f32 $1.442695020e+00, v15  }
0x10f: {  	s16 =	simm.s32 $0x60A0;
	[tilespmem:v10+s26+$0x0] =	vst.idx.add.f32.msk $0xffff, v18;
	v25 =	vor.u32 $0x1, v12;
	v22 =	vmul.f32 $1.442695020e+00, v22;
	(erf) = vpow2.f32 v5  }
0x110: {  	v29 =	vld [tilespmem:s16+$0x10];
	v5 =	vsub.f32 v21, v27;
	(erf) = vpow2.f32 v15;
	v15 =	vsub.f32 v26, v28  }
0x111: {  	[tilespmem:v8+s26+$0x0] =	vst.idx.add.f32.msk $0xffff, v19;
	v6 =	vsub.f32 v6, v23;
	v23 =	vmul.f32 v24, v9;
	v18 =	vpop (erf)  }
0x112: {  	v19 =	vld [tilespmem:s20+$0xFFFFFFF0];
	(erf) = vpow2.f32 v22;
	v5 =	vmul.f32 $1.442695020e+00, v5;
	v18 =	vsub.f32 $1.000000000e+00, v18  }
0x113: {  	s1 =	simm.s32 $0xE120;
	v4 =	vor.u32 $0x3, v4;
	v21 =	vld [tilespmem:s20+$0x0];
	v15 =	vmul.f32 $1.442695020e+00, v15;
	v6 =	vmul.f32 $1.442695020e+00, v6;
	v22 =	vpop (erf)  }
0x114: {  	v30 =	vld [tilespmem:s1+$0x0];
	v24 =	vor.u32 $0x1, v10;
	(erf) = vpow2.f32 v5;
	v18 =	vmul.f32 v22, v18  }
0x115: {  	s18 =	simm.s32 $0x120E0;
	[tilespmem:v25+s26+$0x0] =	vst.idx.add.f32.msk $0xffff, v23;
	(erf) = vpow2.f32 v15  }
0x116: {  	s19 =	simm.s32 $0x80E0;
	v5 =	vor.u32 $0x1, v8;
	v15 =	vmul.f32 v29, v16;
	(erf) = vpow2.f32 v6;
	v6 =	vld [tilespmem:s17+$0xFFFFFFE0];
	[tilespmem:s18+$0x10] =	vst v18  }
0x117: {  	v16 =	vmul.f32 v19, v7;
	v19 =	vld [tilespmem:s19+$0x10]  }
0x118: {  	v22 =	vor.u32 $0x2, v12;
	[tilespmem:v4+s26+$0x0] =	vst.idx.add.f32.msk $0xffff, v15;
	v4 =	vmul.f32 v21, v11  }
0x119: {  	[tilespmem:v24+s26+$0x0] =	vst.idx.add.f32.msk $0xffff, v16;
	v16 =	vshll.u32 v17, $0x2  }
0x11a: {  	v31 =	vld [tilespmem:s1+$0xFFFFFFE0];
	v15 =	vpop (erf)  }
0x11b: {  	[tilespmem:v5+s26+$0x0] =	vst.idx.add.f32.msk $0xffff, v4;
	v17 =	vpop (erf);
	v5 =	vmul.f32 v6, v9  }
0x11c: {  	v21 =	vld [tilespmem:s17+$0xFFFFFFF0];
	v4 =	vpop (erf);
	v6 =	vmul.f32 v18, v19  }
0x11d: {  	v15 =	vsub.f32 $1.000000000e+00, v15;
	v4 =	vsub.f32 $1.000000000e+00, v4;
	[tilespmem:v22+s26+$0x0] =	vst.idx.add.f32.msk $0xffff, v5;
	v19 =	vpop (erf)  }
0x11e: {  	s20 =	simm.s32 $0xA0E0;
	v5 =	vsub.f32 $1.000000000e+00, v17;
	v17 =	vpop (erf);
	[tilespmem:v16+s26+$0x0] =	vst.idx.add.f32.msk $0xffff, v6  }
0x11f: {  	s23 =	simm.s32 $0x40C0;
	v4 =	vmul.f32 v19, v4;
	v19 =	vor.u32 $0x2, v10;
	v6 =	vmul.f32 v17, v15;
	v17 =	vld [tilespmem:s20+$0x10]  }
0x120: {  	v28 =	vld [tilespmem:s23+$0xFFFFFFF0]  }
0x121: {  	v29 =	vld [tilespmem:s1+$0xFFFFFFF0];
	v24 =	vor.u32 $0x1, v16  }
0x122: {  	v23 =	vld [tilespmem:s17+$0x0];
	v21 =	vmul.f32 v21, v7;
	v15 =	vpop (erf);
	[tilespmem:s18+$0xFFFFFFE0] =	vst v4  }
0x123: {  	v5 =	vmul.f32 v15, v5;
	v15 =	vld [tilespmem:s19+$0xFFFFFFE0]  }
0x124: {  	v22 =	vor.u32 $0x2, v8;
	[tilespmem:v19+s26+$0x0] =	vst.idx.add.f32.msk $0xffff, v21;
	v17 =	vmul.f32 v17, v18  }
0x125: {  	v19 =	vshll.u32 v20, $0x2;
	v20 =	vld [tilespmem:s23+$0x0]  }
0x126: {  	s22 =	simm.s32 $0xC0E0;
	[tilespmem:v24+s26+$0x0] =	vst.idx.add.f32.msk $0xffff, v17  }
0x127: {  	v23 =	vmul.f32 v23, v11;
	v17 =	vld [tilespmem:s22+$0x10]  }
0x128: {  	v58 =	vld.idx.msk [tilespmem:v28+s21+$0x0], $0xffff  }
0x129: {  	[tilespmem:v22+s26+$0x0] =	vst.idx.add.f32.msk $0xffff, v23;
	v23 =	vor.u32 $0x2, v16  }
0x12a: {  	v22 =	vld [tilespmem:s23+$0xFFFFFFD0];
	v15 =	vmul.f32 v4, v15  }
0x12b: {  	v24 =	vld [tilespmem:s23+$0xFFFFFFE0]  }
0x12c: {  	[tilespmem:v19+s26+$0x0] =	vst.idx.add.f32.msk $0xffff, v15;
	v15 =	vmul.f32 v17, v18  }
0x12d: {  	v17 =	vld [tilespmem:s1+$0x10]  }
0x12e: {  	[tilespmem:v23+s26+$0x0] =	vst.idx.add.f32.msk $0xffff, v15  }
0x12f: {  	s15 =	simm.s32 $0x10120;
	v15 =	vld.idx.msk [tilespmem:v20+s21+$0x0], $0xffff  }
0x130: {  	v23 =	vld [tilespmem:s15+$0x10]  }
0x131: {  	[tilespmem:s18+$0xFFFFFFF0] =	vst v6;
	v21 =	vld [tilespmem:s16+$0xFFFFFFE0]  }
0x132: {  	s0 =	simm.s32 $0x60E0;
	v25 =	vld [tilespmem:s19+$0xFFFFFFF0]  }
0x133: {  	[tilespmem:s18+$0x0] =	vst v5;
	v27 =	vld [tilespmem:s0+$0x10];
	v17 =	vsub.f32 $0.0e+00, v17  }
0x134: {  	v26 =	vld [tilespmem:s19+$0x0]  }
0x135: {  	v16 =	vor.u32 $0x3, v16;
	v57 =	vld.idx.msk [tilespmem:v22+s21+$0x0], $0xffff;
	v15 =	vsub.f32 v15, v23;
	v17 =	vmul.f32 $1.442695020e+00, v17  }
0x136: {  	v9 =	vmul.f32 v21, v9;
	v21 =	vld [tilespmem:s20+$0xFFFFFFE0]  }
0x137: {  	v59 =	vshll.u32 v13, $0x2;
	v15 =	vmul.f32 $1.442695020e+00, v15;
	(erf) = vpow2.f32 v17;
	v17 =	vld [tilespmem:s15+$0xFFFFFFE0]  }
0x138: {  	v23 =	vld.idx.msk [tilespmem:v24+s21+$0x0], $0xffff;
	v13 =	vmul.f32 v27, v18  }
0x139: {  	v14 =	vshll.u32 v14, $0x2;
	v18 =	vld [tilespmem:s15+$0xFFFFFFF0];
	(erf) = vpow2.f32 v15  }
0x13a: {  	[tilespmem:v16+s26+$0x0] =	vst.idx.add.f32.msk $0xffff, v13;
	v16 =	vmul.f32 v5, v26;
	v15 =	vmul.f32 v6, v25;
	v25 =	vsub.f32 $0.0e+00, v29  }
0x13b: {  	v27 =	vld [tilespmem:s15+$0x0];
	v13 =	vsub.f32 $0.0e+00, v30;
	v26 =	vsub.f32 $0.0e+00, v31  }
0x13c: {  	v12 =	vor.u32 $0x3, v12;
	[tilespmem:v59+s26+$0x0] =	vst.idx.add.f32.msk $0xffff, v16;
	v25 =	vmul.f32 $1.442695020e+00, v25;
	v16 =	vsub.f32 v57, v17  }
0x13d: {  	v13 =	vmul.f32 $1.442695020e+00, v13;
	v26 =	vmul.f32 $1.442695020e+00, v26  }
0x13e: {  	[tilespmem:v14+s26+$0x0] =	vst.idx.add.f32.msk $0xffff, v15;
	(erf) = vpow2.f32 v25;
	v16 =	vmul.f32 $1.442695020e+00, v16  }
0x13f: {  	v15 =	vor.u32 $0x1, v19;
	v17 =	vld [tilespmem:s20+$0xFFFFFFF0];
	(erf) = vpow2.f32 v13;
	v13 =	vsub.f32 v23, v18  }
0x140: {  	v18 =	vsub.f32 v58, v27;
	v23 =	vld [tilespmem:s20+$0x0];
	(erf) = vpow2.f32 v26;
	v25 =	vpop (erf)  }
0x141: {  	[tilespmem:v12+s26+$0x0] =	vst.idx.add.f32.msk $0xffff, v9;
	v30 =	vmul.f32 v21, v4;
	v13 =	vmul.f32 $1.442695020e+00, v13;
	v25 =	vsub.f32 $1.000000000e+00, v25  }
0x142: {  	v29 =	vld [tilespmem:s16+$0x0];
	v27 =	vor.u32 $0x1, v14;
	v18 =	vmul.f32 $1.442695020e+00, v18;
	(erf) = vpow2.f32 v16;
	v16 =	vpop (erf)  }
0x143: {  	v26 =	vld [tilespmem:s16+$0xFFFFFFF0];
	(erf) = vpow2.f32 v13;
	v21 =	vmul.f32 v16, v25  }
0x144: {  	v31 =	vor.u32 $0x1, v59;
	s16 =	simm.s32 $0x12120;
	[tilespmem:v15+s26+$0x0] =	vst.idx.add.f32.msk $0xffff, v30;
	v9 =	vmul.f32 v17, v6;
	(erf) = vpow2.f32 v18  }
0x145: {  	s17 =	simm.s32 $0x8120;
	v12 =	vld [tilespmem:s22+$0xFFFFFFE0];
	v13 =	vmul.f32 v23, v5;
	[tilespmem:s16+$0x10] =	vst v21  }
0x146: {  	v10 =	vor.u32 $0x3, v10;
	v15 =	vld [tilespmem:s17+$0x10]  }
0x147: {  	v16 =	vor.u32 $0x2, v19;
	[tilespmem:v27+s26+$0x0] =	vst.idx.add.f32.msk $0xffff, v9;
	v17 =	vpop (erf)  }
0x148: {  	v27 =	vshll.u32 v20, $0x2;
	v18 =	vld [tilespmem:s22+$0xFFFFFFF0];
	v9 =	vpop (erf)  }
0x149: {  	v7 =	vmul.f32 v26, v7;
	[tilespmem:v31+s26+$0x0] =	vst.idx.add.f32.msk $0xffff, v13;
	v13 =	vpop (erf)  }
0x14a: {  	v12 =	vmul.f32 v12, v4;
	v20 =	vld [tilespmem:s22+$0x0];
	v13 =	vsub.f32 $1.000000000e+00, v13  }
0x14b: {  	[tilespmem:v10+s26+$0x0] =	vst.idx.add.f32.msk $0xffff, v7;
	v17 =	vsub.f32 $1.000000000e+00, v17;
	v23 =	vpop (erf);
	v15 =	vmul.f32 v21, v15  }
0x14c: {  	v7 =	vsub.f32 $1.000000000e+00, v9;
	[tilespmem:v16+s26+$0x0] =	vst.idx.add.f32.msk $0xffff, v12;
	v30 =	vmul.f32 v23, v13;
	v9 =	vpop (erf)  }
0x14d: {  	s18 =	simm.s32 $0xA120;
	v10 =	vmul.f32 v9, v17;
	v9 =	vpop (erf);
	[tilespmem:v27+s26+$0x0] =	vst.idx.add.f32.msk $0xffff, v15  }
0x14e: {  	v25 =	vshll.u32 v28, $0x2;
	v23 =	vor.u32 $0x2, v14;
	v12 =	vmul.f32 v9, v7;
	[tilespmem:s16+$0xFFFFFFE0] =	vst v30;
	v31 =	vld [tilespmem:s18+$0x10]  }
0x14f: {  	v62 =	vor.u32 $0x1, v27;
	v26 =	vshll.u32 v22, $0x2;
	v15 =	vor.u32 $0x2, v59;
	v60 =	vld [tilespmem:s17+$0xFFFFFFE0];
	[tilespmem:s16+$0xFFFFFFF0] =	vst v10  }
0x150: {  	v22 =	vshll.u32 v24, $0x2;
	v24 =	vor.u32 $0x1, v26;
	v16 =	vor.u32 $0x2, v26;
	v61 =	vld [tilespmem:s17+$0xFFFFFFF0];
	[tilespmem:s16+$0x0] =	vst v12  }
0x151: {  	v13 =	vor.u32 $0x3, v8;
	v8 =	vor.u32 $0x3, v14;
	v14 =	vmul.f32 v18, v6;
	v63 =	vld [tilespmem:s17+$0x0]  }
0x152: {  	v28 =	vld [tilespmem:s0+$0xFFFFFFE0];
	v18 =	vmul.f32 v20, v5;
	v20 =	vor.u32 $0x1, v25;
	v17 =	vor.u32 $0x2, v22  }
0x153: {  	v9 =	vor.u32 $0x3, v19;
	v7 =	vor.u32 $0x3, v59;
	[tilespmem:v23+s26+$0x0] =	vst.idx.add.f32.msk $0xffff, v14;
	v31 =	vmul.f32 v31, v21  }
0x154: {  	v19 =	vor.u32 $0x1, v22;
	v14 =	vor.u32 $0x3, v22;
	v23 =	vmul.f32 v29, v11;
	[tilespmem:v15+s26+$0x0] =	vst.idx.add.f32.msk $0xffff, v18  }
0x155: {  	s19 =	simm.s32 $0xC120;
	v11 =	vor.u32 $0x3, v25;
	v18 =	vor.u32 $0x2, v25;
	v29 =	vmul.f32 v30, v60;
	[tilespmem:v62+s26+$0x0] =	vst.idx.add.f32.msk $0xffff, v31  }
0x156: {  	s23 =	simm.s32 $0x4100;
	s20 =	simm.s32 $0x60E0;
	s22 =	simm.s32 $0x8;
	v15 =	vor.u32 $0x3, v26;
	v34 =	vmul.f32 v10, v61;
	v33 =	vmul.f32 v12, v63;
	v32 =	vld [tilespmem:s19+$0x10]  }
.LBB2_6:
0x157: {  	v31 =	vld [tilespmem:s23+$0x0];
	s22 =	sadd.s32 $0x4, s22  }
0x158: {  	v36 =	vor.u32 $0x2, v27;
	v35 =	vld [tilespmem:s23+$0xFFFFFFD0];
	p0 =	slt.u32 s22, $0x1FC  }
0x159: {  	v37 =	vld [tilespmem:s23+$0xFFFFFFE0];
	v38 =	vmul.f32 v28, v4;
	v4 =	vmov v30  }
0x15a: {  	v30 =	vld [tilespmem:s23+$0xFFFFFFF0]  }
0x15b: {  	s1 =	sadd.s32 $0x40, s1;
	[tilespmem:v26+s26+$0x0] =	vst.idx.add.f32.msk $0xffff, v29;
	v28 =	vmul.f32 v32, v21  }
0x15c: {  	v39 =	vld [tilespmem:s1+$0x10]  }
0x15d: {  	s0 =	sadd.s32 $0x40, s0;
	v26 =	vshll.u32 v35, $0x2;
	[tilespmem:v36+s26+$0x0] =	vst.idx.add.f32.msk $0xffff, v28  }
0x15e: {  	v36 =	vor.u32 $0x1, v26;
	v32 =	vor.u32 $0x2, v26;
	v40 =	vshll.u32 v37, $0x2;
	v41 =	vld [tilespmem:s0+$0x10]  }
0x15f: {  	s15 =	sadd.s32 $0x40, s15;
	v42 =	vor.u32 $0x1, v40;
	v28 =	vor.u32 $0x2, v40;
	v43 =	vshll.u32 v30, $0x2;
	v44 =	vld.idx.msk [tilespmem:v31+s21+$0x0], $0xffff  }
0x160: {  	v27 =	vor.u32 $0x3, v27;
	v45 =	vor.u32 $0x1, v43;
	v29 =	vor.u32 $0x2, v43;
	v46 =	vld [tilespmem:s15+$0x10]  }
0x161: {  	v47 =	vor.u32 $0x3, v26;
	v49 =	vor.u32 $0x3, v40;
	v50 =	vor.u32 $0x3, v43;
	v48 =	vld [tilespmem:s1+$0xFFFFFFF0]  }
0x162: {  	v51 =	vld [tilespmem:s1+$0x0]  }
0x163: {  	v39 =	vsub.f32 $0.0e+00, v39;
	v52 =	vld [tilespmem:s1+$0xFFFFFFE0];
	v21 =	vmul.f32 v41, v21  }
0x164: {  	v35 =	vld.idx.msk [tilespmem:v35+s21+$0x0], $0xffff  }
0x165: {  	v39 =	vmul.f32 $1.442695020e+00, v39;
	v41 =	vsub.f32 v44, v46;
	[tilespmem:v27+s26+$0x0] =	vst.idx.add.f32.msk $0xffff, v21  }
0x166: {  	v21 =	vld.idx.msk [tilespmem:v37+s21+$0x0], $0xffff;
	v27 =	vsub.f32 $0.0e+00, v48  }
0x167: {  	v30 =	vld.idx.msk [tilespmem:v30+s21+$0x0], $0xffff;
	v37 =	vsub.f32 $0.0e+00, v51;
	v41 =	vmul.f32 $1.442695020e+00, v41;
	(erf) = vpow2.f32 v39  }
0x168: {  	v39 =	vld [tilespmem:s15+$0xFFFFFFE0];
	v44 =	vsub.f32 $0.0e+00, v52;
	v27 =	vmul.f32 $1.442695020e+00, v27  }
0x169: {  	v46 =	vld [tilespmem:s15+$0xFFFFFFF0];
	v37 =	vmul.f32 $1.442695020e+00, v37;
	(erf) = vpow2.f32 v41  }
0x16a: {  	v41 =	vmul.f32 $1.442695020e+00, v44;
	v44 =	vld [tilespmem:s15+$0x0];
	(erf) = vpow2.f32 v27  }
0x16b: {  	(erf) = vpow2.f32 v37;
	[tilespmem:v22+s26+$0x0] =	vst.idx.add.f32.msk $0xffff, v34;
	v22 =	vmov v40  }
0x16c: {  	(erf) = vpow2.f32 v41;
	[tilespmem:v25+s26+$0x0] =	vst.idx.add.f32.msk $0xffff, v33;
	v25 =	vmov v43  }
0x16d: {  	v27 =	vsub.f32 v35, v39;
	v33 =	vld [tilespmem:s18+$0xFFFFFFE0]  }
0x16e: {  	v21 =	vsub.f32 v21, v46;
	v34 =	vld [tilespmem:s18+$0xFFFFFFF0]  }
0x16f: {  	v27 =	vmul.f32 $1.442695020e+00, v27;
	v30 =	vsub.f32 v30, v44;
	v35 =	vld [tilespmem:s18+$0x0]  }
0x170: {  	v40 =	vmul.f32 $1.442695020e+00, v21;
	v37 =	vpop (erf);
	v39 =	vld [tilespmem:s20+$0xFFFFFFF0]  }
0x171: {  	v30 =	vmul.f32 $1.442695020e+00, v30;
	v41 =	vsub.f32 $1.000000000e+00, v37;
	(erf) = vpow2.f32 v27;
	v27 =	vld [tilespmem:s20+$0x0];
	s20 =	smov.u32 s0  }
0x172: {  	(erf) = vpow2.f32 v40;
	v21 =	vpop (erf);
	v33 =	vmul.f32 v33, v4;
	[tilespmem:v9+s26+$0x0] =	vst.idx.add.f32.msk $0xffff, v38;
	v9 =	vmov v15  }
0x173: {  	v15 =	vmov v47;
	v21 =	vmul.f32 v21, v41;
	v37 =	vpop (erf);
	(erf) = vpow2.f32 v30;
	[tilespmem:v13+s26+$0x0] =	vst.idx.add.f32.msk $0xffff, v23  }
0x174: {  	s16 =	sadd.s32 $0x40, s16;
	v30 =	vmul.f32 v34, v10;
	v37 =	vsub.f32 $1.000000000e+00, v37;
	v13 =	vpop (erf);
	[tilespmem:v24+s26+$0x0] =	vst.idx.add.f32.msk $0xffff, v33;
	v33 =	vmul.f32 v35, v12  }
0x175: {  	s17 =	sadd.s32 $0x40, s17;
	v24 =	vmov v36;
	v34 =	vsub.f32 $1.000000000e+00, v13;
	[tilespmem:s16+$0x10] =	vst v21;
	v13 =	vpop (erf);
	v35 =	vld [tilespmem:s19+$0xFFFFFFE0];
	v38 =	vmul.f32 v39, v6  }
0x176: {  	v36 =	vsub.f32 $1.000000000e+00, v13;
	v39 =	vld [tilespmem:s17+$0x10];
	v23 =	vmul.f32 v27, v5;
	v13 =	vmovc v7;
	v7 =	vmovc v11;
	v11 =	vmov v50  }
0x177: {  	v6 =	vmov v10;
	v5 =	vmov v12;
	[tilespmem:v19+s26+$0x0] =	vst.idx.add.f32.msk $0xffff, v30;
	v19 =	vmov v42  }
0x178: {  	v27 =	vshll.u32 v31, $0x2;
	[tilespmem:v20+s26+$0x0] =	vst.idx.add.f32.msk $0xffff, v33;
	v20 =	vmov v45  }
0x179: {  	v31 =	vld [tilespmem:s19+$0xFFFFFFF0]  }
0x17a: {  	v10 =	vpop (erf);
	v12 =	vmul.f32 v35, v4;
	v33 =	vld [tilespmem:s19+$0x0]  }
0x17b: {  	v30 =	vmul.f32 v10, v36;
	v35 =	vmul.f32 v21, v39;
	v10 =	vpop (erf);
	[tilespmem:v8+s26+$0x0] =	vst.idx.add.f32.msk $0xffff, v38;
	v8 =	vmov v14  }
0x17c: {  	v14 =	vmov v49;
	v10 =	vmul.f32 v10, v37;
	v36 =	vpop (erf);
	[tilespmem:v16+s26+$0x0] =	vst.idx.add.f32.msk $0xffff, v12;
	v16 =	vmov v32  }
0x17d: {  	s18 =	sadd.s32 $0x40, s18;
	v12 =	vmul.f32 v36, v34;
	[tilespmem:v27+s26+$0x0] =	vst.idx.add.f32.msk $0xffff, v35  }
0x17e: {  	[tilespmem:s16+$0xFFFFFFE0] =	vst v30;
	v32 =	vld [tilespmem:s18+$0x10];
	v31 =	vmul.f32 v31, v6  }
0x17f: {  	v34 =	vld [tilespmem:s17+$0xFFFFFFE0];
	[tilespmem:s16+$0xFFFFFFF0] =	vst v10;
	v33 =	vmul.f32 v33, v5  }
0x180: {  	v36 =	vor.u32 $0x1, v27;
	v35 =	vld [tilespmem:s17+$0xFFFFFFF0];
	[tilespmem:s16+$0x0] =	vst v12  }
0x181: {  	v37 =	vld [tilespmem:s17+$0x0]  }
.Ltmp2:
0x182: {  	[tilespmem:v17+s26+$0x0] =	vst.idx.add.f32.msk $0xffff, v31;
	v17 =	vmov v28;
	(pc) =	sbr.rel @p0 .LBB2_6-.Ltmp2, $4  }
0x183: {  	v31 =	vmul.f32 v32, v21;
	[tilespmem:v18+s26+$0x0] =	vst.idx.add.f32.msk $0xffff, v33;
	v18 =	vmov v29  }
0x184: {  	v29 =	vmul.f32 v30, v34;
	v28 =	vld [tilespmem:s0+$0xFFFFFFE0]  }
0x185: {  	s19 =	sadd.s32 $0x40, s19;
	v34 =	vmul.f32 v10, v35;
	[tilespmem:v36+s26+$0x0] =	vst.idx.add.f32.msk $0xffff, v31  }
0x186: {  	s23 =	sadd.s32 $0x40, s23;
	v33 =	vmul.f32 v12, v37;
	v32 =	vld [tilespmem:s19+$0x10]  }
0x187: {  	_ =	sdelay $0x3  }
0x188: {  	[tilespmem:v26+s26+$0x0] =	vst.idx.add.f32.msk $0xffff, v29  }
0x189: {  	[tilespmem:v22+s26+$0x0] =	vst.idx.add.f32.msk $0xffff, v34  }
0x18a: {  	v29 =	vld [tilespmem:s18+$0xFFFFFFE0]  }
0x18b: {  	v22 =	vld [tilespmem:s18+$0xFFFFFFF0];
	_ =	sdelay $0x1  }
0x18c: {  	[tilespmem:v25+s26+$0x0] =	vst.idx.add.f32.msk $0xffff, v33  }
0x18d: {  	v25 =	vld [tilespmem:s18+$0x0]  }
0x18e: {  	v57 =	vld [tilespmem:s20+$0xFFFFFFF0];
	v53 =	vmul.f32 v29, v30  }
0x18f: {  	v59 =	vld [tilespmem:s20+$0x0];
	v22 =	vmul.f32 v22, v10  }
0x190: {  	[tilespmem:v24+s26+$0x0] =	vst.idx.add.f32.msk $0xffff, v53  }
0x191: {  	[tilespmem:v19+s26+$0x0] =	vst.idx.add.f32.msk $0xffff, v22  }
0x192: {  	v52 =	vor.u32 $0x2, v27;
	v25 =	vmul.f32 v25, v12;
	v26 =	vld [tilespmem:s19+$0xFFFFFFE0]  }
0x193: {  	v19 =	vld [tilespmem:s19+$0xFFFFFFF0]  }
0x194: {  	v4 =	vmul.f32 v28, v4;
	[tilespmem:v20+s26+$0x0] =	vst.idx.add.f32.msk $0xffff, v25  }
0x195: {  	v31 =	vmul.f32 v32, v21;
	v20 =	vld [tilespmem:s19+$0x0]  }
0x196: {  	[tilespmem:v9+s26+$0x0] =	vst.idx.add.f32.msk $0xffff, v4  }
0x197: {  	s0 =	sadd.s32 $0x40, s0;
	[tilespmem:v52+s26+$0x0] =	vst.idx.add.f32.msk $0xffff, v31;
	v58 =	vmul.f32 v26, v30  }
0x198: {  	v54 =	vld [tilespmem:s0+$0x10];
	v19 =	vmul.f32 v19, v10  }
0x199: {  	[tilespmem:v16+s26+$0x0] =	vst.idx.add.f32.msk $0xffff, v58  }
0x19a: {  	v60 =	vmul.f32 v20, v12;
	[tilespmem:v17+s26+$0x0] =	vst.idx.add.f32.msk $0xffff, v19  }
0x19b: {  	v61 =	vld [tilespmem:s0+$0xFFFFFFE0]  }
0x19c: {  	[tilespmem:v18+s26+$0x0] =	vst.idx.add.f32.msk $0xffff, v60  }
0x19d: {  	v55 =	vor.u32 $0x3, v27;
	v62 =	vld [tilespmem:s0+$0xFFFFFFF0]  }
0x19e: {  	v4 =	vmul.f32 v57, v6;
	v18 =	vld [tilespmem:s0+$0x0]  }
0x19f: {  	[tilespmem:v13+s26+$0x0] =	vst.idx.add.f32.msk $0xffff, v23;
	v5 =	vmul.f32 v59, v5  }
0x1a0: {  	[tilespmem:v8+s26+$0x0] =	vst.idx.add.f32.msk $0xffff, v4;
	v56 =	vmul.f32 v54, v21  }
0x1a1: {  	[tilespmem:v7+s26+$0x0] =	vst.idx.add.f32.msk $0xffff, v5;
	v63 =	vmul.f32 v61, v30  }
0x1a2: {  	[tilespmem:v55+s26+$0x0] =	vst.idx.add.f32.msk $0xffff, v56;
	v4 =	vmul.f32 v62, v10  }
0x1a3: {  	v5 =	vmul.f32 v18, v12;
	[tilespmem:v15+s26+$0x0] =	vst.idx.add.f32.msk $0xffff, v63  }
0x1a4: {  	[tilespmem:v14+s26+$0x0] =	vst.idx.add.f32.msk $0xffff, v4  }
0x1a5: {  	[tilespmem:v11+s26+$0x0] =	vst.idx.add.f32.msk $0xffff, v5  }
0x1a6: {  	[hbm4b:s11+s2] =	stream.linear.scatter [tilespmem:s28], [sflag:$0x2], $0x2000, $0x38;
	[tilespmem:$0x19180] =	vst v63  }
0x1a7: {  	s31 =	sadd.s32 $0x1, s31;
	_ =	swait.ge [sflag:s14], $0x2000  }
0x1a8: {  	p0 =	sne.s32 s31, s13;
	[sflag:s14] =	ssyncset.done $0x0  }
.Ltmp3:
0x1a9: {  	[sflag:s14] =	ssyncadd.s32 $0xFFFFE000;
	(pc) =	sbr.rel @p0 .LBB2_1-.Ltmp3, $4  }
0x1aa: {  	[hbm4b:s12+s29] =	stream.strided.scatter [tilespmem:s26], [sflag:$0x2], $0x4000, s30, s29, $0x38;
	[tilespmem:$0x19180] =	vst v63  }
0x1ab: {  	_ =	swait.ge [sflag:s14], $0x4000  }
0x1ac: {  	[sflag:s14] =	ssyncset.done $0x0  }
0x1ad: {  	[sflag:s14] =	ssyncadd.s32 $0xFFFFC000  }
0x1ae: {  	_ =	sfence.sel $0x180000  }
0x1af: {  	[bflag:$0x0] =	sbarrier.arrive $0xFFFF  }
0x1b0: {  	_ =	strace $0x9000004A  }
0x1b1: {  	s0 =	stileid.u32;
	[bflag:$0x2] =	sbarrier.arrive $0xFFFF  }
0x1b2: {  	p0 =	sne.s32 s0, $0x0;
	s0 =	rddreg [dreg:$0x6]  }
0x1b3: {  	s0 =	sadd.s32 @!p0 $0x100000, s0  }
0x1b4: {  	[sflag:s0] =	ssyncadd.tile.s32 @!p0 $0x1;
	_ =	shalt  }
.Lfunc_end2:
_tile_overlayer_lowered:
.L_overlay_start_2:
0x1b5: {  	(tag) =	ssettag $0x2  }
0x1b6: {  	s0 =	rddreg [dreg:$0x0];
	s2 =	stileid.u32  }
0x1b7: {  	s1 =	rddreg [dreg:$0x1];
	p0 =	sne.s32 s2, $0x0  }
0x1b8: {  	s3 =	rddreg [dreg:$0x2];
	[bflag:$0x3] =	sbarrier.arrive $0xFFFF;
	s2 =	simm.s32 @!p0 $0x1C02  }
0x1b9: {  	[timem:s3], [sflag:s2] =	dma.local @!p0 [hbm:s0], s1  }
0x1ba: {  	s0 =	simm.s32 @!p0 $0x2  }
0x1bb: {  	_ =	swait.ge @!p0 [sflag:s0], s1  }
0x1bc: {  	s1 =	ssub.s32 @!p0 $0x0, s1;
	[sflag:s0] =	ssyncset.done @!p0 $0x0  }
0x1bd: {  	[sflag:s0] =	ssyncadd.s32 @!p0 s1  }
0x1be: {  	[bflag:$0x3] =	sbarrier.arrive $0xFFFF  }
0x1bf: {  	_ =	shalt  }

</sc_bundles>
